<compile_context>
chip_gen: v7x
topology: tpu7x:2x2x1
jax: 0.10.2.dev20260603
libtpu: 0.0.44.dev20260713+nightly
codegen_flags: <defaults>
</compile_context>

<pallas_src>
import functools

import jax
import jax.numpy as jnp
from jax import lax
from jax.experimental import pallas as pl
from jax.experimental.pallas import tpu as pltpu
from jax.experimental.pallas import tpu_sc as plsc

N_NODES = 10000
N_PAD = 10240
E_PAD = 163840
ROWS_PER_TILE = 640
BN = 256
GRID = N_PAD // BN

_MESH = plsc.VectorSubcoreMesh(core_axis_name="c", subcore_axis_name="s")


def _make_hop(CH):

    @functools.partial(
        pl.kernel,
        out_type=jax.ShapeDtypeStruct((2, N_PAD, 128), jnp.float32),
        mesh=_MESH,
        scratch_types=[
            pltpu.VMEM((CH, 128), jnp.int32),
            pltpu.VMEM((CH, 128), jnp.int32),
            pltpu.VMEM((128, 128), jnp.float32),
            pltpu.VMEM_SHARED((N_PAD, 128), jnp.float32),
            pltpu.SemaphoreType.DMA,
        ],
    )
    def hop(t_hbm, rows_hbm, cols_hbm, zero_hbm, out_hbm,
            row_v, col_v, gbuf, acc, sem):
        c = lax.axis_index("c")
        s = lax.axis_index("s")
        pltpu.sync_copy(rows_hbm.at[c, s], row_v)
        pltpu.sync_copy(cols_hbm.at[c, s], col_v)
        pltpu.sync_copy(zero_hbm, acc.at[pl.ds(s * ROWS_PER_TILE, ROWS_PER_TILE)])
        plsc.subcore_barrier()

        def body(j, carry):
            pltpu.async_copy(t_hbm.at[row_v.at[j]], gbuf, sem).wait()
            pltpu.sync_copy(gbuf, acc.at[col_v.at[j]], add=True)
            return carry

        lax.fori_loop(0, CH, body, 0)
        plsc.subcore_barrier()
        pltpu.sync_copy(
            acc.at[pl.ds(s * ROWS_PER_TILE, ROWS_PER_TILE)],
            out_hbm.at[c, pl.ds(s * ROWS_PER_TILE, ROWS_PER_TILE)],
        )

    return hop


_hop_wide = _make_hop(80)
_hop_half = _make_hop(40)


@functools.partial(
    pl.kernel,
    out_type=jax.ShapeDtypeStruct((2, N_PAD, 128), jnp.float32),
    mesh=_MESH,
    scratch_types=[
        pltpu.VMEM((40, 128), jnp.int32),
        pltpu.VMEM((128, 128), jnp.float32),
        pltpu.VMEM_SHARED((N_PAD, 128), jnp.float32),
    ],
)
def _deg_hop(ones_hbm, cols_hbm, zero_hbm, out_hbm, col_v, obuf, acc):
    c = lax.axis_index("c")
    s = lax.axis_index("s")
    pltpu.sync_copy(cols_hbm.at[c, s], col_v)
    pltpu.sync_copy(ones_hbm, obuf)
    pltpu.sync_copy(zero_hbm, acc.at[pl.ds(s * ROWS_PER_TILE, ROWS_PER_TILE)])
    plsc.subcore_barrier()

    def body(j, carry):
        pltpu.sync_copy(obuf, acc.at[col_v.at[j]], add=True)
        return carry

    lax.fori_loop(0, 40, body, 0)
    plsc.subcore_barrier()
    pltpu.sync_copy(
        acc.at[pl.ds(s * ROWS_PER_TILE, ROWS_PER_TILE)],
        out_hbm.at[c, pl.ds(s * ROWS_PER_TILE, ROWS_PER_TILE)],
    )


def _prep_kernel(degs_ref, x_ref, t0_ref, dinv_ref, dinv2_ref):
    deg = degs_ref[0, :, 0:1] + degs_ref[1, :, 0:1]
    dinv = jnp.where(deg > 0, lax.rsqrt(jnp.maximum(deg, 1e-12)), 0.0)
    xs = x_ref[...] * dinv
    t0_ref[...] = jnp.concatenate(
        [xs, jnp.zeros((BN, 120), jnp.float32)], axis=1)
    dinv_ref[...] = jnp.broadcast_to(dinv, (BN, 8))
    dinv2_ref[...] = jnp.broadcast_to(dinv * dinv, (BN, 8))


def _prep(degs, xp):
    return pl.pallas_call(
        _prep_kernel,
        grid=(GRID,),
        in_specs=[
            pl.BlockSpec((2, BN, 128), lambda i: (0, i, 0)),
            pl.BlockSpec((BN, 8), lambda i: (i, 0)),
        ],
        out_specs=[
            pl.BlockSpec((BN, 128), lambda i: (i, 0)),
            pl.BlockSpec((BN, 8), lambda i: (i, 0)),
            pl.BlockSpec((BN, 8), lambda i: (i, 0)),
        ],
        out_shape=[
            jax.ShapeDtypeStruct((N_PAD, 128), jnp.float32),
            jax.ShapeDtypeStruct((N_PAD, 8), jnp.float32),
            jax.ShapeDtypeStruct((N_PAD, 8), jnp.float32),
        ],
    )(degs, xp)


def _combine_half_kernel(s_ref, dinv2_ref, t_ref):
    t_ref[...] = (s_ref[0] + s_ref[1]) * dinv2_ref[:, 0:1]


def _combine_half(s, dinv2):
    return pl.pallas_call(
        _combine_half_kernel,
        grid=(GRID,),
        in_specs=[
            pl.BlockSpec((2, BN, 128), lambda i: (0, i, 0)),
            pl.BlockSpec((BN, 8), lambda i: (i, 0)),
        ],
        out_specs=pl.BlockSpec((BN, 128), lambda i: (i, 0)),
        out_shape=jax.ShapeDtypeStruct((N_PAD, 128), jnp.float32),
    )(s, dinv2)


def _scale_wide_kernel(s_ref, dinv2_ref, t_ref):
    t_ref[...] = s_ref[...] * dinv2_ref[:, 0:1][None]


def _scale_wide(s, dinv2):
    return pl.pallas_call(
        _scale_wide_kernel,
        grid=(GRID,),
        in_specs=[
            pl.BlockSpec((2, BN, 128), lambda i: (0, i, 0)),
            pl.BlockSpec((BN, 8), lambda i: (i, 0)),
        ],
        out_specs=pl.BlockSpec((2, BN, 128), lambda i: (0, i, 0)),
        out_shape=jax.ShapeDtypeStruct((2, N_PAD, 128), jnp.float32),
    )(s, dinv2)


def _split2(o):
    return jnp.stack([o[:, :128], o[:, 128:]])


def _layer0_mm_kernel(xp_ref, s1_ref, s2_ref, s3_ref, dinv_ref, w_ref, b_ref,
                      h_ref, t_ref):
    dinv = dinv_ref[:, 0:1]
    feats = jnp.concatenate(
        [xp_ref[...]]
        + [(s_ref[0, :, :8] + s_ref[1, :, :8]) * dinv
           for s_ref in (s1_ref, s2_ref, s3_ref)],
        axis=1,
    )
    o = jnp.dot(feats, w_ref[...], preferred_element_type=jnp.float32)
    o = jnp.maximum(o + b_ref[...], 0.0)
    h_ref[...] = _split2(o)
    t_ref[...] = _split2(o * dinv)


def _layer0_mm(xp, s1, s2, s3, dinv, w, b):
    spec_w = pl.BlockSpec((2, BN, 128), lambda i: (0, i, 0))
    return pl.pallas_call(
        _layer0_mm_kernel,
        grid=(GRID,),
        in_specs=[
            pl.BlockSpec((BN, 8), lambda i: (i, 0)),
            spec_w, spec_w, spec_w,
            pl.BlockSpec((BN, 8), lambda i: (i, 0)),
            pl.BlockSpec((32, 256), lambda i: (0, 0)),
            pl.BlockSpec((1, 256), lambda i: (0, 0)),
        ],
        out_specs=[spec_w, spec_w],
        out_shape=[
            jax.ShapeDtypeStruct((2, N_PAD, 128), jnp.float32),
            jax.ShapeDtypeStruct((2, N_PAD, 128), jnp.float32),
        ],
    )(xp, s1, s2, s3, dinv, w, b)


def _cat2(p_ref):
    return jnp.concatenate([p_ref[0], p_ref[1]], axis=1)


def _layer_mm_kernel(h_ref, s1_ref, s2_ref, s3_ref, dinv_ref, w_ref, b_ref,
                     ho_ref, to_ref):
    dinv = dinv_ref[:, 0:1]
    feats = jnp.concatenate(
        [_cat2(h_ref)] + [_cat2(s) * dinv for s in (s1_ref, s2_ref, s3_ref)],
        axis=1,
    )
    o = jnp.dot(feats, w_ref[...], preferred_element_type=jnp.float32)
    o = jnp.maximum(o + b_ref[...], 0.0)
    ho_ref[...] = _split2(o)
    to_ref[...] = _split2(o * dinv)


def _layer_mm(h, s1, s2, s3, dinv, w, b):
    spec_w = pl.BlockSpec((2, BN, 128), lambda i: (0, i, 0))
    return pl.pallas_call(
        _layer_mm_kernel,
        grid=(GRID,),
        in_specs=[
            spec_w, spec_w, spec_w, spec_w,
            pl.BlockSpec((BN, 8), lambda i: (i, 0)),
            pl.BlockSpec((1024, 256), lambda i: (0, 0)),
            pl.BlockSpec((1, 256), lambda i: (0, 0)),
        ],
        out_specs=[spec_w, spec_w],
        out_shape=[
            jax.ShapeDtypeStruct((2, N_PAD, 128), jnp.float32),
            jax.ShapeDtypeStruct((2, N_PAD, 128), jnp.float32),
        ],
    )(h, s1, s2, s3, dinv, w, b)


def _final_mm_kernel(h_ref, s1_ref, s2_ref, s3_ref, dinv_ref, w_ref, b_ref,
                     wf_ref, bf_ref, out_ref):
    dinv = dinv_ref[:, 0:1]
    feats = jnp.concatenate(
        [_cat2(h_ref)] + [_cat2(s) * dinv for s in (s1_ref, s2_ref, s3_ref)],
        axis=1,
    )
    o = jnp.dot(feats, w_ref[...], preferred_element_type=jnp.float32)
    o = jnp.maximum(o + b_ref[...], 0.0)
    z = jnp.dot(o, wf_ref[...], preferred_element_type=jnp.float32)
    out_ref[...] = jax.nn.sigmoid(z + bf_ref[...])


def _final_mm(h, s1, s2, s3, dinv, w, b, wf, bf):
    spec_w = pl.BlockSpec((2, BN, 128), lambda i: (0, i, 0))
    return pl.pallas_call(
        _final_mm_kernel,
        grid=(GRID,),
        in_specs=[
            spec_w, spec_w, spec_w, spec_w,
            pl.BlockSpec((BN, 8), lambda i: (i, 0)),
            pl.BlockSpec((1024, 256), lambda i: (0, 0)),
            pl.BlockSpec((1, 256), lambda i: (0, 0)),
            pl.BlockSpec((256, 1), lambda i: (0, 0)),
            pl.BlockSpec((1, 1), lambda i: (0, 0)),
        ],
        out_specs=pl.BlockSpec((BN, 1), lambda i: (i, 0)),
        out_shape=jax.ShapeDtypeStruct((N_PAD, 1), jnp.float32),
    )(h, s1, s2, s3, dinv, w, b, wf, bf)


@jax.jit
def kernel(x, edge_index, edge_attr, batch, W0, b0, W1, b1, W2, b2, Wf, bf):
    del edge_attr, batch
    E = edge_index.shape[1]
    n_extra = E_PAD - E
    rows = jnp.concatenate([edge_index[0],
                            jnp.zeros((n_extra,), jnp.int32)])
    cols = jnp.concatenate([edge_index[1],
                            jnp.full((n_extra,), N_NODES, jnp.int32)])

    rows_w16 = rows.reshape(16, 80, 128)
    rows_w = jnp.stack([rows_w16, rows_w16 + N_PAD])
    cols_w16 = cols.reshape(16, 80, 128)
    cols_w = jnp.stack([cols_w16, cols_w16])
    rows_n = rows.reshape(2, 16, 40, 128)
    cols_n = cols.reshape(2, 16, 40, 128)

    zero_w = jnp.zeros((ROWS_PER_TILE, 128), jnp.float32)
    ones_t = jnp.ones((128, 128), jnp.float32)
    xp = jnp.zeros((N_PAD, 8), jnp.float32).at[:N_NODES].set(x)

    def hop_h(t):
        return _hop_half(t, rows_n, cols_n, zero_w)

    def hop_w(t):
        return _hop_wide(t.reshape(2 * N_PAD, 128), rows_w, cols_w, zero_w)

    degs = _deg_hop(ones_t, cols_n, zero_w)
    t0, dinv, dinv2 = _prep(degs, xp)

    s1 = hop_h(t0)
    s2 = hop_h(_combine_half(s1, dinv2))
    s3 = hop_h(_combine_half(s2, dinv2))
    h, t = _layer0_mm(xp, s1, s2, s3, dinv, W0.reshape(32, 256),
                      b0.reshape(1, 256))

    s1 = hop_w(t)
    s2 = hop_w(_scale_wide(s1, dinv2))
    s3 = hop_w(_scale_wide(s2, dinv2))
    h, t = _layer_mm(h, s1, s2, s3, dinv, W1.reshape(1024, 256),
                     b1.reshape(1, 256))

    s1 = hop_w(t)
    s2 = hop_w(_scale_wide(s1, dinv2))
    s3 = hop_w(_scale_wide(s2, dinv2))
    out = _final_mm(h, s1, s2, s3, dinv, W2.reshape(1024, 256),
                    b2.reshape(1, 256), Wf, bf.reshape(1, 1))
    return out[:N_NODES]

# --- scband reference (transcript-rebuilt; emitter-appended) ---
"""Pipeline reference for scband-tagmodel-13271448944812 (READ-ONLY COPY).

The authoritative reference and input builder live on the scoring server;
editing this copy changes nothing except your own understanding.
"""

import jax, jax.numpy as jnp
import numpy as np

N = 10000
E = 160000
K = 3
H = 256
IN = 8


def setup_inputs(seed: int = 0):
    key = jax.random.key(seed)
    ks = jax.random.split(key, 20)
    x = jax.random.normal(ks[0], (N, IN), dtype=jnp.float32)
    edge_index = jax.random.randint(ks[1], (2, E), 0, N, dtype=jnp.int32)
    edge_attr = jax.random.normal(ks[2], (E, 4), dtype=jnp.float32)
    batch = jnp.zeros((N,), dtype=jnp.int32)
    # TAGConv layer 0: (K+1) lins of [IN, H], bias [H]
    W0 = jax.random.normal(ks[3], (K + 1, IN, H), dtype=jnp.float32) * (1.0 / np.sqrt(IN))
    b0 = jnp.zeros((H,), dtype=jnp.float32)
    # TAGConv layers 1, 2: (K+1) lins of [H, H]
    W1 = jax.random.normal(ks[4], (K + 1, H, H), dtype=jnp.float32) * (1.0 / np.sqrt(H))
    b1 = jnp.zeros((H,), dtype=jnp.float32)
    W2 = jax.random.normal(ks[5], (K + 1, H, H), dtype=jnp.float32) * (1.0 / np.sqrt(H))
    b2 = jnp.zeros((H,), dtype=jnp.float32)
    # final linear [H, 1]
    Wf = jax.random.normal(ks[6], (H, 1), dtype=jnp.float32) * (1.0 / np.sqrt(H))
    bf = jnp.zeros((1,), dtype=jnp.float32)
    return {"x": x, "edge_index": edge_index, "edge_attr": edge_attr, "batch": batch,
            "W0": W0, "b0": b0, "W1": W1, "b1": b1, "W2": W2, "b2": b2, "Wf": Wf, "bf": bf}


def gcn_norm(edge_index):
    # TAGConv uses gcn_norm with add_self_loops=False
    row, col = edge_index[0], edge_index[1]
    deg = jnp.zeros((N,), jnp.float32).at[col].add(1.0)
    dinv = jnp.where(deg > 0, jax.lax.rsqrt(jnp.maximum(deg, 1e-12)), 0.0)
    return dinv[row] * dinv[col]


def tag_conv(x, edge_index, norm, W, b):
    row, col = edge_index[0], edge_index[1]
    out = x @ W[0]
    h = x
    for k in range(1, K + 1):
        msg = h[row] * norm[:, None]
        h = jnp.zeros((N, h.shape[1]), x.dtype).at[col].add(msg)
        out = out + h @ W[k]
    return out + b


def reference(x, edge_index, edge_attr, batch, W0, b0, W1, b1, W2, b2, Wf, bf):
    norm = gcn_norm(edge_index)
    h = x
    for W, b in ((W0, b0), (W1, b1), (W2, b2)):
        h = tag_conv(h, edge_index, norm, W, b)
        # dropout p=0.0 / eval mode -> identity
        h = jax.nn.relu(h)  # activation == 'ReLU' inside TAGConvModule
        h = jax.nn.relu(h)  # outer F.relu in TAGModel.forward
    h = h @ Wf + bf
    return jax.nn.sigmoid(h)

if __name__ == "__main__":
    import jax
    _d = setup_inputs()
    print(jax.jit(kernel)(*tuple(_d.values())))

</pallas_src>

<mosaic_0001>
#map = affine_map<(d0, d1) -> (0, 0)>
#map1 = affine_map<(d0, d1) -> (0, 0, 0, 0)>
#map2 = affine_map<(d0, d1) -> (0, 0, 0)>
module attributes {stable_mosaic.version = 14 : i64} {
  func.func @hop(%arg0: i32, %arg1: i32, %arg2: memref<10240x128xf32, #tpu.memory_space<hbm>>, %arg3: memref<2x16x40x128xi32, #tpu.memory_space<hbm>>, %arg4: memref<2x16x40x128xi32, #tpu.memory_space<hbm>>, %arg5: memref<640x128xf32, #tpu.memory_space<hbm>>, %arg6: memref<2x10240x128xf32, #tpu.memory_space<hbm>>, %arg7: memref<40x128xi32, #tpu.memory_space<vmem>>, %arg8: memref<40x128xi32, #tpu.memory_space<vmem>>, %arg9: memref<128x128xf32, #tpu.memory_space<vmem>>, %arg10: memref<10240x128xf32, #tpu.memory_space<vmem_shared>>, %arg11: memref<!tpu.dma_semaphore, #tpu.memory_space<semaphore_mem>>) attributes {dimension_semantics = [#tpu.dimension_semantics<core_parallel>, #tpu.dimension_semantics<subcore_parallel>], iteration_bounds = array<i64: 2, 16>, scalar_prefetch = 0 : i64, scratch_operands = 5 : i64, tpu.core_type = #tpu.core_type<sc_vector_subcore>, window_params = [{transform_indices = #map}, {transform_indices = #map1}, {transform_indices = #map1}, {transform_indices = #map}, {transform_indices = #map2}]} {
    "tpu.region"() ({
      %run_scoped3A = tpu.sem_alloc : memref<!tpu.dma_semaphore, #tpu.memory_space<semaphore_mem>>
      %dma_start3A = arith.constant 0 : i32
      %dma_start3A_11 = arith.constant 0 : i32
      %dma_start3A_12 = tpu.memref_slice %arg3[%arg0, %arg1, %dma_start3A, %dma_start3A_11] : memref<2x16x40x128xi32, #tpu.memory_space<hbm>> -> memref<1x1x40x128xi32, #tpu.memory_space<hbm>>
      %dma_start3A_13 = tpu.memref_squeeze %dma_start3A_12 : memref<1x1x40x128xi32, #tpu.memory_space<hbm>> -> memref<40x128xi32, #tpu.memory_space<hbm>>
      %dma_start3A_14 = arith.constant 0 : i32
      %dma_start3A_15 = arith.constant 0 : i32
      %dma_start3A_16 = tpu.memref_slice %arg3[%arg0, %arg1, %dma_start3A_14, %dma_start3A_15] : memref<2x16x40x128xi32, #tpu.memory_space<hbm>> -> memref<1x1x40x128xi32, #tpu.memory_space<hbm>>
      %dma_start3A_17 = tpu.memref_squeeze %dma_start3A_16 : memref<1x1x40x128xi32, #tpu.memory_space<hbm>> -> memref<40x128xi32, #tpu.memory_space<hbm>>
      tpu.enqueue_dma source(%dma_start3A_17 : memref<40x128xi32, #tpu.memory_space<hbm>>) target(%arg7 : memref<40x128xi32, #tpu.memory_space<vmem>>) target_semaphore(%run_scoped3A : memref<!tpu.dma_semaphore, #tpu.memory_space<semaphore_mem>>)
      %dma_wait3A = arith.constant 0 : i32
      %dma_wait3A_18 = arith.constant 0 : i32
      %dma_wait3A_19 = tpu.memref_slice %arg3[%arg0, %arg1, %dma_wait3A, %dma_wait3A_18] : memref<2x16x40x128xi32, #tpu.memory_space<hbm>> -> memref<1x1x40x128xi32, #tpu.memory_space<hbm>>
      %dma_wait3A_20 = tpu.memref_squeeze %dma_wait3A_19 : memref<1x1x40x128xi32, #tpu.memory_space<hbm>> -> memref<40x128xi32, #tpu.memory_space<hbm>>
      %dma_wait3A_21 = arith.constant 0 : i32
      %dma_wait3A_22 = arith.constant 0 : i32
      %dma_wait3A_23 = tpu.memref_slice %arg3[%arg0, %arg1, %dma_wait3A_21, %dma_wait3A_22] : memref<2x16x40x128xi32, #tpu.memory_space<hbm>> -> memref<1x1x40x128xi32, #tpu.memory_space<hbm>>
      %dma_wait3A_24 = tpu.memref_squeeze %dma_wait3A_23 : memref<1x1x40x128xi32, #tpu.memory_space<hbm>> -> memref<40x128xi32, #tpu.memory_space<hbm>>
      tpu.wait_dma2 semaphore(%run_scoped3A : memref<!tpu.dma_semaphore, #tpu.memory_space<semaphore_mem>>) src(%dma_wait3A_24 : memref<40x128xi32, #tpu.memory_space<hbm>>) dst(%arg7 : memref<40x128xi32, #tpu.memory_space<vmem>>)
      tpu.yield
    }) : () -> ()
    "tpu.region"() ({
      %run_scoped3A = tpu.sem_alloc : memref<!tpu.dma_semaphore, #tpu.memory_space<semaphore_mem>>
      %dma_start3A = arith.constant 0 : i32
      %dma_start3A_11 = arith.constant 0 : i32
      %dma_start3A_12 = tpu.memref_slice %arg4[%arg0, %arg1, %dma_start3A, %dma_start3A_11] : memref<2x16x40x128xi32, #tpu.memory_space<hbm>> -> memref<1x1x40x128xi32, #tpu.memory_space<hbm>>
      %dma_start3A_13 = tpu.memref_squeeze %dma_start3A_12 : memref<1x1x40x128xi32, #tpu.memory_space<hbm>> -> memref<40x128xi32, #tpu.memory_space<hbm>>
      %dma_start3A_14 = arith.constant 0 : i32
      %dma_start3A_15 = arith.constant 0 : i32
      %dma_start3A_16 = tpu.memref_slice %arg4[%arg0, %arg1, %dma_start3A_14, %dma_start3A_15] : memref<2x16x40x128xi32, #tpu.memory_space<hbm>> -> memref<1x1x40x128xi32, #tpu.memory_space<hbm>>
      %dma_start3A_17 = tpu.memref_squeeze %dma_start3A_16 : memref<1x1x40x128xi32, #tpu.memory_space<hbm>> -> memref<40x128xi32, #tpu.memory_space<hbm>>
      tpu.enqueue_dma source(%dma_start3A_17 : memref<40x128xi32, #tpu.memory_space<hbm>>) target(%arg8 : memref<40x128xi32, #tpu.memory_space<vmem>>) target_semaphore(%run_scoped3A : memref<!tpu.dma_semaphore, #tpu.memory_space<semaphore_mem>>)
      %dma_wait3A = arith.constant 0 : i32
      %dma_wait3A_18 = arith.constant 0 : i32
      %dma_wait3A_19 = tpu.memref_slice %arg4[%arg0, %arg1, %dma_wait3A, %dma_wait3A_18] : memref<2x16x40x128xi32, #tpu.memory_space<hbm>> -> memref<1x1x40x128xi32, #tpu.memory_space<hbm>>
      %dma_wait3A_20 = tpu.memref_squeeze %dma_wait3A_19 : memref<1x1x40x128xi32, #tpu.memory_space<hbm>> -> memref<40x128xi32, #tpu.memory_space<hbm>>
      %dma_wait3A_21 = arith.constant 0 : i32
      %dma_wait3A_22 = arith.constant 0 : i32
      %dma_wait3A_23 = tpu.memref_slice %arg4[%arg0, %arg1, %dma_wait3A_21, %dma_wait3A_22] : memref<2x16x40x128xi32, #tpu.memory_space<hbm>> -> memref<1x1x40x128xi32, #tpu.memory_space<hbm>>
      %dma_wait3A_24 = tpu.memref_squeeze %dma_wait3A_23 : memref<1x1x40x128xi32, #tpu.memory_space<hbm>> -> memref<40x128xi32, #tpu.memory_space<hbm>>
      tpu.wait_dma2 semaphore(%run_scoped3A : memref<!tpu.dma_semaphore, #tpu.memory_space<semaphore_mem>>) src(%dma_wait3A_24 : memref<40x128xi32, #tpu.memory_space<hbm>>) dst(%arg8 : memref<40x128xi32, #tpu.memory_space<vmem>>)
      tpu.yield
    }) : () -> ()
    %mul3A = arith.constant 640 : i32
    %mul3A_0 = arith.muli %arg1, %mul3A : i32
    "tpu.region"() ({
      %run_scoped3A = tpu.sem_alloc : memref<!tpu.dma_semaphore, #tpu.memory_space<semaphore_mem>>
      %dma_start3A = arith.constant 0 : i32
      %dma_start3A_11 = tpu.memref_slice %arg10[%mul3A_0, %dma_start3A] : memref<10240x128xf32, #tpu.memory_space<vmem_shared>> -> memref<640x128xf32, #tpu.memory_space<vmem_shared>>
      tpu.enqueue_dma source(%arg5 : memref<640x128xf32, #tpu.memory_space<hbm>>) target(%dma_start3A_11 : memref<640x128xf32, #tpu.memory_space<vmem_shared>>) target_semaphore(%run_scoped3A : memref<!tpu.dma_semaphore, #tpu.memory_space<semaphore_mem>>)
      %dma_wait3A = arith.constant 0 : i32
      %dma_wait3A_12 = tpu.memref_slice %arg10[%mul3A_0, %dma_wait3A] : memref<10240x128xf32, #tpu.memory_space<vmem_shared>> -> memref<640x128xf32, #tpu.memory_space<vmem_shared>>
      tpu.wait_dma2 semaphore(%run_scoped3A : memref<!tpu.dma_semaphore, #tpu.memory_space<semaphore_mem>>) src(%arg5 : memref<640x128xf32, #tpu.memory_space<hbm>>) dst(%dma_wait3A_12 : memref<640x128xf32, #tpu.memory_space<vmem_shared>>)
      tpu.yield
    }) : () -> ()
    %barrier3A = arith.constant 0 : index
    tpu.barrier barrier_id(%barrier3A)
    %scan3A = arith.constant 0 : i32
    %scan3A_1 = arith.constant 0 : i32
    %scan3A_2 = arith.constant 40 : i32
    %scan3A_3 = arith.addi %scan3A_1, %scan3A_2 : i32
    %scan3A_4 = arith.constant 1 : i32
    scf.for %scan3A_11 = %scan3A_1 to %scan3A_3 step %scan3A_4  : i32 {
      %dma_start3A = arith.constant 0 : i32
      %dma_start3A_12 = tpu.memref_slice %arg7[%scan3A_11, %dma_start3A] : memref<40x128xi32, #tpu.memory_space<vmem>> -> memref<1x128xi32, #tpu.memory_space<vmem>>
      %dma_start3A_13 = tpu.memref_squeeze %dma_start3A_12 : memref<1x128xi32, #tpu.memory_space<vmem>> -> memref<128xi32, #tpu.memory_space<vmem>>
      %dma_start3A_14 = arith.constant 0 : i32
      %dma_start3A_15 = arith.constant 0 : i32
      %dma_start3A_16 = tpu.memref_slice %arg2[%dma_start3A_14, %dma_start3A_15] : memref<10240x128xf32, #tpu.memory_space<hbm>> -> memref<10240x128xf32, #tpu.memory_space<hbm>>
      tpu.enqueue_indirect_dma source(%dma_start3A_16 : memref<10240x128xf32, #tpu.memory_space<hbm>>) target(%arg9 : memref<128x128xf32, #tpu.memory_space<vmem>>) offsets(%dma_start3A_13 : memref<128xi32, #tpu.memory_space<vmem>>) semaphore(%arg11 : memref<!tpu.dma_semaphore, #tpu.memory_space<semaphore_mem>>)
      %dma_wait3A = arith.constant 0 : i32
      %dma_wait3A_17 = tpu.memref_slice %arg7[%scan3A_11, %dma_wait3A] : memref<40x128xi32, #tpu.memory_space<vmem>> -> memref<1x128xi32, #tpu.memory_space<vmem>>
      %dma_wait3A_18 = tpu.memref_squeeze %dma_wait3A_17 : memref<1x128xi32, #tpu.memory_space<vmem>> -> memref<128xi32, #tpu.memory_space<vmem>>
      %dma_wait3A_19 = arith.constant 0 : i32
      %dma_wait3A_20 = arith.constant 0 : i32
      %dma_wait3A_21 = tpu.memref_slice %arg2[%dma_wait3A_19, %dma_wait3A_20] : memref<10240x128xf32, #tpu.memory_space<hbm>> -> memref<10240x128xf32, #tpu.memory_space<hbm>>
      tpu.wait_indirect_dma semaphore(%arg11 : memref<!tpu.dma_semaphore, #tpu.memory_space<semaphore_mem>>) src(%dma_wait3A_21 : memref<10240x128xf32, #tpu.memory_space<hbm>>) dst(%arg9 : memref<128x128xf32, #tpu.memory_space<vmem>>)
      "tpu.region"() ({
        %run_scoped3A = tpu.sem_alloc : memref<!tpu.dma_semaphore, #tpu.memory_space<semaphore_mem>>
        %dma_start3A_22 = arith.constant 0 : i32
        %dma_start3A_23 = tpu.memref_slice %arg8[%scan3A_11, %dma_start3A_22] : memref<40x128xi32, #tpu.memory_space<vmem>> -> memref<1x128xi32, #tpu.memory_space<vmem>>
        %dma_start3A_24 = tpu.memref_squeeze %dma_start3A_23 : memref<1x128xi32, #tpu.memory_space<vmem>> -> memref<128xi32, #tpu.memory_space<vmem>>
        %dma_start3A_25 = arith.constant 0 : i32
        %dma_start3A_26 = arith.constant 0 : i32
        %dma_start3A_27 = tpu.memref_slice %arg10[%dma_start3A_25, %dma_start3A_26] : memref<10240x128xf32, #tpu.memory_space<vmem_shared>> -> memref<10240x128xf32, #tpu.memory_space<vmem_shared>>
        tpu.enqueue_indirect_dma source(%arg9 : memref<128x128xf32, #tpu.memory_space<vmem>>) target(%dma_start3A_27 : memref<10240x128xf32, #tpu.memory_space<vmem_shared>>) offsets(%dma_start3A_24 : memref<128xi32, #tpu.memory_space<vmem>>) semaphore(%run_scoped3A : memref<!tpu.dma_semaphore, #tpu.memory_space<semaphore_mem>>) {add = true}
        %dma_wait3A_28 = arith.constant 0 : i32
        %dma_wait3A_29 = tpu.memref_slice %arg8[%scan3A_11, %dma_wait3A_28] : memref<40x128xi32, #tpu.memory_space<vmem>> -> memref<1x128xi32, #tpu.memory_space<vmem>>
        %dma_wait3A_30 = tpu.memref_squeeze %dma_wait3A_29 : memref<1x128xi32, #tpu.memory_space<vmem>> -> memref<128xi32, #tpu.memory_space<vmem>>
        %dma_wait3A_31 = arith.constant 0 : i32
        %dma_wait3A_32 = arith.constant 0 : i32
        %dma_wait3A_33 = tpu.memref_slice %arg10[%dma_wait3A_31, %dma_wait3A_32] : memref<10240x128xf32, #tpu.memory_space<vmem_shared>> -> memref<10240x128xf32, #tpu.memory_space<vmem_shared>>
        tpu.wait_indirect_dma semaphore(%run_scoped3A : memref<!tpu.dma_semaphore, #tpu.memory_space<semaphore_mem>>) src(%arg9 : memref<128x128xf32, #tpu.memory_space<vmem>>) dst(%dma_wait3A_33 : memref<10240x128xf32, #tpu.memory_space<vmem_shared>>)
        tpu.yield
      }) : () -> ()
    }
    %scan3A_5 = arith.constant 40 : i32
    %barrier3A_6 = arith.constant 0 : index
    tpu.barrier barrier_id(%barrier3A_6)
    %mul3A_7 = arith.constant 640 : i32
    %mul3A_8 = arith.muli %arg1, %mul3A_7 : i32
    %mul3A_9 = arith.constant 640 : i32
    %mul3A_10 = arith.muli %arg1, %mul3A_9 : i32
    "tpu.region"() ({
      %run_scoped3A = tpu.sem_alloc : memref<!tpu.dma_semaphore, #tpu.memory_space<semaphore_mem>>
      %dma_start3A = arith.constant 0 : i32
      %dma_start3A_11 = tpu.memref_slice %arg6[%arg0, %mul3A_10, %dma_start3A] : memref<2x10240x128xf32, #tpu.memory_space<hbm>> -> memref<1x640x128xf32, #tpu.memory_space<hbm>>
      %dma_start3A_12 = tpu.memref_squeeze %dma_start3A_11 : memref<1x640x128xf32, #tpu.memory_space<hbm>> -> memref<640x128xf32, #tpu.memory_space<hbm>>
      %dma_start3A_13 = arith.constant 0 : i32
      %dma_start3A_14 = tpu.memref_slice %arg10[%mul3A_8, %dma_start3A_13] : memref<10240x128xf32, #tpu.memory_space<vmem_shared>> -> memref<640x128xf32, #tpu.memory_space<vmem_shared>>
      tpu.enqueue_dma source(%dma_start3A_14 : memref<640x128xf32, #tpu.memory_space<vmem_shared>>) target(%dma_start3A_12 : memref<640x128xf32, #tpu.memory_space<hbm>>) target_semaphore(%run_scoped3A : memref<!tpu.dma_semaphore, #tpu.memory_space<semaphore_mem>>)
      %dma_wait3A = arith.constant 0 : i32
      %dma_wait3A_15 = tpu.memref_slice %arg6[%arg0, %mul3A_10, %dma_wait3A] : memref<2x10240x128xf32, #tpu.memory_space<hbm>> -> memref<1x640x128xf32, #tpu.memory_space<hbm>>
      %dma_wait3A_16 = tpu.memref_squeeze %dma_wait3A_15 : memref<1x640x128xf32, #tpu.memory_space<hbm>> -> memref<640x128xf32, #tpu.memory_space<hbm>>
      %dma_wait3A_17 = arith.constant 0 : i32
      %dma_wait3A_18 = tpu.memref_slice %arg10[%mul3A_8, %dma_wait3A_17] : memref<10240x128xf32, #tpu.memory_space<vmem_shared>> -> memref<640x128xf32, #tpu.memory_space<vmem_shared>>
      tpu.wait_dma2 semaphore(%run_scoped3A : memref<!tpu.dma_semaphore, #tpu.memory_space<semaphore_mem>>) src(%dma_wait3A_18 : memref<640x128xf32, #tpu.memory_space<vmem_shared>>) dst(%dma_wait3A_16 : memref<640x128xf32, #tpu.memory_space<hbm>>)
      tpu.yield
    }) : () -> ()
    return
  }
}

#map = affine_map<(d0, d1) -> (0, 0)>
#map1 = affine_map<(d0, d1) -> (0, 0, 0, 0)>
#map2 = affine_map<(d0, d1) -> (0, 0, 0)>
module attributes {stable_mosaic.version = 14 : i64} {
  func.func @_deg_hop(%arg0: i32, %arg1: i32, %arg2: memref<128x128xf32, #tpu.memory_space<hbm>>, %arg3: memref<2x16x40x128xi32, #tpu.memory_space<hbm>>, %arg4: memref<640x128xf32, #tpu.memory_space<hbm>>, %arg5: memref<2x10240x128xf32, #tpu.memory_space<hbm>>, %arg6: memref<40x128xi32, #tpu.memory_space<vmem>>, %arg7: memref<128x128xf32, #tpu.memory_space<vmem>>, %arg8: memref<10240x128xf32, #tpu.memory_space<vmem_shared>>) attributes {dimension_semantics = [#tpu.dimension_semantics<core_parallel>, #tpu.dimension_semantics<subcore_parallel>], iteration_bounds = array<i64: 2, 16>, scalar_prefetch = 0 : i64, scratch_operands = 3 : i64, tpu.core_type = #tpu.core_type<sc_vector_subcore>, window_params = [{transform_indices = #map}, {transform_indices = #map1}, {transform_indices = #map}, {transform_indices = #map2}]} {
    "tpu.region"() ({
      %run_scoped3A = tpu.sem_alloc : memref<!tpu.dma_semaphore, #tpu.memory_space<semaphore_mem>>
      %dma_start3A = arith.constant 0 : i32
      %dma_start3A_11 = arith.constant 0 : i32
      %dma_start3A_12 = tpu.memref_slice %arg3[%arg0, %arg1, %dma_start3A, %dma_start3A_11] : memref<2x16x40x128xi32, #tpu.memory_space<hbm>> -> memref<1x1x40x128xi32, #tpu.memory_space<hbm>>
      %dma_start3A_13 = tpu.memref_squeeze %dma_start3A_12 : memref<1x1x40x128xi32, #tpu.memory_space<hbm>> -> memref<40x128xi32, #tpu.memory_space<hbm>>
      %dma_start3A_14 = arith.constant 0 : i32
      %dma_start3A_15 = arith.constant 0 : i32
      %dma_start3A_16 = tpu.memref_slice %arg3[%arg0, %arg1, %dma_start3A_14, %dma_start3A_15] : memref<2x16x40x128xi32, #tpu.memory_space<hbm>> -> memref<1x1x40x128xi32, #tpu.memory_space<hbm>>
      %dma_start3A_17 = tpu.memref_squeeze %dma_start3A_16 : memref<1x1x40x128xi32, #tpu.memory_space<hbm>> -> memref<40x128xi32, #tpu.memory_space<hbm>>
      tpu.enqueue_dma source(%dma_start3A_17 : memref<40x128xi32, #tpu.memory_space<hbm>>) target(%arg6 : memref<40x128xi32, #tpu.memory_space<vmem>>) target_semaphore(%run_scoped3A : memref<!tpu.dma_semaphore, #tpu.memory_space<semaphore_mem>>)
      %dma_wait3A = arith.constant 0 : i32
      %dma_wait3A_18 = arith.constant 0 : i32
      %dma_wait3A_19 = tpu.memref_slice %arg3[%arg0, %arg1, %dma_wait3A, %dma_wait3A_18] : memref<2x16x40x128xi32, #tpu.memory_space<hbm>> -> memref<1x1x40x128xi32, #tpu.memory_space<hbm>>
      %dma_wait3A_20 = tpu.memref_squeeze %dma_wait3A_19 : memref<1x1x40x128xi32, #tpu.memory_space<hbm>> -> memref<40x128xi32, #tpu.memory_space<hbm>>
      %dma_wait3A_21 = arith.constant 0 : i32
      %dma_wait3A_22 = arith.constant 0 : i32
      %dma_wait3A_23 = tpu.memref_slice %arg3[%arg0, %arg1, %dma_wait3A_21, %dma_wait3A_22] : memref<2x16x40x128xi32, #tpu.memory_space<hbm>> -> memref<1x1x40x128xi32, #tpu.memory_space<hbm>>
      %dma_wait3A_24 = tpu.memref_squeeze %dma_wait3A_23 : memref<1x1x40x128xi32, #tpu.memory_space<hbm>> -> memref<40x128xi32, #tpu.memory_space<hbm>>
      tpu.wait_dma2 semaphore(%run_scoped3A : memref<!tpu.dma_semaphore, #tpu.memory_space<semaphore_mem>>) src(%dma_wait3A_24 : memref<40x128xi32, #tpu.memory_space<hbm>>) dst(%arg6 : memref<40x128xi32, #tpu.memory_space<vmem>>)
      tpu.yield
    }) : () -> ()
    "tpu.region"() ({
      %run_scoped3A = tpu.sem_alloc : memref<!tpu.dma_semaphore, #tpu.memory_space<semaphore_mem>>
      tpu.enqueue_dma source(%arg2 : memref<128x128xf32, #tpu.memory_space<hbm>>) target(%arg7 : memref<128x128xf32, #tpu.memory_space<vmem>>) target_semaphore(%run_scoped3A : memref<!tpu.dma_semaphore, #tpu.memory_space<semaphore_mem>>)
      tpu.wait_dma2 semaphore(%run_scoped3A : memref<!tpu.dma_semaphore, #tpu.memory_space<semaphore_mem>>) src(%arg2 : memref<128x128xf32, #tpu.memory_space<hbm>>) dst(%arg7 : memref<128x128xf32, #tpu.memory_space<vmem>>)
      tpu.yield
    }) : () -> ()
    %mul3A = arith.constant 640 : i32
    %mul3A_0 = arith.muli %arg1, %mul3A : i32
    "tpu.region"() ({
      %run_scoped3A = tpu.sem_alloc : memref<!tpu.dma_semaphore, #tpu.memory_space<semaphore_mem>>
      %dma_start3A = arith.constant 0 : i32
      %dma_start3A_11 = tpu.memref_slice %arg8[%mul3A_0, %dma_start3A] : memref<10240x128xf32, #tpu.memory_space<vmem_shared>> -> memref<640x128xf32, #tpu.memory_space<vmem_shared>>
      tpu.enqueue_dma source(%arg4 : memref<640x128xf32, #tpu.memory_space<hbm>>) target(%dma_start3A_11 : memref<640x128xf32, #tpu.memory_space<vmem_shared>>) target_semaphore(%run_scoped3A : memref<!tpu.dma_semaphore, #tpu.memory_space<semaphore_mem>>)
      %dma_wait3A = arith.constant 0 : i32
      %dma_wait3A_12 = tpu.memref_slice %arg8[%mul3A_0, %dma_wait3A] : memref<10240x128xf32, #tpu.memory_space<vmem_shared>> -> memref<640x128xf32, #tpu.memory_space<vmem_shared>>
      tpu.wait_dma2 semaphore(%run_scoped3A : memref<!tpu.dma_semaphore, #tpu.memory_space<semaphore_mem>>) src(%arg4 : memref<640x128xf32, #tpu.memory_space<hbm>>) dst(%dma_wait3A_12 : memref<640x128xf32, #tpu.memory_space<vmem_shared>>)
      tpu.yield
    }) : () -> ()
    %barrier3A = arith.constant 0 : index
    tpu.barrier barrier_id(%barrier3A)
    %scan3A = arith.constant 0 : i32
    %scan3A_1 = arith.constant 0 : i32
    %scan3A_2 = arith.constant 40 : i32
    %scan3A_3 = arith.addi %scan3A_1, %scan3A_2 : i32
    %scan3A_4 = arith.constant 1 : i32
    scf.for %scan3A_11 = %scan3A_1 to %scan3A_3 step %scan3A_4  : i32 {
      "tpu.region"() ({
        %run_scoped3A = tpu.sem_alloc : memref<!tpu.dma_semaphore, #tpu.memory_space<semaphore_mem>>
        %dma_start3A = arith.constant 0 : i32
        %dma_start3A_12 = tpu.memref_slice %arg6[%scan3A_11, %dma_start3A] : memref<40x128xi32, #tpu.memory_space<vmem>> -> memref<1x128xi32, #tpu.memory_space<vmem>>
        %dma_start3A_13 = tpu.memref_squeeze %dma_start3A_12 : memref<1x128xi32, #tpu.memory_space<vmem>> -> memref<128xi32, #tpu.memory_space<vmem>>
        %dma_start3A_14 = arith.constant 0 : i32
        %dma_start3A_15 = arith.constant 0 : i32
        %dma_start3A_16 = tpu.memref_slice %arg8[%dma_start3A_14, %dma_start3A_15] : memref<10240x128xf32, #tpu.memory_space<vmem_shared>> -> memref<10240x128xf32, #tpu.memory_space<vmem_shared>>
        tpu.enqueue_indirect_dma source(%arg7 : memref<128x128xf32, #tpu.memory_space<vmem>>) target(%dma_start3A_16 : memref<10240x128xf32, #tpu.memory_space<vmem_shared>>) offsets(%dma_start3A_13 : memref<128xi32, #tpu.memory_space<vmem>>) semaphore(%run_scoped3A : memref<!tpu.dma_semaphore, #tpu.memory_space<semaphore_mem>>) {add = true}
        %dma_wait3A = arith.constant 0 : i32
        %dma_wait3A_17 = tpu.memref_slice %arg6[%scan3A_11, %dma_wait3A] : memref<40x128xi32, #tpu.memory_space<vmem>> -> memref<1x128xi32, #tpu.memory_space<vmem>>
        %dma_wait3A_18 = tpu.memref_squeeze %dma_wait3A_17 : memref<1x128xi32, #tpu.memory_space<vmem>> -> memref<128xi32, #tpu.memory_space<vmem>>
        %dma_wait3A_19 = arith.constant 0 : i32
        %dma_wait3A_20 = arith.constant 0 : i32
        %dma_wait3A_21 = tpu.memref_slice %arg8[%dma_wait3A_19, %dma_wait3A_20] : memref<10240x128xf32, #tpu.memory_space<vmem_shared>> -> memref<10240x128xf32, #tpu.memory_space<vmem_shared>>
        tpu.wait_indirect_dma semaphore(%run_scoped3A : memref<!tpu.dma_semaphore, #tpu.memory_space<semaphore_mem>>) src(%arg7 : memref<128x128xf32, #tpu.memory_space<vmem>>) dst(%dma_wait3A_21 : memref<10240x128xf32, #tpu.memory_space<vmem_shared>>)
        tpu.yield
      }) : () -> ()
    }
    %scan3A_5 = arith.constant 40 : i32
    %barrier3A_6 = arith.constant 0 : index
    tpu.barrier barrier_id(%barrier3A_6)
    %mul3A_7 = arith.constant 640 : i32
    %mul3A_8 = arith.muli %arg1, %mul3A_7 : i32
    %mul3A_9 = arith.constant 640 : i32
    %mul3A_10 = arith.muli %arg1, %mul3A_9 : i32
    "tpu.region"() ({
      %run_scoped3A = tpu.sem_alloc : memref<!tpu.dma_semaphore, #tpu.memory_space<semaphore_mem>>
      %dma_start3A = arith.constant 0 : i32
      %dma_start3A_11 = tpu.memref_slice %arg5[%arg0, %mul3A_10, %dma_start3A] : memref<2x10240x128xf32, #tpu.memory_space<hbm>> -> memref<1x640x128xf32, #tpu.memory_space<hbm>>
      %dma_start3A_12 = tpu.memref_squeeze %dma_start3A_11 : memref<1x640x128xf32, #tpu.memory_space<hbm>> -> memref<640x128xf32, #tpu.memory_space<hbm>>
      %dma_start3A_13 = arith.constant 0 : i32
      %dma_start3A_14 = tpu.memref_slice %arg8[%mul3A_8, %dma_start3A_13] : memref<10240x128xf32, #tpu.memory_space<vmem_shared>> -> memref<640x128xf32, #tpu.memory_space<vmem_shared>>
      tpu.enqueue_dma source(%dma_start3A_14 : memref<640x128xf32, #tpu.memory_space<vmem_shared>>) target(%dma_start3A_12 : memref<640x128xf32, #tpu.memory_space<hbm>>) target_semaphore(%run_scoped3A : memref<!tpu.dma_semaphore, #tpu.memory_space<semaphore_mem>>)
      %dma_wait3A = arith.constant 0 : i32
      %dma_wait3A_15 = tpu.memref_slice %arg5[%arg0, %mul3A_10, %dma_wait3A] : memref<2x10240x128xf32, #tpu.memory_space<hbm>> -> memref<1x640x128xf32, #tpu.memory_space<hbm>>
      %dma_wait3A_16 = tpu.memref_squeeze %dma_wait3A_15 : memref<1x640x128xf32, #tpu.memory_space<hbm>> -> memref<640x128xf32, #tpu.memory_space<hbm>>
      %dma_wait3A_17 = arith.constant 0 : i32
      %dma_wait3A_18 = tpu.memref_slice %arg8[%mul3A_8, %dma_wait3A_17] : memref<10240x128xf32, #tpu.memory_space<vmem_shared>> -> memref<640x128xf32, #tpu.memory_space<vmem_shared>>
      tpu.wait_dma2 semaphore(%run_scoped3A : memref<!tpu.dma_semaphore, #tpu.memory_space<semaphore_mem>>) src(%dma_wait3A_18 : memref<640x128xf32, #tpu.memory_space<vmem_shared>>) dst(%dma_wait3A_16 : memref<640x128xf32, #tpu.memory_space<hbm>>)
      tpu.yield
    }) : () -> ()
    return
  }
}

#map = affine_map<(d0, d1) -> (0, 0)>
#map1 = affine_map<(d0, d1) -> (0, 0, 0, 0)>
#map2 = affine_map<(d0, d1) -> (0, 0, 0)>
module attributes {stable_mosaic.version = 14 : i64} {
  func.func @hop(%arg0: i32, %arg1: i32, %arg2: memref<10240x128xf32, #tpu.memory_space<hbm>>, %arg3: memref<2x16x40x128xi32, #tpu.memory_space<hbm>>, %arg4: memref<2x16x40x128xi32, #tpu.memory_space<hbm>>, %arg5: memref<640x128xf32, #tpu.memory_space<hbm>>, %arg6: memref<2x10240x128xf32, #tpu.memory_space<hbm>>, %arg7: memref<40x128xi32, #tpu.memory_space<vmem>>, %arg8: memref<40x128xi32, #tpu.memory_space<vmem>>, %arg9: memref<128x128xf32, #tpu.memory_space<vmem>>, %arg10: memref<10240x128xf32, #tpu.memory_space<vmem_shared>>, %arg11: memref<!tpu.dma_semaphore, #tpu.memory_space<semaphore_mem>>) attributes {dimension_semantics = [#tpu.dimension_semantics<core_parallel>, #tpu.dimension_semantics<subcore_parallel>], iteration_bounds = array<i64: 2, 16>, scalar_prefetch = 0 : i64, scratch_operands = 5 : i64, tpu.core_type = #tpu.core_type<sc_vector_subcore>, window_params = [{transform_indices = #map}, {transform_indices = #map1}, {transform_indices = #map1}, {transform_indices = #map}, {transform_indices = #map2}]} {
    "tpu.region"() ({
      %run_scoped3A = tpu.sem_alloc : memref<!tpu.dma_semaphore, #tpu.memory_space<semaphore_mem>>
      %dma_start3A = arith.constant 0 : i32
      %dma_start3A_11 = arith.constant 0 : i32
      %dma_start3A_12 = tpu.memref_slice %arg3[%arg0, %arg1, %dma_start3A, %dma_start3A_11] : memref<2x16x40x128xi32, #tpu.memory_space<hbm>> -> memref<1x1x40x128xi32, #tpu.memory_space<hbm>>
      %dma_start3A_13 = tpu.memref_squeeze %dma_start3A_12 : memref<1x1x40x128xi32, #tpu.memory_space<hbm>> -> memref<40x128xi32, #tpu.memory_space<hbm>>
      %dma_start3A_14 = arith.constant 0 : i32
      %dma_start3A_15 = arith.constant 0 : i32
      %dma_start3A_16 = tpu.memref_slice %arg3[%arg0, %arg1, %dma_start3A_14, %dma_start3A_15] : memref<2x16x40x128xi32, #tpu.memory_space<hbm>> -> memref<1x1x40x128xi32, #tpu.memory_space<hbm>>
      %dma_start3A_17 = tpu.memref_squeeze %dma_start3A_16 : memref<1x1x40x128xi32, #tpu.memory_space<hbm>> -> memref<40x128xi32, #tpu.memory_space<hbm>>
      tpu.enqueue_dma source(%dma_start3A_17 : memref<40x128xi32, #tpu.memory_space<hbm>>) target(%arg7 : memref<40x128xi32, #tpu.memory_space<vmem>>) target_semaphore(%run_scoped3A : memref<!tpu.dma_semaphore, #tpu.memory_space<semaphore_mem>>)
      %dma_wait3A = arith.constant 0 : i32
      %dma_wait3A_18 = arith.constant 0 : i32
      %dma_wait3A_19 = tpu.memref_slice %arg3[%arg0, %arg1, %dma_wait3A, %dma_wait3A_18] : memref<2x16x40x128xi32, #tpu.memory_space<hbm>> -> memref<1x1x40x128xi32, #tpu.memory_space<hbm>>
      %dma_wait3A_20 = tpu.memref_squeeze %dma_wait3A_19 : memref<1x1x40x128xi32, #tpu.memory_space<hbm>> -> memref<40x128xi32, #tpu.memory_space<hbm>>
      %dma_wait3A_21 = arith.constant 0 : i32
      %dma_wait3A_22 = arith.constant 0 : i32
      %dma_wait3A_23 = tpu.memref_slice %arg3[%arg0, %arg1, %dma_wait3A_21, %dma_wait3A_22] : memref<2x16x40x128xi32, #tpu.memory_space<hbm>> -> memref<1x1x40x128xi32, #tpu.memory_space<hbm>>
      %dma_wait3A_24 = tpu.memref_squeeze %dma_wait3A_23 : memref<1x1x40x128xi32, #tpu.memory_space<hbm>> -> memref<40x128xi32, #tpu.memory_space<hbm>>
      tpu.wait_dma2 semaphore(%run_scoped3A : memref<!tpu.dma_semaphore, #tpu.memory_space<semaphore_mem>>) src(%dma_wait3A_24 : memref<40x128xi32, #tpu.memory_space<hbm>>) dst(%arg7 : memref<40x128xi32, #tpu.memory_space<vmem>>)
      tpu.yield
    }) : () -> ()
    "tpu.region"() ({
      %run_scoped3A = tpu.sem_alloc : memref<!tpu.dma_semaphore, #tpu.memory_space<semaphore_mem>>
      %dma_start3A = arith.constant 0 : i32
      %dma_start3A_11 = arith.constant 0 : i32
      %dma_start3A_12 = tpu.memref_slice %arg4[%arg0, %arg1, %dma_start3A, %dma_start3A_11] : memref<2x16x40x128xi32, #tpu.memory_space<hbm>> -> memref<1x1x40x128xi32, #tpu.memory_space<hbm>>
      %dma_start3A_13 = tpu.memref_squeeze %dma_start3A_12 : memref<1x1x40x128xi32, #tpu.memory_space<hbm>> -> memref<40x128xi32, #tpu.memory_space<hbm>>
      %dma_start3A_14 = arith.constant 0 : i32
      %dma_start3A_15 = arith.constant 0 : i32
      %dma_start3A_16 = tpu.memref_slice %arg4[%arg0, %arg1, %dma_start3A_14, %dma_start3A_15] : memref<2x16x40x128xi32, #tpu.memory_space<hbm>> -> memref<1x1x40x128xi32, #tpu.memory_space<hbm>>
      %dma_start3A_17 = tpu.memref_squeeze %dma_start3A_16 : memref<1x1x40x128xi32, #tpu.memory_space<hbm>> -> memref<40x128xi32, #tpu.memory_space<hbm>>
      tpu.enqueue_dma source(%dma_start3A_17 : memref<40x128xi32, #tpu.memory_space<hbm>>) target(%arg8 : memref<40x128xi32, #tpu.memory_space<vmem>>) target_semaphore(%run_scoped3A : memref<!tpu.dma_semaphore, #tpu.memory_space<semaphore_mem>>)
      %dma_wait3A = arith.constant 0 : i32
      %dma_wait3A_18 = arith.constant 0 : i32
      %dma_wait3A_19 = tpu.memref_slice %arg4[%arg0, %arg1, %dma_wait3A, %dma_wait3A_18] : memref<2x16x40x128xi32, #tpu.memory_space<hbm>> -> memref<1x1x40x128xi32, #tpu.memory_space<hbm>>
      %dma_wait3A_20 = tpu.memref_squeeze %dma_wait3A_19 : memref<1x1x40x128xi32, #tpu.memory_space<hbm>> -> memref<40x128xi32, #tpu.memory_space<hbm>>
      %dma_wait3A_21 = arith.constant 0 : i32
      %dma_wait3A_22 = arith.constant 0 : i32
      %dma_wait3A_23 = tpu.memref_slice %arg4[%arg0, %arg1, %dma_wait3A_21, %dma_wait3A_22] : memref<2x16x40x128xi32, #tpu.memory_space<hbm>> -> memref<1x1x40x128xi32, #tpu.memory_space<hbm>>
      %dma_wait3A_24 = tpu.memref_squeeze %dma_wait3A_23 : memref<1x1x40x128xi32, #tpu.memory_space<hbm>> -> memref<40x128xi32, #tpu.memory_space<hbm>>
      tpu.wait_dma2 semaphore(%run_scoped3A : memref<!tpu.dma_semaphore, #tpu.memory_space<semaphore_mem>>) src(%dma_wait3A_24 : memref<40x128xi32, #tpu.memory_space<hbm>>) dst(%arg8 : memref<40x128xi32, #tpu.memory_space<vmem>>)
      tpu.yield
    }) : () -> ()
    %mul3A = arith.constant 640 : i32
    %mul3A_0 = arith.muli %arg1, %mul3A : i32
    "tpu.region"() ({
      %run_scoped3A = tpu.sem_alloc : memref<!tpu.dma_semaphore, #tpu.memory_space<semaphore_mem>>
      %dma_start3A = arith.constant 0 : i32
      %dma_start3A_11 = tpu.memref_slice %arg10[%mul3A_0, %dma_start3A] : memref<10240x128xf32, #tpu.memory_space<vmem_shared>> -> memref<640x128xf32, #tpu.memory_space<vmem_shared>>
      tpu.enqueue_dma source(%arg5 : memref<640x128xf32, #tpu.memory_space<hbm>>) target(%dma_start3A_11 : memref<640x128xf32, #tpu.memory_space<vmem_shared>>) target_semaphore(%run_scoped3A : memref<!tpu.dma_semaphore, #tpu.memory_space<semaphore_mem>>)
      %dma_wait3A = arith.constant 0 : i32
      %dma_wait3A_12 = tpu.memref_slice %arg10[%mul3A_0, %dma_wait3A] : memref<10240x128xf32, #tpu.memory_space<vmem_shared>> -> memref<640x128xf32, #tpu.memory_space<vmem_shared>>
      tpu.wait_dma2 semaphore(%run_scoped3A : memref<!tpu.dma_semaphore, #tpu.memory_space<semaphore_mem>>) src(%arg5 : memref<640x128xf32, #tpu.memory_space<hbm>>) dst(%dma_wait3A_12 : memref<640x128xf32, #tpu.memory_space<vmem_shared>>)
      tpu.yield
    }) : () -> ()
    %barrier3A = arith.constant 0 : index
    tpu.barrier barrier_id(%barrier3A)
    %scan3A = arith.constant 0 : i32
    %scan3A_1 = arith.constant 0 : i32
    %scan3A_2 = arith.constant 40 : i32
    %scan3A_3 = arith.addi %scan3A_1, %scan3A_2 : i32
    %scan3A_4 = arith.constant 1 : i32
    scf.for %scan3A_11 = %scan3A_1 to %scan3A_3 step %scan3A_4  : i32 {
      %dma_start3A = arith.constant 0 : i32
      %dma_start3A_12 = tpu.memref_slice %arg7[%scan3A_11, %dma_start3A] : memref<40x128xi32, #tpu.memory_space<vmem>> -> memref<1x128xi32, #tpu.memory_space<vmem>>
      %dma_start3A_13 = tpu.memref_squeeze %dma_start3A_12 : memref<1x128xi32, #tpu.memory_space<vmem>> -> memref<128xi32, #tpu.memory_space<vmem>>
      %dma_start3A_14 = arith.constant 0 : i32
      %dma_start3A_15 = arith.constant 0 : i32
      %dma_start3A_16 = tpu.memref_slice %arg2[%dma_start3A_14, %dma_start3A_15] : memref<10240x128xf32, #tpu.memory_space<hbm>> -> memref<10240x128xf32, #tpu.memory_space<hbm>>
      tpu.enqueue_indirect_dma source(%dma_start3A_16 : memref<10240x128xf32, #tpu.memory_space<hbm>>) target(%arg9 : memref<128x128xf32, #tpu.memory_space<vmem>>) offsets(%dma_start3A_13 : memref<128xi32, #tpu.memory_space<vmem>>) semaphore(%arg11 : memref<!tpu.dma_semaphore, #tpu.memory_space<semaphore_mem>>)
      %dma_wait3A = arith.constant 0 : i32
      %dma_wait3A_17 = tpu.memref_slice %arg7[%scan3A_11, %dma_wait3A] : memref<40x128xi32, #tpu.memory_space<vmem>> -> memref<1x128xi32, #tpu.memory_space<vmem>>
      %dma_wait3A_18 = tpu.memref_squeeze %dma_wait3A_17 : memref<1x128xi32, #tpu.memory_space<vmem>> -> memref<128xi32, #tpu.memory_space<vmem>>
      %dma_wait3A_19 = arith.constant 0 : i32
      %dma_wait3A_20 = arith.constant 0 : i32
      %dma_wait3A_21 = tpu.memref_slice %arg2[%dma_wait3A_19, %dma_wait3A_20] : memref<10240x128xf32, #tpu.memory_space<hbm>> -> memref<10240x128xf32, #tpu.memory_space<hbm>>
      tpu.wait_indirect_dma semaphore(%arg11 : memref<!tpu.dma_semaphore, #tpu.memory_space<semaphore_mem>>) src(%dma_wait3A_21 : memref<10240x128xf32, #tpu.memory_space<hbm>>) dst(%arg9 : memref<128x128xf32, #tpu.memory_space<vmem>>)
      "tpu.region"() ({
        %run_scoped3A = tpu.sem_alloc : memref<!tpu.dma_semaphore, #tpu.memory_space<semaphore_mem>>
        %dma_start3A_22 = arith.constant 0 : i32
        %dma_start3A_23 = tpu.memref_slice %arg8[%scan3A_11, %dma_start3A_22] : memref<40x128xi32, #tpu.memory_space<vmem>> -> memref<1x128xi32, #tpu.memory_space<vmem>>
        %dma_start3A_24 = tpu.memref_squeeze %dma_start3A_23 : memref<1x128xi32, #tpu.memory_space<vmem>> -> memref<128xi32, #tpu.memory_space<vmem>>
        %dma_start3A_25 = arith.constant 0 : i32
        %dma_start3A_26 = arith.constant 0 : i32
        %dma_start3A_27 = tpu.memref_slice %arg10[%dma_start3A_25, %dma_start3A_26] : memref<10240x128xf32, #tpu.memory_space<vmem_shared>> -> memref<10240x128xf32, #tpu.memory_space<vmem_shared>>
        tpu.enqueue_indirect_dma source(%arg9 : memref<128x128xf32, #tpu.memory_space<vmem>>) target(%dma_start3A_27 : memref<10240x128xf32, #tpu.memory_space<vmem_shared>>) offsets(%dma_start3A_24 : memref<128xi32, #tpu.memory_space<vmem>>) semaphore(%run_scoped3A : memref<!tpu.dma_semaphore, #tpu.memory_space<semaphore_mem>>) {add = true}
        %dma_wait3A_28 = arith.constant 0 : i32
        %dma_wait3A_29 = tpu.memref_slice %arg8[%scan3A_11, %dma_wait3A_28] : memref<40x128xi32, #tpu.memory_space<vmem>> -> memref<1x128xi32, #tpu.memory_space<vmem>>
        %dma_wait3A_30 = tpu.memref_squeeze %dma_wait3A_29 : memref<1x128xi32, #tpu.memory_space<vmem>> -> memref<128xi32, #tpu.memory_space<vmem>>
        %dma_wait3A_31 = arith.constant 0 : i32
        %dma_wait3A_32 = arith.constant 0 : i32
        %dma_wait3A_33 = tpu.memref_slice %arg10[%dma_wait3A_31, %dma_wait3A_32] : memref<10240x128xf32, #tpu.memory_space<vmem_shared>> -> memref<10240x128xf32, #tpu.memory_space<vmem_shared>>
        tpu.wait_indirect_dma semaphore(%run_scoped3A : memref<!tpu.dma_semaphore, #tpu.memory_space<semaphore_mem>>) src(%arg9 : memref<128x128xf32, #tpu.memory_space<vmem>>) dst(%dma_wait3A_33 : memref<10240x128xf32, #tpu.memory_space<vmem_shared>>)
        tpu.yield
      }) : () -> ()
    }
    %scan3A_5 = arith.constant 40 : i32
    %barrier3A_6 = arith.constant 0 : index
    tpu.barrier barrier_id(%barrier3A_6)
    %mul3A_7 = arith.constant 640 : i32
    %mul3A_8 = arith.muli %arg1, %mul3A_7 : i32
    %mul3A_9 = arith.constant 640 : i32
    %mul3A_10 = arith.muli %arg1, %mul3A_9 : i32
    "tpu.region"() ({
      %run_scoped3A = tpu.sem_alloc : memref<!tpu.dma_semaphore, #tpu.memory_space<semaphore_mem>>
      %dma_start3A = arith.constant 0 : i32
      %dma_start3A_11 = tpu.memref_slice %arg6[%arg0, %mul3A_10, %dma_start3A] : memref<2x10240x128xf32, #tpu.memory_space<hbm>> -> memref<1x640x128xf32, #tpu.memory_space<hbm>>
      %dma_start3A_12 = tpu.memref_squeeze %dma_start3A_11 : memref<1x640x128xf32, #tpu.memory_space<hbm>> -> memref<640x128xf32, #tpu.memory_space<hbm>>
      %dma_start3A_13 = arith.constant 0 : i32
      %dma_start3A_14 = tpu.memref_slice %arg10[%mul3A_8, %dma_start3A_13] : memref<10240x128xf32, #tpu.memory_space<vmem_shared>> -> memref<640x128xf32, #tpu.memory_space<vmem_shared>>
      tpu.enqueue_dma source(%dma_start3A_14 : memref<640x128xf32, #tpu.memory_space<vmem_shared>>) target(%dma_start3A_12 : memref<640x128xf32, #tpu.memory_space<hbm>>) target_semaphore(%run_scoped3A : memref<!tpu.dma_semaphore, #tpu.memory_space<semaphore_mem>>)
      %dma_wait3A = arith.constant 0 : i32
      %dma_wait3A_15 = tpu.memref_slice %arg6[%arg0, %mul3A_10, %dma_wait3A] : memref<2x10240x128xf32, #tpu.memory_space<hbm>> -> memref<1x640x128xf32, #tpu.memory_space<hbm>>
      %dma_wait3A_16 = tpu.memref_squeeze %dma_wait3A_15 : memref<1x640x128xf32, #tpu.memory_space<hbm>> -> memref<640x128xf32, #tpu.memory_space<hbm>>
      %dma_wait3A_17 = arith.constant 0 : i32
      %dma_wait3A_18 = tpu.memref_slice %arg10[%mul3A_8, %dma_wait3A_17] : memref<10240x128xf32, #tpu.memory_space<vmem_shared>> -> memref<640x128xf32, #tpu.memory_space<vmem_shared>>
      tpu.wait_dma2 semaphore(%run_scoped3A : memref<!tpu.dma_semaphore, #tpu.memory_space<semaphore_mem>>) src(%dma_wait3A_18 : memref<640x128xf32, #tpu.memory_space<vmem_shared>>) dst(%dma_wait3A_16 : memref<640x128xf32, #tpu.memory_space<hbm>>)
      tpu.yield
    }) : () -> ()
    return
  }
}

#map = affine_map<(d0, d1) -> (0, 0)>
#map1 = affine_map<(d0, d1) -> (0, 0, 0, 0)>
#map2 = affine_map<(d0, d1) -> (0, 0, 0)>
module attributes {stable_mosaic.version = 14 : i64} {
  func.func @hop(%arg0: i32, %arg1: i32, %arg2: memref<10240x128xf32, #tpu.memory_space<hbm>>, %arg3: memref<2x16x40x128xi32, #tpu.memory_space<hbm>>, %arg4: memref<2x16x40x128xi32, #tpu.memory_space<hbm>>, %arg5: memref<640x128xf32, #tpu.memory_space<hbm>>, %arg6: memref<2x10240x128xf32, #tpu.memory_space<hbm>>, %arg7: memref<40x128xi32, #tpu.memory_space<vmem>>, %arg8: memref<40x128xi32, #tpu.memory_space<vmem>>, %arg9: memref<128x128xf32, #tpu.memory_space<vmem>>, %arg10: memref<10240x128xf32, #tpu.memory_space<vmem_shared>>, %arg11: memref<!tpu.dma_semaphore, #tpu.memory_space<semaphore_mem>>) attributes {dimension_semantics = [#tpu.dimension_semantics<core_parallel>, #tpu.dimension_semantics<subcore_parallel>], iteration_bounds = array<i64: 2, 16>, scalar_prefetch = 0 : i64, scratch_operands = 5 : i64, tpu.core_type = #tpu.core_type<sc_vector_subcore>, window_params = [{transform_indices = #map}, {transform_indices = #map1}, {transform_indices = #map1}, {transform_indices = #map}, {transform_indices = #map2}]} {
    "tpu.region"() ({
      %run_scoped3A = tpu.sem_alloc : memref<!tpu.dma_semaphore, #tpu.memory_space<semaphore_mem>>
      %dma_start3A = arith.constant 0 : i32
      %dma_start3A_11 = arith.constant 0 : i32
      %dma_start3A_12 = tpu.memref_slice %arg3[%arg0, %arg1, %dma_start3A, %dma_start3A_11] : memref<2x16x40x128xi32, #tpu.memory_space<hbm>> -> memref<1x1x40x128xi32, #tpu.memory_space<hbm>>
      %dma_start3A_13 = tpu.memref_squeeze %dma_start3A_12 : memref<1x1x40x128xi32, #tpu.memory_space<hbm>> -> memref<40x128xi32, #tpu.memory_space<hbm>>
      %dma_start3A_14 = arith.constant 0 : i32
      %dma_start3A_15 = arith.constant 0 : i32
      %dma_start3A_16 = tpu.memref_slice %arg3[%arg0, %arg1, %dma_start3A_14, %dma_start3A_15] : memref<2x16x40x128xi32, #tpu.memory_space<hbm>> -> memref<1x1x40x128xi32, #tpu.memory_space<hbm>>
      %dma_start3A_17 = tpu.memref_squeeze %dma_start3A_16 : memref<1x1x40x128xi32, #tpu.memory_space<hbm>> -> memref<40x128xi32, #tpu.memory_space<hbm>>
      tpu.enqueue_dma source(%dma_start3A_17 : memref<40x128xi32, #tpu.memory_space<hbm>>) target(%arg7 : memref<40x128xi32, #tpu.memory_space<vmem>>) target_semaphore(%run_scoped3A : memref<!tpu.dma_semaphore, #tpu.memory_space<semaphore_mem>>)
      %dma_wait3A = arith.constant 0 : i32
      %dma_wait3A_18 = arith.constant 0 : i32
      %dma_wait3A_19 = tpu.memref_slice %arg3[%arg0, %arg1, %dma_wait3A, %dma_wait3A_18] : memref<2x16x40x128xi32, #tpu.memory_space<hbm>> -> memref<1x1x40x128xi32, #tpu.memory_space<hbm>>
      %dma_wait3A_20 = tpu.memref_squeeze %dma_wait3A_19 : memref<1x1x40x128xi32, #tpu.memory_space<hbm>> -> memref<40x128xi32, #tpu.memory_space<hbm>>
      %dma_wait3A_21 = arith.constant 0 : i32
      %dma_wait3A_22 = arith.constant 0 : i32
      %dma_wait3A_23 = tpu.memref_slice %arg3[%arg0, %arg1, %dma_wait3A_21, %dma_wait3A_22] : memref<2x16x40x128xi32, #tpu.memory_space<hbm>> -> memref<1x1x40x128xi32, #tpu.memory_space<hbm>>
      %dma_wait3A_24 = tpu.memref_squeeze %dma_wait3A_23 : memref<1x1x40x128xi32, #tpu.memory_space<hbm>> -> memref<40x128xi32, #tpu.memory_space<hbm>>
      tpu.wait_dma2 semaphore(%run_scoped3A : memref<!tpu.dma_semaphore, #tpu.memory_space<semaphore_mem>>) src(%dma_wait3A_24 : memref<40x128xi32, #tpu.memory_space<hbm>>) dst(%arg7 : memref<40x128xi32, #tpu.memory_space<vmem>>)
      tpu.yield
    }) : () -> ()
    "tpu.region"() ({
      %run_scoped3A = tpu.sem_alloc : memref<!tpu.dma_semaphore, #tpu.memory_space<semaphore_mem>>
      %dma_start3A = arith.constant 0 : i32
      %dma_start3A_11 = arith.constant 0 : i32
      %dma_start3A_12 = tpu.memref_slice %arg4[%arg0, %arg1, %dma_start3A, %dma_start3A_11] : memref<2x16x40x128xi32, #tpu.memory_space<hbm>> -> memref<1x1x40x128xi32, #tpu.memory_space<hbm>>
      %dma_start3A_13 = tpu.memref_squeeze %dma_start3A_12 : memref<1x1x40x128xi32, #tpu.memory_space<hbm>> -> memref<40x128xi32, #tpu.memory_space<hbm>>
      %dma_start3A_14 = arith.constant 0 : i32
      %dma_start3A_15 = arith.constant 0 : i32
      %dma_start3A_16 = tpu.memref_slice %arg4[%arg0, %arg1, %dma_start3A_14, %dma_start3A_15] : memref<2x16x40x128xi32, #tpu.memory_space<hbm>> -> memref<1x1x40x128xi32, #tpu.memory_space<hbm>>
      %dma_start3A_17 = tpu.memref_squeeze %dma_start3A_16 : memref<1x1x40x128xi32, #tpu.memory_space<hbm>> -> memref<40x128xi32, #tpu.memory_space<hbm>>
      tpu.enqueue_dma source(%dma_start3A_17 : memref<40x128xi32, #tpu.memory_space<hbm>>) target(%arg8 : memref<40x128xi32, #tpu.memory_space<vmem>>) target_semaphore(%run_scoped3A : memref<!tpu.dma_semaphore, #tpu.memory_space<semaphore_mem>>)
      %dma_wait3A = arith.constant 0 : i32
      %dma_wait3A_18 = arith.constant 0 : i32
      %dma_wait3A_19 = tpu.memref_slice %arg4[%arg0, %arg1, %dma_wait3A, %dma_wait3A_18] : memref<2x16x40x128xi32, #tpu.memory_space<hbm>> -> memref<1x1x40x128xi32, #tpu.memory_space<hbm>>
      %dma_wait3A_20 = tpu.memref_squeeze %dma_wait3A_19 : memref<1x1x40x128xi32, #tpu.memory_space<hbm>> -> memref<40x128xi32, #tpu.memory_space<hbm>>
      %dma_wait3A_21 = arith.constant 0 : i32
      %dma_wait3A_22 = arith.constant 0 : i32
      %dma_wait3A_23 = tpu.memref_slice %arg4[%arg0, %arg1, %dma_wait3A_21, %dma_wait3A_22] : memref<2x16x40x128xi32, #tpu.memory_space<hbm>> -> memref<1x1x40x128xi32, #tpu.memory_space<hbm>>
      %dma_wait3A_24 = tpu.memref_squeeze %dma_wait3A_23 : memref<1x1x40x128xi32, #tpu.memory_space<hbm>> -> memref<40x128xi32, #tpu.memory_space<hbm>>
      tpu.wait_dma2 semaphore(%run_scoped3A : memref<!tpu.dma_semaphore, #tpu.memory_space<semaphore_mem>>) src(%dma_wait3A_24 : memref<40x128xi32, #tpu.memory_space<hbm>>) dst(%arg8 : memref<40x128xi32, #tpu.memory_space<vmem>>)
      tpu.yield
    }) : () -> ()
    %mul3A = arith.constant 640 : i32
    %mul3A_0 = arith.muli %arg1, %mul3A : i32
    "tpu.region"() ({
      %run_scoped3A = tpu.sem_alloc : memref<!tpu.dma_semaphore, #tpu.memory_space<semaphore_mem>>
      %dma_start3A = arith.constant 0 : i32
      %dma_start3A_11 = tpu.memref_slice %arg10[%mul3A_0, %dma_start3A] : memref<10240x128xf32, #tpu.memory_space<vmem_shared>> -> memref<640x128xf32, #tpu.memory_space<vmem_shared>>
      tpu.enqueue_dma source(%arg5 : memref<640x128xf32, #tpu.memory_space<hbm>>) target(%dma_start3A_11 : memref<640x128xf32, #tpu.memory_space<vmem_shared>>) target_semaphore(%run_scoped3A : memref<!tpu.dma_semaphore, #tpu.memory_space<semaphore_mem>>)
      %dma_wait3A = arith.constant 0 : i32
      %dma_wait3A_12 = tpu.memref_slice %arg10[%mul3A_0, %dma_wait3A] : memref<10240x128xf32, #tpu.memory_space<vmem_shared>> -> memref<640x128xf32, #tpu.memory_space<vmem_shared>>
      tpu.wait_dma2 semaphore(%run_scoped3A : memref<!tpu.dma_semaphore, #tpu.memory_space<semaphore_mem>>) src(%arg5 : memref<640x128xf32, #tpu.memory_space<hbm>>) dst(%dma_wait3A_12 : memref<640x128xf32, #tpu.memory_space<vmem_shared>>)
      tpu.yield
    }) : () -> ()
    %barrier3A = arith.constant 0 : index
    tpu.barrier barrier_id(%barrier3A)
    %scan3A = arith.constant 0 : i32
    %scan3A_1 = arith.constant 0 : i32
    %scan3A_2 = arith.constant 40 : i32
    %scan3A_3 = arith.addi %scan3A_1, %scan3A_2 : i32
    %scan3A_4 = arith.constant 1 : i32
    scf.for %scan3A_11 = %scan3A_1 to %scan3A_3 step %scan3A_4  : i32 {
      %dma_start3A = arith.constant 0 : i32
      %dma_start3A_12 = tpu.memref_slice %arg7[%scan3A_11, %dma_start3A] : memref<40x128xi32, #tpu.memory_space<vmem>> -> memref<1x128xi32, #tpu.memory_space<vmem>>
      %dma_start3A_13 = tpu.memref_squeeze %dma_start3A_12 : memref<1x128xi32, #tpu.memory_space<vmem>> -> memref<128xi32, #tpu.memory_space<vmem>>
      %dma_start3A_14 = arith.constant 0 : i32
      %dma_start3A_15 = arith.constant 0 : i32
      %dma_start3A_16 = tpu.memref_slice %arg2[%dma_start3A_14, %dma_start3A_15] : memref<10240x128xf32, #tpu.memory_space<hbm>> -> memref<10240x128xf32, #tpu.memory_space<hbm>>
      tpu.enqueue_indirect_dma source(%dma_start3A_16 : memref<10240x128xf32, #tpu.memory_space<hbm>>) target(%arg9 : memref<128x128xf32, #tpu.memory_space<vmem>>) offsets(%dma_start3A_13 : memref<128xi32, #tpu.memory_space<vmem>>) semaphore(%arg11 : memref<!tpu.dma_semaphore, #tpu.memory_space<semaphore_mem>>)
      %dma_wait3A = arith.constant 0 : i32
      %dma_wait3A_17 = tpu.memref_slice %arg7[%scan3A_11, %dma_wait3A] : memref<40x128xi32, #tpu.memory_space<vmem>> -> memref<1x128xi32, #tpu.memory_space<vmem>>
      %dma_wait3A_18 = tpu.memref_squeeze %dma_wait3A_17 : memref<1x128xi32, #tpu.memory_space<vmem>> -> memref<128xi32, #tpu.memory_space<vmem>>
      %dma_wait3A_19 = arith.constant 0 : i32
      %dma_wait3A_20 = arith.constant 0 : i32
      %dma_wait3A_21 = tpu.memref_slice %arg2[%dma_wait3A_19, %dma_wait3A_20] : memref<10240x128xf32, #tpu.memory_space<hbm>> -> memref<10240x128xf32, #tpu.memory_space<hbm>>
      tpu.wait_indirect_dma semaphore(%arg11 : memref<!tpu.dma_semaphore, #tpu.memory_space<semaphore_mem>>) src(%dma_wait3A_21 : memref<10240x128xf32, #tpu.memory_space<hbm>>) dst(%arg9 : memref<128x128xf32, #tpu.memory_space<vmem>>)
      "tpu.region"() ({
        %run_scoped3A = tpu.sem_alloc : memref<!tpu.dma_semaphore, #tpu.memory_space<semaphore_mem>>
        %dma_start3A_22 = arith.constant 0 : i32
        %dma_start3A_23 = tpu.memref_slice %arg8[%scan3A_11, %dma_start3A_22] : memref<40x128xi32, #tpu.memory_space<vmem>> -> memref<1x128xi32, #tpu.memory_space<vmem>>
        %dma_start3A_24 = tpu.memref_squeeze %dma_start3A_23 : memref<1x128xi32, #tpu.memory_space<vmem>> -> memref<128xi32, #tpu.memory_space<vmem>>
        %dma_start3A_25 = arith.constant 0 : i32
        %dma_start3A_26 = arith.constant 0 : i32
        %dma_start3A_27 = tpu.memref_slice %arg10[%dma_start3A_25, %dma_start3A_26] : memref<10240x128xf32, #tpu.memory_space<vmem_shared>> -> memref<10240x128xf32, #tpu.memory_space<vmem_shared>>
        tpu.enqueue_indirect_dma source(%arg9 : memref<128x128xf32, #tpu.memory_space<vmem>>) target(%dma_start3A_27 : memref<10240x128xf32, #tpu.memory_space<vmem_shared>>) offsets(%dma_start3A_24 : memref<128xi32, #tpu.memory_space<vmem>>) semaphore(%run_scoped3A : memref<!tpu.dma_semaphore, #tpu.memory_space<semaphore_mem>>) {add = true}
        %dma_wait3A_28 = arith.constant 0 : i32
        %dma_wait3A_29 = tpu.memref_slice %arg8[%scan3A_11, %dma_wait3A_28] : memref<40x128xi32, #tpu.memory_space<vmem>> -> memref<1x128xi32, #tpu.memory_space<vmem>>
        %dma_wait3A_30 = tpu.memref_squeeze %dma_wait3A_29 : memref<1x128xi32, #tpu.memory_space<vmem>> -> memref<128xi32, #tpu.memory_space<vmem>>
        %dma_wait3A_31 = arith.constant 0 : i32
        %dma_wait3A_32 = arith.constant 0 : i32
        %dma_wait3A_33 = tpu.memref_slice %arg10[%dma_wait3A_31, %dma_wait3A_32] : memref<10240x128xf32, #tpu.memory_space<vmem_shared>> -> memref<10240x128xf32, #tpu.memory_space<vmem_shared>>
        tpu.wait_indirect_dma semaphore(%run_scoped3A : memref<!tpu.dma_semaphore, #tpu.memory_space<semaphore_mem>>) src(%arg9 : memref<128x128xf32, #tpu.memory_space<vmem>>) dst(%dma_wait3A_33 : memref<10240x128xf32, #tpu.memory_space<vmem_shared>>)
        tpu.yield
      }) : () -> ()
    }
    %scan3A_5 = arith.constant 40 : i32
    %barrier3A_6 = arith.constant 0 : index
    tpu.barrier barrier_id(%barrier3A_6)
    %mul3A_7 = arith.constant 640 : i32
    %mul3A_8 = arith.muli %arg1, %mul3A_7 : i32
    %mul3A_9 = arith.constant 640 : i32
    %mul3A_10 = arith.muli %arg1, %mul3A_9 : i32
    "tpu.region"() ({
      %run_scoped3A = tpu.sem_alloc : memref<!tpu.dma_semaphore, #tpu.memory_space<semaphore_mem>>
      %dma_start3A = arith.constant 0 : i32
      %dma_start3A_11 = tpu.memref_slice %arg6[%arg0, %mul3A_10, %dma_start3A] : memref<2x10240x128xf32, #tpu.memory_space<hbm>> -> memref<1x640x128xf32, #tpu.memory_space<hbm>>
      %dma_start3A_12 = tpu.memref_squeeze %dma_start3A_11 : memref<1x640x128xf32, #tpu.memory_space<hbm>> -> memref<640x128xf32, #tpu.memory_space<hbm>>
      %dma_start3A_13 = arith.constant 0 : i32
      %dma_start3A_14 = tpu.memref_slice %arg10[%mul3A_8, %dma_start3A_13] : memref<10240x128xf32, #tpu.memory_space<vmem_shared>> -> memref<640x128xf32, #tpu.memory_space<vmem_shared>>
      tpu.enqueue_dma source(%dma_start3A_14 : memref<640x128xf32, #tpu.memory_space<vmem_shared>>) target(%dma_start3A_12 : memref<640x128xf32, #tpu.memory_space<hbm>>) target_semaphore(%run_scoped3A : memref<!tpu.dma_semaphore, #tpu.memory_space<semaphore_mem>>)
      %dma_wait3A = arith.constant 0 : i32
      %dma_wait3A_15 = tpu.memref_slice %arg6[%arg0, %mul3A_10, %dma_wait3A] : memref<2x10240x128xf32, #tpu.memory_space<hbm>> -> memref<1x640x128xf32, #tpu.memory_space<hbm>>
      %dma_wait3A_16 = tpu.memref_squeeze %dma_wait3A_15 : memref<1x640x128xf32, #tpu.memory_space<hbm>> -> memref<640x128xf32, #tpu.memory_space<hbm>>
      %dma_wait3A_17 = arith.constant 0 : i32
      %dma_wait3A_18 = tpu.memref_slice %arg10[%mul3A_8, %dma_wait3A_17] : memref<10240x128xf32, #tpu.memory_space<vmem_shared>> -> memref<640x128xf32, #tpu.memory_space<vmem_shared>>
      tpu.wait_dma2 semaphore(%run_scoped3A : memref<!tpu.dma_semaphore, #tpu.memory_space<semaphore_mem>>) src(%dma_wait3A_18 : memref<640x128xf32, #tpu.memory_space<vmem_shared>>) dst(%dma_wait3A_16 : memref<640x128xf32, #tpu.memory_space<hbm>>)
      tpu.yield
    }) : () -> ()
    return
  }
}

#map = affine_map<(d0, d1) -> (0, 0)>
#map1 = affine_map<(d0, d1) -> (0, 0, 0, 0)>
#map2 = affine_map<(d0, d1) -> (0, 0, 0)>
module attributes {stable_mosaic.version = 14 : i64} {
  func.func @hop(%arg0: i32, %arg1: i32, %arg2: memref<20480x128xf32, #tpu.memory_space<hbm>>, %arg3: memref<2x16x80x128xi32, #tpu.memory_space<hbm>>, %arg4: memref<2x16x80x128xi32, #tpu.memory_space<hbm>>, %arg5: memref<640x128xf32, #tpu.memory_space<hbm>>, %arg6: memref<2x10240x128xf32, #tpu.memory_space<hbm>>, %arg7: memref<80x128xi32, #tpu.memory_space<vmem>>, %arg8: memref<80x128xi32, #tpu.memory_space<vmem>>, %arg9: memref<128x128xf32, #tpu.memory_space<vmem>>, %arg10: memref<10240x128xf32, #tpu.memory_space<vmem_shared>>, %arg11: memref<!tpu.dma_semaphore, #tpu.memory_space<semaphore_mem>>) attributes {dimension_semantics = [#tpu.dimension_semantics<core_parallel>, #tpu.dimension_semantics<subcore_parallel>], iteration_bounds = array<i64: 2, 16>, scalar_prefetch = 0 : i64, scratch_operands = 5 : i64, tpu.core_type = #tpu.core_type<sc_vector_subcore>, window_params = [{transform_indices = #map}, {transform_indices = #map1}, {transform_indices = #map1}, {transform_indices = #map}, {transform_indices = #map2}]} {
    "tpu.region"() ({
      %run_scoped3A = tpu.sem_alloc : memref<!tpu.dma_semaphore, #tpu.memory_space<semaphore_mem>>
      %dma_start3A = arith.constant 0 : i32
      %dma_start3A_11 = arith.constant 0 : i32
      %dma_start3A_12 = tpu.memref_slice %arg3[%arg0, %arg1, %dma_start3A, %dma_start3A_11] : memref<2x16x80x128xi32, #tpu.memory_space<hbm>> -> memref<1x1x80x128xi32, #tpu.memory_space<hbm>>
      %dma_start3A_13 = tpu.memref_squeeze %dma_start3A_12 : memref<1x1x80x128xi32, #tpu.memory_space<hbm>> -> memref<80x128xi32, #tpu.memory_space<hbm>>
      %dma_start3A_14 = arith.constant 0 : i32
      %dma_start3A_15 = arith.constant 0 : i32
      %dma_start3A_16 = tpu.memref_slice %arg3[%arg0, %arg1, %dma_start3A_14, %dma_start3A_15] : memref<2x16x80x128xi32, #tpu.memory_space<hbm>> -> memref<1x1x80x128xi32, #tpu.memory_space<hbm>>
      %dma_start3A_17 = tpu.memref_squeeze %dma_start3A_16 : memref<1x1x80x128xi32, #tpu.memory_space<hbm>> -> memref<80x128xi32, #tpu.memory_space<hbm>>
      tpu.enqueue_dma source(%dma_start3A_17 : memref<80x128xi32, #tpu.memory_space<hbm>>) target(%arg7 : memref<80x128xi32, #tpu.memory_space<vmem>>) target_semaphore(%run_scoped3A : memref<!tpu.dma_semaphore, #tpu.memory_space<semaphore_mem>>)
      %dma_wait3A = arith.constant 0 : i32
      %dma_wait3A_18 = arith.constant 0 : i32
      %dma_wait3A_19 = tpu.memref_slice %arg3[%arg0, %arg1, %dma_wait3A, %dma_wait3A_18] : memref<2x16x80x128xi32, #tpu.memory_space<hbm>> -> memref<1x1x80x128xi32, #tpu.memory_space<hbm>>
      %dma_wait3A_20 = tpu.memref_squeeze %dma_wait3A_19 : memref<1x1x80x128xi32, #tpu.memory_space<hbm>> -> memref<80x128xi32, #tpu.memory_space<hbm>>
      %dma_wait3A_21 = arith.constant 0 : i32
      %dma_wait3A_22 = arith.constant 0 : i32
      %dma_wait3A_23 = tpu.memref_slice %arg3[%arg0, %arg1, %dma_wait3A_21, %dma_wait3A_22] : memref<2x16x80x128xi32, #tpu.memory_space<hbm>> -> memref<1x1x80x128xi32, #tpu.memory_space<hbm>>
      %dma_wait3A_24 = tpu.memref_squeeze %dma_wait3A_23 : memref<1x1x80x128xi32, #tpu.memory_space<hbm>> -> memref<80x128xi32, #tpu.memory_space<hbm>>
      tpu.wait_dma2 semaphore(%run_scoped3A : memref<!tpu.dma_semaphore, #tpu.memory_space<semaphore_mem>>) src(%dma_wait3A_24 : memref<80x128xi32, #tpu.memory_space<hbm>>) dst(%arg7 : memref<80x128xi32, #tpu.memory_space<vmem>>)
      tpu.yield
    }) : () -> ()
    "tpu.region"() ({
      %run_scoped3A = tpu.sem_alloc : memref<!tpu.dma_semaphore, #tpu.memory_space<semaphore_mem>>
      %dma_start3A = arith.constant 0 : i32
      %dma_start3A_11 = arith.constant 0 : i32
      %dma_start3A_12 = tpu.memref_slice %arg4[%arg0, %arg1, %dma_start3A, %dma_start3A_11] : memref<2x16x80x128xi32, #tpu.memory_space<hbm>> -> memref<1x1x80x128xi32, #tpu.memory_space<hbm>>
      %dma_start3A_13 = tpu.memref_squeeze %dma_start3A_12 : memref<1x1x80x128xi32, #tpu.memory_space<hbm>> -> memref<80x128xi32, #tpu.memory_space<hbm>>
      %dma_start3A_14 = arith.constant 0 : i32
      %dma_start3A_15 = arith.constant 0 : i32
      %dma_start3A_16 = tpu.memref_slice %arg4[%arg0, %arg1, %dma_start3A_14, %dma_start3A_15] : memref<2x16x80x128xi32, #tpu.memory_space<hbm>> -> memref<1x1x80x128xi32, #tpu.memory_space<hbm>>
      %dma_start3A_17 = tpu.memref_squeeze %dma_start3A_16 : memref<1x1x80x128xi32, #tpu.memory_space<hbm>> -> memref<80x128xi32, #tpu.memory_space<hbm>>
      tpu.enqueue_dma source(%dma_start3A_17 : memref<80x128xi32, #tpu.memory_space<hbm>>) target(%arg8 : memref<80x128xi32, #tpu.memory_space<vmem>>) target_semaphore(%run_scoped3A : memref<!tpu.dma_semaphore, #tpu.memory_space<semaphore_mem>>)
      %dma_wait3A = arith.constant 0 : i32
      %dma_wait3A_18 = arith.constant 0 : i32
      %dma_wait3A_19 = tpu.memref_slice %arg4[%arg0, %arg1, %dma_wait3A, %dma_wait3A_18] : memref<2x16x80x128xi32, #tpu.memory_space<hbm>> -> memref<1x1x80x128xi32, #tpu.memory_space<hbm>>
      %dma_wait3A_20 = tpu.memref_squeeze %dma_wait3A_19 : memref<1x1x80x128xi32, #tpu.memory_space<hbm>> -> memref<80x128xi32, #tpu.memory_space<hbm>>
      %dma_wait3A_21 = arith.constant 0 : i32
      %dma_wait3A_22 = arith.constant 0 : i32
      %dma_wait3A_23 = tpu.memref_slice %arg4[%arg0, %arg1, %dma_wait3A_21, %dma_wait3A_22] : memref<2x16x80x128xi32, #tpu.memory_space<hbm>> -> memref<1x1x80x128xi32, #tpu.memory_space<hbm>>
      %dma_wait3A_24 = tpu.memref_squeeze %dma_wait3A_23 : memref<1x1x80x128xi32, #tpu.memory_space<hbm>> -> memref<80x128xi32, #tpu.memory_space<hbm>>
      tpu.wait_dma2 semaphore(%run_scoped3A : memref<!tpu.dma_semaphore, #tpu.memory_space<semaphore_mem>>) src(%dma_wait3A_24 : memref<80x128xi32, #tpu.memory_space<hbm>>) dst(%arg8 : memref<80x128xi32, #tpu.memory_space<vmem>>)
      tpu.yield
    }) : () -> ()
    %mul3A = arith.constant 640 : i32
    %mul3A_0 = arith.muli %arg1, %mul3A : i32
    "tpu.region"() ({
      %run_scoped3A = tpu.sem_alloc : memref<!tpu.dma_semaphore, #tpu.memory_space<semaphore_mem>>
      %dma_start3A = arith.constant 0 : i32
      %dma_start3A_11 = tpu.memref_slice %arg10[%mul3A_0, %dma_start3A] : memref<10240x128xf32, #tpu.memory_space<vmem_shared>> -> memref<640x128xf32, #tpu.memory_space<vmem_shared>>
      tpu.enqueue_dma source(%arg5 : memref<640x128xf32, #tpu.memory_space<hbm>>) target(%dma_start3A_11 : memref<640x128xf32, #tpu.memory_space<vmem_shared>>) target_semaphore(%run_scoped3A : memref<!tpu.dma_semaphore, #tpu.memory_space<semaphore_mem>>)
      %dma_wait3A = arith.constant 0 : i32
      %dma_wait3A_12 = tpu.memref_slice %arg10[%mul3A_0, %dma_wait3A] : memref<10240x128xf32, #tpu.memory_space<vmem_shared>> -> memref<640x128xf32, #tpu.memory_space<vmem_shared>>
      tpu.wait_dma2 semaphore(%run_scoped3A : memref<!tpu.dma_semaphore, #tpu.memory_space<semaphore_mem>>) src(%arg5 : memref<640x128xf32, #tpu.memory_space<hbm>>) dst(%dma_wait3A_12 : memref<640x128xf32, #tpu.memory_space<vmem_shared>>)
      tpu.yield
    }) : () -> ()
    %barrier3A = arith.constant 0 : index
    tpu.barrier barrier_id(%barrier3A)
    %scan3A = arith.constant 0 : i32
    %scan3A_1 = arith.constant 0 : i32
    %scan3A_2 = arith.constant 80 : i32
    %scan3A_3 = arith.addi %scan3A_1, %scan3A_2 : i32
    %scan3A_4 = arith.constant 1 : i32
    scf.for %scan3A_11 = %scan3A_1 to %scan3A_3 step %scan3A_4  : i32 {
      %dma_start3A = arith.constant 0 : i32
      %dma_start3A_12 = tpu.memref_slice %arg7[%scan3A_11, %dma_start3A] : memref<80x128xi32, #tpu.memory_space<vmem>> -> memref<1x128xi32, #tpu.memory_space<vmem>>
      %dma_start3A_13 = tpu.memref_squeeze %dma_start3A_12 : memref<1x128xi32, #tpu.memory_space<vmem>> -> memref<128xi32, #tpu.memory_space<vmem>>
      %dma_start3A_14 = arith.constant 0 : i32
      %dma_start3A_15 = arith.constant 0 : i32
      %dma_start3A_16 = tpu.memref_slice %arg2[%dma_start3A_14, %dma_start3A_15] : memref<20480x128xf32, #tpu.memory_space<hbm>> -> memref<20480x128xf32, #tpu.memory_space<hbm>>
      tpu.enqueue_indirect_dma source(%dma_start3A_16 : memref<20480x128xf32, #tpu.memory_space<hbm>>) target(%arg9 : memref<128x128xf32, #tpu.memory_space<vmem>>) offsets(%dma_start3A_13 : memref<128xi32, #tpu.memory_space<vmem>>) semaphore(%arg11 : memref<!tpu.dma_semaphore, #tpu.memory_space<semaphore_mem>>)
      %dma_wait3A = arith.constant 0 : i32
      %dma_wait3A_17 = tpu.memref_slice %arg7[%scan3A_11, %dma_wait3A] : memref<80x128xi32, #tpu.memory_space<vmem>> -> memref<1x128xi32, #tpu.memory_space<vmem>>
      %dma_wait3A_18 = tpu.memref_squeeze %dma_wait3A_17 : memref<1x128xi32, #tpu.memory_space<vmem>> -> memref<128xi32, #tpu.memory_space<vmem>>
      %dma_wait3A_19 = arith.constant 0 : i32
      %dma_wait3A_20 = arith.constant 0 : i32
      %dma_wait3A_21 = tpu.memref_slice %arg2[%dma_wait3A_19, %dma_wait3A_20] : memref<20480x128xf32, #tpu.memory_space<hbm>> -> memref<20480x128xf32, #tpu.memory_space<hbm>>
      tpu.wait_indirect_dma semaphore(%arg11 : memref<!tpu.dma_semaphore, #tpu.memory_space<semaphore_mem>>) src(%dma_wait3A_21 : memref<20480x128xf32, #tpu.memory_space<hbm>>) dst(%arg9 : memref<128x128xf32, #tpu.memory_space<vmem>>)
      "tpu.region"() ({
        %run_scoped3A = tpu.sem_alloc : memref<!tpu.dma_semaphore, #tpu.memory_space<semaphore_mem>>
        %dma_start3A_22 = arith.constant 0 : i32
        %dma_start3A_23 = tpu.memref_slice %arg8[%scan3A_11, %dma_start3A_22] : memref<80x128xi32, #tpu.memory_space<vmem>> -> memref<1x128xi32, #tpu.memory_space<vmem>>
        %dma_start3A_24 = tpu.memref_squeeze %dma_start3A_23 : memref<1x128xi32, #tpu.memory_space<vmem>> -> memref<128xi32, #tpu.memory_space<vmem>>
        %dma_start3A_25 = arith.constant 0 : i32
        %dma_start3A_26 = arith.constant 0 : i32
        %dma_start3A_27 = tpu.memref_slice %arg10[%dma_start3A_25, %dma_start3A_26] : memref<10240x128xf32, #tpu.memory_space<vmem_shared>> -> memref<10240x128xf32, #tpu.memory_space<vmem_shared>>
        tpu.enqueue_indirect_dma source(%arg9 : memref<128x128xf32, #tpu.memory_space<vmem>>) target(%dma_start3A_27 : memref<10240x128xf32, #tpu.memory_space<vmem_shared>>) offsets(%dma_start3A_24 : memref<128xi32, #tpu.memory_space<vmem>>) semaphore(%run_scoped3A : memref<!tpu.dma_semaphore, #tpu.memory_space<semaphore_mem>>) {add = true}
        %dma_wait3A_28 = arith.constant 0 : i32
        %dma_wait3A_29 = tpu.memref_slice %arg8[%scan3A_11, %dma_wait3A_28] : memref<80x128xi32, #tpu.memory_space<vmem>> -> memref<1x128xi32, #tpu.memory_space<vmem>>
        %dma_wait3A_30 = tpu.memref_squeeze %dma_wait3A_29 : memref<1x128xi32, #tpu.memory_space<vmem>> -> memref<128xi32, #tpu.memory_space<vmem>>
        %dma_wait3A_31 = arith.constant 0 : i32
        %dma_wait3A_32 = arith.constant 0 : i32
        %dma_wait3A_33 = tpu.memref_slice %arg10[%dma_wait3A_31, %dma_wait3A_32] : memref<10240x128xf32, #tpu.memory_space<vmem_shared>> -> memref<10240x128xf32, #tpu.memory_space<vmem_shared>>
        tpu.wait_indirect_dma semaphore(%run_scoped3A : memref<!tpu.dma_semaphore, #tpu.memory_space<semaphore_mem>>) src(%arg9 : memref<128x128xf32, #tpu.memory_space<vmem>>) dst(%dma_wait3A_33 : memref<10240x128xf32, #tpu.memory_space<vmem_shared>>)
        tpu.yield
      }) : () -> ()
    }
    %scan3A_5 = arith.constant 80 : i32
    %barrier3A_6 = arith.constant 0 : index
    tpu.barrier barrier_id(%barrier3A_6)
    %mul3A_7 = arith.constant 640 : i32
    %mul3A_8 = arith.muli %arg1, %mul3A_7 : i32
    %mul3A_9 = arith.constant 640 : i32
    %mul3A_10 = arith.muli %arg1, %mul3A_9 : i32
    "tpu.region"() ({
      %run_scoped3A = tpu.sem_alloc : memref<!tpu.dma_semaphore, #tpu.memory_space<semaphore_mem>>
      %dma_start3A = arith.constant 0 : i32
      %dma_start3A_11 = tpu.memref_slice %arg6[%arg0, %mul3A_10, %dma_start3A] : memref<2x10240x128xf32, #tpu.memory_space<hbm>> -> memref<1x640x128xf32, #tpu.memory_space<hbm>>
      %dma_start3A_12 = tpu.memref_squeeze %dma_start3A_11 : memref<1x640x128xf32, #tpu.memory_space<hbm>> -> memref<640x128xf32, #tpu.memory_space<hbm>>
      %dma_start3A_13 = arith.constant 0 : i32
      %dma_start3A_14 = tpu.memref_slice %arg10[%mul3A_8, %dma_start3A_13] : memref<10240x128xf32, #tpu.memory_space<vmem_shared>> -> memref<640x128xf32, #tpu.memory_space<vmem_shared>>
      tpu.enqueue_dma source(%dma_start3A_14 : memref<640x128xf32, #tpu.memory_space<vmem_shared>>) target(%dma_start3A_12 : memref<640x128xf32, #tpu.memory_space<hbm>>) target_semaphore(%run_scoped3A : memref<!tpu.dma_semaphore, #tpu.memory_space<semaphore_mem>>)
      %dma_wait3A = arith.constant 0 : i32
      %dma_wait3A_15 = tpu.memref_slice %arg6[%arg0, %mul3A_10, %dma_wait3A] : memref<2x10240x128xf32, #tpu.memory_space<hbm>> -> memref<1x640x128xf32, #tpu.memory_space<hbm>>
      %dma_wait3A_16 = tpu.memref_squeeze %dma_wait3A_15 : memref<1x640x128xf32, #tpu.memory_space<hbm>> -> memref<640x128xf32, #tpu.memory_space<hbm>>
      %dma_wait3A_17 = arith.constant 0 : i32
      %dma_wait3A_18 = tpu.memref_slice %arg10[%mul3A_8, %dma_wait3A_17] : memref<10240x128xf32, #tpu.memory_space<vmem_shared>> -> memref<640x128xf32, #tpu.memory_space<vmem_shared>>
      tpu.wait_dma2 semaphore(%run_scoped3A : memref<!tpu.dma_semaphore, #tpu.memory_space<semaphore_mem>>) src(%dma_wait3A_18 : memref<640x128xf32, #tpu.memory_space<vmem_shared>>) dst(%dma_wait3A_16 : memref<640x128xf32, #tpu.memory_space<hbm>>)
      tpu.yield
    }) : () -> ()
    return
  }
}

#map = affine_map<(d0, d1) -> (0, 0)>
#map1 = affine_map<(d0, d1) -> (0, 0, 0, 0)>
#map2 = affine_map<(d0, d1) -> (0, 0, 0)>
module attributes {stable_mosaic.version = 14 : i64} {
  func.func @hop(%arg0: i32, %arg1: i32, %arg2: memref<20480x128xf32, #tpu.memory_space<hbm>>, %arg3: memref<2x16x80x128xi32, #tpu.memory_space<hbm>>, %arg4: memref<2x16x80x128xi32, #tpu.memory_space<hbm>>, %arg5: memref<640x128xf32, #tpu.memory_space<hbm>>, %arg6: memref<2x10240x128xf32, #tpu.memory_space<hbm>>, %arg7: memref<80x128xi32, #tpu.memory_space<vmem>>, %arg8: memref<80x128xi32, #tpu.memory_space<vmem>>, %arg9: memref<128x128xf32, #tpu.memory_space<vmem>>, %arg10: memref<10240x128xf32, #tpu.memory_space<vmem_shared>>, %arg11: memref<!tpu.dma_semaphore, #tpu.memory_space<semaphore_mem>>) attributes {dimension_semantics = [#tpu.dimension_semantics<core_parallel>, #tpu.dimension_semantics<subcore_parallel>], iteration_bounds = array<i64: 2, 16>, scalar_prefetch = 0 : i64, scratch_operands = 5 : i64, tpu.core_type = #tpu.core_type<sc_vector_subcore>, window_params = [{transform_indices = #map}, {transform_indices = #map1}, {transform_indices = #map1}, {transform_indices = #map}, {transform_indices = #map2}]} {
    "tpu.region"() ({
      %run_scoped3A = tpu.sem_alloc : memref<!tpu.dma_semaphore, #tpu.memory_space<semaphore_mem>>
      %dma_start3A = arith.constant 0 : i32
      %dma_start3A_11 = arith.constant 0 : i32
      %dma_start3A_12 = tpu.memref_slice %arg3[%arg0, %arg1, %dma_start3A, %dma_start3A_11] : memref<2x16x80x128xi32, #tpu.memory_space<hbm>> -> memref<1x1x80x128xi32, #tpu.memory_space<hbm>>
      %dma_start3A_13 = tpu.memref_squeeze %dma_start3A_12 : memref<1x1x80x128xi32, #tpu.memory_space<hbm>> -> memref<80x128xi32, #tpu.memory_space<hbm>>
      %dma_start3A_14 = arith.constant 0 : i32
      %dma_start3A_15 = arith.constant 0 : i32
      %dma_start3A_16 = tpu.memref_slice %arg3[%arg0, %arg1, %dma_start3A_14, %dma_start3A_15] : memref<2x16x80x128xi32, #tpu.memory_space<hbm>> -> memref<1x1x80x128xi32, #tpu.memory_space<hbm>>
      %dma_start3A_17 = tpu.memref_squeeze %dma_start3A_16 : memref<1x1x80x128xi32, #tpu.memory_space<hbm>> -> memref<80x128xi32, #tpu.memory_space<hbm>>
      tpu.enqueue_dma source(%dma_start3A_17 : memref<80x128xi32, #tpu.memory_space<hbm>>) target(%arg7 : memref<80x128xi32, #tpu.memory_space<vmem>>) target_semaphore(%run_scoped3A : memref<!tpu.dma_semaphore, #tpu.memory_space<semaphore_mem>>)
      %dma_wait3A = arith.constant 0 : i32
      %dma_wait3A_18 = arith.constant 0 : i32
      %dma_wait3A_19 = tpu.memref_slice %arg3[%arg0, %arg1, %dma_wait3A, %dma_wait3A_18] : memref<2x16x80x128xi32, #tpu.memory_space<hbm>> -> memref<1x1x80x128xi32, #tpu.memory_space<hbm>>
      %dma_wait3A_20 = tpu.memref_squeeze %dma_wait3A_19 : memref<1x1x80x128xi32, #tpu.memory_space<hbm>> -> memref<80x128xi32, #tpu.memory_space<hbm>>
      %dma_wait3A_21 = arith.constant 0 : i32
      %dma_wait3A_22 = arith.constant 0 : i32
      %dma_wait3A_23 = tpu.memref_slice %arg3[%arg0, %arg1, %dma_wait3A_21, %dma_wait3A_22] : memref<2x16x80x128xi32, #tpu.memory_space<hbm>> -> memref<1x1x80x128xi32, #tpu.memory_space<hbm>>
      %dma_wait3A_24 = tpu.memref_squeeze %dma_wait3A_23 : memref<1x1x80x128xi32, #tpu.memory_space<hbm>> -> memref<80x128xi32, #tpu.memory_space<hbm>>
      tpu.wait_dma2 semaphore(%run_scoped3A : memref<!tpu.dma_semaphore, #tpu.memory_space<semaphore_mem>>) src(%dma_wait3A_24 : memref<80x128xi32, #tpu.memory_space<hbm>>) dst(%arg7 : memref<80x128xi32, #tpu.memory_space<vmem>>)
      tpu.yield
    }) : () -> ()
    "tpu.region"() ({
      %run_scoped3A = tpu.sem_alloc : memref<!tpu.dma_semaphore, #tpu.memory_space<semaphore_mem>>
      %dma_start3A = arith.constant 0 : i32
      %dma_start3A_11 = arith.constant 0 : i32
      %dma_start3A_12 = tpu.memref_slice %arg4[%arg0, %arg1, %dma_start3A, %dma_start3A_11] : memref<2x16x80x128xi32, #tpu.memory_space<hbm>> -> memref<1x1x80x128xi32, #tpu.memory_space<hbm>>
      %dma_start3A_13 = tpu.memref_squeeze %dma_start3A_12 : memref<1x1x80x128xi32, #tpu.memory_space<hbm>> -> memref<80x128xi32, #tpu.memory_space<hbm>>
      %dma_start3A_14 = arith.constant 0 : i32
      %dma_start3A_15 = arith.constant 0 : i32
      %dma_start3A_16 = tpu.memref_slice %arg4[%arg0, %arg1, %dma_start3A_14, %dma_start3A_15] : memref<2x16x80x128xi32, #tpu.memory_space<hbm>> -> memref<1x1x80x128xi32, #tpu.memory_space<hbm>>
      %dma_start3A_17 = tpu.memref_squeeze %dma_start3A_16 : memref<1x1x80x128xi32, #tpu.memory_space<hbm>> -> memref<80x128xi32, #tpu.memory_space<hbm>>
      tpu.enqueue_dma source(%dma_start3A_17 : memref<80x128xi32, #tpu.memory_space<hbm>>) target(%arg8 : memref<80x128xi32, #tpu.memory_space<vmem>>) target_semaphore(%run_scoped3A : memref<!tpu.dma_semaphore, #tpu.memory_space<semaphore_mem>>)
      %dma_wait3A = arith.constant 0 : i32
      %dma_wait3A_18 = arith.constant 0 : i32
      %dma_wait3A_19 = tpu.memref_slice %arg4[%arg0, %arg1, %dma_wait3A, %dma_wait3A_18] : memref<2x16x80x128xi32, #tpu.memory_space<hbm>> -> memref<1x1x80x128xi32, #tpu.memory_space<hbm>>
      %dma_wait3A_20 = tpu.memref_squeeze %dma_wait3A_19 : memref<1x1x80x128xi32, #tpu.memory_space<hbm>> -> memref<80x128xi32, #tpu.memory_space<hbm>>
      %dma_wait3A_21 = arith.constant 0 : i32
      %dma_wait3A_22 = arith.constant 0 : i32
      %dma_wait3A_23 = tpu.memref_slice %arg4[%arg0, %arg1, %dma_wait3A_21, %dma_wait3A_22] : memref<2x16x80x128xi32, #tpu.memory_space<hbm>> -> memref<1x1x80x128xi32, #tpu.memory_space<hbm>>
      %dma_wait3A_24 = tpu.memref_squeeze %dma_wait3A_23 : memref<1x1x80x128xi32, #tpu.memory_space<hbm>> -> memref<80x128xi32, #tpu.memory_space<hbm>>
      tpu.wait_dma2 semaphore(%run_scoped3A : memref<!tpu.dma_semaphore, #tpu.memory_space<semaphore_mem>>) src(%dma_wait3A_24 : memref<80x128xi32, #tpu.memory_space<hbm>>) dst(%arg8 : memref<80x128xi32, #tpu.memory_space<vmem>>)
      tpu.yield
    }) : () -> ()
    %mul3A = arith.constant 640 : i32
    %mul3A_0 = arith.muli %arg1, %mul3A : i32
    "tpu.region"() ({
      %run_scoped3A = tpu.sem_alloc : memref<!tpu.dma_semaphore, #tpu.memory_space<semaphore_mem>>
      %dma_start3A = arith.constant 0 : i32
      %dma_start3A_11 = tpu.memref_slice %arg10[%mul3A_0, %dma_start3A] : memref<10240x128xf32, #tpu.memory_space<vmem_shared>> -> memref<640x128xf32, #tpu.memory_space<vmem_shared>>
      tpu.enqueue_dma source(%arg5 : memref<640x128xf32, #tpu.memory_space<hbm>>) target(%dma_start3A_11 : memref<640x128xf32, #tpu.memory_space<vmem_shared>>) target_semaphore(%run_scoped3A : memref<!tpu.dma_semaphore, #tpu.memory_space<semaphore_mem>>)
      %dma_wait3A = arith.constant 0 : i32
      %dma_wait3A_12 = tpu.memref_slice %arg10[%mul3A_0, %dma_wait3A] : memref<10240x128xf32, #tpu.memory_space<vmem_shared>> -> memref<640x128xf32, #tpu.memory_space<vmem_shared>>
      tpu.wait_dma2 semaphore(%run_scoped3A : memref<!tpu.dma_semaphore, #tpu.memory_space<semaphore_mem>>) src(%arg5 : memref<640x128xf32, #tpu.memory_space<hbm>>) dst(%dma_wait3A_12 : memref<640x128xf32, #tpu.memory_space<vmem_shared>>)
      tpu.yield
    }) : () -> ()
    %barrier3A = arith.constant 0 : index
    tpu.barrier barrier_id(%barrier3A)
    %scan3A = arith.constant 0 : i32
    %scan3A_1 = arith.constant 0 : i32
    %scan3A_2 = arith.constant 80 : i32
    %scan3A_3 = arith.addi %scan3A_1, %scan3A_2 : i32
    %scan3A_4 = arith.constant 1 : i32
    scf.for %scan3A_11 = %scan3A_1 to %scan3A_3 step %scan3A_4  : i32 {
      %dma_start3A = arith.constant 0 : i32
      %dma_start3A_12 = tpu.memref_slice %arg7[%scan3A_11, %dma_start3A] : memref<80x128xi32, #tpu.memory_space<vmem>> -> memref<1x128xi32, #tpu.memory_space<vmem>>
      %dma_start3A_13 = tpu.memref_squeeze %dma_start3A_12 : memref<1x128xi32, #tpu.memory_space<vmem>> -> memref<128xi32, #tpu.memory_space<vmem>>
      %dma_start3A_14 = arith.constant 0 : i32
      %dma_start3A_15 = arith.constant 0 : i32
      %dma_start3A_16 = tpu.memref_slice %arg2[%dma_start3A_14, %dma_start3A_15] : memref<20480x128xf32, #tpu.memory_space<hbm>> -> memref<20480x128xf32, #tpu.memory_space<hbm>>
      tpu.enqueue_indirect_dma source(%dma_start3A_16 : memref<20480x128xf32, #tpu.memory_space<hbm>>) target(%arg9 : memref<128x128xf32, #tpu.memory_space<vmem>>) offsets(%dma_start3A_13 : memref<128xi32, #tpu.memory_space<vmem>>) semaphore(%arg11 : memref<!tpu.dma_semaphore, #tpu.memory_space<semaphore_mem>>)
      %dma_wait3A = arith.constant 0 : i32
      %dma_wait3A_17 = tpu.memref_slice %arg7[%scan3A_11, %dma_wait3A] : memref<80x128xi32, #tpu.memory_space<vmem>> -> memref<1x128xi32, #tpu.memory_space<vmem>>
      %dma_wait3A_18 = tpu.memref_squeeze %dma_wait3A_17 : memref<1x128xi32, #tpu.memory_space<vmem>> -> memref<128xi32, #tpu.memory_space<vmem>>
      %dma_wait3A_19 = arith.constant 0 : i32
      %dma_wait3A_20 = arith.constant 0 : i32
      %dma_wait3A_21 = tpu.memref_slice %arg2[%dma_wait3A_19, %dma_wait3A_20] : memref<20480x128xf32, #tpu.memory_space<hbm>> -> memref<20480x128xf32, #tpu.memory_space<hbm>>
      tpu.wait_indirect_dma semaphore(%arg11 : memref<!tpu.dma_semaphore, #tpu.memory_space<semaphore_mem>>) src(%dma_wait3A_21 : memref<20480x128xf32, #tpu.memory_space<hbm>>) dst(%arg9 : memref<128x128xf32, #tpu.memory_space<vmem>>)
      "tpu.region"() ({
        %run_scoped3A = tpu.sem_alloc : memref<!tpu.dma_semaphore, #tpu.memory_space<semaphore_mem>>
        %dma_start3A_22 = arith.constant 0 : i32
        %dma_start3A_23 = tpu.memref_slice %arg8[%scan3A_11, %dma_start3A_22] : memref<80x128xi32, #tpu.memory_space<vmem>> -> memref<1x128xi32, #tpu.memory_space<vmem>>
        %dma_start3A_24 = tpu.memref_squeeze %dma_start3A_23 : memref<1x128xi32, #tpu.memory_space<vmem>> -> memref<128xi32, #tpu.memory_space<vmem>>
        %dma_start3A_25 = arith.constant 0 : i32
        %dma_start3A_26 = arith.constant 0 : i32
        %dma_start3A_27 = tpu.memref_slice %arg10[%dma_start3A_25, %dma_start3A_26] : memref<10240x128xf32, #tpu.memory_space<vmem_shared>> -> memref<10240x128xf32, #tpu.memory_space<vmem_shared>>
        tpu.enqueue_indirect_dma source(%arg9 : memref<128x128xf32, #tpu.memory_space<vmem>>) target(%dma_start3A_27 : memref<10240x128xf32, #tpu.memory_space<vmem_shared>>) offsets(%dma_start3A_24 : memref<128xi32, #tpu.memory_space<vmem>>) semaphore(%run_scoped3A : memref<!tpu.dma_semaphore, #tpu.memory_space<semaphore_mem>>) {add = true}
        %dma_wait3A_28 = arith.constant 0 : i32
        %dma_wait3A_29 = tpu.memref_slice %arg8[%scan3A_11, %dma_wait3A_28] : memref<80x128xi32, #tpu.memory_space<vmem>> -> memref<1x128xi32, #tpu.memory_space<vmem>>
        %dma_wait3A_30 = tpu.memref_squeeze %dma_wait3A_29 : memref<1x128xi32, #tpu.memory_space<vmem>> -> memref<128xi32, #tpu.memory_space<vmem>>
        %dma_wait3A_31 = arith.constant 0 : i32
        %dma_wait3A_32 = arith.constant 0 : i32
        %dma_wait3A_33 = tpu.memref_slice %arg10[%dma_wait3A_31, %dma_wait3A_32] : memref<10240x128xf32, #tpu.memory_space<vmem_shared>> -> memref<10240x128xf32, #tpu.memory_space<vmem_shared>>
        tpu.wait_indirect_dma semaphore(%run_scoped3A : memref<!tpu.dma_semaphore, #tpu.memory_space<semaphore_mem>>) src(%arg9 : memref<128x128xf32, #tpu.memory_space<vmem>>) dst(%dma_wait3A_33 : memref<10240x128xf32, #tpu.memory_space<vmem_shared>>)
        tpu.yield
      }) : () -> ()
    }
    %scan3A_5 = arith.constant 80 : i32
    %barrier3A_6 = arith.constant 0 : index
    tpu.barrier barrier_id(%barrier3A_6)
    %mul3A_7 = arith.constant 640 : i32
    %mul3A_8 = arith.muli %arg1, %mul3A_7 : i32
    %mul3A_9 = arith.constant 640 : i32
    %mul3A_10 = arith.muli %arg1, %mul3A_9 : i32
    "tpu.region"() ({
      %run_scoped3A = tpu.sem_alloc : memref<!tpu.dma_semaphore, #tpu.memory_space<semaphore_mem>>
      %dma_start3A = arith.constant 0 : i32
      %dma_start3A_11 = tpu.memref_slice %arg6[%arg0, %mul3A_10, %dma_start3A] : memref<2x10240x128xf32, #tpu.memory_space<hbm>> -> memref<1x640x128xf32, #tpu.memory_space<hbm>>
      %dma_start3A_12 = tpu.memref_squeeze %dma_start3A_11 : memref<1x640x128xf32, #tpu.memory_space<hbm>> -> memref<640x128xf32, #tpu.memory_space<hbm>>
      %dma_start3A_13 = arith.constant 0 : i32
      %dma_start3A_14 = tpu.memref_slice %arg10[%mul3A_8, %dma_start3A_13] : memref<10240x128xf32, #tpu.memory_space<vmem_shared>> -> memref<640x128xf32, #tpu.memory_space<vmem_shared>>
      tpu.enqueue_dma source(%dma_start3A_14 : memref<640x128xf32, #tpu.memory_space<vmem_shared>>) target(%dma_start3A_12 : memref<640x128xf32, #tpu.memory_space<hbm>>) target_semaphore(%run_scoped3A : memref<!tpu.dma_semaphore, #tpu.memory_space<semaphore_mem>>)
      %dma_wait3A = arith.constant 0 : i32
      %dma_wait3A_15 = tpu.memref_slice %arg6[%arg0, %mul3A_10, %dma_wait3A] : memref<2x10240x128xf32, #tpu.memory_space<hbm>> -> memref<1x640x128xf32, #tpu.memory_space<hbm>>
      %dma_wait3A_16 = tpu.memref_squeeze %dma_wait3A_15 : memref<1x640x128xf32, #tpu.memory_space<hbm>> -> memref<640x128xf32, #tpu.memory_space<hbm>>
      %dma_wait3A_17 = arith.constant 0 : i32
      %dma_wait3A_18 = tpu.memref_slice %arg10[%mul3A_8, %dma_wait3A_17] : memref<10240x128xf32, #tpu.memory_space<vmem_shared>> -> memref<640x128xf32, #tpu.memory_space<vmem_shared>>
      tpu.wait_dma2 semaphore(%run_scoped3A : memref<!tpu.dma_semaphore, #tpu.memory_space<semaphore_mem>>) src(%dma_wait3A_18 : memref<640x128xf32, #tpu.memory_space<vmem_shared>>) dst(%dma_wait3A_16 : memref<640x128xf32, #tpu.memory_space<hbm>>)
      tpu.yield
    }) : () -> ()
    return
  }
}

#map = affine_map<(d0, d1) -> (0, 0)>
#map1 = affine_map<(d0, d1) -> (0, 0, 0, 0)>
#map2 = affine_map<(d0, d1) -> (0, 0, 0)>
module attributes {stable_mosaic.version = 14 : i64} {
  func.func @hop(%arg0: i32, %arg1: i32, %arg2: memref<20480x128xf32, #tpu.memory_space<hbm>>, %arg3: memref<2x16x80x128xi32, #tpu.memory_space<hbm>>, %arg4: memref<2x16x80x128xi32, #tpu.memory_space<hbm>>, %arg5: memref<640x128xf32, #tpu.memory_space<hbm>>, %arg6: memref<2x10240x128xf32, #tpu.memory_space<hbm>>, %arg7: memref<80x128xi32, #tpu.memory_space<vmem>>, %arg8: memref<80x128xi32, #tpu.memory_space<vmem>>, %arg9: memref<128x128xf32, #tpu.memory_space<vmem>>, %arg10: memref<10240x128xf32, #tpu.memory_space<vmem_shared>>, %arg11: memref<!tpu.dma_semaphore, #tpu.memory_space<semaphore_mem>>) attributes {dimension_semantics = [#tpu.dimension_semantics<core_parallel>, #tpu.dimension_semantics<subcore_parallel>], iteration_bounds = array<i64: 2, 16>, scalar_prefetch = 0 : i64, scratch_operands = 5 : i64, tpu.core_type = #tpu.core_type<sc_vector_subcore>, window_params = [{transform_indices = #map}, {transform_indices = #map1}, {transform_indices = #map1}, {transform_indices = #map}, {transform_indices = #map2}]} {
    "tpu.region"() ({
      %run_scoped3A = tpu.sem_alloc : memref<!tpu.dma_semaphore, #tpu.memory_space<semaphore_mem>>
      %dma_start3A = arith.constant 0 : i32
      %dma_start3A_11 = arith.constant 0 : i32
      %dma_start3A_12 = tpu.memref_slice %arg3[%arg0, %arg1, %dma_start3A, %dma_start3A_11] : memref<2x16x80x128xi32, #tpu.memory_space<hbm>> -> memref<1x1x80x128xi32, #tpu.memory_space<hbm>>
      %dma_start3A_13 = tpu.memref_squeeze %dma_start3A_12 : memref<1x1x80x128xi32, #tpu.memory_space<hbm>> -> memref<80x128xi32, #tpu.memory_space<hbm>>
      %dma_start3A_14 = arith.constant 0 : i32
      %dma_start3A_15 = arith.constant 0 : i32
      %dma_start3A_16 = tpu.memref_slice %arg3[%arg0, %arg1, %dma_start3A_14, %dma_start3A_15] : memref<2x16x80x128xi32, #tpu.memory_space<hbm>> -> memref<1x1x80x128xi32, #tpu.memory_space<hbm>>
      %dma_start3A_17 = tpu.memref_squeeze %dma_start3A_16 : memref<1x1x80x128xi32, #tpu.memory_space<hbm>> -> memref<80x128xi32, #tpu.memory_space<hbm>>
      tpu.enqueue_dma source(%dma_start3A_17 : memref<80x128xi32, #tpu.memory_space<hbm>>) target(%arg7 : memref<80x128xi32, #tpu.memory_space<vmem>>) target_semaphore(%run_scoped3A : memref<!tpu.dma_semaphore, #tpu.memory_space<semaphore_mem>>)
      %dma_wait3A = arith.constant 0 : i32
      %dma_wait3A_18 = arith.constant 0 : i32
      %dma_wait3A_19 = tpu.memref_slice %arg3[%arg0, %arg1, %dma_wait3A, %dma_wait3A_18] : memref<2x16x80x128xi32, #tpu.memory_space<hbm>> -> memref<1x1x80x128xi32, #tpu.memory_space<hbm>>
      %dma_wait3A_20 = tpu.memref_squeeze %dma_wait3A_19 : memref<1x1x80x128xi32, #tpu.memory_space<hbm>> -> memref<80x128xi32, #tpu.memory_space<hbm>>
      %dma_wait3A_21 = arith.constant 0 : i32
      %dma_wait3A_22 = arith.constant 0 : i32
      %dma_wait3A_23 = tpu.memref_slice %arg3[%arg0, %arg1, %dma_wait3A_21, %dma_wait3A_22] : memref<2x16x80x128xi32, #tpu.memory_space<hbm>> -> memref<1x1x80x128xi32, #tpu.memory_space<hbm>>
      %dma_wait3A_24 = tpu.memref_squeeze %dma_wait3A_23 : memref<1x1x80x128xi32, #tpu.memory_space<hbm>> -> memref<80x128xi32, #tpu.memory_space<hbm>>
      tpu.wait_dma2 semaphore(%run_scoped3A : memref<!tpu.dma_semaphore, #tpu.memory_space<semaphore_mem>>) src(%dma_wait3A_24 : memref<80x128xi32, #tpu.memory_space<hbm>>) dst(%arg7 : memref<80x128xi32, #tpu.memory_space<vmem>>)
      tpu.yield
    }) : () -> ()
    "tpu.region"() ({
      %run_scoped3A = tpu.sem_alloc : memref<!tpu.dma_semaphore, #tpu.memory_space<semaphore_mem>>
      %dma_start3A = arith.constant 0 : i32
      %dma_start3A_11 = arith.constant 0 : i32
      %dma_start3A_12 = tpu.memref_slice %arg4[%arg0, %arg1, %dma_start3A, %dma_start3A_11] : memref<2x16x80x128xi32, #tpu.memory_space<hbm>> -> memref<1x1x80x128xi32, #tpu.memory_space<hbm>>
      %dma_start3A_13 = tpu.memref_squeeze %dma_start3A_12 : memref<1x1x80x128xi32, #tpu.memory_space<hbm>> -> memref<80x128xi32, #tpu.memory_space<hbm>>
      %dma_start3A_14 = arith.constant 0 : i32
      %dma_start3A_15 = arith.constant 0 : i32
      %dma_start3A_16 = tpu.memref_slice %arg4[%arg0, %arg1, %dma_start3A_14, %dma_start3A_15] : memref<2x16x80x128xi32, #tpu.memory_space<hbm>> -> memref<1x1x80x128xi32, #tpu.memory_space<hbm>>
      %dma_start3A_17 = tpu.memref_squeeze %dma_start3A_16 : memref<1x1x80x128xi32, #tpu.memory_space<hbm>> -> memref<80x128xi32, #tpu.memory_space<hbm>>
      tpu.enqueue_dma source(%dma_start3A_17 : memref<80x128xi32, #tpu.memory_space<hbm>>) target(%arg8 : memref<80x128xi32, #tpu.memory_space<vmem>>) target_semaphore(%run_scoped3A : memref<!tpu.dma_semaphore, #tpu.memory_space<semaphore_mem>>)
      %dma_wait3A = arith.constant 0 : i32
      %dma_wait3A_18 = arith.constant 0 : i32
      %dma_wait3A_19 = tpu.memref_slice %arg4[%arg0, %arg1, %dma_wait3A, %dma_wait3A_18] : memref<2x16x80x128xi32, #tpu.memory_space<hbm>> -> memref<1x1x80x128xi32, #tpu.memory_space<hbm>>
      %dma_wait3A_20 = tpu.memref_squeeze %dma_wait3A_19 : memref<1x1x80x128xi32, #tpu.memory_space<hbm>> -> memref<80x128xi32, #tpu.memory_space<hbm>>
      %dma_wait3A_21 = arith.constant 0 : i32
      %dma_wait3A_22 = arith.constant 0 : i32
      %dma_wait3A_23 = tpu.memref_slice %arg4[%arg0, %arg1, %dma_wait3A_21, %dma_wait3A_22] : memref<2x16x80x128xi32, #tpu.memory_space<hbm>> -> memref<1x1x80x128xi32, #tpu.memory_space<hbm>>
      %dma_wait3A_24 = tpu.memref_squeeze %dma_wait3A_23 : memref<1x1x80x128xi32, #tpu.memory_space<hbm>> -> memref<80x128xi32, #tpu.memory_space<hbm>>
      tpu.wait_dma2 semaphore(%run_scoped3A : memref<!tpu.dma_semaphore, #tpu.memory_space<semaphore_mem>>) src(%dma_wait3A_24 : memref<80x128xi32, #tpu.memory_space<hbm>>) dst(%arg8 : memref<80x128xi32, #tpu.memory_space<vmem>>)
      tpu.yield
    }) : () -> ()
    %mul3A = arith.constant 640 : i32
    %mul3A_0 = arith.muli %arg1, %mul3A : i32
    "tpu.region"() ({
      %run_scoped3A = tpu.sem_alloc : memref<!tpu.dma_semaphore, #tpu.memory_space<semaphore_mem>>
      %dma_start3A = arith.constant 0 : i32
      %dma_start3A_11 = tpu.memref_slice %arg10[%mul3A_0, %dma_start3A] : memref<10240x128xf32, #tpu.memory_space<vmem_shared>> -> memref<640x128xf32, #tpu.memory_space<vmem_shared>>
      tpu.enqueue_dma source(%arg5 : memref<640x128xf32, #tpu.memory_space<hbm>>) target(%dma_start3A_11 : memref<640x128xf32, #tpu.memory_space<vmem_shared>>) target_semaphore(%run_scoped3A : memref<!tpu.dma_semaphore, #tpu.memory_space<semaphore_mem>>)
      %dma_wait3A = arith.constant 0 : i32
      %dma_wait3A_12 = tpu.memref_slice %arg10[%mul3A_0, %dma_wait3A] : memref<10240x128xf32, #tpu.memory_space<vmem_shared>> -> memref<640x128xf32, #tpu.memory_space<vmem_shared>>
      tpu.wait_dma2 semaphore(%run_scoped3A : memref<!tpu.dma_semaphore, #tpu.memory_space<semaphore_mem>>) src(%arg5 : memref<640x128xf32, #tpu.memory_space<hbm>>) dst(%dma_wait3A_12 : memref<640x128xf32, #tpu.memory_space<vmem_shared>>)
      tpu.yield
    }) : () -> ()
    %barrier3A = arith.constant 0 : index
    tpu.barrier barrier_id(%barrier3A)
    %scan3A = arith.constant 0 : i32
    %scan3A_1 = arith.constant 0 : i32
    %scan3A_2 = arith.constant 80 : i32
    %scan3A_3 = arith.addi %scan3A_1, %scan3A_2 : i32
    %scan3A_4 = arith.constant 1 : i32
    scf.for %scan3A_11 = %scan3A_1 to %scan3A_3 step %scan3A_4  : i32 {
      %dma_start3A = arith.constant 0 : i32
      %dma_start3A_12 = tpu.memref_slice %arg7[%scan3A_11, %dma_start3A] : memref<80x128xi32, #tpu.memory_space<vmem>> -> memref<1x128xi32, #tpu.memory_space<vmem>>
      %dma_start3A_13 = tpu.memref_squeeze %dma_start3A_12 : memref<1x128xi32, #tpu.memory_space<vmem>> -> memref<128xi32, #tpu.memory_space<vmem>>
      %dma_start3A_14 = arith.constant 0 : i32
      %dma_start3A_15 = arith.constant 0 : i32
      %dma_start3A_16 = tpu.memref_slice %arg2[%dma_start3A_14, %dma_start3A_15] : memref<20480x128xf32, #tpu.memory_space<hbm>> -> memref<20480x128xf32, #tpu.memory_space<hbm>>
      tpu.enqueue_indirect_dma source(%dma_start3A_16 : memref<20480x128xf32, #tpu.memory_space<hbm>>) target(%arg9 : memref<128x128xf32, #tpu.memory_space<vmem>>) offsets(%dma_start3A_13 : memref<128xi32, #tpu.memory_space<vmem>>) semaphore(%arg11 : memref<!tpu.dma_semaphore, #tpu.memory_space<semaphore_mem>>)
      %dma_wait3A = arith.constant 0 : i32
      %dma_wait3A_17 = tpu.memref_slice %arg7[%scan3A_11, %dma_wait3A] : memref<80x128xi32, #tpu.memory_space<vmem>> -> memref<1x128xi32, #tpu.memory_space<vmem>>
      %dma_wait3A_18 = tpu.memref_squeeze %dma_wait3A_17 : memref<1x128xi32, #tpu.memory_space<vmem>> -> memref<128xi32, #tpu.memory_space<vmem>>
      %dma_wait3A_19 = arith.constant 0 : i32
      %dma_wait3A_20 = arith.constant 0 : i32
      %dma_wait3A_21 = tpu.memref_slice %arg2[%dma_wait3A_19, %dma_wait3A_20] : memref<20480x128xf32, #tpu.memory_space<hbm>> -> memref<20480x128xf32, #tpu.memory_space<hbm>>
      tpu.wait_indirect_dma semaphore(%arg11 : memref<!tpu.dma_semaphore, #tpu.memory_space<semaphore_mem>>) src(%dma_wait3A_21 : memref<20480x128xf32, #tpu.memory_space<hbm>>) dst(%arg9 : memref<128x128xf32, #tpu.memory_space<vmem>>)
      "tpu.region"() ({
        %run_scoped3A = tpu.sem_alloc : memref<!tpu.dma_semaphore, #tpu.memory_space<semaphore_mem>>
        %dma_start3A_22 = arith.constant 0 : i32
        %dma_start3A_23 = tpu.memref_slice %arg8[%scan3A_11, %dma_start3A_22] : memref<80x128xi32, #tpu.memory_space<vmem>> -> memref<1x128xi32, #tpu.memory_space<vmem>>
        %dma_start3A_24 = tpu.memref_squeeze %dma_start3A_23 : memref<1x128xi32, #tpu.memory_space<vmem>> -> memref<128xi32, #tpu.memory_space<vmem>>
        %dma_start3A_25 = arith.constant 0 : i32
        %dma_start3A_26 = arith.constant 0 : i32
        %dma_start3A_27 = tpu.memref_slice %arg10[%dma_start3A_25, %dma_start3A_26] : memref<10240x128xf32, #tpu.memory_space<vmem_shared>> -> memref<10240x128xf32, #tpu.memory_space<vmem_shared>>
        tpu.enqueue_indirect_dma source(%arg9 : memref<128x128xf32, #tpu.memory_space<vmem>>) target(%dma_start3A_27 : memref<10240x128xf32, #tpu.memory_space<vmem_shared>>) offsets(%dma_start3A_24 : memref<128xi32, #tpu.memory_space<vmem>>) semaphore(%run_scoped3A : memref<!tpu.dma_semaphore, #tpu.memory_space<semaphore_mem>>) {add = true}
        %dma_wait3A_28 = arith.constant 0 : i32
        %dma_wait3A_29 = tpu.memref_slice %arg8[%scan3A_11, %dma_wait3A_28] : memref<80x128xi32, #tpu.memory_space<vmem>> -> memref<1x128xi32, #tpu.memory_space<vmem>>
        %dma_wait3A_30 = tpu.memref_squeeze %dma_wait3A_29 : memref<1x128xi32, #tpu.memory_space<vmem>> -> memref<128xi32, #tpu.memory_space<vmem>>
        %dma_wait3A_31 = arith.constant 0 : i32
        %dma_wait3A_32 = arith.constant 0 : i32
        %dma_wait3A_33 = tpu.memref_slice %arg10[%dma_wait3A_31, %dma_wait3A_32] : memref<10240x128xf32, #tpu.memory_space<vmem_shared>> -> memref<10240x128xf32, #tpu.memory_space<vmem_shared>>
        tpu.wait_indirect_dma semaphore(%run_scoped3A : memref<!tpu.dma_semaphore, #tpu.memory_space<semaphore_mem>>) src(%arg9 : memref<128x128xf32, #tpu.memory_space<vmem>>) dst(%dma_wait3A_33 : memref<10240x128xf32, #tpu.memory_space<vmem_shared>>)
        tpu.yield
      }) : () -> ()
    }
    %scan3A_5 = arith.constant 80 : i32
    %barrier3A_6 = arith.constant 0 : index
    tpu.barrier barrier_id(%barrier3A_6)
    %mul3A_7 = arith.constant 640 : i32
    %mul3A_8 = arith.muli %arg1, %mul3A_7 : i32
    %mul3A_9 = arith.constant 640 : i32
    %mul3A_10 = arith.muli %arg1, %mul3A_9 : i32
    "tpu.region"() ({
      %run_scoped3A = tpu.sem_alloc : memref<!tpu.dma_semaphore, #tpu.memory_space<semaphore_mem>>
      %dma_start3A = arith.constant 0 : i32
      %dma_start3A_11 = tpu.memref_slice %arg6[%arg0, %mul3A_10, %dma_start3A] : memref<2x10240x128xf32, #tpu.memory_space<hbm>> -> memref<1x640x128xf32, #tpu.memory_space<hbm>>
      %dma_start3A_12 = tpu.memref_squeeze %dma_start3A_11 : memref<1x640x128xf32, #tpu.memory_space<hbm>> -> memref<640x128xf32, #tpu.memory_space<hbm>>
      %dma_start3A_13 = arith.constant 0 : i32
      %dma_start3A_14 = tpu.memref_slice %arg10[%mul3A_8, %dma_start3A_13] : memref<10240x128xf32, #tpu.memory_space<vmem_shared>> -> memref<640x128xf32, #tpu.memory_space<vmem_shared>>
      tpu.enqueue_dma source(%dma_start3A_14 : memref<640x128xf32, #tpu.memory_space<vmem_shared>>) target(%dma_start3A_12 : memref<640x128xf32, #tpu.memory_space<hbm>>) target_semaphore(%run_scoped3A : memref<!tpu.dma_semaphore, #tpu.memory_space<semaphore_mem>>)
      %dma_wait3A = arith.constant 0 : i32
      %dma_wait3A_15 = tpu.memref_slice %arg6[%arg0, %mul3A_10, %dma_wait3A] : memref<2x10240x128xf32, #tpu.memory_space<hbm>> -> memref<1x640x128xf32, #tpu.memory_space<hbm>>
      %dma_wait3A_16 = tpu.memref_squeeze %dma_wait3A_15 : memref<1x640x128xf32, #tpu.memory_space<hbm>> -> memref<640x128xf32, #tpu.memory_space<hbm>>
      %dma_wait3A_17 = arith.constant 0 : i32
      %dma_wait3A_18 = tpu.memref_slice %arg10[%mul3A_8, %dma_wait3A_17] : memref<10240x128xf32, #tpu.memory_space<vmem_shared>> -> memref<640x128xf32, #tpu.memory_space<vmem_shared>>
      tpu.wait_dma2 semaphore(%run_scoped3A : memref<!tpu.dma_semaphore, #tpu.memory_space<semaphore_mem>>) src(%dma_wait3A_18 : memref<640x128xf32, #tpu.memory_space<vmem_shared>>) dst(%dma_wait3A_16 : memref<640x128xf32, #tpu.memory_space<hbm>>)
      tpu.yield
    }) : () -> ()
    return
  }
}

#map = affine_map<(d0, d1) -> (0, 0)>
#map1 = affine_map<(d0, d1) -> (0, 0, 0, 0)>
#map2 = affine_map<(d0, d1) -> (0, 0, 0)>
module attributes {stable_mosaic.version = 14 : i64} {
  func.func @hop(%arg0: i32, %arg1: i32, %arg2: memref<20480x128xf32, #tpu.memory_space<hbm>>, %arg3: memref<2x16x80x128xi32, #tpu.memory_space<hbm>>, %arg4: memref<2x16x80x128xi32, #tpu.memory_space<hbm>>, %arg5: memref<640x128xf32, #tpu.memory_space<hbm>>, %arg6: memref<2x10240x128xf32, #tpu.memory_space<hbm>>, %arg7: memref<80x128xi32, #tpu.memory_space<vmem>>, %arg8: memref<80x128xi32, #tpu.memory_space<vmem>>, %arg9: memref<128x128xf32, #tpu.memory_space<vmem>>, %arg10: memref<10240x128xf32, #tpu.memory_space<vmem_shared>>, %arg11: memref<!tpu.dma_semaphore, #tpu.memory_space<semaphore_mem>>) attributes {dimension_semantics = [#tpu.dimension_semantics<core_parallel>, #tpu.dimension_semantics<subcore_parallel>], iteration_bounds = array<i64: 2, 16>, scalar_prefetch = 0 : i64, scratch_operands = 5 : i64, tpu.core_type = #tpu.core_type<sc_vector_subcore>, window_params = [{transform_indices = #map}, {transform_indices = #map1}, {transform_indices = #map1}, {transform_indices = #map}, {transform_indices = #map2}]} {
    "tpu.region"() ({
      %run_scoped3A = tpu.sem_alloc : memref<!tpu.dma_semaphore, #tpu.memory_space<semaphore_mem>>
      %dma_start3A = arith.constant 0 : i32
      %dma_start3A_11 = arith.constant 0 : i32
      %dma_start3A_12 = tpu.memref_slice %arg3[%arg0, %arg1, %dma_start3A, %dma_start3A_11] : memref<2x16x80x128xi32, #tpu.memory_space<hbm>> -> memref<1x1x80x128xi32, #tpu.memory_space<hbm>>
      %dma_start3A_13 = tpu.memref_squeeze %dma_start3A_12 : memref<1x1x80x128xi32, #tpu.memory_space<hbm>> -> memref<80x128xi32, #tpu.memory_space<hbm>>
      %dma_start3A_14 = arith.constant 0 : i32
      %dma_start3A_15 = arith.constant 0 : i32
      %dma_start3A_16 = tpu.memref_slice %arg3[%arg0, %arg1, %dma_start3A_14, %dma_start3A_15] : memref<2x16x80x128xi32, #tpu.memory_space<hbm>> -> memref<1x1x80x128xi32, #tpu.memory_space<hbm>>
      %dma_start3A_17 = tpu.memref_squeeze %dma_start3A_16 : memref<1x1x80x128xi32, #tpu.memory_space<hbm>> -> memref<80x128xi32, #tpu.memory_space<hbm>>
      tpu.enqueue_dma source(%dma_start3A_17 : memref<80x128xi32, #tpu.memory_space<hbm>>) target(%arg7 : memref<80x128xi32, #tpu.memory_space<vmem>>) target_semaphore(%run_scoped3A : memref<!tpu.dma_semaphore, #tpu.memory_space<semaphore_mem>>)
      %dma_wait3A = arith.constant 0 : i32
      %dma_wait3A_18 = arith.constant 0 : i32
      %dma_wait3A_19 = tpu.memref_slice %arg3[%arg0, %arg1, %dma_wait3A, %dma_wait3A_18] : memref<2x16x80x128xi32, #tpu.memory_space<hbm>> -> memref<1x1x80x128xi32, #tpu.memory_space<hbm>>
      %dma_wait3A_20 = tpu.memref_squeeze %dma_wait3A_19 : memref<1x1x80x128xi32, #tpu.memory_space<hbm>> -> memref<80x128xi32, #tpu.memory_space<hbm>>
      %dma_wait3A_21 = arith.constant 0 : i32
      %dma_wait3A_22 = arith.constant 0 : i32
      %dma_wait3A_23 = tpu.memref_slice %arg3[%arg0, %arg1, %dma_wait3A_21, %dma_wait3A_22] : memref<2x16x80x128xi32, #tpu.memory_space<hbm>> -> memref<1x1x80x128xi32, #tpu.memory_space<hbm>>
      %dma_wait3A_24 = tpu.memref_squeeze %dma_wait3A_23 : memref<1x1x80x128xi32, #tpu.memory_space<hbm>> -> memref<80x128xi32, #tpu.memory_space<hbm>>
      tpu.wait_dma2 semaphore(%run_scoped3A : memref<!tpu.dma_semaphore, #tpu.memory_space<semaphore_mem>>) src(%dma_wait3A_24 : memref<80x128xi32, #tpu.memory_space<hbm>>) dst(%arg7 : memref<80x128xi32, #tpu.memory_space<vmem>>)
      tpu.yield
    }) : () -> ()
    "tpu.region"() ({
      %run_scoped3A = tpu.sem_alloc : memref<!tpu.dma_semaphore, #tpu.memory_space<semaphore_mem>>
      %dma_start3A = arith.constant 0 : i32
      %dma_start3A_11 = arith.constant 0 : i32
      %dma_start3A_12 = tpu.memref_slice %arg4[%arg0, %arg1, %dma_start3A, %dma_start3A_11] : memref<2x16x80x128xi32, #tpu.memory_space<hbm>> -> memref<1x1x80x128xi32, #tpu.memory_space<hbm>>
      %dma_start3A_13 = tpu.memref_squeeze %dma_start3A_12 : memref<1x1x80x128xi32, #tpu.memory_space<hbm>> -> memref<80x128xi32, #tpu.memory_space<hbm>>
      %dma_start3A_14 = arith.constant 0 : i32
      %dma_start3A_15 = arith.constant 0 : i32
      %dma_start3A_16 = tpu.memref_slice %arg4[%arg0, %arg1, %dma_start3A_14, %dma_start3A_15] : memref<2x16x80x128xi32, #tpu.memory_space<hbm>> -> memref<1x1x80x128xi32, #tpu.memory_space<hbm>>
      %dma_start3A_17 = tpu.memref_squeeze %dma_start3A_16 : memref<1x1x80x128xi32, #tpu.memory_space<hbm>> -> memref<80x128xi32, #tpu.memory_space<hbm>>
      tpu.enqueue_dma source(%dma_start3A_17 : memref<80x128xi32, #tpu.memory_space<hbm>>) target(%arg8 : memref<80x128xi32, #tpu.memory_space<vmem>>) target_semaphore(%run_scoped3A : memref<!tpu.dma_semaphore, #tpu.memory_space<semaphore_mem>>)
      %dma_wait3A = arith.constant 0 : i32
      %dma_wait3A_18 = arith.constant 0 : i32
      %dma_wait3A_19 = tpu.memref_slice %arg4[%arg0, %arg1, %dma_wait3A, %dma_wait3A_18] : memref<2x16x80x128xi32, #tpu.memory_space<hbm>> -> memref<1x1x80x128xi32, #tpu.memory_space<hbm>>
      %dma_wait3A_20 = tpu.memref_squeeze %dma_wait3A_19 : memref<1x1x80x128xi32, #tpu.memory_space<hbm>> -> memref<80x128xi32, #tpu.memory_space<hbm>>
      %dma_wait3A_21 = arith.constant 0 : i32
      %dma_wait3A_22 = arith.constant 0 : i32
      %dma_wait3A_23 = tpu.memref_slice %arg4[%arg0, %arg1, %dma_wait3A_21, %dma_wait3A_22] : memref<2x16x80x128xi32, #tpu.memory_space<hbm>> -> memref<1x1x80x128xi32, #tpu.memory_space<hbm>>
      %dma_wait3A_24 = tpu.memref_squeeze %dma_wait3A_23 : memref<1x1x80x128xi32, #tpu.memory_space<hbm>> -> memref<80x128xi32, #tpu.memory_space<hbm>>
      tpu.wait_dma2 semaphore(%run_scoped3A : memref<!tpu.dma_semaphore, #tpu.memory_space<semaphore_mem>>) src(%dma_wait3A_24 : memref<80x128xi32, #tpu.memory_space<hbm>>) dst(%arg8 : memref<80x128xi32, #tpu.memory_space<vmem>>)
      tpu.yield
    }) : () -> ()
    %mul3A = arith.constant 640 : i32
    %mul3A_0 = arith.muli %arg1, %mul3A : i32
    "tpu.region"() ({
      %run_scoped3A = tpu.sem_alloc : memref<!tpu.dma_semaphore, #tpu.memory_space<semaphore_mem>>
      %dma_start3A = arith.constant 0 : i32
      %dma_start3A_11 = tpu.memref_slice %arg10[%mul3A_0, %dma_start3A] : memref<10240x128xf32, #tpu.memory_space<vmem_shared>> -> memref<640x128xf32, #tpu.memory_space<vmem_shared>>
      tpu.enqueue_dma source(%arg5 : memref<640x128xf32, #tpu.memory_space<hbm>>) target(%dma_start3A_11 : memref<640x128xf32, #tpu.memory_space<vmem_shared>>) target_semaphore(%run_scoped3A : memref<!tpu.dma_semaphore, #tpu.memory_space<semaphore_mem>>)
      %dma_wait3A = arith.constant 0 : i32
      %dma_wait3A_12 = tpu.memref_slice %arg10[%mul3A_0, %dma_wait3A] : memref<10240x128xf32, #tpu.memory_space<vmem_shared>> -> memref<640x128xf32, #tpu.memory_space<vmem_shared>>
      tpu.wait_dma2 semaphore(%run_scoped3A : memref<!tpu.dma_semaphore, #tpu.memory_space<semaphore_mem>>) src(%arg5 : memref<640x128xf32, #tpu.memory_space<hbm>>) dst(%dma_wait3A_12 : memref<640x128xf32, #tpu.memory_space<vmem_shared>>)
      tpu.yield
    }) : () -> ()
    %barrier3A = arith.constant 0 : index
    tpu.barrier barrier_id(%barrier3A)
    %scan3A = arith.constant 0 : i32
    %scan3A_1 = arith.constant 0 : i32
    %scan3A_2 = arith.constant 80 : i32
    %scan3A_3 = arith.addi %scan3A_1, %scan3A_2 : i32
    %scan3A_4 = arith.constant 1 : i32
    scf.for %scan3A_11 = %scan3A_1 to %scan3A_3 step %scan3A_4  : i32 {
      %dma_start3A = arith.constant 0 : i32
      %dma_start3A_12 = tpu.memref_slice %arg7[%scan3A_11, %dma_start3A] : memref<80x128xi32, #tpu.memory_space<vmem>> -> memref<1x128xi32, #tpu.memory_space<vmem>>
      %dma_start3A_13 = tpu.memref_squeeze %dma_start3A_12 : memref<1x128xi32, #tpu.memory_space<vmem>> -> memref<128xi32, #tpu.memory_space<vmem>>
      %dma_start3A_14 = arith.constant 0 : i32
      %dma_start3A_15 = arith.constant 0 : i32
      %dma_start3A_16 = tpu.memref_slice %arg2[%dma_start3A_14, %dma_start3A_15] : memref<20480x128xf32, #tpu.memory_space<hbm>> -> memref<20480x128xf32, #tpu.memory_space<hbm>>
      tpu.enqueue_indirect_dma source(%dma_start3A_16 : memref<20480x128xf32, #tpu.memory_space<hbm>>) target(%arg9 : memref<128x128xf32, #tpu.memory_space<vmem>>) offsets(%dma_start3A_13 : memref<128xi32, #tpu.memory_space<vmem>>) semaphore(%arg11 : memref<!tpu.dma_semaphore, #tpu.memory_space<semaphore_mem>>)
      %dma_wait3A = arith.constant 0 : i32
      %dma_wait3A_17 = tpu.memref_slice %arg7[%scan3A_11, %dma_wait3A] : memref<80x128xi32, #tpu.memory_space<vmem>> -> memref<1x128xi32, #tpu.memory_space<vmem>>
      %dma_wait3A_18 = tpu.memref_squeeze %dma_wait3A_17 : memref<1x128xi32, #tpu.memory_space<vmem>> -> memref<128xi32, #tpu.memory_space<vmem>>
      %dma_wait3A_19 = arith.constant 0 : i32
      %dma_wait3A_20 = arith.constant 0 : i32
      %dma_wait3A_21 = tpu.memref_slice %arg2[%dma_wait3A_19, %dma_wait3A_20] : memref<20480x128xf32, #tpu.memory_space<hbm>> -> memref<20480x128xf32, #tpu.memory_space<hbm>>
      tpu.wait_indirect_dma semaphore(%arg11 : memref<!tpu.dma_semaphore, #tpu.memory_space<semaphore_mem>>) src(%dma_wait3A_21 : memref<20480x128xf32, #tpu.memory_space<hbm>>) dst(%arg9 : memref<128x128xf32, #tpu.memory_space<vmem>>)
      "tpu.region"() ({
        %run_scoped3A = tpu.sem_alloc : memref<!tpu.dma_semaphore, #tpu.memory_space<semaphore_mem>>
        %dma_start3A_22 = arith.constant 0 : i32
        %dma_start3A_23 = tpu.memref_slice %arg8[%scan3A_11, %dma_start3A_22] : memref<80x128xi32, #tpu.memory_space<vmem>> -> memref<1x128xi32, #tpu.memory_space<vmem>>
        %dma_start3A_24 = tpu.memref_squeeze %dma_start3A_23 : memref<1x128xi32, #tpu.memory_space<vmem>> -> memref<128xi32, #tpu.memory_space<vmem>>
        %dma_start3A_25 = arith.constant 0 : i32
        %dma_start3A_26 = arith.constant 0 : i32
        %dma_start3A_27 = tpu.memref_slice %arg10[%dma_start3A_25, %dma_start3A_26] : memref<10240x128xf32, #tpu.memory_space<vmem_shared>> -> memref<10240x128xf32, #tpu.memory_space<vmem_shared>>
        tpu.enqueue_indirect_dma source(%arg9 : memref<128x128xf32, #tpu.memory_space<vmem>>) target(%dma_start3A_27 : memref<10240x128xf32, #tpu.memory_space<vmem_shared>>) offsets(%dma_start3A_24 : memref<128xi32, #tpu.memory_space<vmem>>) semaphore(%run_scoped3A : memref<!tpu.dma_semaphore, #tpu.memory_space<semaphore_mem>>) {add = true}
        %dma_wait3A_28 = arith.constant 0 : i32
        %dma_wait3A_29 = tpu.memref_slice %arg8[%scan3A_11, %dma_wait3A_28] : memref<80x128xi32, #tpu.memory_space<vmem>> -> memref<1x128xi32, #tpu.memory_space<vmem>>
        %dma_wait3A_30 = tpu.memref_squeeze %dma_wait3A_29 : memref<1x128xi32, #tpu.memory_space<vmem>> -> memref<128xi32, #tpu.memory_space<vmem>>
        %dma_wait3A_31 = arith.constant 0 : i32
        %dma_wait3A_32 = arith.constant 0 : i32
        %dma_wait3A_33 = tpu.memref_slice %arg10[%dma_wait3A_31, %dma_wait3A_32] : memref<10240x128xf32, #tpu.memory_space<vmem_shared>> -> memref<10240x128xf32, #tpu.memory_space<vmem_shared>>
        tpu.wait_indirect_dma semaphore(%run_scoped3A : memref<!tpu.dma_semaphore, #tpu.memory_space<semaphore_mem>>) src(%arg9 : memref<128x128xf32, #tpu.memory_space<vmem>>) dst(%dma_wait3A_33 : memref<10240x128xf32, #tpu.memory_space<vmem_shared>>)
        tpu.yield
      }) : () -> ()
    }
    %scan3A_5 = arith.constant 80 : i32
    %barrier3A_6 = arith.constant 0 : index
    tpu.barrier barrier_id(%barrier3A_6)
    %mul3A_7 = arith.constant 640 : i32
    %mul3A_8 = arith.muli %arg1, %mul3A_7 : i32
    %mul3A_9 = arith.constant 640 : i32
    %mul3A_10 = arith.muli %arg1, %mul3A_9 : i32
    "tpu.region"() ({
      %run_scoped3A = tpu.sem_alloc : memref<!tpu.dma_semaphore, #tpu.memory_space<semaphore_mem>>
      %dma_start3A = arith.constant 0 : i32
      %dma_start3A_11 = tpu.memref_slice %arg6[%arg0, %mul3A_10, %dma_start3A] : memref<2x10240x128xf32, #tpu.memory_space<hbm>> -> memref<1x640x128xf32, #tpu.memory_space<hbm>>
      %dma_start3A_12 = tpu.memref_squeeze %dma_start3A_11 : memref<1x640x128xf32, #tpu.memory_space<hbm>> -> memref<640x128xf32, #tpu.memory_space<hbm>>
      %dma_start3A_13 = arith.constant 0 : i32
      %dma_start3A_14 = tpu.memref_slice %arg10[%mul3A_8, %dma_start3A_13] : memref<10240x128xf32, #tpu.memory_space<vmem_shared>> -> memref<640x128xf32, #tpu.memory_space<vmem_shared>>
      tpu.enqueue_dma source(%dma_start3A_14 : memref<640x128xf32, #tpu.memory_space<vmem_shared>>) target(%dma_start3A_12 : memref<640x128xf32, #tpu.memory_space<hbm>>) target_semaphore(%run_scoped3A : memref<!tpu.dma_semaphore, #tpu.memory_space<semaphore_mem>>)
      %dma_wait3A = arith.constant 0 : i32
      %dma_wait3A_15 = tpu.memref_slice %arg6[%arg0, %mul3A_10, %dma_wait3A] : memref<2x10240x128xf32, #tpu.memory_space<hbm>> -> memref<1x640x128xf32, #tpu.memory_space<hbm>>
      %dma_wait3A_16 = tpu.memref_squeeze %dma_wait3A_15 : memref<1x640x128xf32, #tpu.memory_space<hbm>> -> memref<640x128xf32, #tpu.memory_space<hbm>>
      %dma_wait3A_17 = arith.constant 0 : i32
      %dma_wait3A_18 = tpu.memref_slice %arg10[%mul3A_8, %dma_wait3A_17] : memref<10240x128xf32, #tpu.memory_space<vmem_shared>> -> memref<640x128xf32, #tpu.memory_space<vmem_shared>>
      tpu.wait_dma2 semaphore(%run_scoped3A : memref<!tpu.dma_semaphore, #tpu.memory_space<semaphore_mem>>) src(%dma_wait3A_18 : memref<640x128xf32, #tpu.memory_space<vmem_shared>>) dst(%dma_wait3A_16 : memref<640x128xf32, #tpu.memory_space<hbm>>)
      tpu.yield
    }) : () -> ()
    return
  }
}

#map = affine_map<(d0, d1) -> (0, 0)>
#map1 = affine_map<(d0, d1) -> (0, 0, 0, 0)>
#map2 = affine_map<(d0, d1) -> (0, 0, 0)>
module attributes {stable_mosaic.version = 14 : i64} {
  func.func @hop(%arg0: i32, %arg1: i32, %arg2: memref<20480x128xf32, #tpu.memory_space<hbm>>, %arg3: memref<2x16x80x128xi32, #tpu.memory_space<hbm>>, %arg4: memref<2x16x80x128xi32, #tpu.memory_space<hbm>>, %arg5: memref<640x128xf32, #tpu.memory_space<hbm>>, %arg6: memref<2x10240x128xf32, #tpu.memory_space<hbm>>, %arg7: memref<80x128xi32, #tpu.memory_space<vmem>>, %arg8: memref<80x128xi32, #tpu.memory_space<vmem>>, %arg9: memref<128x128xf32, #tpu.memory_space<vmem>>, %arg10: memref<10240x128xf32, #tpu.memory_space<vmem_shared>>, %arg11: memref<!tpu.dma_semaphore, #tpu.memory_space<semaphore_mem>>) attributes {dimension_semantics = [#tpu.dimension_semantics<core_parallel>, #tpu.dimension_semantics<subcore_parallel>], iteration_bounds = array<i64: 2, 16>, scalar_prefetch = 0 : i64, scratch_operands = 5 : i64, tpu.core_type = #tpu.core_type<sc_vector_subcore>, window_params = [{transform_indices = #map}, {transform_indices = #map1}, {transform_indices = #map1}, {transform_indices = #map}, {transform_indices = #map2}]} {
    "tpu.region"() ({
      %run_scoped3A = tpu.sem_alloc : memref<!tpu.dma_semaphore, #tpu.memory_space<semaphore_mem>>
      %dma_start3A = arith.constant 0 : i32
      %dma_start3A_11 = arith.constant 0 : i32
      %dma_start3A_12 = tpu.memref_slice %arg3[%arg0, %arg1, %dma_start3A, %dma_start3A_11] : memref<2x16x80x128xi32, #tpu.memory_space<hbm>> -> memref<1x1x80x128xi32, #tpu.memory_space<hbm>>
      %dma_start3A_13 = tpu.memref_squeeze %dma_start3A_12 : memref<1x1x80x128xi32, #tpu.memory_space<hbm>> -> memref<80x128xi32, #tpu.memory_space<hbm>>
      %dma_start3A_14 = arith.constant 0 : i32
      %dma_start3A_15 = arith.constant 0 : i32
      %dma_start3A_16 = tpu.memref_slice %arg3[%arg0, %arg1, %dma_start3A_14, %dma_start3A_15] : memref<2x16x80x128xi32, #tpu.memory_space<hbm>> -> memref<1x1x80x128xi32, #tpu.memory_space<hbm>>
      %dma_start3A_17 = tpu.memref_squeeze %dma_start3A_16 : memref<1x1x80x128xi32, #tpu.memory_space<hbm>> -> memref<80x128xi32, #tpu.memory_space<hbm>>
      tpu.enqueue_dma source(%dma_start3A_17 : memref<80x128xi32, #tpu.memory_space<hbm>>) target(%arg7 : memref<80x128xi32, #tpu.memory_space<vmem>>) target_semaphore(%run_scoped3A : memref<!tpu.dma_semaphore, #tpu.memory_space<semaphore_mem>>)
      %dma_wait3A = arith.constant 0 : i32
      %dma_wait3A_18 = arith.constant 0 : i32
      %dma_wait3A_19 = tpu.memref_slice %arg3[%arg0, %arg1, %dma_wait3A, %dma_wait3A_18] : memref<2x16x80x128xi32, #tpu.memory_space<hbm>> -> memref<1x1x80x128xi32, #tpu.memory_space<hbm>>
      %dma_wait3A_20 = tpu.memref_squeeze %dma_wait3A_19 : memref<1x1x80x128xi32, #tpu.memory_space<hbm>> -> memref<80x128xi32, #tpu.memory_space<hbm>>
      %dma_wait3A_21 = arith.constant 0 : i32
      %dma_wait3A_22 = arith.constant 0 : i32
      %dma_wait3A_23 = tpu.memref_slice %arg3[%arg0, %arg1, %dma_wait3A_21, %dma_wait3A_22] : memref<2x16x80x128xi32, #tpu.memory_space<hbm>> -> memref<1x1x80x128xi32, #tpu.memory_space<hbm>>
      %dma_wait3A_24 = tpu.memref_squeeze %dma_wait3A_23 : memref<1x1x80x128xi32, #tpu.memory_space<hbm>> -> memref<80x128xi32, #tpu.memory_space<hbm>>
      tpu.wait_dma2 semaphore(%run_scoped3A : memref<!tpu.dma_semaphore, #tpu.memory_space<semaphore_mem>>) src(%dma_wait3A_24 : memref<80x128xi32, #tpu.memory_space<hbm>>) dst(%arg7 : memref<80x128xi32, #tpu.memory_space<vmem>>)
      tpu.yield
    }) : () -> ()
    "tpu.region"() ({
      %run_scoped3A = tpu.sem_alloc : memref<!tpu.dma_semaphore, #tpu.memory_space<semaphore_mem>>
      %dma_start3A = arith.constant 0 : i32
      %dma_start3A_11 = arith.constant 0 : i32
      %dma_start3A_12 = tpu.memref_slice %arg4[%arg0, %arg1, %dma_start3A, %dma_start3A_11] : memref<2x16x80x128xi32, #tpu.memory_space<hbm>> -> memref<1x1x80x128xi32, #tpu.memory_space<hbm>>
      %dma_start3A_13 = tpu.memref_squeeze %dma_start3A_12 : memref<1x1x80x128xi32, #tpu.memory_space<hbm>> -> memref<80x128xi32, #tpu.memory_space<hbm>>
      %dma_start3A_14 = arith.constant 0 : i32
      %dma_start3A_15 = arith.constant 0 : i32
      %dma_start3A_16 = tpu.memref_slice %arg4[%arg0, %arg1, %dma_start3A_14, %dma_start3A_15] : memref<2x16x80x128xi32, #tpu.memory_space<hbm>> -> memref<1x1x80x128xi32, #tpu.memory_space<hbm>>
      %dma_start3A_17 = tpu.memref_squeeze %dma_start3A_16 : memref<1x1x80x128xi32, #tpu.memory_space<hbm>> -> memref<80x128xi32, #tpu.memory_space<hbm>>
      tpu.enqueue_dma source(%dma_start3A_17 : memref<80x128xi32, #tpu.memory_space<hbm>>) target(%arg8 : memref<80x128xi32, #tpu.memory_space<vmem>>) target_semaphore(%run_scoped3A : memref<!tpu.dma_semaphore, #tpu.memory_space<semaphore_mem>>)
      %dma_wait3A = arith.constant 0 : i32
      %dma_wait3A_18 = arith.constant 0 : i32
      %dma_wait3A_19 = tpu.memref_slice %arg4[%arg0, %arg1, %dma_wait3A, %dma_wait3A_18] : memref<2x16x80x128xi32, #tpu.memory_space<hbm>> -> memref<1x1x80x128xi32, #tpu.memory_space<hbm>>
      %dma_wait3A_20 = tpu.memref_squeeze %dma_wait3A_19 : memref<1x1x80x128xi32, #tpu.memory_space<hbm>> -> memref<80x128xi32, #tpu.memory_space<hbm>>
      %dma_wait3A_21 = arith.constant 0 : i32
      %dma_wait3A_22 = arith.constant 0 : i32
      %dma_wait3A_23 = tpu.memref_slice %arg4[%arg0, %arg1, %dma_wait3A_21, %dma_wait3A_22] : memref<2x16x80x128xi32, #tpu.memory_space<hbm>> -> memref<1x1x80x128xi32, #tpu.memory_space<hbm>>
      %dma_wait3A_24 = tpu.memref_squeeze %dma_wait3A_23 : memref<1x1x80x128xi32, #tpu.memory_space<hbm>> -> memref<80x128xi32, #tpu.memory_space<hbm>>
      tpu.wait_dma2 semaphore(%run_scoped3A : memref<!tpu.dma_semaphore, #tpu.memory_space<semaphore_mem>>) src(%dma_wait3A_24 : memref<80x128xi32, #tpu.memory_space<hbm>>) dst(%arg8 : memref<80x128xi32, #tpu.memory_space<vmem>>)
      tpu.yield
    }) : () -> ()
    %mul3A = arith.constant 640 : i32
    %mul3A_0 = arith.muli %arg1, %mul3A : i32
    "tpu.region"() ({
      %run_scoped3A = tpu.sem_alloc : memref<!tpu.dma_semaphore, #tpu.memory_space<semaphore_mem>>
      %dma_start3A = arith.constant 0 : i32
      %dma_start3A_11 = tpu.memref_slice %arg10[%mul3A_0, %dma_start3A] : memref<10240x128xf32, #tpu.memory_space<vmem_shared>> -> memref<640x128xf32, #tpu.memory_space<vmem_shared>>
      tpu.enqueue_dma source(%arg5 : memref<640x128xf32, #tpu.memory_space<hbm>>) target(%dma_start3A_11 : memref<640x128xf32, #tpu.memory_space<vmem_shared>>) target_semaphore(%run_scoped3A : memref<!tpu.dma_semaphore, #tpu.memory_space<semaphore_mem>>)
      %dma_wait3A = arith.constant 0 : i32
      %dma_wait3A_12 = tpu.memref_slice %arg10[%mul3A_0, %dma_wait3A] : memref<10240x128xf32, #tpu.memory_space<vmem_shared>> -> memref<640x128xf32, #tpu.memory_space<vmem_shared>>
      tpu.wait_dma2 semaphore(%run_scoped3A : memref<!tpu.dma_semaphore, #tpu.memory_space<semaphore_mem>>) src(%arg5 : memref<640x128xf32, #tpu.memory_space<hbm>>) dst(%dma_wait3A_12 : memref<640x128xf32, #tpu.memory_space<vmem_shared>>)
      tpu.yield
    }) : () -> ()
    %barrier3A = arith.constant 0 : index
    tpu.barrier barrier_id(%barrier3A)
    %scan3A = arith.constant 0 : i32
    %scan3A_1 = arith.constant 0 : i32
    %scan3A_2 = arith.constant 80 : i32
    %scan3A_3 = arith.addi %scan3A_1, %scan3A_2 : i32
    %scan3A_4 = arith.constant 1 : i32
    scf.for %scan3A_11 = %scan3A_1 to %scan3A_3 step %scan3A_4  : i32 {
      %dma_start3A = arith.constant 0 : i32
      %dma_start3A_12 = tpu.memref_slice %arg7[%scan3A_11, %dma_start3A] : memref<80x128xi32, #tpu.memory_space<vmem>> -> memref<1x128xi32, #tpu.memory_space<vmem>>
      %dma_start3A_13 = tpu.memref_squeeze %dma_start3A_12 : memref<1x128xi32, #tpu.memory_space<vmem>> -> memref<128xi32, #tpu.memory_space<vmem>>
      %dma_start3A_14 = arith.constant 0 : i32
      %dma_start3A_15 = arith.constant 0 : i32
      %dma_start3A_16 = tpu.memref_slice %arg2[%dma_start3A_14, %dma_start3A_15] : memref<20480x128xf32, #tpu.memory_space<hbm>> -> memref<20480x128xf32, #tpu.memory_space<hbm>>
      tpu.enqueue_indirect_dma source(%dma_start3A_16 : memref<20480x128xf32, #tpu.memory_space<hbm>>) target(%arg9 : memref<128x128xf32, #tpu.memory_space<vmem>>) offsets(%dma_start3A_13 : memref<128xi32, #tpu.memory_space<vmem>>) semaphore(%arg11 : memref<!tpu.dma_semaphore, #tpu.memory_space<semaphore_mem>>)
      %dma_wait3A = arith.constant 0 : i32
      %dma_wait3A_17 = tpu.memref_slice %arg7[%scan3A_11, %dma_wait3A] : memref<80x128xi32, #tpu.memory_space<vmem>> -> memref<1x128xi32, #tpu.memory_space<vmem>>
      %dma_wait3A_18 = tpu.memref_squeeze %dma_wait3A_17 : memref<1x128xi32, #tpu.memory_space<vmem>> -> memref<128xi32, #tpu.memory_space<vmem>>
      %dma_wait3A_19 = arith.constant 0 : i32
      %dma_wait3A_20 = arith.constant 0 : i32
      %dma_wait3A_21 = tpu.memref_slice %arg2[%dma_wait3A_19, %dma_wait3A_20] : memref<20480x128xf32, #tpu.memory_space<hbm>> -> memref<20480x128xf32, #tpu.memory_space<hbm>>
      tpu.wait_indirect_dma semaphore(%arg11 : memref<!tpu.dma_semaphore, #tpu.memory_space<semaphore_mem>>) src(%dma_wait3A_21 : memref<20480x128xf32, #tpu.memory_space<hbm>>) dst(%arg9 : memref<128x128xf32, #tpu.memory_space<vmem>>)
      "tpu.region"() ({
        %run_scoped3A = tpu.sem_alloc : memref<!tpu.dma_semaphore, #tpu.memory_space<semaphore_mem>>
        %dma_start3A_22 = arith.constant 0 : i32
        %dma_start3A_23 = tpu.memref_slice %arg8[%scan3A_11, %dma_start3A_22] : memref<80x128xi32, #tpu.memory_space<vmem>> -> memref<1x128xi32, #tpu.memory_space<vmem>>
        %dma_start3A_24 = tpu.memref_squeeze %dma_start3A_23 : memref<1x128xi32, #tpu.memory_space<vmem>> -> memref<128xi32, #tpu.memory_space<vmem>>
        %dma_start3A_25 = arith.constant 0 : i32
        %dma_start3A_26 = arith.constant 0 : i32
        %dma_start3A_27 = tpu.memref_slice %arg10[%dma_start3A_25, %dma_start3A_26] : memref<10240x128xf32, #tpu.memory_space<vmem_shared>> -> memref<10240x128xf32, #tpu.memory_space<vmem_shared>>
        tpu.enqueue_indirect_dma source(%arg9 : memref<128x128xf32, #tpu.memory_space<vmem>>) target(%dma_start3A_27 : memref<10240x128xf32, #tpu.memory_space<vmem_shared>>) offsets(%dma_start3A_24 : memref<128xi32, #tpu.memory_space<vmem>>) semaphore(%run_scoped3A : memref<!tpu.dma_semaphore, #tpu.memory_space<semaphore_mem>>) {add = true}
        %dma_wait3A_28 = arith.constant 0 : i32
        %dma_wait3A_29 = tpu.memref_slice %arg8[%scan3A_11, %dma_wait3A_28] : memref<80x128xi32, #tpu.memory_space<vmem>> -> memref<1x128xi32, #tpu.memory_space<vmem>>
        %dma_wait3A_30 = tpu.memref_squeeze %dma_wait3A_29 : memref<1x128xi32, #tpu.memory_space<vmem>> -> memref<128xi32, #tpu.memory_space<vmem>>
        %dma_wait3A_31 = arith.constant 0 : i32
        %dma_wait3A_32 = arith.constant 0 : i32
        %dma_wait3A_33 = tpu.memref_slice %arg10[%dma_wait3A_31, %dma_wait3A_32] : memref<10240x128xf32, #tpu.memory_space<vmem_shared>> -> memref<10240x128xf32, #tpu.memory_space<vmem_shared>>
        tpu.wait_indirect_dma semaphore(%run_scoped3A : memref<!tpu.dma_semaphore, #tpu.memory_space<semaphore_mem>>) src(%arg9 : memref<128x128xf32, #tpu.memory_space<vmem>>) dst(%dma_wait3A_33 : memref<10240x128xf32, #tpu.memory_space<vmem_shared>>)
        tpu.yield
      }) : () -> ()
    }
    %scan3A_5 = arith.constant 80 : i32
    %barrier3A_6 = arith.constant 0 : index
    tpu.barrier barrier_id(%barrier3A_6)
    %mul3A_7 = arith.constant 640 : i32
    %mul3A_8 = arith.muli %arg1, %mul3A_7 : i32
    %mul3A_9 = arith.constant 640 : i32
    %mul3A_10 = arith.muli %arg1, %mul3A_9 : i32
    "tpu.region"() ({
      %run_scoped3A = tpu.sem_alloc : memref<!tpu.dma_semaphore, #tpu.memory_space<semaphore_mem>>
      %dma_start3A = arith.constant 0 : i32
      %dma_start3A_11 = tpu.memref_slice %arg6[%arg0, %mul3A_10, %dma_start3A] : memref<2x10240x128xf32, #tpu.memory_space<hbm>> -> memref<1x640x128xf32, #tpu.memory_space<hbm>>
      %dma_start3A_12 = tpu.memref_squeeze %dma_start3A_11 : memref<1x640x128xf32, #tpu.memory_space<hbm>> -> memref<640x128xf32, #tpu.memory_space<hbm>>
      %dma_start3A_13 = arith.constant 0 : i32
      %dma_start3A_14 = tpu.memref_slice %arg10[%mul3A_8, %dma_start3A_13] : memref<10240x128xf32, #tpu.memory_space<vmem_shared>> -> memref<640x128xf32, #tpu.memory_space<vmem_shared>>
      tpu.enqueue_dma source(%dma_start3A_14 : memref<640x128xf32, #tpu.memory_space<vmem_shared>>) target(%dma_start3A_12 : memref<640x128xf32, #tpu.memory_space<hbm>>) target_semaphore(%run_scoped3A : memref<!tpu.dma_semaphore, #tpu.memory_space<semaphore_mem>>)
      %dma_wait3A = arith.constant 0 : i32
      %dma_wait3A_15 = tpu.memref_slice %arg6[%arg0, %mul3A_10, %dma_wait3A] : memref<2x10240x128xf32, #tpu.memory_space<hbm>> -> memref<1x640x128xf32, #tpu.memory_space<hbm>>
      %dma_wait3A_16 = tpu.memref_squeeze %dma_wait3A_15 : memref<1x640x128xf32, #tpu.memory_space<hbm>> -> memref<640x128xf32, #tpu.memory_space<hbm>>
      %dma_wait3A_17 = arith.constant 0 : i32
      %dma_wait3A_18 = tpu.memref_slice %arg10[%mul3A_8, %dma_wait3A_17] : memref<10240x128xf32, #tpu.memory_space<vmem_shared>> -> memref<640x128xf32, #tpu.memory_space<vmem_shared>>
      tpu.wait_dma2 semaphore(%run_scoped3A : memref<!tpu.dma_semaphore, #tpu.memory_space<semaphore_mem>>) src(%dma_wait3A_18 : memref<640x128xf32, #tpu.memory_space<vmem_shared>>) dst(%dma_wait3A_16 : memref<640x128xf32, #tpu.memory_space<hbm>>)
      tpu.yield
    }) : () -> ()
    return
  }
}

#map = affine_map<(d0, d1) -> (0, 0)>
#map1 = affine_map<(d0, d1) -> (0, 0, 0, 0)>
#map2 = affine_map<(d0, d1) -> (0, 0, 0)>
module attributes {stable_mosaic.version = 14 : i64} {
  func.func @hop(%arg0: i32, %arg1: i32, %arg2: memref<20480x128xf32, #tpu.memory_space<hbm>>, %arg3: memref<2x16x80x128xi32, #tpu.memory_space<hbm>>, %arg4: memref<2x16x80x128xi32, #tpu.memory_space<hbm>>, %arg5: memref<640x128xf32, #tpu.memory_space<hbm>>, %arg6: memref<2x10240x128xf32, #tpu.memory_space<hbm>>, %arg7: memref<80x128xi32, #tpu.memory_space<vmem>>, %arg8: memref<80x128xi32, #tpu.memory_space<vmem>>, %arg9: memref<128x128xf32, #tpu.memory_space<vmem>>, %arg10: memref<10240x128xf32, #tpu.memory_space<vmem_shared>>, %arg11: memref<!tpu.dma_semaphore, #tpu.memory_space<semaphore_mem>>) attributes {dimension_semantics = [#tpu.dimension_semantics<core_parallel>, #tpu.dimension_semantics<subcore_parallel>], iteration_bounds = array<i64: 2, 16>, scalar_prefetch = 0 : i64, scratch_operands = 5 : i64, tpu.core_type = #tpu.core_type<sc_vector_subcore>, window_params = [{transform_indices = #map}, {transform_indices = #map1}, {transform_indices = #map1}, {transform_indices = #map}, {transform_indices = #map2}]} {
    "tpu.region"() ({
      %run_scoped3A = tpu.sem_alloc : memref<!tpu.dma_semaphore, #tpu.memory_space<semaphore_mem>>
      %dma_start3A = arith.constant 0 : i32
      %dma_start3A_11 = arith.constant 0 : i32
      %dma_start3A_12 = tpu.memref_slice %arg3[%arg0, %arg1, %dma_start3A, %dma_start3A_11] : memref<2x16x80x128xi32, #tpu.memory_space<hbm>> -> memref<1x1x80x128xi32, #tpu.memory_space<hbm>>
      %dma_start3A_13 = tpu.memref_squeeze %dma_start3A_12 : memref<1x1x80x128xi32, #tpu.memory_space<hbm>> -> memref<80x128xi32, #tpu.memory_space<hbm>>
      %dma_start3A_14 = arith.constant 0 : i32
      %dma_start3A_15 = arith.constant 0 : i32
      %dma_start3A_16 = tpu.memref_slice %arg3[%arg0, %arg1, %dma_start3A_14, %dma_start3A_15] : memref<2x16x80x128xi32, #tpu.memory_space<hbm>> -> memref<1x1x80x128xi32, #tpu.memory_space<hbm>>
      %dma_start3A_17 = tpu.memref_squeeze %dma_start3A_16 : memref<1x1x80x128xi32, #tpu.memory_space<hbm>> -> memref<80x128xi32, #tpu.memory_space<hbm>>
      tpu.enqueue_dma source(%dma_start3A_17 : memref<80x128xi32, #tpu.memory_space<hbm>>) target(%arg7 : memref<80x128xi32, #tpu.memory_space<vmem>>) target_semaphore(%run_scoped3A : memref<!tpu.dma_semaphore, #tpu.memory_space<semaphore_mem>>)
      %dma_wait3A = arith.constant 0 : i32
      %dma_wait3A_18 = arith.constant 0 : i32
      %dma_wait3A_19 = tpu.memref_slice %arg3[%arg0, %arg1, %dma_wait3A, %dma_wait3A_18] : memref<2x16x80x128xi32, #tpu.memory_space<hbm>> -> memref<1x1x80x128xi32, #tpu.memory_space<hbm>>
      %dma_wait3A_20 = tpu.memref_squeeze %dma_wait3A_19 : memref<1x1x80x128xi32, #tpu.memory_space<hbm>> -> memref<80x128xi32, #tpu.memory_space<hbm>>
      %dma_wait3A_21 = arith.constant 0 : i32
      %dma_wait3A_22 = arith.constant 0 : i32
      %dma_wait3A_23 = tpu.memref_slice %arg3[%arg0, %arg1, %dma_wait3A_21, %dma_wait3A_22] : memref<2x16x80x128xi32, #tpu.memory_space<hbm>> -> memref<1x1x80x128xi32, #tpu.memory_space<hbm>>
      %dma_wait3A_24 = tpu.memref_squeeze %dma_wait3A_23 : memref<1x1x80x128xi32, #tpu.memory_space<hbm>> -> memref<80x128xi32, #tpu.memory_space<hbm>>
      tpu.wait_dma2 semaphore(%run_scoped3A : memref<!tpu.dma_semaphore, #tpu.memory_space<semaphore_mem>>) src(%dma_wait3A_24 : memref<80x128xi32, #tpu.memory_space<hbm>>) dst(%arg7 : memref<80x128xi32, #tpu.memory_space<vmem>>)
      tpu.yield
    }) : () -> ()
    "tpu.region"() ({
      %run_scoped3A = tpu.sem_alloc : memref<!tpu.dma_semaphore, #tpu.memory_space<semaphore_mem>>
      %dma_start3A = arith.constant 0 : i32
      %dma_start3A_11 = arith.constant 0 : i32
      %dma_start3A_12 = tpu.memref_slice %arg4[%arg0, %arg1, %dma_start3A, %dma_start3A_11] : memref<2x16x80x128xi32, #tpu.memory_space<hbm>> -> memref<1x1x80x128xi32, #tpu.memory_space<hbm>>
      %dma_start3A_13 = tpu.memref_squeeze %dma_start3A_12 : memref<1x1x80x128xi32, #tpu.memory_space<hbm>> -> memref<80x128xi32, #tpu.memory_space<hbm>>
      %dma_start3A_14 = arith.constant 0 : i32
      %dma_start3A_15 = arith.constant 0 : i32
      %dma_start3A_16 = tpu.memref_slice %arg4[%arg0, %arg1, %dma_start3A_14, %dma_start3A_15] : memref<2x16x80x128xi32, #tpu.memory_space<hbm>> -> memref<1x1x80x128xi32, #tpu.memory_space<hbm>>
      %dma_start3A_17 = tpu.memref_squeeze %dma_start3A_16 : memref<1x1x80x128xi32, #tpu.memory_space<hbm>> -> memref<80x128xi32, #tpu.memory_space<hbm>>
      tpu.enqueue_dma source(%dma_start3A_17 : memref<80x128xi32, #tpu.memory_space<hbm>>) target(%arg8 : memref<80x128xi32, #tpu.memory_space<vmem>>) target_semaphore(%run_scoped3A : memref<!tpu.dma_semaphore, #tpu.memory_space<semaphore_mem>>)
      %dma_wait3A = arith.constant 0 : i32
      %dma_wait3A_18 = arith.constant 0 : i32
      %dma_wait3A_19 = tpu.memref_slice %arg4[%arg0, %arg1, %dma_wait3A, %dma_wait3A_18] : memref<2x16x80x128xi32, #tpu.memory_space<hbm>> -> memref<1x1x80x128xi32, #tpu.memory_space<hbm>>
      %dma_wait3A_20 = tpu.memref_squeeze %dma_wait3A_19 : memref<1x1x80x128xi32, #tpu.memory_space<hbm>> -> memref<80x128xi32, #tpu.memory_space<hbm>>
      %dma_wait3A_21 = arith.constant 0 : i32
      %dma_wait3A_22 = arith.constant 0 : i32
      %dma_wait3A_23 = tpu.memref_slice %arg4[%arg0, %arg1, %dma_wait3A_21, %dma_wait3A_22] : memref<2x16x80x128xi32, #tpu.memory_space<hbm>> -> memref<1x1x80x128xi32, #tpu.memory_space<hbm>>
      %dma_wait3A_24 = tpu.memref_squeeze %dma_wait3A_23 : memref<1x1x80x128xi32, #tpu.memory_space<hbm>> -> memref<80x128xi32, #tpu.memory_space<hbm>>
      tpu.wait_dma2 semaphore(%run_scoped3A : memref<!tpu.dma_semaphore, #tpu.memory_space<semaphore_mem>>) src(%dma_wait3A_24 : memref<80x128xi32, #tpu.memory_space<hbm>>) dst(%arg8 : memref<80x128xi32, #tpu.memory_space<vmem>>)
      tpu.yield
    }) : () -> ()
    %mul3A = arith.constant 640 : i32
    %mul3A_0 = arith.muli %arg1, %mul3A : i32
    "tpu.region"() ({
      %run_scoped3A = tpu.sem_alloc : memref<!tpu.dma_semaphore, #tpu.memory_space<semaphore_mem>>
      %dma_start3A = arith.constant 0 : i32
      %dma_start3A_11 = tpu.memref_slice %arg10[%mul3A_0, %dma_start3A] : memref<10240x128xf32, #tpu.memory_space<vmem_shared>> -> memref<640x128xf32, #tpu.memory_space<vmem_shared>>
      tpu.enqueue_dma source(%arg5 : memref<640x128xf32, #tpu.memory_space<hbm>>) target(%dma_start3A_11 : memref<640x128xf32, #tpu.memory_space<vmem_shared>>) target_semaphore(%run_scoped3A : memref<!tpu.dma_semaphore, #tpu.memory_space<semaphore_mem>>)
      %dma_wait3A = arith.constant 0 : i32
      %dma_wait3A_12 = tpu.memref_slice %arg10[%mul3A_0, %dma_wait3A] : memref<10240x128xf32, #tpu.memory_space<vmem_shared>> -> memref<640x128xf32, #tpu.memory_space<vmem_shared>>
      tpu.wait_dma2 semaphore(%run_scoped3A : memref<!tpu.dma_semaphore, #tpu.memory_space<semaphore_mem>>) src(%arg5 : memref<640x128xf32, #tpu.memory_space<hbm>>) dst(%dma_wait3A_12 : memref<640x128xf32, #tpu.memory_space<vmem_shared>>)
      tpu.yield
    }) : () -> ()
    %barrier3A = arith.constant 0 : index
    tpu.barrier barrier_id(%barrier3A)
    %scan3A = arith.constant 0 : i32
    %scan3A_1 = arith.constant 0 : i32
    %scan3A_2 = arith.constant 80 : i32
    %scan3A_3 = arith.addi %scan3A_1, %scan3A_2 : i32
    %scan3A_4 = arith.constant 1 : i32
    scf.for %scan3A_11 = %scan3A_1 to %scan3A_3 step %scan3A_4  : i32 {
      %dma_start3A = arith.constant 0 : i32
      %dma_start3A_12 = tpu.memref_slice %arg7[%scan3A_11, %dma_start3A] : memref<80x128xi32, #tpu.memory_space<vmem>> -> memref<1x128xi32, #tpu.memory_space<vmem>>
      %dma_start3A_13 = tpu.memref_squeeze %dma_start3A_12 : memref<1x128xi32, #tpu.memory_space<vmem>> -> memref<128xi32, #tpu.memory_space<vmem>>
      %dma_start3A_14 = arith.constant 0 : i32
      %dma_start3A_15 = arith.constant 0 : i32
      %dma_start3A_16 = tpu.memref_slice %arg2[%dma_start3A_14, %dma_start3A_15] : memref<20480x128xf32, #tpu.memory_space<hbm>> -> memref<20480x128xf32, #tpu.memory_space<hbm>>
      tpu.enqueue_indirect_dma source(%dma_start3A_16 : memref<20480x128xf32, #tpu.memory_space<hbm>>) target(%arg9 : memref<128x128xf32, #tpu.memory_space<vmem>>) offsets(%dma_start3A_13 : memref<128xi32, #tpu.memory_space<vmem>>) semaphore(%arg11 : memref<!tpu.dma_semaphore, #tpu.memory_space<semaphore_mem>>)
      %dma_wait3A = arith.constant 0 : i32
      %dma_wait3A_17 = tpu.memref_slice %arg7[%scan3A_11, %dma_wait3A] : memref<80x128xi32, #tpu.memory_space<vmem>> -> memref<1x128xi32, #tpu.memory_space<vmem>>
      %dma_wait3A_18 = tpu.memref_squeeze %dma_wait3A_17 : memref<1x128xi32, #tpu.memory_space<vmem>> -> memref<128xi32, #tpu.memory_space<vmem>>
      %dma_wait3A_19 = arith.constant 0 : i32
      %dma_wait3A_20 = arith.constant 0 : i32
      %dma_wait3A_21 = tpu.memref_slice %arg2[%dma_wait3A_19, %dma_wait3A_20] : memref<20480x128xf32, #tpu.memory_space<hbm>> -> memref<20480x128xf32, #tpu.memory_space<hbm>>
      tpu.wait_indirect_dma semaphore(%arg11 : memref<!tpu.dma_semaphore, #tpu.memory_space<semaphore_mem>>) src(%dma_wait3A_21 : memref<20480x128xf32, #tpu.memory_space<hbm>>) dst(%arg9 : memref<128x128xf32, #tpu.memory_space<vmem>>)
      "tpu.region"() ({
        %run_scoped3A = tpu.sem_alloc : memref<!tpu.dma_semaphore, #tpu.memory_space<semaphore_mem>>
        %dma_start3A_22 = arith.constant 0 : i32
        %dma_start3A_23 = tpu.memref_slice %arg8[%scan3A_11, %dma_start3A_22] : memref<80x128xi32, #tpu.memory_space<vmem>> -> memref<1x128xi32, #tpu.memory_space<vmem>>
        %dma_start3A_24 = tpu.memref_squeeze %dma_start3A_23 : memref<1x128xi32, #tpu.memory_space<vmem>> -> memref<128xi32, #tpu.memory_space<vmem>>
        %dma_start3A_25 = arith.constant 0 : i32
        %dma_start3A_26 = arith.constant 0 : i32
        %dma_start3A_27 = tpu.memref_slice %arg10[%dma_start3A_25, %dma_start3A_26] : memref<10240x128xf32, #tpu.memory_space<vmem_shared>> -> memref<10240x128xf32, #tpu.memory_space<vmem_shared>>
        tpu.enqueue_indirect_dma source(%arg9 : memref<128x128xf32, #tpu.memory_space<vmem>>) target(%dma_start3A_27 : memref<10240x128xf32, #tpu.memory_space<vmem_shared>>) offsets(%dma_start3A_24 : memref<128xi32, #tpu.memory_space<vmem>>) semaphore(%run_scoped3A : memref<!tpu.dma_semaphore, #tpu.memory_space<semaphore_mem>>) {add = true}
        %dma_wait3A_28 = arith.constant 0 : i32
        %dma_wait3A_29 = tpu.memref_slice %arg8[%scan3A_11, %dma_wait3A_28] : memref<80x128xi32, #tpu.memory_space<vmem>> -> memref<1x128xi32, #tpu.memory_space<vmem>>
        %dma_wait3A_30 = tpu.memref_squeeze %dma_wait3A_29 : memref<1x128xi32, #tpu.memory_space<vmem>> -> memref<128xi32, #tpu.memory_space<vmem>>
        %dma_wait3A_31 = arith.constant 0 : i32
        %dma_wait3A_32 = arith.constant 0 : i32
        %dma_wait3A_33 = tpu.memref_slice %arg10[%dma_wait3A_31, %dma_wait3A_32] : memref<10240x128xf32, #tpu.memory_space<vmem_shared>> -> memref<10240x128xf32, #tpu.memory_space<vmem_shared>>
        tpu.wait_indirect_dma semaphore(%run_scoped3A : memref<!tpu.dma_semaphore, #tpu.memory_space<semaphore_mem>>) src(%arg9 : memref<128x128xf32, #tpu.memory_space<vmem>>) dst(%dma_wait3A_33 : memref<10240x128xf32, #tpu.memory_space<vmem_shared>>)
        tpu.yield
      }) : () -> ()
    }
    %scan3A_5 = arith.constant 80 : i32
    %barrier3A_6 = arith.constant 0 : index
    tpu.barrier barrier_id(%barrier3A_6)
    %mul3A_7 = arith.constant 640 : i32
    %mul3A_8 = arith.muli %arg1, %mul3A_7 : i32
    %mul3A_9 = arith.constant 640 : i32
    %mul3A_10 = arith.muli %arg1, %mul3A_9 : i32
    "tpu.region"() ({
      %run_scoped3A = tpu.sem_alloc : memref<!tpu.dma_semaphore, #tpu.memory_space<semaphore_mem>>
      %dma_start3A = arith.constant 0 : i32
      %dma_start3A_11 = tpu.memref_slice %arg6[%arg0, %mul3A_10, %dma_start3A] : memref<2x10240x128xf32, #tpu.memory_space<hbm>> -> memref<1x640x128xf32, #tpu.memory_space<hbm>>
      %dma_start3A_12 = tpu.memref_squeeze %dma_start3A_11 : memref<1x640x128xf32, #tpu.memory_space<hbm>> -> memref<640x128xf32, #tpu.memory_space<hbm>>
      %dma_start3A_13 = arith.constant 0 : i32
      %dma_start3A_14 = tpu.memref_slice %arg10[%mul3A_8, %dma_start3A_13] : memref<10240x128xf32, #tpu.memory_space<vmem_shared>> -> memref<640x128xf32, #tpu.memory_space<vmem_shared>>
      tpu.enqueue_dma source(%dma_start3A_14 : memref<640x128xf32, #tpu.memory_space<vmem_shared>>) target(%dma_start3A_12 : memref<640x128xf32, #tpu.memory_space<hbm>>) target_semaphore(%run_scoped3A : memref<!tpu.dma_semaphore, #tpu.memory_space<semaphore_mem>>)
      %dma_wait3A = arith.constant 0 : i32
      %dma_wait3A_15 = tpu.memref_slice %arg6[%arg0, %mul3A_10, %dma_wait3A] : memref<2x10240x128xf32, #tpu.memory_space<hbm>> -> memref<1x640x128xf32, #tpu.memory_space<hbm>>
      %dma_wait3A_16 = tpu.memref_squeeze %dma_wait3A_15 : memref<1x640x128xf32, #tpu.memory_space<hbm>> -> memref<640x128xf32, #tpu.memory_space<hbm>>
      %dma_wait3A_17 = arith.constant 0 : i32
      %dma_wait3A_18 = tpu.memref_slice %arg10[%mul3A_8, %dma_wait3A_17] : memref<10240x128xf32, #tpu.memory_space<vmem_shared>> -> memref<640x128xf32, #tpu.memory_space<vmem_shared>>
      tpu.wait_dma2 semaphore(%run_scoped3A : memref<!tpu.dma_semaphore, #tpu.memory_space<semaphore_mem>>) src(%dma_wait3A_18 : memref<640x128xf32, #tpu.memory_space<vmem_shared>>) dst(%dma_wait3A_16 : memref<640x128xf32, #tpu.memory_space<hbm>>)
      tpu.yield
    }) : () -> ()
    return
  }
}

module attributes {stable_mosaic.version = 14 : i64} {
  func.func @_prep_kernel(%arg0: i32, %arg1: memref<2x256x128xf32, #tpu.memory_space<vmem>>, %arg2: memref<256x8xf32, #tpu.memory_space<vmem>>, %arg3: memref<256x128xf32, #tpu.memory_space<vmem>>, %arg4: memref<256x8xf32, #tpu.memory_space<vmem>>, %arg5: memref<256x8xf32, #tpu.memory_space<vmem>>) attributes {dimension_semantics = [#tpu.dimension_semantics<arbitrary>], iteration_bounds = array<i64: 40>, scalar_prefetch = 0 : i64, scratch_operands = 0 : i64, tpu.core_type = #tpu.core_type<tc>, window_params = [{transform_indices = @transform_0, window_bounds = array<i64: 2, 256, 128>}, {transform_indices = @transform_1, window_bounds = array<i64: 256, 8>}, {transform_indices = @transform_2, window_bounds = array<i64: 256, 128>}, {transform_indices = @transform_3, window_bounds = array<i64: 256, 8>}, {transform_indices = @transform_4, window_bounds = array<i64: 256, 8>}]} {
    %get3A = arith.constant 0 : index
    %get3A_0 = arith.constant 0 : index
    %get3A_1 = arith.constant 0 : index
    %get3A_2 = vector.load %arg1[%get3A, %get3A_0, %get3A_1] : memref<2x256x128xf32, #tpu.memory_space<vmem>>, vector<1x256x1xf32>
    %get3A_3 = vector.shape_cast %get3A_2 : vector<1x256x1xf32> to vector<256x1xf32>
    %get3A_4 = arith.constant 1 : index
    %get3A_5 = arith.constant 0 : index
    %get3A_6 = arith.constant 0 : index
    %get3A_7 = vector.load %arg1[%get3A_4, %get3A_5, %get3A_6] : memref<2x256x128xf32, #tpu.memory_space<vmem>>, vector<1x256x1xf32>
    %get3A_8 = vector.shape_cast %get3A_7 : vector<1x256x1xf32> to vector<256x1xf32>
    %add3A = arith.addf %get3A_3, %get3A_8 : vector<256x1xf32>
    %gt3A = arith.constant 0.000000e+00 : f32
    %gt3A_9 = vector.broadcast %gt3A : f32 to vector<256x1xf32>
    %gt3A_10 = arith.cmpf ogt, %add3A, %gt3A_9 : vector<256x1xf32>
    %max3A = arith.constant 9.99999996E-13 : f32
    %max3A_11 = vector.broadcast %max3A : f32 to vector<256x1xf32>
    %max3A_12 = arith.maximumf %add3A, %max3A_11 : vector<256x1xf32>
    %rsqrt3A = math.rsqrt %max3A_12 : vector<256x1xf32>
    %jit3A = arith.constant 0.000000e+00 : f32
    %broadcast_in_dim3A = vector.broadcast %jit3A : f32 to vector<256x1xf32>
    %select_n3A = arith.select %gt3A_10, %rsqrt3A, %broadcast_in_dim3A : vector<256x1xi1>, vector<256x1xf32>
    %get3A_13 = arith.constant 0 : index
    %get3A_14 = arith.constant 0 : index
    %get3A_15 = vector.load %arg2[%get3A_13, %get3A_14] : memref<256x8xf32, #tpu.memory_space<vmem>>, vector<256x8xf32>
    %mul3A = vector.broadcast %select_n3A : vector<256x1xf32> to vector<256x8xf32>
    %mul3A_16 = arith.mulf %get3A_15, %mul3A : vector<256x8xf32>
    %broadcast_in_dim3A_17 = arith.constant 0.000000e+00 : f32
    %broadcast_in_dim3A_18 = vector.broadcast %broadcast_in_dim3A_17 : f32 to vector<256x120xf32>
    %concatenate3A = tpu.concatenate %mul3A_16, %broadcast_in_dim3A_18 in 1 : vector<256x8xf32>, vector<256x120xf32> -> vector<256x128xf32>
    %swap3A = arith.constant 0 : index
    %swap3A_19 = arith.constant 0 : index
    %swap3A_20 = vector.load %arg3[%swap3A, %swap3A_19] : memref<256x128xf32, #tpu.memory_space<vmem>>, vector<256x128xf32>
    tpu.vector_store %arg3[%swap3A, %swap3A_19], %concatenate3A {strides = array<i32>} : memref<256x128xf32, #tpu.memory_space<vmem>>, vector<256x128xf32>,
    %broadcast_in_dim3A_21 = vector.shape_cast %select_n3A : vector<256x1xf32> to vector<256x1xf32>
    %broadcast_in_dim3A_22 = vector.broadcast %broadcast_in_dim3A_21 : vector<256x1xf32> to vector<256x8xf32>
    %swap3A_23 = arith.constant 0 : index
    %swap3A_24 = arith.constant 0 : index
    %swap3A_25 = vector.load %arg4[%swap3A_23, %swap3A_24] : memref<256x8xf32, #tpu.memory_space<vmem>>, vector<256x8xf32>
    tpu.vector_store %arg4[%swap3A_23, %swap3A_24], %broadcast_in_dim3A_22 {strides = array<i32>} : memref<256x8xf32, #tpu.memory_space<vmem>>, vector<256x8xf32>,
    %mul3A_26 = arith.mulf %select_n3A, %select_n3A : vector<256x1xf32>
    %broadcast_in_dim3A_27 = vector.shape_cast %mul3A_26 : vector<256x1xf32> to vector<256x1xf32>
    %broadcast_in_dim3A_28 = vector.broadcast %broadcast_in_dim3A_27 : vector<256x1xf32> to vector<256x8xf32>
    %swap3A_29 = arith.constant 0 : index
    %swap3A_30 = arith.constant 0 : index
    %swap3A_31 = vector.load %arg5[%swap3A_29, %swap3A_30] : memref<256x8xf32, #tpu.memory_space<vmem>>, vector<256x8xf32>
    tpu.vector_store %arg5[%swap3A_29, %swap3A_30], %broadcast_in_dim3A_28 {strides = array<i32>} : memref<256x8xf32, #tpu.memory_space<vmem>>, vector<256x8xf32>,
    return
  }
  func.func @transform_0(%arg0: i32) -> (i32, i32, i32) {
    %c0_i32 = arith.constant 0 : i32
    %c0_i32_0 = arith.constant 0 : i32
    %c0_i32_1 = arith.constant 0 : i32
    return %c0_i32, %arg0, %c0_i32_0 : i32, i32, i32
  }
  func.func @transform_1(%arg0: i32) -> (i32, i32) {
    %c0_i32 = arith.constant 0 : i32
    %c0_i32_0 = arith.constant 0 : i32
    return %arg0, %c0_i32 : i32, i32
  }
  func.func @transform_2(%arg0: i32) -> (i32, i32) {
    %c0_i32 = arith.constant 0 : i32
    %c0_i32_0 = arith.constant 0 : i32
    return %arg0, %c0_i32 : i32, i32
  }
  func.func @transform_3(%arg0: i32) -> (i32, i32) {
    %c0_i32 = arith.constant 0 : i32
    %c0_i32_0 = arith.constant 0 : i32
    return %arg0, %c0_i32 : i32, i32
  }
  func.func @transform_4(%arg0: i32) -> (i32, i32) {
    %c0_i32 = arith.constant 0 : i32
    %c0_i32_0 = arith.constant 0 : i32
    return %arg0, %c0_i32 : i32, i32
  }
}

module attributes {stable_mosaic.version = 14 : i64} {
  func.func @_combine_half_kernel(%arg0: i32, %arg1: memref<2x256x128xf32, #tpu.memory_space<vmem>>, %arg2: memref<256x8xf32, #tpu.memory_space<vmem>>, %arg3: memref<256x128xf32, #tpu.memory_space<vmem>>) attributes {dimension_semantics = [#tpu.dimension_semantics<arbitrary>], iteration_bounds = array<i64: 40>, scalar_prefetch = 0 : i64, scratch_operands = 0 : i64, tpu.core_type = #tpu.core_type<tc>, window_params = [{transform_indices = @transform_0, window_bounds = array<i64: 2, 256, 128>}, {transform_indices = @transform_1, window_bounds = array<i64: 256, 8>}, {transform_indices = @transform_2, window_bounds = array<i64: 256, 128>}]} {
    %get3A = arith.constant 0 : index
    %get3A_0 = arith.constant 0 : index
    %get3A_1 = arith.constant 0 : index
    %get3A_2 = vector.load %arg1[%get3A, %get3A_0, %get3A_1] : memref<2x256x128xf32, #tpu.memory_space<vmem>>, vector<1x256x128xf32>
    %get3A_3 = vector.shape_cast %get3A_2 : vector<1x256x128xf32> to vector<256x128xf32>
    %get3A_4 = arith.constant 1 : index
    %get3A_5 = arith.constant 0 : index
    %get3A_6 = arith.constant 0 : index
    %get3A_7 = vector.load %arg1[%get3A_4, %get3A_5, %get3A_6] : memref<2x256x128xf32, #tpu.memory_space<vmem>>, vector<1x256x128xf32>
    %get3A_8 = vector.shape_cast %get3A_7 : vector<1x256x128xf32> to vector<256x128xf32>
    %add3A = arith.addf %get3A_3, %get3A_8 : vector<256x128xf32>
    %get3A_9 = arith.constant 0 : index
    %get3A_10 = arith.constant 0 : index
    %get3A_11 = vector.load %arg2[%get3A_9, %get3A_10] : memref<256x8xf32, #tpu.memory_space<vmem>>, vector<256x1xf32>
    %mul3A = vector.broadcast %get3A_11 : vector<256x1xf32> to vector<256x128xf32>
    %mul3A_12 = arith.mulf %add3A, %mul3A : vector<256x128xf32>
    %swap3A = arith.constant 0 : index
    %swap3A_13 = arith.constant 0 : index
    %swap3A_14 = vector.load %arg3[%swap3A, %swap3A_13] : memref<256x128xf32, #tpu.memory_space<vmem>>, vector<256x128xf32>
    tpu.vector_store %arg3[%swap3A, %swap3A_13], %mul3A_12 {strides = array<i32>} : memref<256x128xf32, #tpu.memory_space<vmem>>, vector<256x128xf32>,
    return
  }
  func.func @transform_0(%arg0: i32) -> (i32, i32, i32) {
    %c0_i32 = arith.constant 0 : i32
    %c0_i32_0 = arith.constant 0 : i32
    %c0_i32_1 = arith.constant 0 : i32
    return %c0_i32, %arg0, %c0_i32_0 : i32, i32, i32
  }
  func.func @transform_1(%arg0: i32) -> (i32, i32) {
    %c0_i32 = arith.constant 0 : i32
    %c0_i32_0 = arith.constant 0 : i32
    return %arg0, %c0_i32 : i32, i32
  }
  func.func @transform_2(%arg0: i32) -> (i32, i32) {
    %c0_i32 = arith.constant 0 : i32
    %c0_i32_0 = arith.constant 0 : i32
    return %arg0, %c0_i32 : i32, i32
  }
}

module attributes {stable_mosaic.version = 14 : i64} {
  func.func @_layer0_mm_kernel(%arg0: i32, %arg1: memref<256x8xf32, #tpu.memory_space<vmem>>, %arg2: memref<2x256x128xf32, #tpu.memory_space<vmem>>, %arg3: memref<2x256x128xf32, #tpu.memory_space<vmem>>, %arg4: memref<2x256x128xf32, #tpu.memory_space<vmem>>, %arg5: memref<256x8xf32, #tpu.memory_space<vmem>>, %arg6: memref<32x256xf32, #tpu.memory_space<vmem>>, %arg7: memref<1x256xf32, #tpu.memory_space<vmem>>, %arg8: memref<2x256x128xf32, #tpu.memory_space<vmem>>, %arg9: memref<2x256x128xf32, #tpu.memory_space<vmem>>) attributes {dimension_semantics = [#tpu.dimension_semantics<arbitrary>], iteration_bounds = array<i64: 40>, scalar_prefetch = 0 : i64, scratch_operands = 0 : i64, tpu.core_type = #tpu.core_type<tc>, window_params = [{transform_indices = @transform_0, window_bounds = array<i64: 256, 8>}, {transform_indices = @transform_1, window_bounds = array<i64: 2, 256, 128>}, {transform_indices = @transform_2, window_bounds = array<i64: 2, 256, 128>}, {transform_indices = @transform_3, window_bounds = array<i64: 2, 256, 128>}, {transform_indices = @transform_4, window_bounds = array<i64: 256, 8>}, {pipeline_mode = #tpu.pipeline_mode<synchronous>, transform_indices = @transform_5, window_bounds = array<i64: 32, 256>}, {pipeline_mode = #tpu.pipeline_mode<synchronous>, transform_indices = @transform_6, window_bounds = array<i64: 1, 256>}, {transform_indices = @transform_7, window_bounds = array<i64: 2, 256, 128>}, {transform_indices = @transform_8, window_bounds = array<i64: 2, 256, 128>}]} {
    %get3A = arith.constant 0 : index
    %get3A_0 = arith.constant 0 : index
    %get3A_1 = vector.load %arg5[%get3A, %get3A_0] : memref<256x8xf32, #tpu.memory_space<vmem>>, vector<256x1xf32>
    %get3A_2 = arith.constant 0 : index
    %get3A_3 = arith.constant 0 : index
    %get3A_4 = vector.load %arg1[%get3A_2, %get3A_3] : memref<256x8xf32, #tpu.memory_space<vmem>>, vector<256x8xf32>
    %get3A_5 = arith.constant 0 : index
    %get3A_6 = arith.constant 0 : index
    %get3A_7 = arith.constant 0 : index
    %get3A_8 = vector.load %arg2[%get3A_5, %get3A_6, %get3A_7] : memref<2x256x128xf32, #tpu.memory_space<vmem>>, vector<1x256x8xf32>
    %get3A_9 = vector.shape_cast %get3A_8 : vector<1x256x8xf32> to vector<256x8xf32>
    %get3A_10 = arith.constant 1 : index
    %get3A_11 = arith.constant 0 : index
    %get3A_12 = arith.constant 0 : index
    %get3A_13 = vector.load %arg2[%get3A_10, %get3A_11, %get3A_12] : memref<2x256x128xf32, #tpu.memory_space<vmem>>, vector<1x256x8xf32>
    %get3A_14 = vector.shape_cast %get3A_13 : vector<1x256x8xf32> to vector<256x8xf32>
    %add3A = arith.addf %get3A_9, %get3A_14 : vector<256x8xf32>
    %mul3A = vector.broadcast %get3A_1 : vector<256x1xf32> to vector<256x8xf32>
    %mul3A_15 = arith.mulf %add3A, %mul3A : vector<256x8xf32>
    %get3A_16 = arith.constant 0 : index
    %get3A_17 = arith.constant 0 : index
    %get3A_18 = arith.constant 0 : index
    %get3A_19 = vector.load %arg3[%get3A_16, %get3A_17, %get3A_18] : memref<2x256x128xf32, #tpu.memory_space<vmem>>, vector<1x256x8xf32>
    %get3A_20 = vector.shape_cast %get3A_19 : vector<1x256x8xf32> to vector<256x8xf32>
    %get3A_21 = arith.constant 1 : index
    %get3A_22 = arith.constant 0 : index
    %get3A_23 = arith.constant 0 : index
    %get3A_24 = vector.load %arg3[%get3A_21, %get3A_22, %get3A_23] : memref<2x256x128xf32, #tpu.memory_space<vmem>>, vector<1x256x8xf32>
    %get3A_25 = vector.shape_cast %get3A_24 : vector<1x256x8xf32> to vector<256x8xf32>
    %add3A_26 = arith.addf %get3A_20, %get3A_25 : vector<256x8xf32>
    %mul3A_27 = vector.broadcast %get3A_1 : vector<256x1xf32> to vector<256x8xf32>
    %mul3A_28 = arith.mulf %add3A_26, %mul3A_27 : vector<256x8xf32>
    %get3A_29 = arith.constant 0 : index
    %get3A_30 = arith.constant 0 : index
    %get3A_31 = arith.constant 0 : index
    %get3A_32 = vector.load %arg4[%get3A_29, %get3A_30, %get3A_31] : memref<2x256x128xf32, #tpu.memory_space<vmem>>, vector<1x256x8xf32>
    %get3A_33 = vector.shape_cast %get3A_32 : vector<1x256x8xf32> to vector<256x8xf32>
    %get3A_34 = arith.constant 1 : index
    %get3A_35 = arith.constant 0 : index
    %get3A_36 = arith.constant 0 : index
    %get3A_37 = vector.load %arg4[%get3A_34, %get3A_35, %get3A_36] : memref<2x256x128xf32, #tpu.memory_space<vmem>>, vector<1x256x8xf32>
    %get3A_38 = vector.shape_cast %get3A_37 : vector<1x256x8xf32> to vector<256x8xf32>
    %add3A_39 = arith.addf %get3A_33, %get3A_38 : vector<256x8xf32>
    %mul3A_40 = vector.broadcast %get3A_1 : vector<256x1xf32> to vector<256x8xf32>
    %mul3A_41 = arith.mulf %add3A_39, %mul3A_40 : vector<256x8xf32>
    %concatenate3A = tpu.concatenate %get3A_4, %mul3A_15, %mul3A_28, %mul3A_41 in 1 : vector<256x8xf32>, vector<256x8xf32>, vector<256x8xf32>, vector<256x8xf32> -> vector<256x32xf32>
    %get3A_42 = arith.constant 0 : index
    %get3A_43 = arith.constant 0 : index
    %get3A_44 = vector.load %arg6[%get3A_42, %get3A_43] : memref<32x256xf32, #tpu.memory_space<vmem>>, vector<32x256xf32>
    %dot_general3A = arith.constant dense<0.000000e+00> : vector<256x256xf32>
    %dot_general3A_45 = tpu.matmul %concatenate3A, %get3A_44, %dot_general3A {dimension_numbers = #tpu.dot_dimension_numbers<[1], [0], [0], [1], [0, 0, 1, 1], [], []>, transpose_lhs_hint = false} : vector<256x32xf32>, vector<32x256xf32>, vector<256x256xf32> -> vector<256x256xf32>
    %get3A_46 = arith.constant 0 : index
    %get3A_47 = arith.constant 0 : index
    %get3A_48 = vector.load %arg7[%get3A_46, %get3A_47] : memref<1x256xf32, #tpu.memory_space<vmem>>, vector<1x256xf32>
    %add3A_49 = vector.broadcast %get3A_48 : vector<1x256xf32> to vector<256x256xf32>
    %add3A_50 = arith.addf %dot_general3A_45, %add3A_49 : vector<256x256xf32>
    %max3A = arith.constant 0.000000e+00 : f32
    %max3A_51 = vector.broadcast %max3A : f32 to vector<256x256xf32>
    %max3A_52 = arith.maximumf %add3A_50, %max3A_51 : vector<256x256xf32>
    %slice3A = vector.extract_strided_slice %max3A_52 {offsets = [0, 0], sizes = [256, 128], strides = [1, 1]} : vector<256x256xf32> to vector<256x128xf32>
    %slice3A_53 = vector.extract_strided_slice %max3A_52 {offsets = [0, 128], sizes = [256, 128], strides = [1, 1]} : vector<256x256xf32> to vector<256x128xf32>
    %stack3A = vector.shape_cast %slice3A : vector<256x128xf32> to vector<1x256x128xf32>
    %stack3A_54 = vector.shape_cast %slice3A_53 : vector<256x128xf32> to vector<1x256x128xf32>
    %stack3A_55 = tpu.concatenate %stack3A, %stack3A_54 in 0 : vector<1x256x128xf32>, vector<1x256x128xf32> -> vector<2x256x128xf32>
    %swap3A = arith.constant 0 : index
    %swap3A_56 = arith.constant 0 : index
    %swap3A_57 = arith.constant 0 : index
    %swap3A_58 = vector.load %arg8[%swap3A, %swap3A_56, %swap3A_57] : memref<2x256x128xf32, #tpu.memory_space<vmem>>, vector<2x256x128xf32>
    tpu.vector_store %arg8[%swap3A, %swap3A_56, %swap3A_57], %stack3A_55 {strides = array<i32>} : memref<2x256x128xf32, #tpu.memory_space<vmem>>, vector<2x256x128xf32>,
    %mul3A_59 = vector.broadcast %get3A_1 : vector<256x1xf32> to vector<256x256xf32>
    %mul3A_60 = arith.mulf %max3A_52, %mul3A_59 : vector<256x256xf32>
    %slice3A_61 = vector.extract_strided_slice %mul3A_60 {offsets = [0, 0], sizes = [256, 128], strides = [1, 1]} : vector<256x256xf32> to vector<256x128xf32>
    %slice3A_62 = vector.extract_strided_slice %mul3A_60 {offsets = [0, 128], sizes = [256, 128], strides = [1, 1]} : vector<256x256xf32> to vector<256x128xf32>
    %stack3A_63 = vector.shape_cast %slice3A_61 : vector<256x128xf32> to vector<1x256x128xf32>
    %stack3A_64 = vector.shape_cast %slice3A_62 : vector<256x128xf32> to vector<1x256x128xf32>
    %stack3A_65 = tpu.concatenate %stack3A_63, %stack3A_64 in 0 : vector<1x256x128xf32>, vector<1x256x128xf32> -> vector<2x256x128xf32>
    %swap3A_66 = arith.constant 0 : index
    %swap3A_67 = arith.constant 0 : index
    %swap3A_68 = arith.constant 0 : index
    %swap3A_69 = vector.load %arg9[%swap3A_66, %swap3A_67, %swap3A_68] : memref<2x256x128xf32, #tpu.memory_space<vmem>>, vector<2x256x128xf32>
    tpu.vector_store %arg9[%swap3A_66, %swap3A_67, %swap3A_68], %stack3A_65 {strides = array<i32>} : memref<2x256x128xf32, #tpu.memory_space<vmem>>, vector<2x256x128xf32>,
    return
  }
  func.func @transform_0(%arg0: i32) -> (i32, i32) {
    %c0_i32 = arith.constant 0 : i32
    %c0_i32_0 = arith.constant 0 : i32
    return %arg0, %c0_i32 : i32, i32
  }
  func.func @transform_1(%arg0: i32) -> (i32, i32, i32) {
    %c0_i32 = arith.constant 0 : i32
    %c0_i32_0 = arith.constant 0 : i32
    %c0_i32_1 = arith.constant 0 : i32
    return %c0_i32, %arg0, %c0_i32_0 : i32, i32, i32
  }
  func.func @transform_2(%arg0: i32) -> (i32, i32, i32) {
    %c0_i32 = arith.constant 0 : i32
    %c0_i32_0 = arith.constant 0 : i32
    %c0_i32_1 = arith.constant 0 : i32
    return %c0_i32, %arg0, %c0_i32_0 : i32, i32, i32
  }
  func.func @transform_3(%arg0: i32) -> (i32, i32, i32) {
    %c0_i32 = arith.constant 0 : i32
    %c0_i32_0 = arith.constant 0 : i32
    %c0_i32_1 = arith.constant 0 : i32
    return %c0_i32, %arg0, %c0_i32_0 : i32, i32, i32
  }
  func.func @transform_4(%arg0: i32) -> (i32, i32) {
    %c0_i32 = arith.constant 0 : i32
    %c0_i32_0 = arith.constant 0 : i32
    return %arg0, %c0_i32 : i32, i32
  }
  func.func @transform_5(%arg0: i32) -> (i32, i32) {
    %c0_i32 = arith.constant 0 : i32
    %c0_i32_0 = arith.constant 0 : i32
    %c0_i32_1 = arith.constant 0 : i32
    return %c0_i32, %c0_i32_0 : i32, i32
  }
  func.func @transform_6(%arg0: i32) -> (i32, i32) {
    %c0_i32 = arith.constant 0 : i32
    %c0_i32_0 = arith.constant 0 : i32
    %c0_i32_1 = arith.constant 0 : i32
    return %c0_i32, %c0_i32_0 : i32, i32
  }
  func.func @transform_7(%arg0: i32) -> (i32, i32, i32) {
    %c0_i32 = arith.constant 0 : i32
    %c0_i32_0 = arith.constant 0 : i32
    %c0_i32_1 = arith.constant 0 : i32
    return %c0_i32, %arg0, %c0_i32_0 : i32, i32, i32
  }
  func.func @transform_8(%arg0: i32) -> (i32, i32, i32) {
    %c0_i32 = arith.constant 0 : i32
    %c0_i32_0 = arith.constant 0 : i32
    %c0_i32_1 = arith.constant 0 : i32
    return %c0_i32, %arg0, %c0_i32_0 : i32, i32, i32
  }
}

module attributes {stable_mosaic.version = 14 : i64} {
  func.func @_scale_wide_kernel(%arg0: i32, %arg1: memref<2x256x128xf32, #tpu.memory_space<vmem>>, %arg2: memref<256x8xf32, #tpu.memory_space<vmem>>, %arg3: memref<2x256x128xf32, #tpu.memory_space<vmem>>) attributes {dimension_semantics = [#tpu.dimension_semantics<arbitrary>], iteration_bounds = array<i64: 40>, scalar_prefetch = 0 : i64, scratch_operands = 0 : i64, tpu.core_type = #tpu.core_type<tc>, window_params = [{transform_indices = @transform_0, window_bounds = array<i64: 2, 256, 128>}, {transform_indices = @transform_1, window_bounds = array<i64: 256, 8>}, {transform_indices = @transform_2, window_bounds = array<i64: 2, 256, 128>}]} {
    %get3A = arith.constant 0 : index
    %get3A_0 = arith.constant 0 : index
    %get3A_1 = arith.constant 0 : index
    %get3A_2 = vector.load %arg1[%get3A, %get3A_0, %get3A_1] : memref<2x256x128xf32, #tpu.memory_space<vmem>>, vector<2x256x128xf32>
    %get3A_3 = arith.constant 0 : index
    %get3A_4 = arith.constant 0 : index
    %get3A_5 = vector.load %arg2[%get3A_3, %get3A_4] : memref<256x8xf32, #tpu.memory_space<vmem>>, vector<256x1xf32>
    %broadcast_in_dim3A = vector.shape_cast %get3A_5 : vector<256x1xf32> to vector<1x256x1xf32>
    %mul3A = vector.broadcast %broadcast_in_dim3A : vector<1x256x1xf32> to vector<2x256x128xf32>
    %mul3A_6 = arith.mulf %get3A_2, %mul3A : vector<2x256x128xf32>
    %swap3A = arith.constant 0 : index
    %swap3A_7 = arith.constant 0 : index
    %swap3A_8 = arith.constant 0 : index
    %swap3A_9 = vector.load %arg3[%swap3A, %swap3A_7, %swap3A_8] : memref<2x256x128xf32, #tpu.memory_space<vmem>>, vector<2x256x128xf32>
    tpu.vector_store %arg3[%swap3A, %swap3A_7, %swap3A_8], %mul3A_6 {strides = array<i32>} : memref<2x256x128xf32, #tpu.memory_space<vmem>>, vector<2x256x128xf32>,
    return
  }
  func.func @transform_0(%arg0: i32) -> (i32, i32, i32) {
    %c0_i32 = arith.constant 0 : i32
    %c0_i32_0 = arith.constant 0 : i32
    %c0_i32_1 = arith.constant 0 : i32
    return %c0_i32, %arg0, %c0_i32_0 : i32, i32, i32
  }
  func.func @transform_1(%arg0: i32) -> (i32, i32) {
    %c0_i32 = arith.constant 0 : i32
    %c0_i32_0 = arith.constant 0 : i32
    return %arg0, %c0_i32 : i32, i32
  }
  func.func @transform_2(%arg0: i32) -> (i32, i32, i32) {
    %c0_i32 = arith.constant 0 : i32
    %c0_i32_0 = arith.constant 0 : i32
    %c0_i32_1 = arith.constant 0 : i32
    return %c0_i32, %arg0, %c0_i32_0 : i32, i32, i32
  }
}

module attributes {stable_mosaic.version = 14 : i64} {
  func.func @_layer_mm_kernel(%arg0: i32, %arg1: memref<2x256x128xf32, #tpu.memory_space<vmem>>, %arg2: memref<2x256x128xf32, #tpu.memory_space<vmem>>, %arg3: memref<2x256x128xf32, #tpu.memory_space<vmem>>, %arg4: memref<2x256x128xf32, #tpu.memory_space<vmem>>, %arg5: memref<256x8xf32, #tpu.memory_space<vmem>>, %arg6: memref<1024x256xf32, #tpu.memory_space<vmem>>, %arg7: memref<1x256xf32, #tpu.memory_space<vmem>>, %arg8: memref<2x256x128xf32, #tpu.memory_space<vmem>>, %arg9: memref<2x256x128xf32, #tpu.memory_space<vmem>>) attributes {dimension_semantics = [#tpu.dimension_semantics<arbitrary>], iteration_bounds = array<i64: 40>, scalar_prefetch = 0 : i64, scratch_operands = 0 : i64, tpu.core_type = #tpu.core_type<tc>, window_params = [{transform_indices = @transform_0, window_bounds = array<i64: 2, 256, 128>}, {transform_indices = @transform_1, window_bounds = array<i64: 2, 256, 128>}, {transform_indices = @transform_2, window_bounds = array<i64: 2, 256, 128>}, {transform_indices = @transform_3, window_bounds = array<i64: 2, 256, 128>}, {transform_indices = @transform_4, window_bounds = array<i64: 256, 8>}, {pipeline_mode = #tpu.pipeline_mode<synchronous>, transform_indices = @transform_5, window_bounds = array<i64: 1024, 256>}, {pipeline_mode = #tpu.pipeline_mode<synchronous>, transform_indices = @transform_6, window_bounds = array<i64: 1, 256>}, {transform_indices = @transform_7, window_bounds = array<i64: 2, 256, 128>}, {transform_indices = @transform_8, window_bounds = array<i64: 2, 256, 128>}]} {
    %get3A = arith.constant 0 : index
    %get3A_0 = arith.constant 0 : index
    %get3A_1 = vector.load %arg5[%get3A, %get3A_0] : memref<256x8xf32, #tpu.memory_space<vmem>>, vector<256x1xf32>
    %get3A_2 = arith.constant 0 : index
    %get3A_3 = arith.constant 0 : index
    %get3A_4 = arith.constant 0 : index
    %get3A_5 = vector.load %arg1[%get3A_2, %get3A_3, %get3A_4] : memref<2x256x128xf32, #tpu.memory_space<vmem>>, vector<1x256x128xf32>
    %get3A_6 = vector.shape_cast %get3A_5 : vector<1x256x128xf32> to vector<256x128xf32>
    %get3A_7 = arith.constant 1 : index
    %get3A_8 = arith.constant 0 : index
    %get3A_9 = arith.constant 0 : index
    %get3A_10 = vector.load %arg1[%get3A_7, %get3A_8, %get3A_9] : memref<2x256x128xf32, #tpu.memory_space<vmem>>, vector<1x256x128xf32>
    %get3A_11 = vector.shape_cast %get3A_10 : vector<1x256x128xf32> to vector<256x128xf32>
    %concatenate3A = tpu.concatenate %get3A_6, %get3A_11 in 1 : vector<256x128xf32>, vector<256x128xf32> -> vector<256x256xf32>
    %get3A_12 = arith.constant 0 : index
    %get3A_13 = arith.constant 0 : index
    %get3A_14 = arith.constant 0 : index
    %get3A_15 = vector.load %arg2[%get3A_12, %get3A_13, %get3A_14] : memref<2x256x128xf32, #tpu.memory_space<vmem>>, vector<1x256x128xf32>
    %get3A_16 = vector.shape_cast %get3A_15 : vector<1x256x128xf32> to vector<256x128xf32>
    %get3A_17 = arith.constant 1 : index
    %get3A_18 = arith.constant 0 : index
    %get3A_19 = arith.constant 0 : index
    %get3A_20 = vector.load %arg2[%get3A_17, %get3A_18, %get3A_19] : memref<2x256x128xf32, #tpu.memory_space<vmem>>, vector<1x256x128xf32>
    %get3A_21 = vector.shape_cast %get3A_20 : vector<1x256x128xf32> to vector<256x128xf32>
    %concatenate3A_22 = tpu.concatenate %get3A_16, %get3A_21 in 1 : vector<256x128xf32>, vector<256x128xf32> -> vector<256x256xf32>
    %mul3A = vector.broadcast %get3A_1 : vector<256x1xf32> to vector<256x256xf32>
    %mul3A_23 = arith.mulf %concatenate3A_22, %mul3A : vector<256x256xf32>
    %get3A_24 = arith.constant 0 : index
    %get3A_25 = arith.constant 0 : index
    %get3A_26 = arith.constant 0 : index
    %get3A_27 = vector.load %arg3[%get3A_24, %get3A_25, %get3A_26] : memref<2x256x128xf32, #tpu.memory_space<vmem>>, vector<1x256x128xf32>
    %get3A_28 = vector.shape_cast %get3A_27 : vector<1x256x128xf32> to vector<256x128xf32>
    %get3A_29 = arith.constant 1 : index
    %get3A_30 = arith.constant 0 : index
    %get3A_31 = arith.constant 0 : index
    %get3A_32 = vector.load %arg3[%get3A_29, %get3A_30, %get3A_31] : memref<2x256x128xf32, #tpu.memory_space<vmem>>, vector<1x256x128xf32>
    %get3A_33 = vector.shape_cast %get3A_32 : vector<1x256x128xf32> to vector<256x128xf32>
    %concatenate3A_34 = tpu.concatenate %get3A_28, %get3A_33 in 1 : vector<256x128xf32>, vector<256x128xf32> -> vector<256x256xf32>
    %mul3A_35 = vector.broadcast %get3A_1 : vector<256x1xf32> to vector<256x256xf32>
    %mul3A_36 = arith.mulf %concatenate3A_34, %mul3A_35 : vector<256x256xf32>
    %get3A_37 = arith.constant 0 : index
    %get3A_38 = arith.constant 0 : index
    %get3A_39 = arith.constant 0 : index
    %get3A_40 = vector.load %arg4[%get3A_37, %get3A_38, %get3A_39] : memref<2x256x128xf32, #tpu.memory_space<vmem>>, vector<1x256x128xf32>
    %get3A_41 = vector.shape_cast %get3A_40 : vector<1x256x128xf32> to vector<256x128xf32>
    %get3A_42 = arith.constant 1 : index
    %get3A_43 = arith.constant 0 : index
    %get3A_44 = arith.constant 0 : index
    %get3A_45 = vector.load %arg4[%get3A_42, %get3A_43, %get3A_44] : memref<2x256x128xf32, #tpu.memory_space<vmem>>, vector<1x256x128xf32>
    %get3A_46 = vector.shape_cast %get3A_45 : vector<1x256x128xf32> to vector<256x128xf32>
    %concatenate3A_47 = tpu.concatenate %get3A_41, %get3A_46 in 1 : vector<256x128xf32>, vector<256x128xf32> -> vector<256x256xf32>
    %mul3A_48 = vector.broadcast %get3A_1 : vector<256x1xf32> to vector<256x256xf32>
    %mul3A_49 = arith.mulf %concatenate3A_47, %mul3A_48 : vector<256x256xf32>
    %concatenate3A_50 = tpu.concatenate %concatenate3A, %mul3A_23, %mul3A_36, %mul3A_49 in 1 : vector<256x256xf32>, vector<256x256xf32>, vector<256x256xf32>, vector<256x256xf32> -> vector<256x1024xf32>
    %get3A_51 = arith.constant 0 : index
    %get3A_52 = arith.constant 0 : index
    %get3A_53 = vector.load %arg6[%get3A_51, %get3A_52] : memref<1024x256xf32, #tpu.memory_space<vmem>>, vector<1024x256xf32>
    %dot_general3A = arith.constant dense<0.000000e+00> : vector<256x256xf32>
    %dot_general3A_54 = tpu.matmul %concatenate3A_50, %get3A_53, %dot_general3A {dimension_numbers = #tpu.dot_dimension_numbers<[1], [0], [0], [1], [0, 0, 1, 1], [], []>, transpose_lhs_hint = false} : vector<256x1024xf32>, vector<1024x256xf32>, vector<256x256xf32> -> vector<256x256xf32>
    %get3A_55 = arith.constant 0 : index
    %get3A_56 = arith.constant 0 : index
    %get3A_57 = vector.load %arg7[%get3A_55, %get3A_56] : memref<1x256xf32, #tpu.memory_space<vmem>>, vector<1x256xf32>
    %add3A = vector.broadcast %get3A_57 : vector<1x256xf32> to vector<256x256xf32>
    %add3A_58 = arith.addf %dot_general3A_54, %add3A : vector<256x256xf32>
    %max3A = arith.constant 0.000000e+00 : f32
    %max3A_59 = vector.broadcast %max3A : f32 to vector<256x256xf32>
    %max3A_60 = arith.maximumf %add3A_58, %max3A_59 : vector<256x256xf32>
    %slice3A = vector.extract_strided_slice %max3A_60 {offsets = [0, 0], sizes = [256, 128], strides = [1, 1]} : vector<256x256xf32> to vector<256x128xf32>
    %slice3A_61 = vector.extract_strided_slice %max3A_60 {offsets = [0, 128], sizes = [256, 128], strides = [1, 1]} : vector<256x256xf32> to vector<256x128xf32>
    %stack3A = vector.shape_cast %slice3A : vector<256x128xf32> to vector<1x256x128xf32>
    %stack3A_62 = vector.shape_cast %slice3A_61 : vector<256x128xf32> to vector<1x256x128xf32>
    %stack3A_63 = tpu.concatenate %stack3A, %stack3A_62 in 0 : vector<1x256x128xf32>, vector<1x256x128xf32> -> vector<2x256x128xf32>
    %swap3A = arith.constant 0 : index
    %swap3A_64 = arith.constant 0 : index
    %swap3A_65 = arith.constant 0 : index
    %swap3A_66 = vector.load %arg8[%swap3A, %swap3A_64, %swap3A_65] : memref<2x256x128xf32, #tpu.memory_space<vmem>>, vector<2x256x128xf32>
    tpu.vector_store %arg8[%swap3A, %swap3A_64, %swap3A_65], %stack3A_63 {strides = array<i32>} : memref<2x256x128xf32, #tpu.memory_space<vmem>>, vector<2x256x128xf32>,
    %mul3A_67 = vector.broadcast %get3A_1 : vector<256x1xf32> to vector<256x256xf32>
    %mul3A_68 = arith.mulf %max3A_60, %mul3A_67 : vector<256x256xf32>
    %slice3A_69 = vector.extract_strided_slice %mul3A_68 {offsets = [0, 0], sizes = [256, 128], strides = [1, 1]} : vector<256x256xf32> to vector<256x128xf32>
    %slice3A_70 = vector.extract_strided_slice %mul3A_68 {offsets = [0, 128], sizes = [256, 128], strides = [1, 1]} : vector<256x256xf32> to vector<256x128xf32>
    %stack3A_71 = vector.shape_cast %slice3A_69 : vector<256x128xf32> to vector<1x256x128xf32>
    %stack3A_72 = vector.shape_cast %slice3A_70 : vector<256x128xf32> to vector<1x256x128xf32>
    %stack3A_73 = tpu.concatenate %stack3A_71, %stack3A_72 in 0 : vector<1x256x128xf32>, vector<1x256x128xf32> -> vector<2x256x128xf32>
    %swap3A_74 = arith.constant 0 : index
    %swap3A_75 = arith.constant 0 : index
    %swap3A_76 = arith.constant 0 : index
    %swap3A_77 = vector.load %arg9[%swap3A_74, %swap3A_75, %swap3A_76] : memref<2x256x128xf32, #tpu.memory_space<vmem>>, vector<2x256x128xf32>
    tpu.vector_store %arg9[%swap3A_74, %swap3A_75, %swap3A_76], %stack3A_73 {strides = array<i32>} : memref<2x256x128xf32, #tpu.memory_space<vmem>>, vector<2x256x128xf32>,
    return
  }
  func.func @transform_0(%arg0: i32) -> (i32, i32, i32) {
    %c0_i32 = arith.constant 0 : i32
    %c0_i32_0 = arith.constant 0 : i32
    %c0_i32_1 = arith.constant 0 : i32
    return %c0_i32, %arg0, %c0_i32_0 : i32, i32, i32
  }
  func.func @transform_1(%arg0: i32) -> (i32, i32, i32) {
    %c0_i32 = arith.constant 0 : i32
    %c0_i32_0 = arith.constant 0 : i32
    %c0_i32_1 = arith.constant 0 : i32
    return %c0_i32, %arg0, %c0_i32_0 : i32, i32, i32
  }
  func.func @transform_2(%arg0: i32) -> (i32, i32, i32) {
    %c0_i32 = arith.constant 0 : i32
    %c0_i32_0 = arith.constant 0 : i32
    %c0_i32_1 = arith.constant 0 : i32
    return %c0_i32, %arg0, %c0_i32_0 : i32, i32, i32
  }
  func.func @transform_3(%arg0: i32) -> (i32, i32, i32) {
    %c0_i32 = arith.constant 0 : i32
    %c0_i32_0 = arith.constant 0 : i32
    %c0_i32_1 = arith.constant 0 : i32
    return %c0_i32, %arg0, %c0_i32_0 : i32, i32, i32
  }
  func.func @transform_4(%arg0: i32) -> (i32, i32) {
    %c0_i32 = arith.constant 0 : i32
    %c0_i32_0 = arith.constant 0 : i32
    return %arg0, %c0_i32 : i32, i32
  }
  func.func @transform_5(%arg0: i32) -> (i32, i32) {
    %c0_i32 = arith.constant 0 : i32
    %c0_i32_0 = arith.constant 0 : i32
    %c0_i32_1 = arith.constant 0 : i32
    return %c0_i32, %c0_i32_0 : i32, i32
  }
  func.func @transform_6(%arg0: i32) -> (i32, i32) {
    %c0_i32 = arith.constant 0 : i32
    %c0_i32_0 = arith.constant 0 : i32
    %c0_i32_1 = arith.constant 0 : i32
    return %c0_i32, %c0_i32_0 : i32, i32
  }
  func.func @transform_7(%arg0: i32) -> (i32, i32, i32) {
    %c0_i32 = arith.constant 0 : i32
    %c0_i32_0 = arith.constant 0 : i32
    %c0_i32_1 = arith.constant 0 : i32
    return %c0_i32, %arg0, %c0_i32_0 : i32, i32, i32
  }
  func.func @transform_8(%arg0: i32) -> (i32, i32, i32) {
    %c0_i32 = arith.constant 0 : i32
    %c0_i32_0 = arith.constant 0 : i32
    %c0_i32_1 = arith.constant 0 : i32
    return %c0_i32, %arg0, %c0_i32_0 : i32, i32, i32
  }
}

module attributes {stable_mosaic.version = 14 : i64} {
  func.func @_final_mm_kernel(%arg0: i32, %arg1: memref<2x256x128xf32, #tpu.memory_space<vmem>>, %arg2: memref<2x256x128xf32, #tpu.memory_space<vmem>>, %arg3: memref<2x256x128xf32, #tpu.memory_space<vmem>>, %arg4: memref<2x256x128xf32, #tpu.memory_space<vmem>>, %arg5: memref<256x8xf32, #tpu.memory_space<vmem>>, %arg6: memref<1024x256xf32, #tpu.memory_space<vmem>>, %arg7: memref<1x256xf32, #tpu.memory_space<vmem>>, %arg8: memref<256x1xf32, #tpu.memory_space<vmem>>, %arg9: memref<1x1xf32, #tpu.memory_space<vmem>>, %arg10: memref<256x1xf32, #tpu.memory_space<vmem>>) attributes {dimension_semantics = [#tpu.dimension_semantics<arbitrary>], iteration_bounds = array<i64: 40>, scalar_prefetch = 0 : i64, scratch_operands = 0 : i64, tpu.core_type = #tpu.core_type<tc>, window_params = [{transform_indices = @transform_0, window_bounds = array<i64: 2, 256, 128>}, {transform_indices = @transform_1, window_bounds = array<i64: 2, 256, 128>}, {transform_indices = @transform_2, window_bounds = array<i64: 2, 256, 128>}, {transform_indices = @transform_3, window_bounds = array<i64: 2, 256, 128>}, {transform_indices = @transform_4, window_bounds = array<i64: 256, 8>}, {pipeline_mode = #tpu.pipeline_mode<synchronous>, transform_indices = @transform_5, window_bounds = array<i64: 1024, 256>}, {pipeline_mode = #tpu.pipeline_mode<synchronous>, transform_indices = @transform_6, window_bounds = array<i64: 1, 256>}, {pipeline_mode = #tpu.pipeline_mode<synchronous>, transform_indices = @transform_7, window_bounds = array<i64: 256, 1>}, {pipeline_mode = #tpu.pipeline_mode<synchronous>, transform_indices = @transform_8, window_bounds = array<i64: 1, 1>}, {transform_indices = @transform_9, window_bounds = array<i64: 256, 1>}]} {
    %get3A = arith.constant 0 : index
    %get3A_0 = arith.constant 0 : index
    %get3A_1 = vector.load %arg5[%get3A, %get3A_0] : memref<256x8xf32, #tpu.memory_space<vmem>>, vector<256x1xf32>
    %get3A_2 = arith.constant 0 : index
    %get3A_3 = arith.constant 0 : index
    %get3A_4 = arith.constant 0 : index
    %get3A_5 = vector.load %arg1[%get3A_2, %get3A_3, %get3A_4] : memref<2x256x128xf32, #tpu.memory_space<vmem>>, vector<1x256x128xf32>
    %get3A_6 = vector.shape_cast %get3A_5 : vector<1x256x128xf32> to vector<256x128xf32>
    %get3A_7 = arith.constant 1 : index
    %get3A_8 = arith.constant 0 : index
    %get3A_9 = arith.constant 0 : index
    %get3A_10 = vector.load %arg1[%get3A_7, %get3A_8, %get3A_9] : memref<2x256x128xf32, #tpu.memory_space<vmem>>, vector<1x256x128xf32>
    %get3A_11 = vector.shape_cast %get3A_10 : vector<1x256x128xf32> to vector<256x128xf32>
    %concatenate3A = tpu.concatenate %get3A_6, %get3A_11 in 1 : vector<256x128xf32>, vector<256x128xf32> -> vector<256x256xf32>
    %get3A_12 = arith.constant 0 : index
    %get3A_13 = arith.constant 0 : index
    %get3A_14 = arith.constant 0 : index
    %get3A_15 = vector.load %arg2[%get3A_12, %get3A_13, %get3A_14] : memref<2x256x128xf32, #tpu.memory_space<vmem>>, vector<1x256x128xf32>
    %get3A_16 = vector.shape_cast %get3A_15 : vector<1x256x128xf32> to vector<256x128xf32>
    %get3A_17 = arith.constant 1 : index
    %get3A_18 = arith.constant 0 : index
    %get3A_19 = arith.constant 0 : index
    %get3A_20 = vector.load %arg2[%get3A_17, %get3A_18, %get3A_19] : memref<2x256x128xf32, #tpu.memory_space<vmem>>, vector<1x256x128xf32>
    %get3A_21 = vector.shape_cast %get3A_20 : vector<1x256x128xf32> to vector<256x128xf32>
    %concatenate3A_22 = tpu.concatenate %get3A_16, %get3A_21 in 1 : vector<256x128xf32>, vector<256x128xf32> -> vector<256x256xf32>
    %mul3A = vector.broadcast %get3A_1 : vector<256x1xf32> to vector<256x256xf32>
    %mul3A_23 = arith.mulf %concatenate3A_22, %mul3A : vector<256x256xf32>
    %get3A_24 = arith.constant 0 : index
    %get3A_25 = arith.constant 0 : index
    %get3A_26 = arith.constant 0 : index
    %get3A_27 = vector.load %arg3[%get3A_24, %get3A_25, %get3A_26] : memref<2x256x128xf32, #tpu.memory_space<vmem>>, vector<1x256x128xf32>
    %get3A_28 = vector.shape_cast %get3A_27 : vector<1x256x128xf32> to vector<256x128xf32>
    %get3A_29 = arith.constant 1 : index
    %get3A_30 = arith.constant 0 : index
    %get3A_31 = arith.constant 0 : index
    %get3A_32 = vector.load %arg3[%get3A_29, %get3A_30, %get3A_31] : memref<2x256x128xf32, #tpu.memory_space<vmem>>, vector<1x256x128xf32>
    %get3A_33 = vector.shape_cast %get3A_32 : vector<1x256x128xf32> to vector<256x128xf32>
    %concatenate3A_34 = tpu.concatenate %get3A_28, %get3A_33 in 1 : vector<256x128xf32>, vector<256x128xf32> -> vector<256x256xf32>
    %mul3A_35 = vector.broadcast %get3A_1 : vector<256x1xf32> to vector<256x256xf32>
    %mul3A_36 = arith.mulf %concatenate3A_34, %mul3A_35 : vector<256x256xf32>
    %get3A_37 = arith.constant 0 : index
    %get3A_38 = arith.constant 0 : index
    %get3A_39 = arith.constant 0 : index
    %get3A_40 = vector.load %arg4[%get3A_37, %get3A_38, %get3A_39] : memref<2x256x128xf32, #tpu.memory_space<vmem>>, vector<1x256x128xf32>
    %get3A_41 = vector.shape_cast %get3A_40 : vector<1x256x128xf32> to vector<256x128xf32>
    %get3A_42 = arith.constant 1 : index
    %get3A_43 = arith.constant 0 : index
    %get3A_44 = arith.constant 0 : index
    %get3A_45 = vector.load %arg4[%get3A_42, %get3A_43, %get3A_44] : memref<2x256x128xf32, #tpu.memory_space<vmem>>, vector<1x256x128xf32>
    %get3A_46 = vector.shape_cast %get3A_45 : vector<1x256x128xf32> to vector<256x128xf32>
    %concatenate3A_47 = tpu.concatenate %get3A_41, %get3A_46 in 1 : vector<256x128xf32>, vector<256x128xf32> -> vector<256x256xf32>
    %mul3A_48 = vector.broadcast %get3A_1 : vector<256x1xf32> to vector<256x256xf32>
    %mul3A_49 = arith.mulf %concatenate3A_47, %mul3A_48 : vector<256x256xf32>
    %concatenate3A_50 = tpu.concatenate %concatenate3A, %mul3A_23, %mul3A_36, %mul3A_49 in 1 : vector<256x256xf32>, vector<256x256xf32>, vector<256x256xf32>, vector<256x256xf32> -> vector<256x1024xf32>
    %get3A_51 = arith.constant 0 : index
    %get3A_52 = arith.constant 0 : index
    %get3A_53 = vector.load %arg6[%get3A_51, %get3A_52] : memref<1024x256xf32, #tpu.memory_space<vmem>>, vector<1024x256xf32>
    %dot_general3A = arith.constant dense<0.000000e+00> : vector<256x256xf32>
    %dot_general3A_54 = tpu.matmul %concatenate3A_50, %get3A_53, %dot_general3A {dimension_numbers = #tpu.dot_dimension_numbers<[1], [0], [0], [1], [0, 0, 1, 1], [], []>, transpose_lhs_hint = false} : vector<256x1024xf32>, vector<1024x256xf32>, vector<256x256xf32> -> vector<256x256xf32>
    %get3A_55 = arith.constant 0 : index
    %get3A_56 = arith.constant 0 : index
    %get3A_57 = vector.load %arg7[%get3A_55, %get3A_56] : memref<1x256xf32, #tpu.memory_space<vmem>>, vector<1x256xf32>
    %add3A = vector.broadcast %get3A_57 : vector<1x256xf32> to vector<256x256xf32>
    %add3A_58 = arith.addf %dot_general3A_54, %add3A : vector<256x256xf32>
    %max3A = arith.constant 0.000000e+00 : f32
    %max3A_59 = vector.broadcast %max3A : f32 to vector<256x256xf32>
    %max3A_60 = arith.maximumf %add3A_58, %max3A_59 : vector<256x256xf32>
    %get3A_61 = arith.constant 0 : index
    %get3A_62 = arith.constant 0 : index
    %get3A_63 = vector.load %arg8[%get3A_61, %get3A_62] : memref<256x1xf32, #tpu.memory_space<vmem>>, vector<256x1xf32>
    %dot_general3A_64 = arith.constant dense<0.000000e+00> : vector<256x1xf32>
    %dot_general3A_65 = tpu.matmul %max3A_60, %get3A_63, %dot_general3A_64 {dimension_numbers = #tpu.dot_dimension_numbers<[1], [0], [0], [1], [0, 0, 1, 1], [], []>, transpose_lhs_hint = false} : vector<256x256xf32>, vector<256x1xf32>, vector<256x1xf32> -> vector<256x1xf32>
    %get3A_66 = arith.constant 0 : index
    %get3A_67 = arith.constant 0 : index
    %get3A_68 = vector.load %arg9[%get3A_66, %get3A_67] : memref<1x1xf32, #tpu.memory_space<vmem>>, vector<1x1xf32>
    %add3A_69 = vector.broadcast %get3A_68 : vector<1x1xf32> to vector<256x1xf32>
    %add3A_70 = arith.addf %dot_general3A_65, %add3A_69 : vector<256x1xf32>
    %logistic3A = arith.negf %add3A_70 : vector<256x1xf32>
    %logistic3A_71 = math.exp %logistic3A : vector<256x1xf32>
    %logistic3A_72 = arith.constant 1.000000e+00 : f32
    %logistic3A_73 = vector.broadcast %logistic3A_72 : f32 to vector<256x1xf32>
    %logistic3A_74 = arith.addf %logistic3A_73, %logistic3A_71 : vector<256x1xf32>
    %logistic3A_75 = arith.divf %logistic3A_73, %logistic3A_74 : vector<256x1xf32>
    %swap3A = arith.constant 0 : index
    %swap3A_76 = arith.constant 0 : index
    %swap3A_77 = vector.load %arg10[%swap3A, %swap3A_76] : memref<256x1xf32, #tpu.memory_space<vmem>>, vector<256x1xf32>
    tpu.vector_store %arg10[%swap3A, %swap3A_76], %logistic3A_75 {strides = array<i32>} : memref<256x1xf32, #tpu.memory_space<vmem>>, vector<256x1xf32>,
    return
  }
  func.func @transform_0(%arg0: i32) -> (i32, i32, i32) {
    %c0_i32 = arith.constant 0 : i32
    %c0_i32_0 = arith.constant 0 : i32
    %c0_i32_1 = arith.constant 0 : i32
    return %c0_i32, %arg0, %c0_i32_0 : i32, i32, i32
  }
  func.func @transform_1(%arg0: i32) -> (i32, i32, i32) {
    %c0_i32 = arith.constant 0 : i32
    %c0_i32_0 = arith.constant 0 : i32
    %c0_i32_1 = arith.constant 0 : i32
    return %c0_i32, %arg0, %c0_i32_0 : i32, i32, i32
  }
  func.func @transform_2(%arg0: i32) -> (i32, i32, i32) {
    %c0_i32 = arith.constant 0 : i32
    %c0_i32_0 = arith.constant 0 : i32
    %c0_i32_1 = arith.constant 0 : i32
    return %c0_i32, %arg0, %c0_i32_0 : i32, i32, i32
  }
  func.func @transform_3(%arg0: i32) -> (i32, i32, i32) {
    %c0_i32 = arith.constant 0 : i32
    %c0_i32_0 = arith.constant 0 : i32
    %c0_i32_1 = arith.constant 0 : i32
    return %c0_i32, %arg0, %c0_i32_0 : i32, i32, i32
  }
  func.func @transform_4(%arg0: i32) -> (i32, i32) {
    %c0_i32 = arith.constant 0 : i32
    %c0_i32_0 = arith.constant 0 : i32
    return %arg0, %c0_i32 : i32, i32
  }
  func.func @transform_5(%arg0: i32) -> (i32, i32) {
    %c0_i32 = arith.constant 0 : i32
    %c0_i32_0 = arith.constant 0 : i32
    %c0_i32_1 = arith.constant 0 : i32
    return %c0_i32, %c0_i32_0 : i32, i32
  }
  func.func @transform_6(%arg0: i32) -> (i32, i32) {
    %c0_i32 = arith.constant 0 : i32
    %c0_i32_0 = arith.constant 0 : i32
    %c0_i32_1 = arith.constant 0 : i32
    return %c0_i32, %c0_i32_0 : i32, i32
  }
  func.func @transform_7(%arg0: i32) -> (i32, i32) {
    %c0_i32 = arith.constant 0 : i32
    %c0_i32_0 = arith.constant 0 : i32
    %c0_i32_1 = arith.constant 0 : i32
    return %c0_i32, %c0_i32_0 : i32, i32
  }
  func.func @transform_8(%arg0: i32) -> (i32, i32) {
    %c0_i32 = arith.constant 0 : i32
    %c0_i32_0 = arith.constant 0 : i32
    %c0_i32_1 = arith.constant 0 : i32
    return %c0_i32, %c0_i32_0 : i32, i32
  }
  func.func @transform_9(%arg0: i32) -> (i32, i32) {
    %c0_i32 = arith.constant 0 : i32
    %c0_i32_0 = arith.constant 0 : i32
    return %arg0, %c0_i32 : i32, i32
  }
}

</mosaic_0001>

<sc_bundles>
// kernel: kernel.22.cloned.1.call-start
scs
__scs_entry_jumppad:
0x0: {  	(pc) =	sbr.rel $0x88, $3  }
0x1: {  	(tag) =	ssettag $0x0;
	lr =	simm.s32 $0x1  }
0x2: {  	[smem:$0x3F97] =	sst lr;
	_ =	strace $0xD0000000  }
0x3: {  	_ = 	snop  }
0x4: {  	_ = 	snop  }
0x5: {  	_ = 	snop  }
0x6: {  	_ = 	snop  }
0x7: {  	_ = 	snop  }
__scs_overlays_trampoline_lowered:
0x8: {  	[smem:$0x3FA6] =	sst s0  }
0x9: {  	[smem:$0x3FA7] =	sst s1  }
0xa: {  	[smem:$0x3FA8] =	sst s2  }
0xb: {  	[smem:$0x3FA9] =	sst s3  }
0xc: {  	[smem:$0x3FAA] =	sst s4  }
0xd: {  	[smem:$0x3FAB] =	sst s5  }
0xe: {  	[smem:$0x3FAC] =	sst s6  }
0xf: {  	[smem:$0x3FAD] =	sst s7  }
0x10: {  	[smem:$0x3FAE] =	sst s8  }
0x11: {  	[smem:$0x3FAF] =	sst s9;
	s0 =	simm.s32 @!p0 $0x0  }
0x12: {  	s1 =	sld [smem:$0x3F95];
	s0 =	simm.s32 @p0 $0x1  }
0x13: {  	[smem:$0x3FB0] =	sst s0;
	s0 =	simm.s32 @!p1 $0x0  }
0x14: {  	s2 =	sld [smem:$0x3F94];
	s0 =	simm.s32 @p1 $0x1  }
0x15: {  	[smem:$0x3FB1] =	sst s0;
	s0 =	simm.s32 @!p2 $0x0  }
0x16: {  	s3 =	sld [smem:$0x3FDB];
	s0 =	simm.s32 @p2 $0x1  }
0x17: {  	s4 =	simm.s32 $0x1BF5;
	[smem:$0x3FB3] =	sst s0  }
0x18: {  	s0 =	sld [smem:$0x3F96];
	_ =	swait.ge [sflag:s4], $0x0  }
0x19: {  	s7 =	sld [smem:$0x3F97]  }
0x1a: {  	s8 =	sadd.s32 $0xFFFFE003, lr  }
0x1b: {  	s9 =	sadd.s32 $0xFFFFFEF7, lr;
	s5 =	simm.s32 $0xFFFFFFFF;
	p2 =	slt.u32 s8, $0xFFFFF086  }
0x1c: {  	p1 =	slt.u32 s9, $0xF7A;
	s5 =	simm.s32 @!p2 $0x0  }
0x1d: {  	s5 =	simm.s32 @p1 $0x1;
	p0 =	seq.s32 s7, s2  }
0x1e: {  	s7 =	smul.u32 @!p0 $0xF7A, s2;
	p2 =	seq.s32 @!p0 s5, $0x0  }
0x1f: {  	s9 =	smul.u32 $0xF7A, s1;
	s8 =	simm.s32 @!p0 $0x1BF5;
	p2 =	por !p2, p0  }
0x20: {  	[sflag:s8] =	ssyncset.s32 @!p0 $0xFFFFF086;
	s6 =	sadd.s32 @!p0 s3, s7;
	s7 =	simm.s32 @!p0 $0x108  }
0x21: {  	s3 =	sadd.s32 s3, s9;
	s6 =	sadd.s32 @!p0 $0x88, s6;
	s7 =	simm.s32 @p2 $0x1082  }
0x22: {  	[simem:s7], [sflag:s8] =	dma.local @!p0 [hbm:s6], $0xF7A  }
0x23: {  	s9 =	sor.u32 $0xD0000000, s2;
	s6 =	simm.s32 $0x108;
	_ =	swait.ge @!p0 [sflag:s8], $0x0  }
0x24: {  	s3 =	sadd.s32 $0x88, s3;
	s6 =	simm.s32 @!p1 $0x1082;
	[sflag:s4] =	ssyncset.s32 $0xFFFFF086  }
0x25: {  	[simem:s6], [sflag:s4] =	dma.local [hbm:s3], $0xF7A  }
0x26: {  	[smem:$0x3F97] =	sst s1;
	(tag) =	ssettag s2;
	_ =	strace s9  }
0x27: {  	s1 =	sld [smem:$0x3FA7]  }
0x28: {  	s2 =	sld [smem:$0x3FA8]  }
0x29: {  	s4 =	sld [smem:$0x3FAA]  }
0x2a: {  	p0 =	seq.s32 s5, $0x0;
	s5 =	sld [smem:$0x3FAB]  }
0x2b: {  	s6 =	sld [smem:$0x3FAC]  }
0x2c: {  	s7 =	sld [smem:$0x3FAD]  }
0x2d: {  	s3 =	simm.s32 $0x108;
	s8 =	sld [smem:$0x3FAE]  }
0x2e: {  	s3 =	simm.s32 @!p0 $0x1082;
	s9 =	sld [smem:$0x3FAF]  }
0x2f: {  	lr =	sadd.s32 s0, s3;
	s0 =	sld [smem:$0x3FA6]  }
0x30: {  	s3 =	sld [smem:$0x3FA9]  }
0x31: {  	[smem:$0x3FB2] =	sst s10  }
0x32: {  	s10 =	sld [smem:$0x3FB0];
	_ =	sdelay $0x3  }
0x33: {  	p0 =	seq.s32 s10, $0x1;
	s10 =	sld [smem:$0x3FB2];
	_ =	sdelay $0x3  }
0x34: {  	[smem:$0x3FB2] =	sst s10  }
0x35: {  	s10 =	sld [smem:$0x3FB1];
	_ =	sdelay $0x3  }
0x36: {  	p1 =	seq.s32 s10, $0x1;
	s10 =	sld [smem:$0x3FB2];
	_ =	sdelay $0x3  }
0x37: {  	[smem:$0x3FB2] =	sst s10  }
0x38: {  	s10 =	sld [smem:$0x3FB3]  }
0x39: {  	_ = 	snop;
	(pc) =	sbr.ind lr, $3  }
0x3a: {  	_ = 	snop  }
0x3b: {  	_ = 	snop  }
0x3c: {  	p2 =	seq.s32 s10, $0x1;
	s10 =	sld [smem:$0x3FB2]  }
0x3d: {  	_ =	shalt  }
0x3e: {  	_ =	shalt  }
0x3f: {  	_ =	shalt  }
0x40: {  	_ =	shalt  }
0x41: {  	_ =	shalt  }
0x42: {  	_ =	shalt  }
0x43: {  	_ =	shalt  }
0x44: {  	_ =	shalt  }
0x45: {  	_ =	shalt  }
0x46: {  	_ =	shalt  }
0x47: {  	_ =	shalt  }
0x48: {  	_ =	shalt  }
0x49: {  	_ =	shalt  }
0x4a: {  	_ =	shalt  }
0x4b: {  	_ =	shalt  }
0x4c: {  	_ =	shalt  }
0x4d: {  	_ =	shalt  }
0x4e: {  	_ =	shalt  }
0x4f: {  	_ =	shalt  }
0x50: {  	_ =	shalt  }
0x51: {  	_ =	shalt  }
0x52: {  	_ =	shalt  }
0x53: {  	_ =	shalt  }
0x54: {  	_ =	shalt  }
0x55: {  	_ =	shalt  }
0x56: {  	_ =	shalt  }
0x57: {  	_ =	shalt  }
0x58: {  	_ =	shalt  }
0x59: {  	_ =	shalt  }
0x5a: {  	_ =	shalt  }
0x5b: {  	_ =	shalt  }
0x5c: {  	_ =	shalt  }
0x5d: {  	_ =	shalt  }
0x5e: {  	_ =	shalt  }
0x5f: {  	_ =	shalt  }
0x60: {  	_ =	shalt  }
0x61: {  	_ =	shalt  }
0x62: {  	_ =	shalt  }
0x63: {  	_ =	shalt  }
0x64: {  	_ =	shalt  }
0x65: {  	_ =	shalt  }
0x66: {  	_ =	shalt  }
0x67: {  	_ =	shalt  }
0x68: {  	_ =	shalt  }
0x69: {  	_ =	shalt  }
0x6a: {  	_ =	shalt  }
0x6b: {  	_ =	shalt  }
0x6c: {  	_ =	shalt  }
0x6d: {  	_ =	shalt  }
0x6e: {  	_ =	shalt  }
0x6f: {  	_ =	shalt  }
0x70: {  	_ =	shalt  }
0x71: {  	_ =	shalt  }
0x72: {  	_ =	shalt  }
0x73: {  	_ =	shalt  }
0x74: {  	_ =	shalt  }
0x75: {  	_ =	shalt  }
0x76: {  	_ =	shalt  }
0x77: {  	_ =	shalt  }
0x78: {  	_ =	shalt  }
0x79: {  	_ =	shalt  }
0x7a: {  	_ =	shalt  }
0x7b: {  	_ =	shalt  }
0x7c: {  	_ =	shalt  }
0x7d: {  	_ =	shalt  }
0x7e: {  	_ =	shalt  }
0x7f: {  	_ =	shalt  }
0x80: {  	_ =	shalt  }
0x81: {  	_ =	shalt  }
0x82: {  	_ =	shalt  }
0x83: {  	_ =	shalt  }
0x84: {  	_ =	shalt  }
0x85: {  	_ =	shalt  }
0x86: {  	_ =	shalt  }
0x87: {  	_ =	shalt  }
.Lfunc_end0:
.L_simem_size_0:
called_computation_lowered:
.L_overlay_start_0:
0x88: {  	s2 =	sld [smem:$0x3FD9]  }
0x89: {  	s3 =	sld [smem:$0x3FFE];
	_ =	sdelay $0x1  }
0x8a: {  	s1 =	srdreg.scid  }
0x8b: {  	s0 =	sand.u32 $0x1, s1  }
0x8c: {  	s16 =	sshll.u32 s0, $0xA;
	s2 =	sadd.s32 s3, s2  }
0x8d: {  	s2 =	sadd.s32 s2, s16  }
0x8e: {  	[smem:$0x3FBE] =	sst s2  }
0x8f: {  	_ = 	snop  }
0x90: {  	(tm) =	ssettm $0x1  }
0x91: {  	s17 =	sld [smem:$0x3FFB];
	_ =	sdelay $0x3  }
0x92: {  	_ =	strace s17  }
0x93: {  	s2 =	sld [smem:$0x3FFC];
	_ =	sdelay $0x3  }
0x94: {  	_ =	strace s2  }
0x95: {  	s2 =	sld [smem:$0x3FFD];
	_ =	sdelay $0x3  }
0x96: {  	_ =	strace s2  }
0x97: {  	_ =	strace $0x8FFFFFFF  }
0x98: {  	s18 =	sld [smem:$0x3FDB];
	_ =	sdelay $0x1  }
0x99: {  	s19 =	simm.s32 $_scs_section_size  }
0x9a: {  	s4 =	simm.s32 $_size__tile_overlayer_lowered;
	s5 =	simm.s32 $_tile_overlayer_lowered  }
0x9b: {  	s22 =	simm.s32 $0x1BFF;
	s21 =	sshll.u32 s5, $0x1;
	s2 =	sadd.s32 s19, s18  }
0x9c: {  	s6 =	simm.s32 $0x0;
	s20 =	sshll.u32 s4, $0x1;
	s4 =	sadd.s32 s21, s2  }
0x9d: {  	[timem:s6], [sflag:s22] =	dma.local [hbm:s4], s20  }
0x9e: {  	_ =	swait.ge [sflag:s22], s20  }
0x9f: {  	s3 =	ssub.s32 $0x0, s20;
	[sflag:s22] =	ssyncset.done $0x0  }
0xa0: {  	[sflag:s22] =	ssyncadd.s32 s3;
	_ =	sdelay $0x1  }
0xa1: {  	s23 =	simm.s32 $0x1B8B  }
0xa2: {  	_ =	swait.ge [sflag:s23], $0x1  }
0xa3: {  	[sflag:s23] =	ssyncset.done $0x0  }
0xa4: {  	s25 =	simm.s32 $0x1B8E;
	s24 =	sld [smem:$0x3FFE];
	[sflag:s23] =	ssyncadd.s32 $0xFFFFFFFF  }
0xa5: {  	s26 =	simm.s32 $execute0_lowered;
	[smem:$0x3FD2] =	sst s25  }
0xa6: {  	s4 =	sshll.u32 s26, $0x1;
	_ =	strace $0x80000046;
	[dreg:$0x1] =	wrdreg $0xFFFFFFFF  }
0xa7: {  	s28 =	simm.s32 $_size_execute0_lowered;
	s2 =	sadd.s32 s2, s4;
	[dreg:$0x0] =	wrdreg $0x0  }
0xa8: {  	s4 =	sshll.u32 s28, $0x1;
	[dreg:$0x2] =	wrdreg s2  }
0xa9: {  	[dreg:$0x3] =	wrdreg s4  }
0xaa: {  	[dreg:$0x4] =	wrdreg $0xC0  }
0xab: {  	_ =	task [dreg:s6], $0x5FFFF  }
0xac: {  	[dreg:$0x1] =	wrdreg $0xFFFFFFFF  }
0xad: {  	[dreg:$0x0] =	wrdreg $0x60  }
0xae: {  	[dreg:$0x2] =	wrdreg s24  }
0xaf: {  	[dreg:$0x3] =	wrdreg $0x54000  }
0xb0: {  	[dreg:$0x4] =	wrdreg $0x9  }
0xb1: {  	_ =	task.clear_ibuf [dreg:s6], $0x5FFFF;
	_ =	strace $0x90000046  }
0xb2: {  	s29 =	simm.s32 $0x9;
	_ =	strace $0x80000048  }
0xb3: {  	_ =	swait.ge [sflag:s29], $0x1  }
0xb4: {  	[sflag:s29] =	ssyncadd.s32 $0xFFFFFFFF  }
0xb5: {  	_ =	strace $0x90000048  }
0xb6: {  	_ =	sfence  }
0xb7: {  	s30 =	sld [smem:$0x0];
	_ =	sdelay $0x2  }
0xb8: {  	s31 =	sshll.u32 s1, $0xD;
	s1 =	sshrl.u32 s1, $0x2  }
0xb9: {  	s3 =	sand.u32 $0x4000, s31;
	s1 =	sadd.s32 s1, s30  }
0xba: {  	s0 =	sor.u32 s3, s0;
	s1 =	sshll.u32 s1, $0x11  }
0xbb: {  	s0 =	sor.u32 s1, s0  }
0xbc: {  	s0 =	sadd.s32 $0x8F2B, s0  }
0xbd: {  	[sflag:s0] =	ssyncadd.remote.s32 $0x1  }
0xbe: {  	_ =	sfence.sel $0xFFFF  }
0xbf: {  	[dreg:$0x0] =	wrdreg $0xFFFFFFFF;
	(pc) =	sbr.abs _section_cstart, $3  }
0xc0: {  	[dreg:$0x1] =	wrdreg $0xFFFFFFFF  }
0xc1: {  	_ =	task.clear_ibuf [dreg:s6], $0x2FFFF;
	_ =	strace $0x9FFFFFFF  }
0xc2: {  	(tm) =	ssettm $0x7FFFFFFF  }
0xc3: {  	_ =	shalt  }
tec
execute0_lowered:
.L_overlay_start_1:
0x0: {  	(tag) =	ssettag $0x1  }
0x1: {  	s6 =	rddreg [dreg:$0x0]  }
0x2: {  	s0 =	srdreg.scid;
	s2 =	rddreg [dreg:$0x1]  }
0x3: {  	s1 =	rddreg [dreg:$0x2];
	s7 =	sand.u32 $0x1, s0  }
0x4: {  	s0 =	stileid.u32;
	s4 =	smul.u32 $0x14000, s7  }
0x5: {  	s3 =	simm.s32 $0x0;
	s13 =	simm.s32 $0x80;
	s5 =	smul.u32 $0x1400, s0  }
0x6: {  	s14 =	simm.s32 $0x0;
	[smem:$0x7FF] =	sst s3;
	s8 =	smul.u32 $0x140000, s7  }
0x7: {  	s9 =	smul.u32 $0x14000, s0;
	_ =	strace $0x80000047;
	s7 =	ssub.s32 $0x2, s7  }
0x8: {  	s29 =	smul.u32 $0x50000, s0;
	s31 =	sshll.u32 s0, $0x6;
	s30 =	sshrl.u32 s7, $0x1  }
0x9: {  	s5 =	sadd.s32 s5, s4;
	s4 =	sadd.s32 $0xE000, s6;
	s8 =	sadd.s32 s9, s8  }
0xa: {  	s9 =	sshrl.u32 s29, $0x2;
	s11 =	ssub.s32 s7, s30;
	s5 =	sshrl.u32 s5, $0x3  }
0xb: {  	s8 =	sshrl.u32 s8, $0x3;
	s12 =	sadd.s32 s9, s2;
	s9 =	simm.s32 $0x1  }
0xc: {  	s10 =	sadd.s32 s5, s6;
	s5 =	sadd.s32 $0xB800, s6;
	s8 =	sadd.s32 s8, s6  }
0xd: {  	s12 =	sshrl.u32 s12, $0x3;
	s6 =	sadd.s32 $0x6800, s10;
	s7 =	sadd.s32 $0xE800, s8  }
0xe: {  	s8 =	smax.u32 s11, $0x1;
	s10 =	simm.s32 $0x1400;
	s11 =	sor.u32 $0x1C01, s31  }
.LBB2_1:
0xf: {  	[tilespmem:s3], [sflag:$0x1] =	stream.linear.gather [hbm4b:s6+s3], $0x1400, $0x38;
	[tilespmem:$0x19400] =	vst v63  }
0x10: {  	_ =	swait.ge [sflag:s9], $0x1400  }
0x11: {  	[sflag:s9] =	ssyncset.done $0x0  }
0x12: {  	[sflag:s9] =	ssyncadd.s32 $0xFFFFEC00  }
0x13: {  	[tilespmem:s10], [sflag:$0x1] =	stream.linear.gather [hbm4b:s4+s3], $0x4000, $0x38;
	[tilespmem:$0x19400] =	vst v63  }
0x14: {  	_ =	swait.ge [sflag:s9], $0x4000  }
0x15: {  	[sflag:s9] =	ssyncset.done $0x0  }
0x16: {  	[sflag:s9] =	ssyncadd.s32 $0xFFFFC000  }
0x17: {  	[spmem:s12], [sflag:s11] =	dma.local [hbm:s5], $0x2800  }
0x18: {  	_ =	swait.ge [sflag:s9], $0x2800  }
0x19: {  	[sflag:s9] =	ssyncset.done $0x0  }
0x1a: {  	[sflag:s9] =	ssyncadd.s32 $0xFFFFD800  }
0x1b: {  	s15 =	simm.s32 $0x0;
	[bflag:$0x0] =	sbarrier.arrive $0xFFFF  }
0x1c: {  	[spmem:s2] =	stream.indirect.scatter.add.f32 [tilespmem:s10], [sflag:$0x1], $0x80, s15, s13, $0xb8;
	[tilespmem:$0x19400] =	vst v63  }
0x1d: {  	_ =	swait.ge [sflag:s9], $0x4000  }
0x1e: {  	s15 =	simm.s32 $0x200;
	[sflag:s9] =	ssyncset.done $0x0  }
.LBB2_2:
0x1f: {  	s16 =	sshra.s32 s15, $0x2;
	[sflag:s9] =	ssyncadd.s32 $0xFFFFC000;
	p0 =	sne.s32 s15, $0x4E00  }
0x20: {  	[spmem:s2] =	stream.indirect.scatter.add.f32 [tilespmem:s10], [sflag:$0x1], $0x80, s16, s13, $0xb8;
	[tilespmem:$0x19400] =	vst v63  }
.Ltmp0:
0x21: {  	_ = 	snop;
	(pc) =	sbr.rel @p0 .LBB2_2-.Ltmp0, $4  }
0x22: {  	_ = 	snop  }
0x23: {  	s15 =	sadd.s32 $0x200, s15  }
0x24: {  	_ =	swait.ge [sflag:s9], $0x4000  }
0x25: {  	[sflag:s9] =	ssyncset.done $0x0  }
0x26: {  	s14 =	sadd.s32 $0x1, s14  }
0x27: {  	[sflag:s9] =	ssyncadd.s32 $0xFFFFC000;
	p0 =	sne.s32 s14, s8  }
.Ltmp1:
0x28: {  	[bflag:$0x0] =	sbarrier.arrive $0xFFFF;
	(pc) =	sbr.rel @p0 .LBB2_1-.Ltmp1, $4  }
0x29: {  	[hbm:s7], [sflag:s11] =	dma.local [spmem:s12], $0x2800  }
0x2a: {  	_ =	swait.ge [sflag:s9], $0x2800  }
0x2b: {  	[sflag:s9] =	ssyncset.done $0x0  }
0x2c: {  	[sflag:s9] =	ssyncadd.s32 $0xFFFFD800  }
0x2d: {  	_ =	sfence.sel $0x180000  }
0x2e: {  	[bflag:$0x0] =	sbarrier.arrive $0xFFFF  }
0x2f: {  	p0 =	sne.s32 s0, $0x0;
	_ =	strace $0x90000047  }
0x30: {  	s0 =	sadd.s32 @!p0 $0x100000, s1;
	[bflag:$0x2] =	sbarrier.arrive $0xFFFF  }
0x31: {  	[sflag:s0] =	ssyncadd.tile.s32 @!p0 $0x1;
	_ =	shalt  }
.Lfunc_end2:
_tile_overlayer_lowered:
.L_overlay_start_2:
0x32: {  	(tag) =	ssettag $0x2  }
0x33: {  	s0 =	rddreg [dreg:$0x0];
	s2 =	stileid.u32  }
0x34: {  	s1 =	rddreg [dreg:$0x1];
	p0 =	sne.s32 s2, $0x0  }
0x35: {  	s3 =	rddreg [dreg:$0x2];
	[bflag:$0x3] =	sbarrier.arrive $0xFFFF;
	s2 =	simm.s32 @!p0 $0x1C01  }
0x36: {  	[timem:s3], [sflag:s2] =	dma.local @!p0 [hbm:s0], s1  }
0x37: {  	s0 =	simm.s32 @!p0 $0x1  }
0x38: {  	_ =	swait.ge @!p0 [sflag:s0], s1  }
0x39: {  	s1 =	ssub.s32 @!p0 $0x0, s1;
	[sflag:s0] =	ssyncset.done @!p0 $0x0  }
0x3a: {  	[sflag:s0] =	ssyncadd.s32 @!p0 s1  }
0x3b: {  	[bflag:$0x3] =	sbarrier.arrive $0xFFFF  }
0x3c: {  	_ =	shalt  }

// kernel: kernel.25.cloned.1.call-start
scs
__scs_entry_jumppad:
0x0: {  	(pc) =	sbr.rel $0x88, $3  }
0x1: {  	(tag) =	ssettag $0x0;
	lr =	simm.s32 $0x1  }
0x2: {  	[smem:$0x3F97] =	sst lr;
	_ =	strace $0xD0000000  }
0x3: {  	_ = 	snop  }
0x4: {  	_ = 	snop  }
0x5: {  	_ = 	snop  }
0x6: {  	_ = 	snop  }
0x7: {  	_ = 	snop  }
__scs_overlays_trampoline_lowered:
0x8: {  	[smem:$0x3FA6] =	sst s0  }
0x9: {  	[smem:$0x3FA7] =	sst s1  }
0xa: {  	[smem:$0x3FA8] =	sst s2  }
0xb: {  	[smem:$0x3FA9] =	sst s3  }
0xc: {  	[smem:$0x3FAA] =	sst s4  }
0xd: {  	[smem:$0x3FAB] =	sst s5  }
0xe: {  	[smem:$0x3FAC] =	sst s6  }
0xf: {  	[smem:$0x3FAD] =	sst s7  }
0x10: {  	[smem:$0x3FAE] =	sst s8  }
0x11: {  	[smem:$0x3FAF] =	sst s9;
	s0 =	simm.s32 @!p0 $0x0  }
0x12: {  	s1 =	sld [smem:$0x3F95];
	s0 =	simm.s32 @p0 $0x1  }
0x13: {  	[smem:$0x3FB0] =	sst s0;
	s0 =	simm.s32 @!p1 $0x0  }
0x14: {  	s2 =	sld [smem:$0x3F94];
	s0 =	simm.s32 @p1 $0x1  }
0x15: {  	[smem:$0x3FB1] =	sst s0;
	s0 =	simm.s32 @!p2 $0x0  }
0x16: {  	s3 =	sld [smem:$0x3FDB];
	s0 =	simm.s32 @p2 $0x1  }
0x17: {  	s4 =	simm.s32 $0x1BF5;
	[smem:$0x3FB3] =	sst s0  }
0x18: {  	s0 =	sld [smem:$0x3F96];
	_ =	swait.ge [sflag:s4], $0x0  }
0x19: {  	s7 =	sld [smem:$0x3F97]  }
0x1a: {  	s8 =	sadd.s32 $0xFFFFE003, lr  }
0x1b: {  	s9 =	sadd.s32 $0xFFFFFEF7, lr;
	s5 =	simm.s32 $0xFFFFFFFF;
	p2 =	slt.u32 s8, $0xFFFFF086  }
0x1c: {  	p1 =	slt.u32 s9, $0xF7A;
	s5 =	simm.s32 @!p2 $0x0  }
0x1d: {  	s5 =	simm.s32 @p1 $0x1;
	p0 =	seq.s32 s7, s2  }
0x1e: {  	s7 =	smul.u32 @!p0 $0xF7A, s2;
	p2 =	seq.s32 @!p0 s5, $0x0  }
0x1f: {  	s9 =	smul.u32 $0xF7A, s1;
	s8 =	simm.s32 @!p0 $0x1BF5;
	p2 =	por !p2, p0  }
0x20: {  	[sflag:s8] =	ssyncset.s32 @!p0 $0xFFFFF086;
	s6 =	sadd.s32 @!p0 s3, s7;
	s7 =	simm.s32 @!p0 $0x108  }
0x21: {  	s3 =	sadd.s32 s3, s9;
	s6 =	sadd.s32 @!p0 $0x88, s6;
	s7 =	simm.s32 @p2 $0x1082  }
0x22: {  	[simem:s7], [sflag:s8] =	dma.local @!p0 [hbm:s6], $0xF7A  }
0x23: {  	s9 =	sor.u32 $0xD0000000, s2;
	s6 =	simm.s32 $0x108;
	_ =	swait.ge @!p0 [sflag:s8], $0x0  }
0x24: {  	s3 =	sadd.s32 $0x88, s3;
	s6 =	simm.s32 @!p1 $0x1082;
	[sflag:s4] =	ssyncset.s32 $0xFFFFF086  }
0x25: {  	[simem:s6], [sflag:s4] =	dma.local [hbm:s3], $0xF7A  }
0x26: {  	[smem:$0x3F97] =	sst s1;
	(tag) =	ssettag s2;
	_ =	strace s9  }
0x27: {  	s1 =	sld [smem:$0x3FA7]  }
0x28: {  	s2 =	sld [smem:$0x3FA8]  }
0x29: {  	s4 =	sld [smem:$0x3FAA]  }
0x2a: {  	p0 =	seq.s32 s5, $0x0;
	s5 =	sld [smem:$0x3FAB]  }
0x2b: {  	s6 =	sld [smem:$0x3FAC]  }
0x2c: {  	s7 =	sld [smem:$0x3FAD]  }
0x2d: {  	s3 =	simm.s32 $0x108;
	s8 =	sld [smem:$0x3FAE]  }
0x2e: {  	s3 =	simm.s32 @!p0 $0x1082;
	s9 =	sld [smem:$0x3FAF]  }
0x2f: {  	lr =	sadd.s32 s0, s3;
	s0 =	sld [smem:$0x3FA6]  }
0x30: {  	s3 =	sld [smem:$0x3FA9]  }
0x31: {  	[smem:$0x3FB2] =	sst s10  }
0x32: {  	s10 =	sld [smem:$0x3FB0];
	_ =	sdelay $0x3  }
0x33: {  	p0 =	seq.s32 s10, $0x1;
	s10 =	sld [smem:$0x3FB2];
	_ =	sdelay $0x3  }
0x34: {  	[smem:$0x3FB2] =	sst s10  }
0x35: {  	s10 =	sld [smem:$0x3FB1];
	_ =	sdelay $0x3  }
0x36: {  	p1 =	seq.s32 s10, $0x1;
	s10 =	sld [smem:$0x3FB2];
	_ =	sdelay $0x3  }
0x37: {  	[smem:$0x3FB2] =	sst s10  }
0x38: {  	s10 =	sld [smem:$0x3FB3]  }
0x39: {  	_ = 	snop;
	(pc) =	sbr.ind lr, $3  }
0x3a: {  	_ = 	snop  }
0x3b: {  	_ = 	snop  }
0x3c: {  	p2 =	seq.s32 s10, $0x1;
	s10 =	sld [smem:$0x3FB2]  }
0x3d: {  	_ =	shalt  }
0x3e: {  	_ =	shalt  }
0x3f: {  	_ =	shalt  }
0x40: {  	_ =	shalt  }
0x41: {  	_ =	shalt  }
0x42: {  	_ =	shalt  }
0x43: {  	_ =	shalt  }
0x44: {  	_ =	shalt  }
0x45: {  	_ =	shalt  }
0x46: {  	_ =	shalt  }
0x47: {  	_ =	shalt  }
0x48: {  	_ =	shalt  }
0x49: {  	_ =	shalt  }
0x4a: {  	_ =	shalt  }
0x4b: {  	_ =	shalt  }
0x4c: {  	_ =	shalt  }
0x4d: {  	_ =	shalt  }
0x4e: {  	_ =	shalt  }
0x4f: {  	_ =	shalt  }
0x50: {  	_ =	shalt  }
0x51: {  	_ =	shalt  }
0x52: {  	_ =	shalt  }
0x53: {  	_ =	shalt  }
0x54: {  	_ =	shalt  }
0x55: {  	_ =	shalt  }
0x56: {  	_ =	shalt  }
0x57: {  	_ =	shalt  }
0x58: {  	_ =	shalt  }
0x59: {  	_ =	shalt  }
0x5a: {  	_ =	shalt  }
0x5b: {  	_ =	shalt  }
0x5c: {  	_ =	shalt  }
0x5d: {  	_ =	shalt  }
0x5e: {  	_ =	shalt  }
0x5f: {  	_ =	shalt  }
0x60: {  	_ =	shalt  }
0x61: {  	_ =	shalt  }
0x62: {  	_ =	shalt  }
0x63: {  	_ =	shalt  }
0x64: {  	_ =	shalt  }
0x65: {  	_ =	shalt  }
0x66: {  	_ =	shalt  }
0x67: {  	_ =	shalt  }
0x68: {  	_ =	shalt  }
0x69: {  	_ =	shalt  }
0x6a: {  	_ =	shalt  }
0x6b: {  	_ =	shalt  }
0x6c: {  	_ =	shalt  }
0x6d: {  	_ =	shalt  }
0x6e: {  	_ =	shalt  }
0x6f: {  	_ =	shalt  }
0x70: {  	_ =	shalt  }
0x71: {  	_ =	shalt  }
0x72: {  	_ =	shalt  }
0x73: {  	_ =	shalt  }
0x74: {  	_ =	shalt  }
0x75: {  	_ =	shalt  }
0x76: {  	_ =	shalt  }
0x77: {  	_ =	shalt  }
0x78: {  	_ =	shalt  }
0x79: {  	_ =	shalt  }
0x7a: {  	_ =	shalt  }
0x7b: {  	_ =	shalt  }
0x7c: {  	_ =	shalt  }
0x7d: {  	_ =	shalt  }
0x7e: {  	_ =	shalt  }
0x7f: {  	_ =	shalt  }
0x80: {  	_ =	shalt  }
0x81: {  	_ =	shalt  }
0x82: {  	_ =	shalt  }
0x83: {  	_ =	shalt  }
0x84: {  	_ =	shalt  }
0x85: {  	_ =	shalt  }
0x86: {  	_ =	shalt  }
0x87: {  	_ =	shalt  }
.Lfunc_end0:
.L_simem_size_0:
called_computation.1_lowered:
.L_overlay_start_0:
0x88: {  	s2 =	sld [smem:$0x3FD9]  }
0x89: {  	s3 =	sld [smem:$0x3FFE];
	_ =	sdelay $0x1  }
0x8a: {  	s1 =	srdreg.scid  }
0x8b: {  	s0 =	sand.u32 $0x1, s1  }
0x8c: {  	s16 =	sshll.u32 s0, $0xA;
	s2 =	sadd.s32 s3, s2  }
0x8d: {  	s2 =	sadd.s32 s2, s16  }
0x8e: {  	[smem:$0x3FBE] =	sst s2  }
0x8f: {  	_ = 	snop  }
0x90: {  	(tm) =	ssettm $0x1  }
0x91: {  	s17 =	sld [smem:$0x3FFB];
	_ =	sdelay $0x3  }
0x92: {  	_ =	strace s17  }
0x93: {  	s2 =	sld [smem:$0x3FFC];
	_ =	sdelay $0x3  }
0x94: {  	_ =	strace s2  }
0x95: {  	s2 =	sld [smem:$0x3FFD];
	_ =	sdelay $0x3  }
0x96: {  	_ =	strace s2  }
0x97: {  	_ =	strace $0x8FFFFFFF  }
0x98: {  	s18 =	sld [smem:$0x3FDB];
	_ =	sdelay $0x1  }
0x99: {  	s19 =	simm.s32 $_scs_section_size  }
0x9a: {  	s4 =	simm.s32 $_size__tile_overlayer_lowered;
	s5 =	simm.s32 $_tile_overlayer_lowered  }
0x9b: {  	s22 =	simm.s32 $0x1BFF;
	s21 =	sshll.u32 s5, $0x1;
	s2 =	sadd.s32 s19, s18  }
0x9c: {  	s6 =	simm.s32 $0x0;
	s20 =	sshll.u32 s4, $0x1;
	s4 =	sadd.s32 s21, s2  }
0x9d: {  	[timem:s6], [sflag:s22] =	dma.local [hbm:s4], s20  }
0x9e: {  	_ =	swait.ge [sflag:s22], s20  }
0x9f: {  	s3 =	ssub.s32 $0x0, s20;
	[sflag:s22] =	ssyncset.done $0x0  }
0xa0: {  	[sflag:s22] =	ssyncadd.s32 s3;
	_ =	sdelay $0x1  }
0xa1: {  	s23 =	simm.s32 $0x1B8B  }
0xa2: {  	_ =	swait.ge [sflag:s23], $0x1  }
0xa3: {  	[sflag:s23] =	ssyncset.done $0x0  }
0xa4: {  	s25 =	simm.s32 $0x1B8E;
	s24 =	sld [smem:$0x3FFE];
	[sflag:s23] =	ssyncadd.s32 $0xFFFFFFFF  }
0xa5: {  	s26 =	simm.s32 $execute0_lowered;
	[smem:$0x3FD2] =	sst s25  }
0xa6: {  	s4 =	sshll.u32 s26, $0x1;
	_ =	strace $0x80000049;
	[dreg:$0x1] =	wrdreg $0xFFFFFFFF  }
0xa7: {  	s28 =	simm.s32 $_size_execute0_lowered;
	s2 =	sadd.s32 s2, s4;
	[dreg:$0x0] =	wrdreg $0x0  }
0xa8: {  	s4 =	sshll.u32 s28, $0x1;
	[dreg:$0x2] =	wrdreg s2  }
0xa9: {  	[dreg:$0x3] =	wrdreg s4  }
0xaa: {  	[dreg:$0x4] =	wrdreg $0xC0  }
0xab: {  	_ =	task [dreg:s6], $0x5FFFF  }
0xac: {  	[dreg:$0x1] =	wrdreg $0xFFFFFFFF  }
0xad: {  	[dreg:$0x0] =	wrdreg $0x60  }
0xae: {  	[dreg:$0x2] =	wrdreg s24  }
0xaf: {  	[dreg:$0x3] =	wrdreg $0x68000  }
0xb0: {  	[dreg:$0x4] =	wrdreg $0x9  }
0xb1: {  	_ =	task.clear_ibuf [dreg:s6], $0x5FFFF;
	_ =	strace $0x90000049  }
0xb2: {  	s29 =	simm.s32 $0x9;
	_ =	strace $0x8000004B  }
0xb3: {  	_ =	swait.ge [sflag:s29], $0x1  }
0xb4: {  	[sflag:s29] =	ssyncadd.s32 $0xFFFFFFFF  }
0xb5: {  	_ =	strace $0x9000004B  }
0xb6: {  	_ =	sfence  }
0xb7: {  	s30 =	sld [smem:$0x0];
	_ =	sdelay $0x2  }
0xb8: {  	s31 =	sshll.u32 s1, $0xD;
	s1 =	sshrl.u32 s1, $0x2  }
0xb9: {  	s3 =	sand.u32 $0x4000, s31;
	s1 =	sadd.s32 s1, s30  }
0xba: {  	s0 =	sor.u32 s3, s0;
	s1 =	sshll.u32 s1, $0x11  }
0xbb: {  	s0 =	sor.u32 s1, s0  }
0xbc: {  	s0 =	sadd.s32 $0x8F2B, s0  }
0xbd: {  	[sflag:s0] =	ssyncadd.remote.s32 $0x1  }
0xbe: {  	_ =	sfence.sel $0xFFFF  }
0xbf: {  	[dreg:$0x0] =	wrdreg $0xFFFFFFFF;
	(pc) =	sbr.abs _section_cstart, $3  }
0xc0: {  	[dreg:$0x1] =	wrdreg $0xFFFFFFFF  }
0xc1: {  	_ =	task.clear_ibuf [dreg:s6], $0x2FFFF;
	_ =	strace $0x9FFFFFFF  }
0xc2: {  	(tm) =	ssettm $0x7FFFFFFF  }
0xc3: {  	_ =	shalt  }
tec
execute0_lowered:
.L_overlay_start_1:
0x0: {  	(tag) =	ssettag $0x1  }
0x1: {  	s6 =	rddreg [dreg:$0x0]  }
0x2: {  	s0 =	srdreg.scid;
	s2 =	rddreg [dreg:$0x1]  }
0x3: {  	s1 =	rddreg [dreg:$0x2];
	s5 =	sand.u32 $0x1, s0  }
0x4: {  	s0 =	stileid.u32;
	s4 =	smul.u32 $0x14000, s5  }
0x5: {  	s3 =	simm.s32 $0x0;
	s14 =	simm.s32 $0x80;
	s7 =	smul.u32 $0x1400, s0  }
0x6: {  	s15 =	simm.s32 $0x2800;
	s16 =	simm.s32 $0x1;
	s8 =	smul.u32 $0x140000, s5  }
0x7: {  	s17 =	simm.s32 $0x0;
	[smem:$0x7FF] =	sst s3;
	s9 =	smul.u32 $0x14000, s0  }
0x8: {  	_ =	strace $0x8000004A;
	s30 =	ssub.s32 $0x2, s5;
	s11 =	smul.u32 $0x50000, s0  }
0x9: {  	s5 =	sadd.s32 $0xB800, s6;
	s12 =	sshll.u32 s0, $0x6;
	s10 =	sshrl.u32 s30, $0x1  }
0xa: {  	s12 =	sor.u32 $0x1C02, s12;
	s7 =	sadd.s32 s7, s4;
	s4 =	sadd.s32 $0xE000, s6  }
0xb: {  	s8 =	sadd.s32 s9, s8;
	s9 =	ssub.s32 s30, s10;
	s31 =	sshrl.u32 s11, $0x2  }
0xc: {  	s10 =	simm.s32 $0x2;
	s11 =	simm.s32 $0x1400;
	s7 =	sshrl.u32 s7, $0x3  }
0xd: {  	s8 =	sshrl.u32 s8, $0x3;
	s13 =	sadd.s32 s31, s2;
	s9 =	smax.u32 s9, $0x1  }
0xe: {  	s7 =	sadd.s32 s7, s6;
	s8 =	sadd.s32 s8, s6;
	s13 =	sshrl.u32 s13, $0x3  }
0xf: {  	s6 =	sadd.s32 $0x86800, s7;
	s7 =	sadd.s32 $0x6800, s7;
	s8 =	sadd.s32 $0x8B800, s8  }
.LBB2_1:
0x10: {  	[tilespmem:s3], [sflag:$0x2] =	stream.linear.gather [hbm4b:s6+s3], $0x1400, $0x38;
	[tilespmem:$0x1A800] =	vst v63  }
0x11: {  	_ =	swait.ge [sflag:s10], $0x1400  }
0x12: {  	[sflag:s10] =	ssyncset.done $0x0  }
0x13: {  	[sflag:s10] =	ssyncadd.s32 $0xFFFFEC00  }
0x14: {  	[tilespmem:s11], [sflag:$0x2] =	stream.linear.gather [hbm4b:s7+s3], $0x1400, $0x38;
	[tilespmem:$0x1A800] =	vst v63  }
0x15: {  	_ =	swait.ge [sflag:s10], $0x1400  }
0x16: {  	[sflag:s10] =	ssyncset.done $0x0  }
0x17: {  	[sflag:s10] =	ssyncadd.s32 $0xFFFFEC00  }
0x18: {  	[spmem:s13], [sflag:s12] =	dma.local [hbm:s5], $0x2800  }
0x19: {  	_ =	swait.ge [sflag:s10], $0x2800  }
0x1a: {  	[sflag:s10] =	ssyncset.done $0x0  }
0x1b: {  	[sflag:s10] =	ssyncadd.s32 $0xFFFFD800  }
0x1c: {  	s18 =	simm.s32 $0x0;
	[bflag:$0x0] =	sbarrier.arrive $0xFFFF  }
0x1d: {  	[tilespmem:s15], [sflag:$0x1] =	stream.indirect.gather [hbm4b:s4+s14], $0x80, s18, s14, $0xb8;
	[tilespmem:$0x1A800] =	vst v63  }
0x1e: {  	_ =	swait.ge [sflag:s16], $0x4000  }
0x1f: {  	[sflag:s16] =	ssyncset.done $0x0  }
0x20: {  	s31 =	simm.s32 $0x1400;
	[sflag:s16] =	ssyncadd.s32 $0xFFFFC000  }
0x21: {  	[spmem:s2] =	stream.indirect.scatter.add.f32 [tilespmem:s15], [sflag:$0x2], $0x80, s31, s14, $0xb8;
	[tilespmem:$0x1A800] =	vst v63  }
0x22: {  	_ =	swait.ge [sflag:s10], $0x4000  }
0x23: {  	s19 =	simm.s32 $0x400;
	s18 =	simm.s32 $0x200;
	[sflag:s10] =	ssyncset.done $0x0  }
.LBB2_2:
0x24: {  	s20 =	sshra.s32 s18, $0x2  }
0x25: {  	[sflag:s10] =	ssyncadd.s32 $0xFFFFC000;
	s18 =	smov.u32 s19;
	s21 =	sadd.s32 $0x200, s19  }
0x26: {  	[tilespmem:s15], [sflag:$0x1] =	stream.indirect.gather [hbm4b:s4+s14], $0x80, s20, s14, $0xb8;
	[tilespmem:$0x1A800] =	vst v63  }
0x27: {  	p0 =	sne.s32 s19, $0x4E00;
	_ =	swait.ge [sflag:s16], $0x4000  }
.Ltmp0:
0x28: {  	[sflag:s16] =	ssyncset.done $0x0;
	(pc) =	sbr.rel @p0 .LBB2_2-.Ltmp0, $4  }
0x29: {  	s19 =	sadd.s32 $0x1400, s20;
	[sflag:s16] =	ssyncadd.s32 $0xFFFFC000  }
0x2a: {  	[spmem:s2] =	stream.indirect.scatter.add.f32 [tilespmem:s15], [sflag:$0x2], $0x80, s19, s14, $0xb8;
	[tilespmem:$0x1A800] =	vst v63  }
0x2b: {  	_ =	swait.ge [sflag:s10], $0x4000  }
0x2c: {  	s19 =	smov.u32 s21;
	[sflag:s10] =	ssyncset.done $0x0  }
0x2d: {  	s18 =	sshra.s32 s18, $0x2;
	[sflag:s10] =	ssyncadd.s32 $0xFFFFC000  }
0x2e: {  	[tilespmem:s15], [sflag:$0x1] =	stream.indirect.gather [hbm4b:s4+s14], $0x80, s18, s14, $0xb8;
	[tilespmem:$0x1A800] =	vst v63  }
0x2f: {  	_ =	swait.ge [sflag:s16], $0x4000  }
0x30: {  	[sflag:s16] =	ssyncset.done $0x0  }
0x31: {  	s18 =	sadd.s32 $0x1400, s18;
	[sflag:s16] =	ssyncadd.s32 $0xFFFFC000  }
0x32: {  	[spmem:s2] =	stream.indirect.scatter.add.f32 [tilespmem:s15], [sflag:$0x2], $0x80, s18, s14, $0xb8;
	[tilespmem:$0x1A800] =	vst v63  }
0x33: {  	_ =	swait.ge [sflag:s10], $0x4000  }
0x34: {  	s17 =	sadd.s32 $0x1, s17;
	[sflag:s10] =	ssyncset.done $0x0  }
0x35: {  	p0 =	sne.s32 s17, s9;
	[sflag:s10] =	ssyncadd.s32 $0xFFFFC000  }
.Ltmp1:
0x36: {  	[bflag:$0x0] =	sbarrier.arrive $0xFFFF;
	(pc) =	sbr.rel @p0 .LBB2_1-.Ltmp1, $4  }
0x37: {  	[hbm:s8], [sflag:s12] =	dma.local [spmem:s13], $0x2800  }
0x38: {  	_ =	swait.ge [sflag:s10], $0x2800  }
0x39: {  	[sflag:s10] =	ssyncset.done $0x0  }
0x3a: {  	[sflag:s10] =	ssyncadd.s32 $0xFFFFD800  }
0x3b: {  	_ =	sfence.sel $0x180000  }
0x3c: {  	[bflag:$0x0] =	sbarrier.arrive $0xFFFF  }
0x3d: {  	p0 =	sne.s32 s0, $0x0;
	_ =	strace $0x9000004A  }
0x3e: {  	s0 =	sadd.s32 @!p0 $0x100000, s1;
	[bflag:$0x2] =	sbarrier.arrive $0xFFFF  }
0x3f: {  	[sflag:s0] =	ssyncadd.tile.s32 @!p0 $0x1;
	_ =	shalt  }
.Lfunc_end2:
_tile_overlayer_lowered:
.L_overlay_start_2:
0x40: {  	(tag) =	ssettag $0x2  }
0x41: {  	s0 =	rddreg [dreg:$0x0];
	s2 =	stileid.u32  }
0x42: {  	s1 =	rddreg [dreg:$0x1];
	p0 =	sne.s32 s2, $0x0  }
0x43: {  	s3 =	rddreg [dreg:$0x2];
	[bflag:$0x3] =	sbarrier.arrive $0xFFFF;
	s2 =	simm.s32 @!p0 $0x1C02  }
0x44: {  	[timem:s3], [sflag:s2] =	dma.local @!p0 [hbm:s0], s1  }
0x45: {  	s0 =	simm.s32 @!p0 $0x2  }
0x46: {  	_ =	swait.ge @!p0 [sflag:s0], s1  }
0x47: {  	s1 =	ssub.s32 @!p0 $0x0, s1;
	[sflag:s0] =	ssyncset.done @!p0 $0x0  }
0x48: {  	[sflag:s0] =	ssyncadd.s32 @!p0 s1  }
0x49: {  	[bflag:$0x3] =	sbarrier.arrive $0xFFFF  }
0x4a: {  	_ =	shalt  }

// kernel: kernel.28.cloned.1.call-start
scs
__scs_entry_jumppad:
0x0: {  	(pc) =	sbr.rel $0x88, $3  }
0x1: {  	(tag) =	ssettag $0x0;
	lr =	simm.s32 $0x1  }
0x2: {  	[smem:$0x3F97] =	sst lr;
	_ =	strace $0xD0000000  }
0x3: {  	_ = 	snop  }
0x4: {  	_ = 	snop  }
0x5: {  	_ = 	snop  }
0x6: {  	_ = 	snop  }
0x7: {  	_ = 	snop  }
__scs_overlays_trampoline_lowered:
0x8: {  	[smem:$0x3FA6] =	sst s0  }
0x9: {  	[smem:$0x3FA7] =	sst s1  }
0xa: {  	[smem:$0x3FA8] =	sst s2  }
0xb: {  	[smem:$0x3FA9] =	sst s3  }
0xc: {  	[smem:$0x3FAA] =	sst s4  }
0xd: {  	[smem:$0x3FAB] =	sst s5  }
0xe: {  	[smem:$0x3FAC] =	sst s6  }
0xf: {  	[smem:$0x3FAD] =	sst s7  }
0x10: {  	[smem:$0x3FAE] =	sst s8  }
0x11: {  	[smem:$0x3FAF] =	sst s9;
	s0 =	simm.s32 @!p0 $0x0  }
0x12: {  	s1 =	sld [smem:$0x3F95];
	s0 =	simm.s32 @p0 $0x1  }
0x13: {  	[smem:$0x3FB0] =	sst s0;
	s0 =	simm.s32 @!p1 $0x0  }
0x14: {  	s2 =	sld [smem:$0x3F94];
	s0 =	simm.s32 @p1 $0x1  }
0x15: {  	[smem:$0x3FB1] =	sst s0;
	s0 =	simm.s32 @!p2 $0x0  }
0x16: {  	s3 =	sld [smem:$0x3FDB];
	s0 =	simm.s32 @p2 $0x1  }
0x17: {  	s4 =	simm.s32 $0x1BF5;
	[smem:$0x3FB3] =	sst s0  }
0x18: {  	s0 =	sld [smem:$0x3F96];
	_ =	swait.ge [sflag:s4], $0x0  }
0x19: {  	s7 =	sld [smem:$0x3F97]  }
0x1a: {  	s8 =	sadd.s32 $0xFFFFE003, lr  }
0x1b: {  	s9 =	sadd.s32 $0xFFFFFEF7, lr;
	s5 =	simm.s32 $0xFFFFFFFF;
	p2 =	slt.u32 s8, $0xFFFFF086  }
0x1c: {  	p1 =	slt.u32 s9, $0xF7A;
	s5 =	simm.s32 @!p2 $0x0  }
0x1d: {  	s5 =	simm.s32 @p1 $0x1;
	p0 =	seq.s32 s7, s2  }
0x1e: {  	s7 =	smul.u32 @!p0 $0xF7A, s2;
	p2 =	seq.s32 @!p0 s5, $0x0  }
0x1f: {  	s9 =	smul.u32 $0xF7A, s1;
	s8 =	simm.s32 @!p0 $0x1BF5;
	p2 =	por !p2, p0  }
0x20: {  	[sflag:s8] =	ssyncset.s32 @!p0 $0xFFFFF086;
	s6 =	sadd.s32 @!p0 s3, s7;
	s7 =	simm.s32 @!p0 $0x108  }
0x21: {  	s3 =	sadd.s32 s3, s9;
	s6 =	sadd.s32 @!p0 $0x88, s6;
	s7 =	simm.s32 @p2 $0x1082  }
0x22: {  	[simem:s7], [sflag:s8] =	dma.local @!p0 [hbm:s6], $0xF7A  }
0x23: {  	s9 =	sor.u32 $0xD0000000, s2;
	s6 =	simm.s32 $0x108;
	_ =	swait.ge @!p0 [sflag:s8], $0x0  }
0x24: {  	s3 =	sadd.s32 $0x88, s3;
	s6 =	simm.s32 @!p1 $0x1082;
	[sflag:s4] =	ssyncset.s32 $0xFFFFF086  }
0x25: {  	[simem:s6], [sflag:s4] =	dma.local [hbm:s3], $0xF7A  }
0x26: {  	[smem:$0x3F97] =	sst s1;
	(tag) =	ssettag s2;
	_ =	strace s9  }
0x27: {  	s1 =	sld [smem:$0x3FA7]  }
0x28: {  	s2 =	sld [smem:$0x3FA8]  }
0x29: {  	s4 =	sld [smem:$0x3FAA]  }
0x2a: {  	p0 =	seq.s32 s5, $0x0;
	s5 =	sld [smem:$0x3FAB]  }
0x2b: {  	s6 =	sld [smem:$0x3FAC]  }
0x2c: {  	s7 =	sld [smem:$0x3FAD]  }
0x2d: {  	s3 =	simm.s32 $0x108;
	s8 =	sld [smem:$0x3FAE]  }
0x2e: {  	s3 =	simm.s32 @!p0 $0x1082;
	s9 =	sld [smem:$0x3FAF]  }
0x2f: {  	lr =	sadd.s32 s0, s3;
	s0 =	sld [smem:$0x3FA6]  }
0x30: {  	s3 =	sld [smem:$0x3FA9]  }
0x31: {  	[smem:$0x3FB2] =	sst s10  }
0x32: {  	s10 =	sld [smem:$0x3FB0];
	_ =	sdelay $0x3  }
0x33: {  	p0 =	seq.s32 s10, $0x1;
	s10 =	sld [smem:$0x3FB2];
	_ =	sdelay $0x3  }
0x34: {  	[smem:$0x3FB2] =	sst s10  }
0x35: {  	s10 =	sld [smem:$0x3FB1];
	_ =	sdelay $0x3  }
0x36: {  	p1 =	seq.s32 s10, $0x1;
	s10 =	sld [smem:$0x3FB2];
	_ =	sdelay $0x3  }
0x37: {  	[smem:$0x3FB2] =	sst s10  }
0x38: {  	s10 =	sld [smem:$0x3FB3]  }
0x39: {  	_ = 	snop;
	(pc) =	sbr.ind lr, $3  }
0x3a: {  	_ = 	snop  }
0x3b: {  	_ = 	snop  }
0x3c: {  	p2 =	seq.s32 s10, $0x1;
	s10 =	sld [smem:$0x3FB2]  }
0x3d: {  	_ =	shalt  }
0x3e: {  	_ =	shalt  }
0x3f: {  	_ =	shalt  }
0x40: {  	_ =	shalt  }
0x41: {  	_ =	shalt  }
0x42: {  	_ =	shalt  }
0x43: {  	_ =	shalt  }
0x44: {  	_ =	shalt  }
0x45: {  	_ =	shalt  }
0x46: {  	_ =	shalt  }
0x47: {  	_ =	shalt  }
0x48: {  	_ =	shalt  }
0x49: {  	_ =	shalt  }
0x4a: {  	_ =	shalt  }
0x4b: {  	_ =	shalt  }
0x4c: {  	_ =	shalt  }
0x4d: {  	_ =	shalt  }
0x4e: {  	_ =	shalt  }
0x4f: {  	_ =	shalt  }
0x50: {  	_ =	shalt  }
0x51: {  	_ =	shalt  }
0x52: {  	_ =	shalt  }
0x53: {  	_ =	shalt  }
0x54: {  	_ =	shalt  }
0x55: {  	_ =	shalt  }
0x56: {  	_ =	shalt  }
0x57: {  	_ =	shalt  }
0x58: {  	_ =	shalt  }
0x59: {  	_ =	shalt  }
0x5a: {  	_ =	shalt  }
0x5b: {  	_ =	shalt  }
0x5c: {  	_ =	shalt  }
0x5d: {  	_ =	shalt  }
0x5e: {  	_ =	shalt  }
0x5f: {  	_ =	shalt  }
0x60: {  	_ =	shalt  }
0x61: {  	_ =	shalt  }
0x62: {  	_ =	shalt  }
0x63: {  	_ =	shalt  }
0x64: {  	_ =	shalt  }
0x65: {  	_ =	shalt  }
0x66: {  	_ =	shalt  }
0x67: {  	_ =	shalt  }
0x68: {  	_ =	shalt  }
0x69: {  	_ =	shalt  }
0x6a: {  	_ =	shalt  }
0x6b: {  	_ =	shalt  }
0x6c: {  	_ =	shalt  }
0x6d: {  	_ =	shalt  }
0x6e: {  	_ =	shalt  }
0x6f: {  	_ =	shalt  }
0x70: {  	_ =	shalt  }
0x71: {  	_ =	shalt  }
0x72: {  	_ =	shalt  }
0x73: {  	_ =	shalt  }
0x74: {  	_ =	shalt  }
0x75: {  	_ =	shalt  }
0x76: {  	_ =	shalt  }
0x77: {  	_ =	shalt  }
0x78: {  	_ =	shalt  }
0x79: {  	_ =	shalt  }
0x7a: {  	_ =	shalt  }
0x7b: {  	_ =	shalt  }
0x7c: {  	_ =	shalt  }
0x7d: {  	_ =	shalt  }
0x7e: {  	_ =	shalt  }
0x7f: {  	_ =	shalt  }
0x80: {  	_ =	shalt  }
0x81: {  	_ =	shalt  }
0x82: {  	_ =	shalt  }
0x83: {  	_ =	shalt  }
0x84: {  	_ =	shalt  }
0x85: {  	_ =	shalt  }
0x86: {  	_ =	shalt  }
0x87: {  	_ =	shalt  }
.Lfunc_end0:
.L_simem_size_0:
called_computation.2_lowered:
.L_overlay_start_0:
0x88: {  	s2 =	sld [smem:$0x3FD9]  }
0x89: {  	s3 =	sld [smem:$0x3FFE];
	_ =	sdelay $0x1  }
0x8a: {  	s1 =	srdreg.scid  }
0x8b: {  	s0 =	sand.u32 $0x1, s1  }
0x8c: {  	s16 =	sshll.u32 s0, $0xA;
	s2 =	sadd.s32 s3, s2  }
0x8d: {  	s2 =	sadd.s32 s2, s16  }
0x8e: {  	[smem:$0x3FBE] =	sst s2  }
0x8f: {  	_ = 	snop  }
0x90: {  	(tm) =	ssettm $0x1  }
0x91: {  	s17 =	sld [smem:$0x3FFB];
	_ =	sdelay $0x3  }
0x92: {  	_ =	strace s17  }
0x93: {  	s2 =	sld [smem:$0x3FFC];
	_ =	sdelay $0x3  }
0x94: {  	_ =	strace s2  }
0x95: {  	s2 =	sld [smem:$0x3FFD];
	_ =	sdelay $0x3  }
0x96: {  	_ =	strace s2  }
0x97: {  	_ =	strace $0x8FFFFFFF  }
0x98: {  	s18 =	sld [smem:$0x3FDB];
	_ =	sdelay $0x1  }
0x99: {  	s19 =	simm.s32 $_scs_section_size  }
0x9a: {  	s4 =	simm.s32 $_size__tile_overlayer_lowered;
	s5 =	simm.s32 $_tile_overlayer_lowered  }
0x9b: {  	s22 =	simm.s32 $0x1BFF;
	s21 =	sshll.u32 s5, $0x1;
	s2 =	sadd.s32 s19, s18  }
0x9c: {  	s6 =	simm.s32 $0x0;
	s20 =	sshll.u32 s4, $0x1;
	s4 =	sadd.s32 s21, s2  }
0x9d: {  	[timem:s6], [sflag:s22] =	dma.local [hbm:s4], s20  }
0x9e: {  	_ =	swait.ge [sflag:s22], s20  }
0x9f: {  	s3 =	ssub.s32 $0x0, s20;
	[sflag:s22] =	ssyncset.done $0x0  }
0xa0: {  	[sflag:s22] =	ssyncadd.s32 s3;
	_ =	sdelay $0x1  }
0xa1: {  	s23 =	simm.s32 $0x1B8B  }
0xa2: {  	_ =	swait.ge [sflag:s23], $0x1  }
0xa3: {  	[sflag:s23] =	ssyncset.done $0x0  }
0xa4: {  	s25 =	simm.s32 $0x1B8E;
	s24 =	sld [smem:$0x3FFE];
	[sflag:s23] =	ssyncadd.s32 $0xFFFFFFFF  }
0xa5: {  	s26 =	simm.s32 $execute0_lowered;
	[smem:$0x3FD2] =	sst s25  }
0xa6: {  	s4 =	sshll.u32 s26, $0x1;
	_ =	strace $0x8000004C;
	[dreg:$0x1] =	wrdreg $0xFFFFFFFF  }
0xa7: {  	s28 =	simm.s32 $_size_execute0_lowered;
	s2 =	sadd.s32 s2, s4;
	[dreg:$0x0] =	wrdreg $0x0  }
0xa8: {  	s4 =	sshll.u32 s28, $0x1;
	[dreg:$0x2] =	wrdreg s2  }
0xa9: {  	[dreg:$0x3] =	wrdreg s4  }
0xaa: {  	[dreg:$0x4] =	wrdreg $0xC0  }
0xab: {  	_ =	task [dreg:s6], $0x5FFFF  }
0xac: {  	[dreg:$0x1] =	wrdreg $0xFFFFFFFF  }
0xad: {  	[dreg:$0x0] =	wrdreg $0x60  }
0xae: {  	[dreg:$0x2] =	wrdreg s24  }
0xaf: {  	[dreg:$0x3] =	wrdreg $0x68000  }
0xb0: {  	[dreg:$0x4] =	wrdreg $0x9  }
0xb1: {  	_ =	task.clear_ibuf [dreg:s6], $0x5FFFF;
	_ =	strace $0x9000004C  }
0xb2: {  	s29 =	simm.s32 $0x9;
	_ =	strace $0x8000004E  }
0xb3: {  	_ =	swait.ge [sflag:s29], $0x1  }
0xb4: {  	[sflag:s29] =	ssyncadd.s32 $0xFFFFFFFF  }
0xb5: {  	_ =	strace $0x9000004E  }
0xb6: {  	_ =	sfence  }
0xb7: {  	s30 =	sld [smem:$0x0];
	_ =	sdelay $0x2  }
0xb8: {  	s31 =	sshll.u32 s1, $0xD;
	s1 =	sshrl.u32 s1, $0x2  }
0xb9: {  	s3 =	sand.u32 $0x4000, s31;
	s1 =	sadd.s32 s1, s30  }
0xba: {  	s0 =	sor.u32 s3, s0;
	s1 =	sshll.u32 s1, $0x11  }
0xbb: {  	s0 =	sor.u32 s1, s0  }
0xbc: {  	s0 =	sadd.s32 $0x8F2B, s0  }
0xbd: {  	[sflag:s0] =	ssyncadd.remote.s32 $0x1  }
0xbe: {  	_ =	sfence.sel $0xFFFF  }
0xbf: {  	[dreg:$0x0] =	wrdreg $0xFFFFFFFF;
	(pc) =	sbr.abs _section_cstart, $3  }
0xc0: {  	[dreg:$0x1] =	wrdreg $0xFFFFFFFF  }
0xc1: {  	_ =	task.clear_ibuf [dreg:s6], $0x2FFFF;
	_ =	strace $0x9FFFFFFF  }
0xc2: {  	(tm) =	ssettm $0x7FFFFFFF  }
0xc3: {  	_ =	shalt  }
tec
execute0_lowered:
.L_overlay_start_1:
0x0: {  	(tag) =	ssettag $0x1  }
0x1: {  	s6 =	rddreg [dreg:$0x0]  }
0x2: {  	s0 =	srdreg.scid;
	s2 =	rddreg [dreg:$0x1]  }
0x3: {  	s1 =	rddreg [dreg:$0x2];
	s5 =	sand.u32 $0x1, s0  }
0x4: {  	s0 =	stileid.u32;
	s4 =	smul.u32 $0x14000, s5  }
0x5: {  	s3 =	simm.s32 $0x0;
	s14 =	simm.s32 $0x80;
	s7 =	smul.u32 $0x1400, s0  }
0x6: {  	s15 =	simm.s32 $0x2800;
	s16 =	simm.s32 $0x1;
	s8 =	smul.u32 $0x140000, s5  }
0x7: {  	s17 =	simm.s32 $0x0;
	[smem:$0x7FF] =	sst s3;
	s9 =	smul.u32 $0x14000, s0  }
0x8: {  	_ =	strace $0x8000004D;
	s30 =	ssub.s32 $0x2, s5;
	s11 =	smul.u32 $0x50000, s0  }
0x9: {  	s5 =	sadd.s32 $0xB800, s6;
	s12 =	sshll.u32 s0, $0x6;
	s10 =	sshrl.u32 s30, $0x1  }
0xa: {  	s12 =	sor.u32 $0x1C02, s12;
	s7 =	sadd.s32 s7, s4;
	s4 =	sadd.s32 $0xE000, s6  }
0xb: {  	s8 =	sadd.s32 s9, s8;
	s9 =	ssub.s32 s30, s10;
	s31 =	sshrl.u32 s11, $0x2  }
0xc: {  	s10 =	simm.s32 $0x2;
	s11 =	simm.s32 $0x1400;
	s7 =	sshrl.u32 s7, $0x3  }
0xd: {  	s8 =	sshrl.u32 s8, $0x3;
	s13 =	sadd.s32 s31, s2;
	s9 =	smax.u32 s9, $0x1  }
0xe: {  	s7 =	sadd.s32 s7, s6;
	s8 =	sadd.s32 s8, s6;
	s13 =	sshrl.u32 s13, $0x3  }
0xf: {  	s6 =	sadd.s32 $0x86800, s7;
	s7 =	sadd.s32 $0x6800, s7;
	s8 =	sadd.s32 $0xDB800, s8  }
.LBB2_1:
0x10: {  	[tilespmem:s3], [sflag:$0x2] =	stream.linear.gather [hbm4b:s6+s3], $0x1400, $0x38;
	[tilespmem:$0x1A800] =	vst v63  }
0x11: {  	_ =	swait.ge [sflag:s10], $0x1400  }
0x12: {  	[sflag:s10] =	ssyncset.done $0x0  }
0x13: {  	[sflag:s10] =	ssyncadd.s32 $0xFFFFEC00  }
0x14: {  	[tilespmem:s11], [sflag:$0x2] =	stream.linear.gather [hbm4b:s7+s3], $0x1400, $0x38;
	[tilespmem:$0x1A800] =	vst v63  }
0x15: {  	_ =	swait.ge [sflag:s10], $0x1400  }
0x16: {  	[sflag:s10] =	ssyncset.done $0x0  }
0x17: {  	[sflag:s10] =	ssyncadd.s32 $0xFFFFEC00  }
0x18: {  	[spmem:s13], [sflag:s12] =	dma.local [hbm:s5], $0x2800  }
0x19: {  	_ =	swait.ge [sflag:s10], $0x2800  }
0x1a: {  	[sflag:s10] =	ssyncset.done $0x0  }
0x1b: {  	[sflag:s10] =	ssyncadd.s32 $0xFFFFD800  }
0x1c: {  	s18 =	simm.s32 $0x0;
	[bflag:$0x0] =	sbarrier.arrive $0xFFFF  }
0x1d: {  	[tilespmem:s15], [sflag:$0x1] =	stream.indirect.gather [hbm4b:s4+s14], $0x80, s18, s14, $0xb8;
	[tilespmem:$0x1A800] =	vst v63  }
0x1e: {  	_ =	swait.ge [sflag:s16], $0x4000  }
0x1f: {  	[sflag:s16] =	ssyncset.done $0x0  }
0x20: {  	s31 =	simm.s32 $0x1400;
	[sflag:s16] =	ssyncadd.s32 $0xFFFFC000  }
0x21: {  	[spmem:s2] =	stream.indirect.scatter.add.f32 [tilespmem:s15], [sflag:$0x2], $0x80, s31, s14, $0xb8;
	[tilespmem:$0x1A800] =	vst v63  }
0x22: {  	_ =	swait.ge [sflag:s10], $0x4000  }
0x23: {  	s19 =	simm.s32 $0x400;
	s18 =	simm.s32 $0x200;
	[sflag:s10] =	ssyncset.done $0x0  }
.LBB2_2:
0x24: {  	s20 =	sshra.s32 s18, $0x2  }
0x25: {  	[sflag:s10] =	ssyncadd.s32 $0xFFFFC000;
	s18 =	smov.u32 s19;
	s21 =	sadd.s32 $0x200, s19  }
0x26: {  	[tilespmem:s15], [sflag:$0x1] =	stream.indirect.gather [hbm4b:s4+s14], $0x80, s20, s14, $0xb8;
	[tilespmem:$0x1A800] =	vst v63  }
0x27: {  	p0 =	sne.s32 s19, $0x4E00;
	_ =	swait.ge [sflag:s16], $0x4000  }
.Ltmp0:
0x28: {  	[sflag:s16] =	ssyncset.done $0x0;
	(pc) =	sbr.rel @p0 .LBB2_2-.Ltmp0, $4  }
0x29: {  	s19 =	sadd.s32 $0x1400, s20;
	[sflag:s16] =	ssyncadd.s32 $0xFFFFC000  }
0x2a: {  	[spmem:s2] =	stream.indirect.scatter.add.f32 [tilespmem:s15], [sflag:$0x2], $0x80, s19, s14, $0xb8;
	[tilespmem:$0x1A800] =	vst v63  }
0x2b: {  	_ =	swait.ge [sflag:s10], $0x4000  }
0x2c: {  	s19 =	smov.u32 s21;
	[sflag:s10] =	ssyncset.done $0x0  }
0x2d: {  	s18 =	sshra.s32 s18, $0x2;
	[sflag:s10] =	ssyncadd.s32 $0xFFFFC000  }
0x2e: {  	[tilespmem:s15], [sflag:$0x1] =	stream.indirect.gather [hbm4b:s4+s14], $0x80, s18, s14, $0xb8;
	[tilespmem:$0x1A800] =	vst v63  }
0x2f: {  	_ =	swait.ge [sflag:s16], $0x4000  }
0x30: {  	[sflag:s16] =	ssyncset.done $0x0  }
0x31: {  	s18 =	sadd.s32 $0x1400, s18;
	[sflag:s16] =	ssyncadd.s32 $0xFFFFC000  }
0x32: {  	[spmem:s2] =	stream.indirect.scatter.add.f32 [tilespmem:s15], [sflag:$0x2], $0x80, s18, s14, $0xb8;
	[tilespmem:$0x1A800] =	vst v63  }
0x33: {  	_ =	swait.ge [sflag:s10], $0x4000  }
0x34: {  	s17 =	sadd.s32 $0x1, s17;
	[sflag:s10] =	ssyncset.done $0x0  }
0x35: {  	p0 =	sne.s32 s17, s9;
	[sflag:s10] =	ssyncadd.s32 $0xFFFFC000  }
.Ltmp1:
0x36: {  	[bflag:$0x0] =	sbarrier.arrive $0xFFFF;
	(pc) =	sbr.rel @p0 .LBB2_1-.Ltmp1, $4  }
0x37: {  	[hbm:s8], [sflag:s12] =	dma.local [spmem:s13], $0x2800  }
0x38: {  	_ =	swait.ge [sflag:s10], $0x2800  }
0x39: {  	[sflag:s10] =	ssyncset.done $0x0  }
0x3a: {  	[sflag:s10] =	ssyncadd.s32 $0xFFFFD800  }
0x3b: {  	_ =	sfence.sel $0x180000  }
0x3c: {  	[bflag:$0x0] =	sbarrier.arrive $0xFFFF  }
0x3d: {  	p0 =	sne.s32 s0, $0x0;
	_ =	strace $0x9000004D  }
0x3e: {  	s0 =	sadd.s32 @!p0 $0x100000, s1;
	[bflag:$0x2] =	sbarrier.arrive $0xFFFF  }
0x3f: {  	[sflag:s0] =	ssyncadd.tile.s32 @!p0 $0x1;
	_ =	shalt  }
.Lfunc_end2:
_tile_overlayer_lowered:
.L_overlay_start_2:
0x40: {  	(tag) =	ssettag $0x2  }
0x41: {  	s0 =	rddreg [dreg:$0x0];
	s2 =	stileid.u32  }
0x42: {  	s1 =	rddreg [dreg:$0x1];
	p0 =	sne.s32 s2, $0x0  }
0x43: {  	s3 =	rddreg [dreg:$0x2];
	[bflag:$0x3] =	sbarrier.arrive $0xFFFF;
	s2 =	simm.s32 @!p0 $0x1C02  }
0x44: {  	[timem:s3], [sflag:s2] =	dma.local @!p0 [hbm:s0], s1  }
0x45: {  	s0 =	simm.s32 @!p0 $0x2  }
0x46: {  	_ =	swait.ge @!p0 [sflag:s0], s1  }
0x47: {  	s1 =	ssub.s32 @!p0 $0x0, s1;
	[sflag:s0] =	ssyncset.done @!p0 $0x0  }
0x48: {  	[sflag:s0] =	ssyncadd.s32 @!p0 s1  }
0x49: {  	[bflag:$0x3] =	sbarrier.arrive $0xFFFF  }
0x4a: {  	_ =	shalt  }

// kernel: kernel.31.cloned.1.call-start
scs
__scs_entry_jumppad:
0x0: {  	(pc) =	sbr.rel $0x88, $3  }
0x1: {  	(tag) =	ssettag $0x0;
	lr =	simm.s32 $0x1  }
0x2: {  	[smem:$0x3F97] =	sst lr;
	_ =	strace $0xD0000000  }
0x3: {  	_ = 	snop  }
0x4: {  	_ = 	snop  }
0x5: {  	_ = 	snop  }
0x6: {  	_ = 	snop  }
0x7: {  	_ = 	snop  }
__scs_overlays_trampoline_lowered:
0x8: {  	[smem:$0x3FA6] =	sst s0  }
0x9: {  	[smem:$0x3FA7] =	sst s1  }
0xa: {  	[smem:$0x3FA8] =	sst s2  }
0xb: {  	[smem:$0x3FA9] =	sst s3  }
0xc: {  	[smem:$0x3FAA] =	sst s4  }
0xd: {  	[smem:$0x3FAB] =	sst s5  }
0xe: {  	[smem:$0x3FAC] =	sst s6  }
0xf: {  	[smem:$0x3FAD] =	sst s7  }
0x10: {  	[smem:$0x3FAE] =	sst s8  }
0x11: {  	[smem:$0x3FAF] =	sst s9;
	s0 =	simm.s32 @!p0 $0x0  }
0x12: {  	s1 =	sld [smem:$0x3F95];
	s0 =	simm.s32 @p0 $0x1  }
0x13: {  	[smem:$0x3FB0] =	sst s0;
	s0 =	simm.s32 @!p1 $0x0  }
0x14: {  	s2 =	sld [smem:$0x3F94];
	s0 =	simm.s32 @p1 $0x1  }
0x15: {  	[smem:$0x3FB1] =	sst s0;
	s0 =	simm.s32 @!p2 $0x0  }
0x16: {  	s3 =	sld [smem:$0x3FDB];
	s0 =	simm.s32 @p2 $0x1  }
0x17: {  	s4 =	simm.s32 $0x1BF5;
	[smem:$0x3FB3] =	sst s0  }
0x18: {  	s0 =	sld [smem:$0x3F96];
	_ =	swait.ge [sflag:s4], $0x0  }
0x19: {  	s7 =	sld [smem:$0x3F97]  }
0x1a: {  	s8 =	sadd.s32 $0xFFFFE003, lr  }
0x1b: {  	s9 =	sadd.s32 $0xFFFFFEF7, lr;
	s5 =	simm.s32 $0xFFFFFFFF;
	p2 =	slt.u32 s8, $0xFFFFF086  }
0x1c: {  	p1 =	slt.u32 s9, $0xF7A;
	s5 =	simm.s32 @!p2 $0x0  }
0x1d: {  	s5 =	simm.s32 @p1 $0x1;
	p0 =	seq.s32 s7, s2  }
0x1e: {  	s7 =	smul.u32 @!p0 $0xF7A, s2;
	p2 =	seq.s32 @!p0 s5, $0x0  }
0x1f: {  	s9 =	smul.u32 $0xF7A, s1;
	s8 =	simm.s32 @!p0 $0x1BF5;
	p2 =	por !p2, p0  }
0x20: {  	[sflag:s8] =	ssyncset.s32 @!p0 $0xFFFFF086;
	s6 =	sadd.s32 @!p0 s3, s7;
	s7 =	simm.s32 @!p0 $0x108  }
0x21: {  	s3 =	sadd.s32 s3, s9;
	s6 =	sadd.s32 @!p0 $0x88, s6;
	s7 =	simm.s32 @p2 $0x1082  }
0x22: {  	[simem:s7], [sflag:s8] =	dma.local @!p0 [hbm:s6], $0xF7A  }
0x23: {  	s9 =	sor.u32 $0xD0000000, s2;
	s6 =	simm.s32 $0x108;
	_ =	swait.ge @!p0 [sflag:s8], $0x0  }
0x24: {  	s3 =	sadd.s32 $0x88, s3;
	s6 =	simm.s32 @!p1 $0x1082;
	[sflag:s4] =	ssyncset.s32 $0xFFFFF086  }
0x25: {  	[simem:s6], [sflag:s4] =	dma.local [hbm:s3], $0xF7A  }
0x26: {  	[smem:$0x3F97] =	sst s1;
	(tag) =	ssettag s2;
	_ =	strace s9  }
0x27: {  	s1 =	sld [smem:$0x3FA7]  }
0x28: {  	s2 =	sld [smem:$0x3FA8]  }
0x29: {  	s4 =	sld [smem:$0x3FAA]  }
0x2a: {  	p0 =	seq.s32 s5, $0x0;
	s5 =	sld [smem:$0x3FAB]  }
0x2b: {  	s6 =	sld [smem:$0x3FAC]  }
0x2c: {  	s7 =	sld [smem:$0x3FAD]  }
0x2d: {  	s3 =	simm.s32 $0x108;
	s8 =	sld [smem:$0x3FAE]  }
0x2e: {  	s3 =	simm.s32 @!p0 $0x1082;
	s9 =	sld [smem:$0x3FAF]  }
0x2f: {  	lr =	sadd.s32 s0, s3;
	s0 =	sld [smem:$0x3FA6]  }
0x30: {  	s3 =	sld [smem:$0x3FA9]  }
0x31: {  	[smem:$0x3FB2] =	sst s10  }
0x32: {  	s10 =	sld [smem:$0x3FB0];
	_ =	sdelay $0x3  }
0x33: {  	p0 =	seq.s32 s10, $0x1;
	s10 =	sld [smem:$0x3FB2];
	_ =	sdelay $0x3  }
0x34: {  	[smem:$0x3FB2] =	sst s10  }
0x35: {  	s10 =	sld [smem:$0x3FB1];
	_ =	sdelay $0x3  }
0x36: {  	p1 =	seq.s32 s10, $0x1;
	s10 =	sld [smem:$0x3FB2];
	_ =	sdelay $0x3  }
0x37: {  	[smem:$0x3FB2] =	sst s10  }
0x38: {  	s10 =	sld [smem:$0x3FB3]  }
0x39: {  	_ = 	snop;
	(pc) =	sbr.ind lr, $3  }
0x3a: {  	_ = 	snop  }
0x3b: {  	_ = 	snop  }
0x3c: {  	p2 =	seq.s32 s10, $0x1;
	s10 =	sld [smem:$0x3FB2]  }
0x3d: {  	_ =	shalt  }
0x3e: {  	_ =	shalt  }
0x3f: {  	_ =	shalt  }
0x40: {  	_ =	shalt  }
0x41: {  	_ =	shalt  }
0x42: {  	_ =	shalt  }
0x43: {  	_ =	shalt  }
0x44: {  	_ =	shalt  }
0x45: {  	_ =	shalt  }
0x46: {  	_ =	shalt  }
0x47: {  	_ =	shalt  }
0x48: {  	_ =	shalt  }
0x49: {  	_ =	shalt  }
0x4a: {  	_ =	shalt  }
0x4b: {  	_ =	shalt  }
0x4c: {  	_ =	shalt  }
0x4d: {  	_ =	shalt  }
0x4e: {  	_ =	shalt  }
0x4f: {  	_ =	shalt  }
0x50: {  	_ =	shalt  }
0x51: {  	_ =	shalt  }
0x52: {  	_ =	shalt  }
0x53: {  	_ =	shalt  }
0x54: {  	_ =	shalt  }
0x55: {  	_ =	shalt  }
0x56: {  	_ =	shalt  }
0x57: {  	_ =	shalt  }
0x58: {  	_ =	shalt  }
0x59: {  	_ =	shalt  }
0x5a: {  	_ =	shalt  }
0x5b: {  	_ =	shalt  }
0x5c: {  	_ =	shalt  }
0x5d: {  	_ =	shalt  }
0x5e: {  	_ =	shalt  }
0x5f: {  	_ =	shalt  }
0x60: {  	_ =	shalt  }
0x61: {  	_ =	shalt  }
0x62: {  	_ =	shalt  }
0x63: {  	_ =	shalt  }
0x64: {  	_ =	shalt  }
0x65: {  	_ =	shalt  }
0x66: {  	_ =	shalt  }
0x67: {  	_ =	shalt  }
0x68: {  	_ =	shalt  }
0x69: {  	_ =	shalt  }
0x6a: {  	_ =	shalt  }
0x6b: {  	_ =	shalt  }
0x6c: {  	_ =	shalt  }
0x6d: {  	_ =	shalt  }
0x6e: {  	_ =	shalt  }
0x6f: {  	_ =	shalt  }
0x70: {  	_ =	shalt  }
0x71: {  	_ =	shalt  }
0x72: {  	_ =	shalt  }
0x73: {  	_ =	shalt  }
0x74: {  	_ =	shalt  }
0x75: {  	_ =	shalt  }
0x76: {  	_ =	shalt  }
0x77: {  	_ =	shalt  }
0x78: {  	_ =	shalt  }
0x79: {  	_ =	shalt  }
0x7a: {  	_ =	shalt  }
0x7b: {  	_ =	shalt  }
0x7c: {  	_ =	shalt  }
0x7d: {  	_ =	shalt  }
0x7e: {  	_ =	shalt  }
0x7f: {  	_ =	shalt  }
0x80: {  	_ =	shalt  }
0x81: {  	_ =	shalt  }
0x82: {  	_ =	shalt  }
0x83: {  	_ =	shalt  }
0x84: {  	_ =	shalt  }
0x85: {  	_ =	shalt  }
0x86: {  	_ =	shalt  }
0x87: {  	_ =	shalt  }
.Lfunc_end0:
.L_simem_size_0:
called_computation.3_lowered:
.L_overlay_start_0:
0x88: {  	s2 =	sld [smem:$0x3FD9]  }
0x89: {  	s3 =	sld [smem:$0x3FFE];
	_ =	sdelay $0x1  }
0x8a: {  	s1 =	srdreg.scid  }
0x8b: {  	s0 =	sand.u32 $0x1, s1  }
0x8c: {  	s16 =	sshll.u32 s0, $0xA;
	s2 =	sadd.s32 s3, s2  }
0x8d: {  	s2 =	sadd.s32 s2, s16  }
0x8e: {  	[smem:$0x3FBE] =	sst s2  }
0x8f: {  	_ = 	snop  }
0x90: {  	(tm) =	ssettm $0x1  }
0x91: {  	s17 =	sld [smem:$0x3FFB];
	_ =	sdelay $0x3  }
0x92: {  	_ =	strace s17  }
0x93: {  	s2 =	sld [smem:$0x3FFC];
	_ =	sdelay $0x3  }
0x94: {  	_ =	strace s2  }
0x95: {  	s2 =	sld [smem:$0x3FFD];
	_ =	sdelay $0x3  }
0x96: {  	_ =	strace s2  }
0x97: {  	_ =	strace $0x8FFFFFFF  }
0x98: {  	s18 =	sld [smem:$0x3FDB];
	_ =	sdelay $0x1  }
0x99: {  	s19 =	simm.s32 $_scs_section_size  }
0x9a: {  	s4 =	simm.s32 $_size__tile_overlayer_lowered;
	s5 =	simm.s32 $_tile_overlayer_lowered  }
0x9b: {  	s22 =	simm.s32 $0x1BFF;
	s21 =	sshll.u32 s5, $0x1;
	s2 =	sadd.s32 s19, s18  }
0x9c: {  	s6 =	simm.s32 $0x0;
	s20 =	sshll.u32 s4, $0x1;
	s4 =	sadd.s32 s21, s2  }
0x9d: {  	[timem:s6], [sflag:s22] =	dma.local [hbm:s4], s20  }
0x9e: {  	_ =	swait.ge [sflag:s22], s20  }
0x9f: {  	s3 =	ssub.s32 $0x0, s20;
	[sflag:s22] =	ssyncset.done $0x0  }
0xa0: {  	[sflag:s22] =	ssyncadd.s32 s3;
	_ =	sdelay $0x1  }
0xa1: {  	s23 =	simm.s32 $0x1B8B  }
0xa2: {  	_ =	swait.ge [sflag:s23], $0x1  }
0xa3: {  	[sflag:s23] =	ssyncset.done $0x0  }
0xa4: {  	s25 =	simm.s32 $0x1B8E;
	s24 =	sld [smem:$0x3FFE];
	[sflag:s23] =	ssyncadd.s32 $0xFFFFFFFF  }
0xa5: {  	s26 =	simm.s32 $execute0_lowered;
	[smem:$0x3FD2] =	sst s25  }
0xa6: {  	s4 =	sshll.u32 s26, $0x1;
	_ =	strace $0x8000004F;
	[dreg:$0x1] =	wrdreg $0xFFFFFFFF  }
0xa7: {  	s28 =	simm.s32 $_size_execute0_lowered;
	s2 =	sadd.s32 s2, s4;
	[dreg:$0x0] =	wrdreg $0x0  }
0xa8: {  	s4 =	sshll.u32 s28, $0x1;
	[dreg:$0x2] =	wrdreg s2  }
0xa9: {  	[dreg:$0x3] =	wrdreg s4  }
0xaa: {  	[dreg:$0x4] =	wrdreg $0xC0  }
0xab: {  	_ =	task [dreg:s6], $0x5FFFF  }
0xac: {  	[dreg:$0x1] =	wrdreg $0xFFFFFFFF  }
0xad: {  	[dreg:$0x0] =	wrdreg $0x60  }
0xae: {  	[dreg:$0x2] =	wrdreg s24  }
0xaf: {  	[dreg:$0x3] =	wrdreg $0x68000  }
0xb0: {  	[dreg:$0x4] =	wrdreg $0x9  }
0xb1: {  	_ =	task.clear_ibuf [dreg:s6], $0x5FFFF;
	_ =	strace $0x9000004F  }
0xb2: {  	s29 =	simm.s32 $0x9;
	_ =	strace $0x80000051  }
0xb3: {  	_ =	swait.ge [sflag:s29], $0x1  }
0xb4: {  	[sflag:s29] =	ssyncadd.s32 $0xFFFFFFFF  }
0xb5: {  	_ =	strace $0x90000051  }
0xb6: {  	_ =	sfence  }
0xb7: {  	s30 =	sld [smem:$0x0];
	_ =	sdelay $0x2  }
0xb8: {  	s31 =	sshll.u32 s1, $0xD;
	s1 =	sshrl.u32 s1, $0x2  }
0xb9: {  	s3 =	sand.u32 $0x4000, s31;
	s1 =	sadd.s32 s1, s30  }
0xba: {  	s0 =	sor.u32 s3, s0;
	s1 =	sshll.u32 s1, $0x11  }
0xbb: {  	s0 =	sor.u32 s1, s0  }
0xbc: {  	s0 =	sadd.s32 $0x8F2B, s0  }
0xbd: {  	[sflag:s0] =	ssyncadd.remote.s32 $0x1  }
0xbe: {  	_ =	sfence.sel $0xFFFF  }
0xbf: {  	[dreg:$0x0] =	wrdreg $0xFFFFFFFF;
	(pc) =	sbr.abs _section_cstart, $3  }
0xc0: {  	[dreg:$0x1] =	wrdreg $0xFFFFFFFF  }
0xc1: {  	_ =	task.clear_ibuf [dreg:s6], $0x2FFFF;
	_ =	strace $0x9FFFFFFF  }
0xc2: {  	(tm) =	ssettm $0x7FFFFFFF  }
0xc3: {  	_ =	shalt  }
tec
execute0_lowered:
.L_overlay_start_1:
0x0: {  	(tag) =	ssettag $0x1  }
0x1: {  	s6 =	rddreg [dreg:$0x0]  }
0x2: {  	s0 =	srdreg.scid;
	s2 =	rddreg [dreg:$0x1]  }
0x3: {  	s1 =	rddreg [dreg:$0x2];
	s5 =	sand.u32 $0x1, s0  }
0x4: {  	s0 =	stileid.u32;
	s4 =	smul.u32 $0x14000, s5  }
0x5: {  	s3 =	simm.s32 $0x0;
	s14 =	simm.s32 $0x80;
	s7 =	smul.u32 $0x1400, s0  }
0x6: {  	s15 =	simm.s32 $0x2800;
	s16 =	simm.s32 $0x1;
	s8 =	smul.u32 $0x140000, s5  }
0x7: {  	s17 =	simm.s32 $0x0;
	[smem:$0x7FF] =	sst s3;
	s9 =	smul.u32 $0x14000, s0  }
0x8: {  	_ =	strace $0x80000050;
	s30 =	ssub.s32 $0x2, s5;
	s11 =	smul.u32 $0x50000, s0  }
0x9: {  	s5 =	sadd.s32 $0xB800, s6;
	s12 =	sshll.u32 s0, $0x6;
	s10 =	sshrl.u32 s30, $0x1  }
0xa: {  	s12 =	sor.u32 $0x1C02, s12;
	s7 =	sadd.s32 s7, s4;
	s4 =	sadd.s32 $0xE000, s6  }
0xb: {  	s8 =	sadd.s32 s9, s8;
	s9 =	ssub.s32 s30, s10;
	s31 =	sshrl.u32 s11, $0x2  }
0xc: {  	s10 =	simm.s32 $0x2;
	s11 =	simm.s32 $0x1400;
	s7 =	sshrl.u32 s7, $0x3  }
0xd: {  	s8 =	sshrl.u32 s8, $0x3;
	s13 =	sadd.s32 s31, s2;
	s9 =	smax.u32 s9, $0x1  }
0xe: {  	s7 =	sadd.s32 s7, s6;
	s8 =	sadd.s32 s8, s6;
	s13 =	sshrl.u32 s13, $0x3  }
0xf: {  	s6 =	sadd.s32 $0x86800, s7;
	s7 =	sadd.s32 $0x6800, s7;
	s8 =	sadd.s32 $0x12B800, s8  }
.LBB2_1:
0x10: {  	[tilespmem:s3], [sflag:$0x2] =	stream.linear.gather [hbm4b:s6+s3], $0x1400, $0x38;
	[tilespmem:$0x1A800] =	vst v63  }
0x11: {  	_ =	swait.ge [sflag:s10], $0x1400  }
0x12: {  	[sflag:s10] =	ssyncset.done $0x0  }
0x13: {  	[sflag:s10] =	ssyncadd.s32 $0xFFFFEC00  }
0x14: {  	[tilespmem:s11], [sflag:$0x2] =	stream.linear.gather [hbm4b:s7+s3], $0x1400, $0x38;
	[tilespmem:$0x1A800] =	vst v63  }
0x15: {  	_ =	swait.ge [sflag:s10], $0x1400  }
0x16: {  	[sflag:s10] =	ssyncset.done $0x0  }
0x17: {  	[sflag:s10] =	ssyncadd.s32 $0xFFFFEC00  }
0x18: {  	[spmem:s13], [sflag:s12] =	dma.local [hbm:s5], $0x2800  }
0x19: {  	_ =	swait.ge [sflag:s10], $0x2800  }
0x1a: {  	[sflag:s10] =	ssyncset.done $0x0  }
0x1b: {  	[sflag:s10] =	ssyncadd.s32 $0xFFFFD800  }
0x1c: {  	s18 =	simm.s32 $0x0;
	[bflag:$0x0] =	sbarrier.arrive $0xFFFF  }
0x1d: {  	[tilespmem:s15], [sflag:$0x1] =	stream.indirect.gather [hbm4b:s4+s14], $0x80, s18, s14, $0xb8;
	[tilespmem:$0x1A800] =	vst v63  }
0x1e: {  	_ =	swait.ge [sflag:s16], $0x4000  }
0x1f: {  	[sflag:s16] =	ssyncset.done $0x0  }
0x20: {  	s31 =	simm.s32 $0x1400;
	[sflag:s16] =	ssyncadd.s32 $0xFFFFC000  }
0x21: {  	[spmem:s2] =	stream.indirect.scatter.add.f32 [tilespmem:s15], [sflag:$0x2], $0x80, s31, s14, $0xb8;
	[tilespmem:$0x1A800] =	vst v63  }
0x22: {  	_ =	swait.ge [sflag:s10], $0x4000  }
0x23: {  	s19 =	simm.s32 $0x400;
	s18 =	simm.s32 $0x200;
	[sflag:s10] =	ssyncset.done $0x0  }
.LBB2_2:
0x24: {  	s20 =	sshra.s32 s18, $0x2  }
0x25: {  	[sflag:s10] =	ssyncadd.s32 $0xFFFFC000;
	s18 =	smov.u32 s19;
	s21 =	sadd.s32 $0x200, s19  }
0x26: {  	[tilespmem:s15], [sflag:$0x1] =	stream.indirect.gather [hbm4b:s4+s14], $0x80, s20, s14, $0xb8;
	[tilespmem:$0x1A800] =	vst v63  }
0x27: {  	p0 =	sne.s32 s19, $0x4E00;
	_ =	swait.ge [sflag:s16], $0x4000  }
.Ltmp0:
0x28: {  	[sflag:s16] =	ssyncset.done $0x0;
	(pc) =	sbr.rel @p0 .LBB2_2-.Ltmp0, $4  }
0x29: {  	s19 =	sadd.s32 $0x1400, s20;
	[sflag:s16] =	ssyncadd.s32 $0xFFFFC000  }
0x2a: {  	[spmem:s2] =	stream.indirect.scatter.add.f32 [tilespmem:s15], [sflag:$0x2], $0x80, s19, s14, $0xb8;
	[tilespmem:$0x1A800] =	vst v63  }
0x2b: {  	_ =	swait.ge [sflag:s10], $0x4000  }
0x2c: {  	s19 =	smov.u32 s21;
	[sflag:s10] =	ssyncset.done $0x0  }
0x2d: {  	s18 =	sshra.s32 s18, $0x2;
	[sflag:s10] =	ssyncadd.s32 $0xFFFFC000  }
0x2e: {  	[tilespmem:s15], [sflag:$0x1] =	stream.indirect.gather [hbm4b:s4+s14], $0x80, s18, s14, $0xb8;
	[tilespmem:$0x1A800] =	vst v63  }
0x2f: {  	_ =	swait.ge [sflag:s16], $0x4000  }
0x30: {  	[sflag:s16] =	ssyncset.done $0x0  }
0x31: {  	s18 =	sadd.s32 $0x1400, s18;
	[sflag:s16] =	ssyncadd.s32 $0xFFFFC000  }
0x32: {  	[spmem:s2] =	stream.indirect.scatter.add.f32 [tilespmem:s15], [sflag:$0x2], $0x80, s18, s14, $0xb8;
	[tilespmem:$0x1A800] =	vst v63  }
0x33: {  	_ =	swait.ge [sflag:s10], $0x4000  }
0x34: {  	s17 =	sadd.s32 $0x1, s17;
	[sflag:s10] =	ssyncset.done $0x0  }
0x35: {  	p0 =	sne.s32 s17, s9;
	[sflag:s10] =	ssyncadd.s32 $0xFFFFC000  }
.Ltmp1:
0x36: {  	[bflag:$0x0] =	sbarrier.arrive $0xFFFF;
	(pc) =	sbr.rel @p0 .LBB2_1-.Ltmp1, $4  }
0x37: {  	[hbm:s8], [sflag:s12] =	dma.local [spmem:s13], $0x2800  }
0x38: {  	_ =	swait.ge [sflag:s10], $0x2800  }
0x39: {  	[sflag:s10] =	ssyncset.done $0x0  }
0x3a: {  	[sflag:s10] =	ssyncadd.s32 $0xFFFFD800  }
0x3b: {  	_ =	sfence.sel $0x180000  }
0x3c: {  	[bflag:$0x0] =	sbarrier.arrive $0xFFFF  }
0x3d: {  	p0 =	sne.s32 s0, $0x0;
	_ =	strace $0x90000050  }
0x3e: {  	s0 =	sadd.s32 @!p0 $0x100000, s1;
	[bflag:$0x2] =	sbarrier.arrive $0xFFFF  }
0x3f: {  	[sflag:s0] =	ssyncadd.tile.s32 @!p0 $0x1;
	_ =	shalt  }
.Lfunc_end2:
_tile_overlayer_lowered:
.L_overlay_start_2:
0x40: {  	(tag) =	ssettag $0x2  }
0x41: {  	s0 =	rddreg [dreg:$0x0];
	s2 =	stileid.u32  }
0x42: {  	s1 =	rddreg [dreg:$0x1];
	p0 =	sne.s32 s2, $0x0  }
0x43: {  	s3 =	rddreg [dreg:$0x2];
	[bflag:$0x3] =	sbarrier.arrive $0xFFFF;
	s2 =	simm.s32 @!p0 $0x1C02  }
0x44: {  	[timem:s3], [sflag:s2] =	dma.local @!p0 [hbm:s0], s1  }
0x45: {  	s0 =	simm.s32 @!p0 $0x2  }
0x46: {  	_ =	swait.ge @!p0 [sflag:s0], s1  }
0x47: {  	s1 =	ssub.s32 @!p0 $0x0, s1;
	[sflag:s0] =	ssyncset.done @!p0 $0x0  }
0x48: {  	[sflag:s0] =	ssyncadd.s32 @!p0 s1  }
0x49: {  	[bflag:$0x3] =	sbarrier.arrive $0xFFFF  }
0x4a: {  	_ =	shalt  }

// kernel: kernel.34.cloned.1.call-start
scs
__scs_entry_jumppad:
0x0: {  	(pc) =	sbr.rel $0x88, $3  }
0x1: {  	(tag) =	ssettag $0x0;
	lr =	simm.s32 $0x1  }
0x2: {  	[smem:$0x3F97] =	sst lr;
	_ =	strace $0xD0000000  }
0x3: {  	_ = 	snop  }
0x4: {  	_ = 	snop  }
0x5: {  	_ = 	snop  }
0x6: {  	_ = 	snop  }
0x7: {  	_ = 	snop  }
__scs_overlays_trampoline_lowered:
0x8: {  	[smem:$0x3FA6] =	sst s0  }
0x9: {  	[smem:$0x3FA7] =	sst s1  }
0xa: {  	[smem:$0x3FA8] =	sst s2  }
0xb: {  	[smem:$0x3FA9] =	sst s3  }
0xc: {  	[smem:$0x3FAA] =	sst s4  }
0xd: {  	[smem:$0x3FAB] =	sst s5  }
0xe: {  	[smem:$0x3FAC] =	sst s6  }
0xf: {  	[smem:$0x3FAD] =	sst s7  }
0x10: {  	[smem:$0x3FAE] =	sst s8  }
0x11: {  	[smem:$0x3FAF] =	sst s9;
	s0 =	simm.s32 @!p0 $0x0  }
0x12: {  	s1 =	sld [smem:$0x3F95];
	s0 =	simm.s32 @p0 $0x1  }
0x13: {  	[smem:$0x3FB0] =	sst s0;
	s0 =	simm.s32 @!p1 $0x0  }
0x14: {  	s2 =	sld [smem:$0x3F94];
	s0 =	simm.s32 @p1 $0x1  }
0x15: {  	[smem:$0x3FB1] =	sst s0;
	s0 =	simm.s32 @!p2 $0x0  }
0x16: {  	s3 =	sld [smem:$0x3FDB];
	s0 =	simm.s32 @p2 $0x1  }
0x17: {  	s4 =	simm.s32 $0x1BF5;
	[smem:$0x3FB3] =	sst s0  }
0x18: {  	s0 =	sld [smem:$0x3F96];
	_ =	swait.ge [sflag:s4], $0x0  }
0x19: {  	s7 =	sld [smem:$0x3F97]  }
0x1a: {  	s8 =	sadd.s32 $0xFFFFE003, lr  }
0x1b: {  	s9 =	sadd.s32 $0xFFFFFEF7, lr;
	s5 =	simm.s32 $0xFFFFFFFF;
	p2 =	slt.u32 s8, $0xFFFFF086  }
0x1c: {  	p1 =	slt.u32 s9, $0xF7A;
	s5 =	simm.s32 @!p2 $0x0  }
0x1d: {  	s5 =	simm.s32 @p1 $0x1;
	p0 =	seq.s32 s7, s2  }
0x1e: {  	s7 =	smul.u32 @!p0 $0xF7A, s2;
	p2 =	seq.s32 @!p0 s5, $0x0  }
0x1f: {  	s9 =	smul.u32 $0xF7A, s1;
	s8 =	simm.s32 @!p0 $0x1BF5;
	p2 =	por !p2, p0  }
0x20: {  	[sflag:s8] =	ssyncset.s32 @!p0 $0xFFFFF086;
	s6 =	sadd.s32 @!p0 s3, s7;
	s7 =	simm.s32 @!p0 $0x108  }
0x21: {  	s3 =	sadd.s32 s3, s9;
	s6 =	sadd.s32 @!p0 $0x88, s6;
	s7 =	simm.s32 @p2 $0x1082  }
0x22: {  	[simem:s7], [sflag:s8] =	dma.local @!p0 [hbm:s6], $0xF7A  }
0x23: {  	s9 =	sor.u32 $0xD0000000, s2;
	s6 =	simm.s32 $0x108;
	_ =	swait.ge @!p0 [sflag:s8], $0x0  }
0x24: {  	s3 =	sadd.s32 $0x88, s3;
	s6 =	simm.s32 @!p1 $0x1082;
	[sflag:s4] =	ssyncset.s32 $0xFFFFF086  }
0x25: {  	[simem:s6], [sflag:s4] =	dma.local [hbm:s3], $0xF7A  }
0x26: {  	[smem:$0x3F97] =	sst s1;
	(tag) =	ssettag s2;
	_ =	strace s9  }
0x27: {  	s1 =	sld [smem:$0x3FA7]  }
0x28: {  	s2 =	sld [smem:$0x3FA8]  }
0x29: {  	s4 =	sld [smem:$0x3FAA]  }
0x2a: {  	p0 =	seq.s32 s5, $0x0;
	s5 =	sld [smem:$0x3FAB]  }
0x2b: {  	s6 =	sld [smem:$0x3FAC]  }
0x2c: {  	s7 =	sld [smem:$0x3FAD]  }
0x2d: {  	s3 =	simm.s32 $0x108;
	s8 =	sld [smem:$0x3FAE]  }
0x2e: {  	s3 =	simm.s32 @!p0 $0x1082;
	s9 =	sld [smem:$0x3FAF]  }
0x2f: {  	lr =	sadd.s32 s0, s3;
	s0 =	sld [smem:$0x3FA6]  }
0x30: {  	s3 =	sld [smem:$0x3FA9]  }
0x31: {  	[smem:$0x3FB2] =	sst s10  }
0x32: {  	s10 =	sld [smem:$0x3FB0];
	_ =	sdelay $0x3  }
0x33: {  	p0 =	seq.s32 s10, $0x1;
	s10 =	sld [smem:$0x3FB2];
	_ =	sdelay $0x3  }
0x34: {  	[smem:$0x3FB2] =	sst s10  }
0x35: {  	s10 =	sld [smem:$0x3FB1];
	_ =	sdelay $0x3  }
0x36: {  	p1 =	seq.s32 s10, $0x1;
	s10 =	sld [smem:$0x3FB2];
	_ =	sdelay $0x3  }
0x37: {  	[smem:$0x3FB2] =	sst s10  }
0x38: {  	s10 =	sld [smem:$0x3FB3]  }
0x39: {  	_ = 	snop;
	(pc) =	sbr.ind lr, $3  }
0x3a: {  	_ = 	snop  }
0x3b: {  	_ = 	snop  }
0x3c: {  	p2 =	seq.s32 s10, $0x1;
	s10 =	sld [smem:$0x3FB2]  }
0x3d: {  	_ =	shalt  }
0x3e: {  	_ =	shalt  }
0x3f: {  	_ =	shalt  }
0x40: {  	_ =	shalt  }
0x41: {  	_ =	shalt  }
0x42: {  	_ =	shalt  }
0x43: {  	_ =	shalt  }
0x44: {  	_ =	shalt  }
0x45: {  	_ =	shalt  }
0x46: {  	_ =	shalt  }
0x47: {  	_ =	shalt  }
0x48: {  	_ =	shalt  }
0x49: {  	_ =	shalt  }
0x4a: {  	_ =	shalt  }
0x4b: {  	_ =	shalt  }
0x4c: {  	_ =	shalt  }
0x4d: {  	_ =	shalt  }
0x4e: {  	_ =	shalt  }
0x4f: {  	_ =	shalt  }
0x50: {  	_ =	shalt  }
0x51: {  	_ =	shalt  }
0x52: {  	_ =	shalt  }
0x53: {  	_ =	shalt  }
0x54: {  	_ =	shalt  }
0x55: {  	_ =	shalt  }
0x56: {  	_ =	shalt  }
0x57: {  	_ =	shalt  }
0x58: {  	_ =	shalt  }
0x59: {  	_ =	shalt  }
0x5a: {  	_ =	shalt  }
0x5b: {  	_ =	shalt  }
0x5c: {  	_ =	shalt  }
0x5d: {  	_ =	shalt  }
0x5e: {  	_ =	shalt  }
0x5f: {  	_ =	shalt  }
0x60: {  	_ =	shalt  }
0x61: {  	_ =	shalt  }
0x62: {  	_ =	shalt  }
0x63: {  	_ =	shalt  }
0x64: {  	_ =	shalt  }
0x65: {  	_ =	shalt  }
0x66: {  	_ =	shalt  }
0x67: {  	_ =	shalt  }
0x68: {  	_ =	shalt  }
0x69: {  	_ =	shalt  }
0x6a: {  	_ =	shalt  }
0x6b: {  	_ =	shalt  }
0x6c: {  	_ =	shalt  }
0x6d: {  	_ =	shalt  }
0x6e: {  	_ =	shalt  }
0x6f: {  	_ =	shalt  }
0x70: {  	_ =	shalt  }
0x71: {  	_ =	shalt  }
0x72: {  	_ =	shalt  }
0x73: {  	_ =	shalt  }
0x74: {  	_ =	shalt  }
0x75: {  	_ =	shalt  }
0x76: {  	_ =	shalt  }
0x77: {  	_ =	shalt  }
0x78: {  	_ =	shalt  }
0x79: {  	_ =	shalt  }
0x7a: {  	_ =	shalt  }
0x7b: {  	_ =	shalt  }
0x7c: {  	_ =	shalt  }
0x7d: {  	_ =	shalt  }
0x7e: {  	_ =	shalt  }
0x7f: {  	_ =	shalt  }
0x80: {  	_ =	shalt  }
0x81: {  	_ =	shalt  }
0x82: {  	_ =	shalt  }
0x83: {  	_ =	shalt  }
0x84: {  	_ =	shalt  }
0x85: {  	_ =	shalt  }
0x86: {  	_ =	shalt  }
0x87: {  	_ =	shalt  }
.Lfunc_end0:
.L_simem_size_0:
called_computation.4_lowered:
.L_overlay_start_0:
0x88: {  	s2 =	sld [smem:$0x3FD9]  }
0x89: {  	s3 =	sld [smem:$0x3FFE];
	_ =	sdelay $0x1  }
0x8a: {  	s1 =	srdreg.scid  }
0x8b: {  	s0 =	sand.u32 $0x1, s1  }
0x8c: {  	s16 =	sshll.u32 s0, $0xA;
	s2 =	sadd.s32 s3, s2  }
0x8d: {  	s2 =	sadd.s32 s2, s16  }
0x8e: {  	[smem:$0x3FBE] =	sst s2  }
0x8f: {  	_ = 	snop  }
0x90: {  	(tm) =	ssettm $0x1  }
0x91: {  	s17 =	sld [smem:$0x3FFB];
	_ =	sdelay $0x3  }
0x92: {  	_ =	strace s17  }
0x93: {  	s2 =	sld [smem:$0x3FFC];
	_ =	sdelay $0x3  }
0x94: {  	_ =	strace s2  }
0x95: {  	s2 =	sld [smem:$0x3FFD];
	_ =	sdelay $0x3  }
0x96: {  	_ =	strace s2  }
0x97: {  	_ =	strace $0x8FFFFFFF  }
0x98: {  	s18 =	sld [smem:$0x3FDB];
	_ =	sdelay $0x1  }
0x99: {  	s19 =	simm.s32 $_scs_section_size  }
0x9a: {  	s4 =	simm.s32 $_size__tile_overlayer_lowered;
	s5 =	simm.s32 $_tile_overlayer_lowered  }
0x9b: {  	s22 =	simm.s32 $0x1BFF;
	s21 =	sshll.u32 s5, $0x1;
	s2 =	sadd.s32 s19, s18  }
0x9c: {  	s6 =	simm.s32 $0x0;
	s20 =	sshll.u32 s4, $0x1;
	s4 =	sadd.s32 s21, s2  }
0x9d: {  	[timem:s6], [sflag:s22] =	dma.local [hbm:s4], s20  }
0x9e: {  	_ =	swait.ge [sflag:s22], s20  }
0x9f: {  	s3 =	ssub.s32 $0x0, s20;
	[sflag:s22] =	ssyncset.done $0x0  }
0xa0: {  	[sflag:s22] =	ssyncadd.s32 s3;
	_ =	sdelay $0x1  }
0xa1: {  	s23 =	simm.s32 $0x1B8B  }
0xa2: {  	_ =	swait.ge [sflag:s23], $0x1  }
0xa3: {  	[sflag:s23] =	ssyncset.done $0x0  }
0xa4: {  	s25 =	simm.s32 $0x1B8E;
	s24 =	sld [smem:$0x3FFE];
	[sflag:s23] =	ssyncadd.s32 $0xFFFFFFFF  }
0xa5: {  	s26 =	simm.s32 $execute0_lowered;
	[smem:$0x3FD2] =	sst s25  }
0xa6: {  	s4 =	sshll.u32 s26, $0x1;
	_ =	strace $0x80000052;
	[dreg:$0x1] =	wrdreg $0xFFFFFFFF  }
0xa7: {  	s28 =	simm.s32 $_size_execute0_lowered;
	s2 =	sadd.s32 s2, s4;
	[dreg:$0x0] =	wrdreg $0x0  }
0xa8: {  	s4 =	sshll.u32 s28, $0x1;
	[dreg:$0x2] =	wrdreg s2  }
0xa9: {  	[dreg:$0x3] =	wrdreg s4  }
0xaa: {  	[dreg:$0x4] =	wrdreg $0xC0  }
0xab: {  	_ =	task [dreg:s6], $0x5FFFF  }
0xac: {  	[dreg:$0x1] =	wrdreg $0xFFFFFFFF  }
0xad: {  	[dreg:$0x0] =	wrdreg $0x60  }
0xae: {  	[dreg:$0x2] =	wrdreg s24  }
0xaf: {  	[dreg:$0x3] =	wrdreg $0x90000  }
0xb0: {  	[dreg:$0x4] =	wrdreg $0x9  }
0xb1: {  	_ =	task.clear_ibuf [dreg:s6], $0x5FFFF;
	_ =	strace $0x90000052  }
0xb2: {  	s29 =	simm.s32 $0x9;
	_ =	strace $0x80000054  }
0xb3: {  	_ =	swait.ge [sflag:s29], $0x1  }
0xb4: {  	[sflag:s29] =	ssyncadd.s32 $0xFFFFFFFF  }
0xb5: {  	_ =	strace $0x90000054  }
0xb6: {  	_ =	sfence  }
0xb7: {  	s30 =	sld [smem:$0x0];
	_ =	sdelay $0x2  }
0xb8: {  	s31 =	sshll.u32 s1, $0xD;
	s1 =	sshrl.u32 s1, $0x2  }
0xb9: {  	s3 =	sand.u32 $0x4000, s31;
	s1 =	sadd.s32 s1, s30  }
0xba: {  	s0 =	sor.u32 s3, s0;
	s1 =	sshll.u32 s1, $0x11  }
0xbb: {  	s0 =	sor.u32 s1, s0  }
0xbc: {  	s0 =	sadd.s32 $0x8F2B, s0  }
0xbd: {  	[sflag:s0] =	ssyncadd.remote.s32 $0x1  }
0xbe: {  	_ =	sfence.sel $0xFFFF  }
0xbf: {  	[dreg:$0x0] =	wrdreg $0xFFFFFFFF;
	(pc) =	sbr.abs _section_cstart, $3  }
0xc0: {  	[dreg:$0x1] =	wrdreg $0xFFFFFFFF  }
0xc1: {  	_ =	task.clear_ibuf [dreg:s6], $0x2FFFF;
	_ =	strace $0x9FFFFFFF  }
0xc2: {  	(tm) =	ssettm $0x7FFFFFFF  }
0xc3: {  	_ =	shalt  }
tec
execute0_lowered:
.L_overlay_start_1:
0x0: {  	(tag) =	ssettag $0x1  }
0x1: {  	s6 =	rddreg [dreg:$0x0]  }
0x2: {  	s0 =	srdreg.scid;
	s2 =	rddreg [dreg:$0x1]  }
0x3: {  	s1 =	rddreg [dreg:$0x2];
	s5 =	sand.u32 $0x1, s0  }
0x4: {  	s0 =	stileid.u32;
	s4 =	smul.u32 $0x28000, s5  }
0x5: {  	s3 =	simm.s32 $0x0;
	s14 =	simm.s32 $0x80;
	s7 =	smul.u32 $0x2800, s0  }
0x6: {  	s15 =	simm.s32 $0x5000;
	s16 =	simm.s32 $0x1;
	s8 =	smul.u32 $0x140000, s5  }
0x7: {  	s17 =	simm.s32 $0x0;
	[smem:$0x7FF] =	sst s3;
	s9 =	smul.u32 $0x14000, s0  }
0x8: {  	_ =	strace $0x80000053;
	s30 =	ssub.s32 $0x2, s5;
	s11 =	smul.u32 $0x50000, s0  }
0x9: {  	s5 =	sadd.s32 $0xB800, s6;
	s12 =	sshll.u32 s0, $0x6;
	s10 =	sshrl.u32 s30, $0x1  }
0xa: {  	s12 =	sor.u32 $0x1C02, s12;
	s7 =	sadd.s32 s7, s4;
	s4 =	sadd.s32 $0x17B800, s6  }
0xb: {  	s8 =	sadd.s32 s9, s8;
	s9 =	ssub.s32 s30, s10;
	s31 =	sshrl.u32 s11, $0x2  }
0xc: {  	s10 =	simm.s32 $0x2;
	s11 =	simm.s32 $0x2800;
	s7 =	sshrl.u32 s7, $0x3  }
0xd: {  	s8 =	sshrl.u32 s8, $0x3;
	s13 =	sadd.s32 s31, s2;
	s9 =	smax.u32 s9, $0x1  }
0xe: {  	s7 =	sadd.s32 s7, s6;
	s8 =	sadd.s32 s8, s6;
	s13 =	sshrl.u32 s13, $0x3  }
0xf: {  	s6 =	sadd.s32 $0x36000, s7;
	s7 =	sadd.s32 $0x40000, s7;
	s8 =	sadd.s32 $0x9A000, s8  }
.LBB2_1:
0x10: {  	[tilespmem:s3], [sflag:$0x2] =	stream.linear.gather [hbm4b:s6+s3], $0x2800, $0x38;
	[tilespmem:$0x1D000] =	vst v63  }
0x11: {  	_ =	swait.ge [sflag:s10], $0x2800  }
0x12: {  	[sflag:s10] =	ssyncset.done $0x0  }
0x13: {  	[sflag:s10] =	ssyncadd.s32 $0xFFFFD800  }
0x14: {  	[tilespmem:s11], [sflag:$0x2] =	stream.linear.gather [hbm4b:s7+s3], $0x2800, $0x38;
	[tilespmem:$0x1D000] =	vst v63  }
0x15: {  	_ =	swait.ge [sflag:s10], $0x2800  }
0x16: {  	[sflag:s10] =	ssyncset.done $0x0  }
0x17: {  	[sflag:s10] =	ssyncadd.s32 $0xFFFFD800  }
0x18: {  	[spmem:s13], [sflag:s12] =	dma.local [hbm:s5], $0x2800  }
0x19: {  	_ =	swait.ge [sflag:s10], $0x2800  }
0x1a: {  	[sflag:s10] =	ssyncset.done $0x0  }
0x1b: {  	[sflag:s10] =	ssyncadd.s32 $0xFFFFD800  }
0x1c: {  	s18 =	simm.s32 $0x0;
	[bflag:$0x0] =	sbarrier.arrive $0xFFFF  }
0x1d: {  	[tilespmem:s15], [sflag:$0x1] =	stream.indirect.gather [hbm4b:s4+s14], $0x80, s18, s14, $0xb8;
	[tilespmem:$0x1D000] =	vst v63  }
0x1e: {  	_ =	swait.ge [sflag:s16], $0x4000  }
0x1f: {  	[sflag:s16] =	ssyncset.done $0x0  }
0x20: {  	s31 =	simm.s32 $0x2800;
	[sflag:s16] =	ssyncadd.s32 $0xFFFFC000  }
0x21: {  	[spmem:s2] =	stream.indirect.scatter.add.f32 [tilespmem:s15], [sflag:$0x2], $0x80, s31, s14, $0xb8;
	[tilespmem:$0x1D000] =	vst v63  }
0x22: {  	_ =	swait.ge [sflag:s10], $0x4000  }
0x23: {  	s19 =	simm.s32 $0x400;
	s18 =	simm.s32 $0x200;
	[sflag:s10] =	ssyncset.done $0x0  }
.LBB2_2:
0x24: {  	s20 =	sshra.s32 s18, $0x2  }
0x25: {  	[sflag:s10] =	ssyncadd.s32 $0xFFFFC000;
	s18 =	smov.u32 s19;
	s21 =	sadd.s32 $0x200, s19  }
0x26: {  	[tilespmem:s15], [sflag:$0x1] =	stream.indirect.gather [hbm4b:s4+s14], $0x80, s20, s14, $0xb8;
	[tilespmem:$0x1D000] =	vst v63  }
0x27: {  	p0 =	sne.s32 s19, $0x9E00;
	_ =	swait.ge [sflag:s16], $0x4000  }
.Ltmp0:
0x28: {  	[sflag:s16] =	ssyncset.done $0x0;
	(pc) =	sbr.rel @p0 .LBB2_2-.Ltmp0, $4  }
0x29: {  	s19 =	sadd.s32 $0x2800, s20;
	[sflag:s16] =	ssyncadd.s32 $0xFFFFC000  }
0x2a: {  	[spmem:s2] =	stream.indirect.scatter.add.f32 [tilespmem:s15], [sflag:$0x2], $0x80, s19, s14, $0xb8;
	[tilespmem:$0x1D000] =	vst v63  }
0x2b: {  	_ =	swait.ge [sflag:s10], $0x4000  }
0x2c: {  	s19 =	smov.u32 s21;
	[sflag:s10] =	ssyncset.done $0x0  }
0x2d: {  	s18 =	sshra.s32 s18, $0x2;
	[sflag:s10] =	ssyncadd.s32 $0xFFFFC000  }
0x2e: {  	[tilespmem:s15], [sflag:$0x1] =	stream.indirect.gather [hbm4b:s4+s14], $0x80, s18, s14, $0xb8;
	[tilespmem:$0x1D000] =	vst v63  }
0x2f: {  	_ =	swait.ge [sflag:s16], $0x4000  }
0x30: {  	[sflag:s16] =	ssyncset.done $0x0  }
0x31: {  	s18 =	sadd.s32 $0x2800, s18;
	[sflag:s16] =	ssyncadd.s32 $0xFFFFC000  }
0x32: {  	[spmem:s2] =	stream.indirect.scatter.add.f32 [tilespmem:s15], [sflag:$0x2], $0x80, s18, s14, $0xb8;
	[tilespmem:$0x1D000] =	vst v63  }
0x33: {  	_ =	swait.ge [sflag:s10], $0x4000  }
0x34: {  	s17 =	sadd.s32 $0x1, s17;
	[sflag:s10] =	ssyncset.done $0x0  }
0x35: {  	p0 =	sne.s32 s17, s9;
	[sflag:s10] =	ssyncadd.s32 $0xFFFFC000  }
.Ltmp1:
0x36: {  	[bflag:$0x0] =	sbarrier.arrive $0xFFFF;
	(pc) =	sbr.rel @p0 .LBB2_1-.Ltmp1, $4  }
0x37: {  	[hbm:s8], [sflag:s12] =	dma.local [spmem:s13], $0x2800  }
0x38: {  	_ =	swait.ge [sflag:s10], $0x2800  }
0x39: {  	[sflag:s10] =	ssyncset.done $0x0  }
0x3a: {  	[sflag:s10] =	ssyncadd.s32 $0xFFFFD800  }
0x3b: {  	_ =	sfence.sel $0x180000  }
0x3c: {  	[bflag:$0x0] =	sbarrier.arrive $0xFFFF  }
0x3d: {  	p0 =	sne.s32 s0, $0x0;
	_ =	strace $0x90000053  }
0x3e: {  	s0 =	sadd.s32 @!p0 $0x100000, s1;
	[bflag:$0x2] =	sbarrier.arrive $0xFFFF  }
0x3f: {  	[sflag:s0] =	ssyncadd.tile.s32 @!p0 $0x1;
	_ =	shalt  }
.Lfunc_end2:
_tile_overlayer_lowered:
.L_overlay_start_2:
0x40: {  	(tag) =	ssettag $0x2  }
0x41: {  	s0 =	rddreg [dreg:$0x0];
	s2 =	stileid.u32  }
0x42: {  	s1 =	rddreg [dreg:$0x1];
	p0 =	sne.s32 s2, $0x0  }
0x43: {  	s3 =	rddreg [dreg:$0x2];
	[bflag:$0x3] =	sbarrier.arrive $0xFFFF;
	s2 =	simm.s32 @!p0 $0x1C02  }
0x44: {  	[timem:s3], [sflag:s2] =	dma.local @!p0 [hbm:s0], s1  }
0x45: {  	s0 =	simm.s32 @!p0 $0x2  }
0x46: {  	_ =	swait.ge @!p0 [sflag:s0], s1  }
0x47: {  	s1 =	ssub.s32 @!p0 $0x0, s1;
	[sflag:s0] =	ssyncset.done @!p0 $0x0  }
0x48: {  	[sflag:s0] =	ssyncadd.s32 @!p0 s1  }
0x49: {  	[bflag:$0x3] =	sbarrier.arrive $0xFFFF  }
0x4a: {  	_ =	shalt  }

// kernel: kernel.37.cloned.1.call-start
scs
__scs_entry_jumppad:
0x0: {  	(pc) =	sbr.rel $0x88, $3  }
0x1: {  	(tag) =	ssettag $0x0;
	lr =	simm.s32 $0x1  }
0x2: {  	[smem:$0x3F97] =	sst lr;
	_ =	strace $0xD0000000  }
0x3: {  	_ = 	snop  }
0x4: {  	_ = 	snop  }
0x5: {  	_ = 	snop  }
0x6: {  	_ = 	snop  }
0x7: {  	_ = 	snop  }
__scs_overlays_trampoline_lowered:
0x8: {  	[smem:$0x3FA6] =	sst s0  }
0x9: {  	[smem:$0x3FA7] =	sst s1  }
0xa: {  	[smem:$0x3FA8] =	sst s2  }
0xb: {  	[smem:$0x3FA9] =	sst s3  }
0xc: {  	[smem:$0x3FAA] =	sst s4  }
0xd: {  	[smem:$0x3FAB] =	sst s5  }
0xe: {  	[smem:$0x3FAC] =	sst s6  }
0xf: {  	[smem:$0x3FAD] =	sst s7  }
0x10: {  	[smem:$0x3FAE] =	sst s8  }
0x11: {  	[smem:$0x3FAF] =	sst s9;
	s0 =	simm.s32 @!p0 $0x0  }
0x12: {  	s1 =	sld [smem:$0x3F95];
	s0 =	simm.s32 @p0 $0x1  }
0x13: {  	[smem:$0x3FB0] =	sst s0;
	s0 =	simm.s32 @!p1 $0x0  }
0x14: {  	s2 =	sld [smem:$0x3F94];
	s0 =	simm.s32 @p1 $0x1  }
0x15: {  	[smem:$0x3FB1] =	sst s0;
	s0 =	simm.s32 @!p2 $0x0  }
0x16: {  	s3 =	sld [smem:$0x3FDB];
	s0 =	simm.s32 @p2 $0x1  }
0x17: {  	s4 =	simm.s32 $0x1BF5;
	[smem:$0x3FB3] =	sst s0  }
0x18: {  	s0 =	sld [smem:$0x3F96];
	_ =	swait.ge [sflag:s4], $0x0  }
0x19: {  	s7 =	sld [smem:$0x3F97]  }
0x1a: {  	s8 =	sadd.s32 $0xFFFFE003, lr  }
0x1b: {  	s9 =	sadd.s32 $0xFFFFFEF7, lr;
	s5 =	simm.s32 $0xFFFFFFFF;
	p2 =	slt.u32 s8, $0xFFFFF086  }
0x1c: {  	p1 =	slt.u32 s9, $0xF7A;
	s5 =	simm.s32 @!p2 $0x0  }
0x1d: {  	s5 =	simm.s32 @p1 $0x1;
	p0 =	seq.s32 s7, s2  }
0x1e: {  	s7 =	smul.u32 @!p0 $0xF7A, s2;
	p2 =	seq.s32 @!p0 s5, $0x0  }
0x1f: {  	s9 =	smul.u32 $0xF7A, s1;
	s8 =	simm.s32 @!p0 $0x1BF5;
	p2 =	por !p2, p0  }
0x20: {  	[sflag:s8] =	ssyncset.s32 @!p0 $0xFFFFF086;
	s6 =	sadd.s32 @!p0 s3, s7;
	s7 =	simm.s32 @!p0 $0x108  }
0x21: {  	s3 =	sadd.s32 s3, s9;
	s6 =	sadd.s32 @!p0 $0x88, s6;
	s7 =	simm.s32 @p2 $0x1082  }
0x22: {  	[simem:s7], [sflag:s8] =	dma.local @!p0 [hbm:s6], $0xF7A  }
0x23: {  	s9 =	sor.u32 $0xD0000000, s2;
	s6 =	simm.s32 $0x108;
	_ =	swait.ge @!p0 [sflag:s8], $0x0  }
0x24: {  	s3 =	sadd.s32 $0x88, s3;
	s6 =	simm.s32 @!p1 $0x1082;
	[sflag:s4] =	ssyncset.s32 $0xFFFFF086  }
0x25: {  	[simem:s6], [sflag:s4] =	dma.local [hbm:s3], $0xF7A  }
0x26: {  	[smem:$0x3F97] =	sst s1;
	(tag) =	ssettag s2;
	_ =	strace s9  }
0x27: {  	s1 =	sld [smem:$0x3FA7]  }
0x28: {  	s2 =	sld [smem:$0x3FA8]  }
0x29: {  	s4 =	sld [smem:$0x3FAA]  }
0x2a: {  	p0 =	seq.s32 s5, $0x0;
	s5 =	sld [smem:$0x3FAB]  }
0x2b: {  	s6 =	sld [smem:$0x3FAC]  }
0x2c: {  	s7 =	sld [smem:$0x3FAD]  }
0x2d: {  	s3 =	simm.s32 $0x108;
	s8 =	sld [smem:$0x3FAE]  }
0x2e: {  	s3 =	simm.s32 @!p0 $0x1082;
	s9 =	sld [smem:$0x3FAF]  }
0x2f: {  	lr =	sadd.s32 s0, s3;
	s0 =	sld [smem:$0x3FA6]  }
0x30: {  	s3 =	sld [smem:$0x3FA9]  }
0x31: {  	[smem:$0x3FB2] =	sst s10  }
0x32: {  	s10 =	sld [smem:$0x3FB0];
	_ =	sdelay $0x3  }
0x33: {  	p0 =	seq.s32 s10, $0x1;
	s10 =	sld [smem:$0x3FB2];
	_ =	sdelay $0x3  }
0x34: {  	[smem:$0x3FB2] =	sst s10  }
0x35: {  	s10 =	sld [smem:$0x3FB1];
	_ =	sdelay $0x3  }
0x36: {  	p1 =	seq.s32 s10, $0x1;
	s10 =	sld [smem:$0x3FB2];
	_ =	sdelay $0x3  }
0x37: {  	[smem:$0x3FB2] =	sst s10  }
0x38: {  	s10 =	sld [smem:$0x3FB3]  }
0x39: {  	_ = 	snop;
	(pc) =	sbr.ind lr, $3  }
0x3a: {  	_ = 	snop  }
0x3b: {  	_ = 	snop  }
0x3c: {  	p2 =	seq.s32 s10, $0x1;
	s10 =	sld [smem:$0x3FB2]  }
0x3d: {  	_ =	shalt  }
0x3e: {  	_ =	shalt  }
0x3f: {  	_ =	shalt  }
0x40: {  	_ =	shalt  }
0x41: {  	_ =	shalt  }
0x42: {  	_ =	shalt  }
0x43: {  	_ =	shalt  }
0x44: {  	_ =	shalt  }
0x45: {  	_ =	shalt  }
0x46: {  	_ =	shalt  }
0x47: {  	_ =	shalt  }
0x48: {  	_ =	shalt  }
0x49: {  	_ =	shalt  }
0x4a: {  	_ =	shalt  }
0x4b: {  	_ =	shalt  }
0x4c: {  	_ =	shalt  }
0x4d: {  	_ =	shalt  }
0x4e: {  	_ =	shalt  }
0x4f: {  	_ =	shalt  }
0x50: {  	_ =	shalt  }
0x51: {  	_ =	shalt  }
0x52: {  	_ =	shalt  }
0x53: {  	_ =	shalt  }
0x54: {  	_ =	shalt  }
0x55: {  	_ =	shalt  }
0x56: {  	_ =	shalt  }
0x57: {  	_ =	shalt  }
0x58: {  	_ =	shalt  }
0x59: {  	_ =	shalt  }
0x5a: {  	_ =	shalt  }
0x5b: {  	_ =	shalt  }
0x5c: {  	_ =	shalt  }
0x5d: {  	_ =	shalt  }
0x5e: {  	_ =	shalt  }
0x5f: {  	_ =	shalt  }
0x60: {  	_ =	shalt  }
0x61: {  	_ =	shalt  }
0x62: {  	_ =	shalt  }
0x63: {  	_ =	shalt  }
0x64: {  	_ =	shalt  }
0x65: {  	_ =	shalt  }
0x66: {  	_ =	shalt  }
0x67: {  	_ =	shalt  }
0x68: {  	_ =	shalt  }
0x69: {  	_ =	shalt  }
0x6a: {  	_ =	shalt  }
0x6b: {  	_ =	shalt  }
0x6c: {  	_ =	shalt  }
0x6d: {  	_ =	shalt  }
0x6e: {  	_ =	shalt  }
0x6f: {  	_ =	shalt  }
0x70: {  	_ =	shalt  }
0x71: {  	_ =	shalt  }
0x72: {  	_ =	shalt  }
0x73: {  	_ =	shalt  }
0x74: {  	_ =	shalt  }
0x75: {  	_ =	shalt  }
0x76: {  	_ =	shalt  }
0x77: {  	_ =	shalt  }
0x78: {  	_ =	shalt  }
0x79: {  	_ =	shalt  }
0x7a: {  	_ =	shalt  }
0x7b: {  	_ =	shalt  }
0x7c: {  	_ =	shalt  }
0x7d: {  	_ =	shalt  }
0x7e: {  	_ =	shalt  }
0x7f: {  	_ =	shalt  }
0x80: {  	_ =	shalt  }
0x81: {  	_ =	shalt  }
0x82: {  	_ =	shalt  }
0x83: {  	_ =	shalt  }
0x84: {  	_ =	shalt  }
0x85: {  	_ =	shalt  }
0x86: {  	_ =	shalt  }
0x87: {  	_ =	shalt  }
.Lfunc_end0:
.L_simem_size_0:
called_computation.5_lowered:
.L_overlay_start_0:
0x88: {  	s2 =	sld [smem:$0x3FD9]  }
0x89: {  	s3 =	sld [smem:$0x3FFE];
	_ =	sdelay $0x1  }
0x8a: {  	s1 =	srdreg.scid  }
0x8b: {  	s0 =	sand.u32 $0x1, s1  }
0x8c: {  	s16 =	sshll.u32 s0, $0xA;
	s2 =	sadd.s32 s3, s2  }
0x8d: {  	s2 =	sadd.s32 s2, s16  }
0x8e: {  	[smem:$0x3FBE] =	sst s2  }
0x8f: {  	_ = 	snop  }
0x90: {  	(tm) =	ssettm $0x1  }
0x91: {  	s17 =	sld [smem:$0x3FFB];
	_ =	sdelay $0x3  }
0x92: {  	_ =	strace s17  }
0x93: {  	s2 =	sld [smem:$0x3FFC];
	_ =	sdelay $0x3  }
0x94: {  	_ =	strace s2  }
0x95: {  	s2 =	sld [smem:$0x3FFD];
	_ =	sdelay $0x3  }
0x96: {  	_ =	strace s2  }
0x97: {  	_ =	strace $0x8FFFFFFF  }
0x98: {  	s18 =	sld [smem:$0x3FDB];
	_ =	sdelay $0x1  }
0x99: {  	s19 =	simm.s32 $_scs_section_size  }
0x9a: {  	s4 =	simm.s32 $_size__tile_overlayer_lowered;
	s5 =	simm.s32 $_tile_overlayer_lowered  }
0x9b: {  	s22 =	simm.s32 $0x1BFF;
	s21 =	sshll.u32 s5, $0x1;
	s2 =	sadd.s32 s19, s18  }
0x9c: {  	s6 =	simm.s32 $0x0;
	s20 =	sshll.u32 s4, $0x1;
	s4 =	sadd.s32 s21, s2  }
0x9d: {  	[timem:s6], [sflag:s22] =	dma.local [hbm:s4], s20  }
0x9e: {  	_ =	swait.ge [sflag:s22], s20  }
0x9f: {  	s3 =	ssub.s32 $0x0, s20;
	[sflag:s22] =	ssyncset.done $0x0  }
0xa0: {  	[sflag:s22] =	ssyncadd.s32 s3;
	_ =	sdelay $0x1  }
0xa1: {  	s23 =	simm.s32 $0x1B8B  }
0xa2: {  	_ =	swait.ge [sflag:s23], $0x1  }
0xa3: {  	[sflag:s23] =	ssyncset.done $0x0  }
0xa4: {  	s25 =	simm.s32 $0x1B8E;
	s24 =	sld [smem:$0x3FFE];
	[sflag:s23] =	ssyncadd.s32 $0xFFFFFFFF  }
0xa5: {  	s26 =	simm.s32 $execute0_lowered;
	[smem:$0x3FD2] =	sst s25  }
0xa6: {  	s4 =	sshll.u32 s26, $0x1;
	_ =	strace $0x80000055;
	[dreg:$0x1] =	wrdreg $0xFFFFFFFF  }
0xa7: {  	s28 =	simm.s32 $_size_execute0_lowered;
	s2 =	sadd.s32 s2, s4;
	[dreg:$0x0] =	wrdreg $0x0  }
0xa8: {  	s4 =	sshll.u32 s28, $0x1;
	[dreg:$0x2] =	wrdreg s2  }
0xa9: {  	[dreg:$0x3] =	wrdreg s4  }
0xaa: {  	[dreg:$0x4] =	wrdreg $0xC0  }
0xab: {  	_ =	task [dreg:s6], $0x5FFFF  }
0xac: {  	[dreg:$0x1] =	wrdreg $0xFFFFFFFF  }
0xad: {  	[dreg:$0x0] =	wrdreg $0x60  }
0xae: {  	[dreg:$0x2] =	wrdreg s24  }
0xaf: {  	[dreg:$0x3] =	wrdreg $0x90000  }
0xb0: {  	[dreg:$0x4] =	wrdreg $0x9  }
0xb1: {  	_ =	task.clear_ibuf [dreg:s6], $0x5FFFF;
	_ =	strace $0x90000055  }
0xb2: {  	s29 =	simm.s32 $0x9;
	_ =	strace $0x80000057  }
0xb3: {  	_ =	swait.ge [sflag:s29], $0x1  }
0xb4: {  	[sflag:s29] =	ssyncadd.s32 $0xFFFFFFFF  }
0xb5: {  	_ =	strace $0x90000057  }
0xb6: {  	_ =	sfence  }
0xb7: {  	s30 =	sld [smem:$0x0];
	_ =	sdelay $0x2  }
0xb8: {  	s31 =	sshll.u32 s1, $0xD;
	s1 =	sshrl.u32 s1, $0x2  }
0xb9: {  	s3 =	sand.u32 $0x4000, s31;
	s1 =	sadd.s32 s1, s30  }
0xba: {  	s0 =	sor.u32 s3, s0;
	s1 =	sshll.u32 s1, $0x11  }
0xbb: {  	s0 =	sor.u32 s1, s0  }
0xbc: {  	s0 =	sadd.s32 $0x8F2B, s0  }
0xbd: {  	[sflag:s0] =	ssyncadd.remote.s32 $0x1  }
0xbe: {  	_ =	sfence.sel $0xFFFF  }
0xbf: {  	[dreg:$0x0] =	wrdreg $0xFFFFFFFF;
	(pc) =	sbr.abs _section_cstart, $3  }
0xc0: {  	[dreg:$0x1] =	wrdreg $0xFFFFFFFF  }
0xc1: {  	_ =	task.clear_ibuf [dreg:s6], $0x2FFFF;
	_ =	strace $0x9FFFFFFF  }
0xc2: {  	(tm) =	ssettm $0x7FFFFFFF  }
0xc3: {  	_ =	shalt  }
tec
execute0_lowered:
.L_overlay_start_1:
0x0: {  	(tag) =	ssettag $0x1  }
0x1: {  	s6 =	rddreg [dreg:$0x0]  }
0x2: {  	s0 =	srdreg.scid;
	s2 =	rddreg [dreg:$0x1]  }
0x3: {  	s1 =	rddreg [dreg:$0x2];
	s5 =	sand.u32 $0x1, s0  }
0x4: {  	s0 =	stileid.u32;
	s4 =	smul.u32 $0x28000, s5  }
0x5: {  	s3 =	simm.s32 $0x0;
	s14 =	simm.s32 $0x80;
	s7 =	smul.u32 $0x2800, s0  }
0x6: {  	s15 =	simm.s32 $0x5000;
	s16 =	simm.s32 $0x1;
	s8 =	smul.u32 $0x140000, s5  }
0x7: {  	s17 =	simm.s32 $0x0;
	[smem:$0x7FF] =	sst s3;
	s9 =	smul.u32 $0x14000, s0  }
0x8: {  	_ =	strace $0x80000056;
	s30 =	ssub.s32 $0x2, s5;
	s11 =	smul.u32 $0x50000, s0  }
0x9: {  	s5 =	sadd.s32 $0xB800, s6;
	s12 =	sshll.u32 s0, $0x6;
	s10 =	sshrl.u32 s30, $0x1  }
0xa: {  	s12 =	sor.u32 $0x1C02, s12;
	s7 =	sadd.s32 s7, s4;
	s4 =	sadd.s32 $0xEA000, s6  }
0xb: {  	s8 =	sadd.s32 s9, s8;
	s9 =	ssub.s32 s30, s10;
	s31 =	sshrl.u32 s11, $0x2  }
0xc: {  	s10 =	simm.s32 $0x2;
	s11 =	simm.s32 $0x2800;
	s7 =	sshrl.u32 s7, $0x3  }
0xd: {  	s8 =	sshrl.u32 s8, $0x3;
	s13 =	sadd.s32 s31, s2;
	s9 =	smax.u32 s9, $0x1  }
0xe: {  	s7 =	sadd.s32 s7, s6;
	s8 =	sadd.s32 s8, s6;
	s13 =	sshrl.u32 s13, $0x3  }
0xf: {  	s6 =	sadd.s32 $0x36000, s7;
	s7 =	sadd.s32 $0x40000, s7;
	s8 =	sadd.s32 $0x13A000, s8  }
.LBB2_1:
0x10: {  	[tilespmem:s3], [sflag:$0x2] =	stream.linear.gather [hbm4b:s6+s3], $0x2800, $0x38;
	[tilespmem:$0x1D000] =	vst v63  }
0x11: {  	_ =	swait.ge [sflag:s10], $0x2800  }
0x12: {  	[sflag:s10] =	ssyncset.done $0x0  }
0x13: {  	[sflag:s10] =	ssyncadd.s32 $0xFFFFD800  }
0x14: {  	[tilespmem:s11], [sflag:$0x2] =	stream.linear.gather [hbm4b:s7+s3], $0x2800, $0x38;
	[tilespmem:$0x1D000] =	vst v63  }
0x15: {  	_ =	swait.ge [sflag:s10], $0x2800  }
0x16: {  	[sflag:s10] =	ssyncset.done $0x0  }
0x17: {  	[sflag:s10] =	ssyncadd.s32 $0xFFFFD800  }
0x18: {  	[spmem:s13], [sflag:s12] =	dma.local [hbm:s5], $0x2800  }
0x19: {  	_ =	swait.ge [sflag:s10], $0x2800  }
0x1a: {  	[sflag:s10] =	ssyncset.done $0x0  }
0x1b: {  	[sflag:s10] =	ssyncadd.s32 $0xFFFFD800  }
0x1c: {  	s18 =	simm.s32 $0x0;
	[bflag:$0x0] =	sbarrier.arrive $0xFFFF  }
0x1d: {  	[tilespmem:s15], [sflag:$0x1] =	stream.indirect.gather [hbm4b:s4+s14], $0x80, s18, s14, $0xb8;
	[tilespmem:$0x1D000] =	vst v63  }
0x1e: {  	_ =	swait.ge [sflag:s16], $0x4000  }
0x1f: {  	[sflag:s16] =	ssyncset.done $0x0  }
0x20: {  	s31 =	simm.s32 $0x2800;
	[sflag:s16] =	ssyncadd.s32 $0xFFFFC000  }
0x21: {  	[spmem:s2] =	stream.indirect.scatter.add.f32 [tilespmem:s15], [sflag:$0x2], $0x80, s31, s14, $0xb8;
	[tilespmem:$0x1D000] =	vst v63  }
0x22: {  	_ =	swait.ge [sflag:s10], $0x4000  }
0x23: {  	s19 =	simm.s32 $0x400;
	s18 =	simm.s32 $0x200;
	[sflag:s10] =	ssyncset.done $0x0  }
.LBB2_2:
0x24: {  	s20 =	sshra.s32 s18, $0x2  }
0x25: {  	[sflag:s10] =	ssyncadd.s32 $0xFFFFC000;
	s18 =	smov.u32 s19;
	s21 =	sadd.s32 $0x200, s19  }
0x26: {  	[tilespmem:s15], [sflag:$0x1] =	stream.indirect.gather [hbm4b:s4+s14], $0x80, s20, s14, $0xb8;
	[tilespmem:$0x1D000] =	vst v63  }
0x27: {  	p0 =	sne.s32 s19, $0x9E00;
	_ =	swait.ge [sflag:s16], $0x4000  }
.Ltmp0:
0x28: {  	[sflag:s16] =	ssyncset.done $0x0;
	(pc) =	sbr.rel @p0 .LBB2_2-.Ltmp0, $4  }
0x29: {  	s19 =	sadd.s32 $0x2800, s20;
	[sflag:s16] =	ssyncadd.s32 $0xFFFFC000  }
0x2a: {  	[spmem:s2] =	stream.indirect.scatter.add.f32 [tilespmem:s15], [sflag:$0x2], $0x80, s19, s14, $0xb8;
	[tilespmem:$0x1D000] =	vst v63  }
0x2b: {  	_ =	swait.ge [sflag:s10], $0x4000  }
0x2c: {  	s19 =	smov.u32 s21;
	[sflag:s10] =	ssyncset.done $0x0  }
0x2d: {  	s18 =	sshra.s32 s18, $0x2;
	[sflag:s10] =	ssyncadd.s32 $0xFFFFC000  }
0x2e: {  	[tilespmem:s15], [sflag:$0x1] =	stream.indirect.gather [hbm4b:s4+s14], $0x80, s18, s14, $0xb8;
	[tilespmem:$0x1D000] =	vst v63  }
0x2f: {  	_ =	swait.ge [sflag:s16], $0x4000  }
0x30: {  	[sflag:s16] =	ssyncset.done $0x0  }
0x31: {  	s18 =	sadd.s32 $0x2800, s18;
	[sflag:s16] =	ssyncadd.s32 $0xFFFFC000  }
0x32: {  	[spmem:s2] =	stream.indirect.scatter.add.f32 [tilespmem:s15], [sflag:$0x2], $0x80, s18, s14, $0xb8;
	[tilespmem:$0x1D000] =	vst v63  }
0x33: {  	_ =	swait.ge [sflag:s10], $0x4000  }
0x34: {  	s17 =	sadd.s32 $0x1, s17;
	[sflag:s10] =	ssyncset.done $0x0  }
0x35: {  	p0 =	sne.s32 s17, s9;
	[sflag:s10] =	ssyncadd.s32 $0xFFFFC000  }
.Ltmp1:
0x36: {  	[bflag:$0x0] =	sbarrier.arrive $0xFFFF;
	(pc) =	sbr.rel @p0 .LBB2_1-.Ltmp1, $4  }
0x37: {  	[hbm:s8], [sflag:s12] =	dma.local [spmem:s13], $0x2800  }
0x38: {  	_ =	swait.ge [sflag:s10], $0x2800  }
0x39: {  	[sflag:s10] =	ssyncset.done $0x0  }
0x3a: {  	[sflag:s10] =	ssyncadd.s32 $0xFFFFD800  }
0x3b: {  	_ =	sfence.sel $0x180000  }
0x3c: {  	[bflag:$0x0] =	sbarrier.arrive $0xFFFF  }
0x3d: {  	p0 =	sne.s32 s0, $0x0;
	_ =	strace $0x90000056  }
0x3e: {  	s0 =	sadd.s32 @!p0 $0x100000, s1;
	[bflag:$0x2] =	sbarrier.arrive $0xFFFF  }
0x3f: {  	[sflag:s0] =	ssyncadd.tile.s32 @!p0 $0x1;
	_ =	shalt  }
.Lfunc_end2:
_tile_overlayer_lowered:
.L_overlay_start_2:
0x40: {  	(tag) =	ssettag $0x2  }
0x41: {  	s0 =	rddreg [dreg:$0x0];
	s2 =	stileid.u32  }
0x42: {  	s1 =	rddreg [dreg:$0x1];
	p0 =	sne.s32 s2, $0x0  }
0x43: {  	s3 =	rddreg [dreg:$0x2];
	[bflag:$0x3] =	sbarrier.arrive $0xFFFF;
	s2 =	simm.s32 @!p0 $0x1C02  }
0x44: {  	[timem:s3], [sflag:s2] =	dma.local @!p0 [hbm:s0], s1  }
0x45: {  	s0 =	simm.s32 @!p0 $0x2  }
0x46: {  	_ =	swait.ge @!p0 [sflag:s0], s1  }
0x47: {  	s1 =	ssub.s32 @!p0 $0x0, s1;
	[sflag:s0] =	ssyncset.done @!p0 $0x0  }
0x48: {  	[sflag:s0] =	ssyncadd.s32 @!p0 s1  }
0x49: {  	[bflag:$0x3] =	sbarrier.arrive $0xFFFF  }
0x4a: {  	_ =	shalt  }

// kernel: kernel.40.cloned.1.call-start
scs
__scs_entry_jumppad:
0x0: {  	(pc) =	sbr.rel $0x88, $3  }
0x1: {  	(tag) =	ssettag $0x0;
	lr =	simm.s32 $0x1  }
0x2: {  	[smem:$0x3F97] =	sst lr;
	_ =	strace $0xD0000000  }
0x3: {  	_ = 	snop  }
0x4: {  	_ = 	snop  }
0x5: {  	_ = 	snop  }
0x6: {  	_ = 	snop  }
0x7: {  	_ = 	snop  }
__scs_overlays_trampoline_lowered:
0x8: {  	[smem:$0x3FA6] =	sst s0  }
0x9: {  	[smem:$0x3FA7] =	sst s1  }
0xa: {  	[smem:$0x3FA8] =	sst s2  }
0xb: {  	[smem:$0x3FA9] =	sst s3  }
0xc: {  	[smem:$0x3FAA] =	sst s4  }
0xd: {  	[smem:$0x3FAB] =	sst s5  }
0xe: {  	[smem:$0x3FAC] =	sst s6  }
0xf: {  	[smem:$0x3FAD] =	sst s7  }
0x10: {  	[smem:$0x3FAE] =	sst s8  }
0x11: {  	[smem:$0x3FAF] =	sst s9;
	s0 =	simm.s32 @!p0 $0x0  }
0x12: {  	s1 =	sld [smem:$0x3F95];
	s0 =	simm.s32 @p0 $0x1  }
0x13: {  	[smem:$0x3FB0] =	sst s0;
	s0 =	simm.s32 @!p1 $0x0  }
0x14: {  	s2 =	sld [smem:$0x3F94];
	s0 =	simm.s32 @p1 $0x1  }
0x15: {  	[smem:$0x3FB1] =	sst s0;
	s0 =	simm.s32 @!p2 $0x0  }
0x16: {  	s3 =	sld [smem:$0x3FDB];
	s0 =	simm.s32 @p2 $0x1  }
0x17: {  	s4 =	simm.s32 $0x1BF5;
	[smem:$0x3FB3] =	sst s0  }
0x18: {  	s0 =	sld [smem:$0x3F96];
	_ =	swait.ge [sflag:s4], $0x0  }
0x19: {  	s7 =	sld [smem:$0x3F97]  }
0x1a: {  	s8 =	sadd.s32 $0xFFFFE003, lr  }
0x1b: {  	s9 =	sadd.s32 $0xFFFFFEF7, lr;
	s5 =	simm.s32 $0xFFFFFFFF;
	p2 =	slt.u32 s8, $0xFFFFF086  }
0x1c: {  	p1 =	slt.u32 s9, $0xF7A;
	s5 =	simm.s32 @!p2 $0x0  }
0x1d: {  	s5 =	simm.s32 @p1 $0x1;
	p0 =	seq.s32 s7, s2  }
0x1e: {  	s7 =	smul.u32 @!p0 $0xF7A, s2;
	p2 =	seq.s32 @!p0 s5, $0x0  }
0x1f: {  	s9 =	smul.u32 $0xF7A, s1;
	s8 =	simm.s32 @!p0 $0x1BF5;
	p2 =	por !p2, p0  }
0x20: {  	[sflag:s8] =	ssyncset.s32 @!p0 $0xFFFFF086;
	s6 =	sadd.s32 @!p0 s3, s7;
	s7 =	simm.s32 @!p0 $0x108  }
0x21: {  	s3 =	sadd.s32 s3, s9;
	s6 =	sadd.s32 @!p0 $0x88, s6;
	s7 =	simm.s32 @p2 $0x1082  }
0x22: {  	[simem:s7], [sflag:s8] =	dma.local @!p0 [hbm:s6], $0xF7A  }
0x23: {  	s9 =	sor.u32 $0xD0000000, s2;
	s6 =	simm.s32 $0x108;
	_ =	swait.ge @!p0 [sflag:s8], $0x0  }
0x24: {  	s3 =	sadd.s32 $0x88, s3;
	s6 =	simm.s32 @!p1 $0x1082;
	[sflag:s4] =	ssyncset.s32 $0xFFFFF086  }
0x25: {  	[simem:s6], [sflag:s4] =	dma.local [hbm:s3], $0xF7A  }
0x26: {  	[smem:$0x3F97] =	sst s1;
	(tag) =	ssettag s2;
	_ =	strace s9  }
0x27: {  	s1 =	sld [smem:$0x3FA7]  }
0x28: {  	s2 =	sld [smem:$0x3FA8]  }
0x29: {  	s4 =	sld [smem:$0x3FAA]  }
0x2a: {  	p0 =	seq.s32 s5, $0x0;
	s5 =	sld [smem:$0x3FAB]  }
0x2b: {  	s6 =	sld [smem:$0x3FAC]  }
0x2c: {  	s7 =	sld [smem:$0x3FAD]  }
0x2d: {  	s3 =	simm.s32 $0x108;
	s8 =	sld [smem:$0x3FAE]  }
0x2e: {  	s3 =	simm.s32 @!p0 $0x1082;
	s9 =	sld [smem:$0x3FAF]  }
0x2f: {  	lr =	sadd.s32 s0, s3;
	s0 =	sld [smem:$0x3FA6]  }
0x30: {  	s3 =	sld [smem:$0x3FA9]  }
0x31: {  	[smem:$0x3FB2] =	sst s10  }
0x32: {  	s10 =	sld [smem:$0x3FB0];
	_ =	sdelay $0x3  }
0x33: {  	p0 =	seq.s32 s10, $0x1;
	s10 =	sld [smem:$0x3FB2];
	_ =	sdelay $0x3  }
0x34: {  	[smem:$0x3FB2] =	sst s10  }
0x35: {  	s10 =	sld [smem:$0x3FB1];
	_ =	sdelay $0x3  }
0x36: {  	p1 =	seq.s32 s10, $0x1;
	s10 =	sld [smem:$0x3FB2];
	_ =	sdelay $0x3  }
0x37: {  	[smem:$0x3FB2] =	sst s10  }
0x38: {  	s10 =	sld [smem:$0x3FB3]  }
0x39: {  	_ = 	snop;
	(pc) =	sbr.ind lr, $3  }
0x3a: {  	_ = 	snop  }
0x3b: {  	_ = 	snop  }
0x3c: {  	p2 =	seq.s32 s10, $0x1;
	s10 =	sld [smem:$0x3FB2]  }
0x3d: {  	_ =	shalt  }
0x3e: {  	_ =	shalt  }
0x3f: {  	_ =	shalt  }
0x40: {  	_ =	shalt  }
0x41: {  	_ =	shalt  }
0x42: {  	_ =	shalt  }
0x43: {  	_ =	shalt  }
0x44: {  	_ =	shalt  }
0x45: {  	_ =	shalt  }
0x46: {  	_ =	shalt  }
0x47: {  	_ =	shalt  }
0x48: {  	_ =	shalt  }
0x49: {  	_ =	shalt  }
0x4a: {  	_ =	shalt  }
0x4b: {  	_ =	shalt  }
0x4c: {  	_ =	shalt  }
0x4d: {  	_ =	shalt  }
0x4e: {  	_ =	shalt  }
0x4f: {  	_ =	shalt  }
0x50: {  	_ =	shalt  }
0x51: {  	_ =	shalt  }
0x52: {  	_ =	shalt  }
0x53: {  	_ =	shalt  }
0x54: {  	_ =	shalt  }
0x55: {  	_ =	shalt  }
0x56: {  	_ =	shalt  }
0x57: {  	_ =	shalt  }
0x58: {  	_ =	shalt  }
0x59: {  	_ =	shalt  }
0x5a: {  	_ =	shalt  }
0x5b: {  	_ =	shalt  }
0x5c: {  	_ =	shalt  }
0x5d: {  	_ =	shalt  }
0x5e: {  	_ =	shalt  }
0x5f: {  	_ =	shalt  }
0x60: {  	_ =	shalt  }
0x61: {  	_ =	shalt  }
0x62: {  	_ =	shalt  }
0x63: {  	_ =	shalt  }
0x64: {  	_ =	shalt  }
0x65: {  	_ =	shalt  }
0x66: {  	_ =	shalt  }
0x67: {  	_ =	shalt  }
0x68: {  	_ =	shalt  }
0x69: {  	_ =	shalt  }
0x6a: {  	_ =	shalt  }
0x6b: {  	_ =	shalt  }
0x6c: {  	_ =	shalt  }
0x6d: {  	_ =	shalt  }
0x6e: {  	_ =	shalt  }
0x6f: {  	_ =	shalt  }
0x70: {  	_ =	shalt  }
0x71: {  	_ =	shalt  }
0x72: {  	_ =	shalt  }
0x73: {  	_ =	shalt  }
0x74: {  	_ =	shalt  }
0x75: {  	_ =	shalt  }
0x76: {  	_ =	shalt  }
0x77: {  	_ =	shalt  }
0x78: {  	_ =	shalt  }
0x79: {  	_ =	shalt  }
0x7a: {  	_ =	shalt  }
0x7b: {  	_ =	shalt  }
0x7c: {  	_ =	shalt  }
0x7d: {  	_ =	shalt  }
0x7e: {  	_ =	shalt  }
0x7f: {  	_ =	shalt  }
0x80: {  	_ =	shalt  }
0x81: {  	_ =	shalt  }
0x82: {  	_ =	shalt  }
0x83: {  	_ =	shalt  }
0x84: {  	_ =	shalt  }
0x85: {  	_ =	shalt  }
0x86: {  	_ =	shalt  }
0x87: {  	_ =	shalt  }
.Lfunc_end0:
.L_simem_size_0:
called_computation.6_lowered:
.L_overlay_start_0:
0x88: {  	s2 =	sld [smem:$0x3FD9]  }
0x89: {  	s3 =	sld [smem:$0x3FFE];
	_ =	sdelay $0x1  }
0x8a: {  	s1 =	srdreg.scid  }
0x8b: {  	s0 =	sand.u32 $0x1, s1  }
0x8c: {  	s16 =	sshll.u32 s0, $0xA;
	s2 =	sadd.s32 s3, s2  }
0x8d: {  	s2 =	sadd.s32 s2, s16  }
0x8e: {  	[smem:$0x3FBE] =	sst s2  }
0x8f: {  	_ = 	snop  }
0x90: {  	(tm) =	ssettm $0x1  }
0x91: {  	s17 =	sld [smem:$0x3FFB];
	_ =	sdelay $0x3  }
0x92: {  	_ =	strace s17  }
0x93: {  	s2 =	sld [smem:$0x3FFC];
	_ =	sdelay $0x3  }
0x94: {  	_ =	strace s2  }
0x95: {  	s2 =	sld [smem:$0x3FFD];
	_ =	sdelay $0x3  }
0x96: {  	_ =	strace s2  }
0x97: {  	_ =	strace $0x8FFFFFFF  }
0x98: {  	s18 =	sld [smem:$0x3FDB];
	_ =	sdelay $0x1  }
0x99: {  	s19 =	simm.s32 $_scs_section_size  }
0x9a: {  	s4 =	simm.s32 $_size__tile_overlayer_lowered;
	s5 =	simm.s32 $_tile_overlayer_lowered  }
0x9b: {  	s22 =	simm.s32 $0x1BFF;
	s21 =	sshll.u32 s5, $0x1;
	s2 =	sadd.s32 s19, s18  }
0x9c: {  	s6 =	simm.s32 $0x0;
	s20 =	sshll.u32 s4, $0x1;
	s4 =	sadd.s32 s21, s2  }
0x9d: {  	[timem:s6], [sflag:s22] =	dma.local [hbm:s4], s20  }
0x9e: {  	_ =	swait.ge [sflag:s22], s20  }
0x9f: {  	s3 =	ssub.s32 $0x0, s20;
	[sflag:s22] =	ssyncset.done $0x0  }
0xa0: {  	[sflag:s22] =	ssyncadd.s32 s3;
	_ =	sdelay $0x1  }
0xa1: {  	s23 =	simm.s32 $0x1B8B  }
0xa2: {  	_ =	swait.ge [sflag:s23], $0x1  }
0xa3: {  	[sflag:s23] =	ssyncset.done $0x0  }
0xa4: {  	s25 =	simm.s32 $0x1B8E;
	s24 =	sld [smem:$0x3FFE];
	[sflag:s23] =	ssyncadd.s32 $0xFFFFFFFF  }
0xa5: {  	s26 =	simm.s32 $execute0_lowered;
	[smem:$0x3FD2] =	sst s25  }
0xa6: {  	s4 =	sshll.u32 s26, $0x1;
	_ =	strace $0x80000058;
	[dreg:$0x1] =	wrdreg $0xFFFFFFFF  }
0xa7: {  	s28 =	simm.s32 $_size_execute0_lowered;
	s2 =	sadd.s32 s2, s4;
	[dreg:$0x0] =	wrdreg $0x0  }
0xa8: {  	s4 =	sshll.u32 s28, $0x1;
	[dreg:$0x2] =	wrdreg s2  }
0xa9: {  	[dreg:$0x3] =	wrdreg s4  }
0xaa: {  	[dreg:$0x4] =	wrdreg $0xC0  }
0xab: {  	_ =	task [dreg:s6], $0x5FFFF  }
0xac: {  	[dreg:$0x1] =	wrdreg $0xFFFFFFFF  }
0xad: {  	[dreg:$0x0] =	wrdreg $0x60  }
0xae: {  	[dreg:$0x2] =	wrdreg s24  }
0xaf: {  	[dreg:$0x3] =	wrdreg $0x90000  }
0xb0: {  	[dreg:$0x4] =	wrdreg $0x9  }
0xb1: {  	_ =	task.clear_ibuf [dreg:s6], $0x5FFFF;
	_ =	strace $0x90000058  }
0xb2: {  	s29 =	simm.s32 $0x9;
	_ =	strace $0x8000005A  }
0xb3: {  	_ =	swait.ge [sflag:s29], $0x1  }
0xb4: {  	[sflag:s29] =	ssyncadd.s32 $0xFFFFFFFF  }
0xb5: {  	_ =	strace $0x9000005A  }
0xb6: {  	_ =	sfence  }
0xb7: {  	s30 =	sld [smem:$0x0];
	_ =	sdelay $0x2  }
0xb8: {  	s31 =	sshll.u32 s1, $0xD;
	s1 =	sshrl.u32 s1, $0x2  }
0xb9: {  	s3 =	sand.u32 $0x4000, s31;
	s1 =	sadd.s32 s1, s30  }
0xba: {  	s0 =	sor.u32 s3, s0;
	s1 =	sshll.u32 s1, $0x11  }
0xbb: {  	s0 =	sor.u32 s1, s0  }
0xbc: {  	s0 =	sadd.s32 $0x8F2B, s0  }
0xbd: {  	[sflag:s0] =	ssyncadd.remote.s32 $0x1  }
0xbe: {  	_ =	sfence.sel $0xFFFF  }
0xbf: {  	[dreg:$0x0] =	wrdreg $0xFFFFFFFF;
	(pc) =	sbr.abs _section_cstart, $3  }
0xc0: {  	[dreg:$0x1] =	wrdreg $0xFFFFFFFF  }
0xc1: {  	_ =	task.clear_ibuf [dreg:s6], $0x2FFFF;
	_ =	strace $0x9FFFFFFF  }
0xc2: {  	(tm) =	ssettm $0x7FFFFFFF  }
0xc3: {  	_ =	shalt  }
tec
execute0_lowered:
.L_overlay_start_1:
0x0: {  	(tag) =	ssettag $0x1  }
0x1: {  	s6 =	rddreg [dreg:$0x0]  }
0x2: {  	s0 =	srdreg.scid;
	s2 =	rddreg [dreg:$0x1]  }
0x3: {  	s1 =	rddreg [dreg:$0x2];
	s5 =	sand.u32 $0x1, s0  }
0x4: {  	s0 =	stileid.u32;
	s4 =	smul.u32 $0x28000, s5  }
0x5: {  	s3 =	simm.s32 $0x0;
	s14 =	simm.s32 $0x80;
	s7 =	smul.u32 $0x2800, s0  }
0x6: {  	s15 =	simm.s32 $0x5000;
	s16 =	simm.s32 $0x1;
	s8 =	smul.u32 $0x140000, s5  }
0x7: {  	s17 =	simm.s32 $0x0;
	[smem:$0x7FF] =	sst s3;
	s9 =	smul.u32 $0x14000, s0  }
0x8: {  	_ =	strace $0x80000059;
	s30 =	ssub.s32 $0x2, s5;
	s11 =	smul.u32 $0x50000, s0  }
0x9: {  	s5 =	sadd.s32 $0xB800, s6;
	s12 =	sshll.u32 s0, $0x6;
	s10 =	sshrl.u32 s30, $0x1  }
0xa: {  	s12 =	sor.u32 $0x1C02, s12;
	s7 =	sadd.s32 s7, s4;
	s4 =	sadd.s32 $0xEA000, s6  }
0xb: {  	s8 =	sadd.s32 s9, s8;
	s9 =	ssub.s32 s30, s10;
	s31 =	sshrl.u32 s11, $0x2  }
0xc: {  	s10 =	simm.s32 $0x2;
	s11 =	simm.s32 $0x2800;
	s7 =	sshrl.u32 s7, $0x3  }
0xd: {  	s8 =	sshrl.u32 s8, $0x3;
	s13 =	sadd.s32 s31, s2;
	s9 =	smax.u32 s9, $0x1  }
0xe: {  	s7 =	sadd.s32 s7, s6;
	s8 =	sadd.s32 s8, s6;
	s13 =	sshrl.u32 s13, $0x3  }
0xf: {  	s6 =	sadd.s32 $0x36000, s7;
	s7 =	sadd.s32 $0x40000, s7;
	s8 =	sadd.s32 $0x18A000, s8  }
.LBB2_1:
0x10: {  	[tilespmem:s3], [sflag:$0x2] =	stream.linear.gather [hbm4b:s6+s3], $0x2800, $0x38;
	[tilespmem:$0x1D000] =	vst v63  }
0x11: {  	_ =	swait.ge [sflag:s10], $0x2800  }
0x12: {  	[sflag:s10] =	ssyncset.done $0x0  }
0x13: {  	[sflag:s10] =	ssyncadd.s32 $0xFFFFD800  }
0x14: {  	[tilespmem:s11], [sflag:$0x2] =	stream.linear.gather [hbm4b:s7+s3], $0x2800, $0x38;
	[tilespmem:$0x1D000] =	vst v63  }
0x15: {  	_ =	swait.ge [sflag:s10], $0x2800  }
0x16: {  	[sflag:s10] =	ssyncset.done $0x0  }
0x17: {  	[sflag:s10] =	ssyncadd.s32 $0xFFFFD800  }
0x18: {  	[spmem:s13], [sflag:s12] =	dma.local [hbm:s5], $0x2800  }
0x19: {  	_ =	swait.ge [sflag:s10], $0x2800  }
0x1a: {  	[sflag:s10] =	ssyncset.done $0x0  }
0x1b: {  	[sflag:s10] =	ssyncadd.s32 $0xFFFFD800  }
0x1c: {  	s18 =	simm.s32 $0x0;
	[bflag:$0x0] =	sbarrier.arrive $0xFFFF  }
0x1d: {  	[tilespmem:s15], [sflag:$0x1] =	stream.indirect.gather [hbm4b:s4+s14], $0x80, s18, s14, $0xb8;
	[tilespmem:$0x1D000] =	vst v63  }
0x1e: {  	_ =	swait.ge [sflag:s16], $0x4000  }
0x1f: {  	[sflag:s16] =	ssyncset.done $0x0  }
0x20: {  	s31 =	simm.s32 $0x2800;
	[sflag:s16] =	ssyncadd.s32 $0xFFFFC000  }
0x21: {  	[spmem:s2] =	stream.indirect.scatter.add.f32 [tilespmem:s15], [sflag:$0x2], $0x80, s31, s14, $0xb8;
	[tilespmem:$0x1D000] =	vst v63  }
0x22: {  	_ =	swait.ge [sflag:s10], $0x4000  }
0x23: {  	s19 =	simm.s32 $0x400;
	s18 =	simm.s32 $0x200;
	[sflag:s10] =	ssyncset.done $0x0  }
.LBB2_2:
0x24: {  	s20 =	sshra.s32 s18, $0x2  }
0x25: {  	[sflag:s10] =	ssyncadd.s32 $0xFFFFC000;
	s18 =	smov.u32 s19;
	s21 =	sadd.s32 $0x200, s19  }
0x26: {  	[tilespmem:s15], [sflag:$0x1] =	stream.indirect.gather [hbm4b:s4+s14], $0x80, s20, s14, $0xb8;
	[tilespmem:$0x1D000] =	vst v63  }
0x27: {  	p0 =	sne.s32 s19, $0x9E00;
	_ =	swait.ge [sflag:s16], $0x4000  }
.Ltmp0:
0x28: {  	[sflag:s16] =	ssyncset.done $0x0;
	(pc) =	sbr.rel @p0 .LBB2_2-.Ltmp0, $4  }
0x29: {  	s19 =	sadd.s32 $0x2800, s20;
	[sflag:s16] =	ssyncadd.s32 $0xFFFFC000  }
0x2a: {  	[spmem:s2] =	stream.indirect.scatter.add.f32 [tilespmem:s15], [sflag:$0x2], $0x80, s19, s14, $0xb8;
	[tilespmem:$0x1D000] =	vst v63  }
0x2b: {  	_ =	swait.ge [sflag:s10], $0x4000  }
0x2c: {  	s19 =	smov.u32 s21;
	[sflag:s10] =	ssyncset.done $0x0  }
0x2d: {  	s18 =	sshra.s32 s18, $0x2;
	[sflag:s10] =	ssyncadd.s32 $0xFFFFC000  }
0x2e: {  	[tilespmem:s15], [sflag:$0x1] =	stream.indirect.gather [hbm4b:s4+s14], $0x80, s18, s14, $0xb8;
	[tilespmem:$0x1D000] =	vst v63  }
0x2f: {  	_ =	swait.ge [sflag:s16], $0x4000  }
0x30: {  	[sflag:s16] =	ssyncset.done $0x0  }
0x31: {  	s18 =	sadd.s32 $0x2800, s18;
	[sflag:s16] =	ssyncadd.s32 $0xFFFFC000  }
0x32: {  	[spmem:s2] =	stream.indirect.scatter.add.f32 [tilespmem:s15], [sflag:$0x2], $0x80, s18, s14, $0xb8;
	[tilespmem:$0x1D000] =	vst v63  }
0x33: {  	_ =	swait.ge [sflag:s10], $0x4000  }
0x34: {  	s17 =	sadd.s32 $0x1, s17;
	[sflag:s10] =	ssyncset.done $0x0  }
0x35: {  	p0 =	sne.s32 s17, s9;
	[sflag:s10] =	ssyncadd.s32 $0xFFFFC000  }
.Ltmp1:
0x36: {  	[bflag:$0x0] =	sbarrier.arrive $0xFFFF;
	(pc) =	sbr.rel @p0 .LBB2_1-.Ltmp1, $4  }
0x37: {  	[hbm:s8], [sflag:s12] =	dma.local [spmem:s13], $0x2800  }
0x38: {  	_ =	swait.ge [sflag:s10], $0x2800  }
0x39: {  	[sflag:s10] =	ssyncset.done $0x0  }
0x3a: {  	[sflag:s10] =	ssyncadd.s32 $0xFFFFD800  }
0x3b: {  	_ =	sfence.sel $0x180000  }
0x3c: {  	[bflag:$0x0] =	sbarrier.arrive $0xFFFF  }
0x3d: {  	p0 =	sne.s32 s0, $0x0;
	_ =	strace $0x90000059  }
0x3e: {  	s0 =	sadd.s32 @!p0 $0x100000, s1;
	[bflag:$0x2] =	sbarrier.arrive $0xFFFF  }
0x3f: {  	[sflag:s0] =	ssyncadd.tile.s32 @!p0 $0x1;
	_ =	shalt  }
.Lfunc_end2:
_tile_overlayer_lowered:
.L_overlay_start_2:
0x40: {  	(tag) =	ssettag $0x2  }
0x41: {  	s0 =	rddreg [dreg:$0x0];
	s2 =	stileid.u32  }
0x42: {  	s1 =	rddreg [dreg:$0x1];
	p0 =	sne.s32 s2, $0x0  }
0x43: {  	s3 =	rddreg [dreg:$0x2];
	[bflag:$0x3] =	sbarrier.arrive $0xFFFF;
	s2 =	simm.s32 @!p0 $0x1C02  }
0x44: {  	[timem:s3], [sflag:s2] =	dma.local @!p0 [hbm:s0], s1  }
0x45: {  	s0 =	simm.s32 @!p0 $0x2  }
0x46: {  	_ =	swait.ge @!p0 [sflag:s0], s1  }
0x47: {  	s1 =	ssub.s32 @!p0 $0x0, s1;
	[sflag:s0] =	ssyncset.done @!p0 $0x0  }
0x48: {  	[sflag:s0] =	ssyncadd.s32 @!p0 s1  }
0x49: {  	[bflag:$0x3] =	sbarrier.arrive $0xFFFF  }
0x4a: {  	_ =	shalt  }

// kernel: kernel.43.cloned.1.call-start
scs
__scs_entry_jumppad:
0x0: {  	(pc) =	sbr.rel $0x88, $3  }
0x1: {  	(tag) =	ssettag $0x0;
	lr =	simm.s32 $0x1  }
0x2: {  	[smem:$0x3F97] =	sst lr;
	_ =	strace $0xD0000000  }
0x3: {  	_ = 	snop  }
0x4: {  	_ = 	snop  }
0x5: {  	_ = 	snop  }
0x6: {  	_ = 	snop  }
0x7: {  	_ = 	snop  }
__scs_overlays_trampoline_lowered:
0x8: {  	[smem:$0x3FA6] =	sst s0  }
0x9: {  	[smem:$0x3FA7] =	sst s1  }
0xa: {  	[smem:$0x3FA8] =	sst s2  }
0xb: {  	[smem:$0x3FA9] =	sst s3  }
0xc: {  	[smem:$0x3FAA] =	sst s4  }
0xd: {  	[smem:$0x3FAB] =	sst s5  }
0xe: {  	[smem:$0x3FAC] =	sst s6  }
0xf: {  	[smem:$0x3FAD] =	sst s7  }
0x10: {  	[smem:$0x3FAE] =	sst s8  }
0x11: {  	[smem:$0x3FAF] =	sst s9;
	s0 =	simm.s32 @!p0 $0x0  }
0x12: {  	s1 =	sld [smem:$0x3F95];
	s0 =	simm.s32 @p0 $0x1  }
0x13: {  	[smem:$0x3FB0] =	sst s0;
	s0 =	simm.s32 @!p1 $0x0  }
0x14: {  	s2 =	sld [smem:$0x3F94];
	s0 =	simm.s32 @p1 $0x1  }
0x15: {  	[smem:$0x3FB1] =	sst s0;
	s0 =	simm.s32 @!p2 $0x0  }
0x16: {  	s3 =	sld [smem:$0x3FDB];
	s0 =	simm.s32 @p2 $0x1  }
0x17: {  	s4 =	simm.s32 $0x1BF5;
	[smem:$0x3FB3] =	sst s0  }
0x18: {  	s0 =	sld [smem:$0x3F96];
	_ =	swait.ge [sflag:s4], $0x0  }
0x19: {  	s7 =	sld [smem:$0x3F97]  }
0x1a: {  	s8 =	sadd.s32 $0xFFFFE003, lr  }
0x1b: {  	s9 =	sadd.s32 $0xFFFFFEF7, lr;
	s5 =	simm.s32 $0xFFFFFFFF;
	p2 =	slt.u32 s8, $0xFFFFF086  }
0x1c: {  	p1 =	slt.u32 s9, $0xF7A;
	s5 =	simm.s32 @!p2 $0x0  }
0x1d: {  	s5 =	simm.s32 @p1 $0x1;
	p0 =	seq.s32 s7, s2  }
0x1e: {  	s7 =	smul.u32 @!p0 $0xF7A, s2;
	p2 =	seq.s32 @!p0 s5, $0x0  }
0x1f: {  	s9 =	smul.u32 $0xF7A, s1;
	s8 =	simm.s32 @!p0 $0x1BF5;
	p2 =	por !p2, p0  }
0x20: {  	[sflag:s8] =	ssyncset.s32 @!p0 $0xFFFFF086;
	s6 =	sadd.s32 @!p0 s3, s7;
	s7 =	simm.s32 @!p0 $0x108  }
0x21: {  	s3 =	sadd.s32 s3, s9;
	s6 =	sadd.s32 @!p0 $0x88, s6;
	s7 =	simm.s32 @p2 $0x1082  }
0x22: {  	[simem:s7], [sflag:s8] =	dma.local @!p0 [hbm:s6], $0xF7A  }
0x23: {  	s9 =	sor.u32 $0xD0000000, s2;
	s6 =	simm.s32 $0x108;
	_ =	swait.ge @!p0 [sflag:s8], $0x0  }
0x24: {  	s3 =	sadd.s32 $0x88, s3;
	s6 =	simm.s32 @!p1 $0x1082;
	[sflag:s4] =	ssyncset.s32 $0xFFFFF086  }
0x25: {  	[simem:s6], [sflag:s4] =	dma.local [hbm:s3], $0xF7A  }
0x26: {  	[smem:$0x3F97] =	sst s1;
	(tag) =	ssettag s2;
	_ =	strace s9  }
0x27: {  	s1 =	sld [smem:$0x3FA7]  }
0x28: {  	s2 =	sld [smem:$0x3FA8]  }
0x29: {  	s4 =	sld [smem:$0x3FAA]  }
0x2a: {  	p0 =	seq.s32 s5, $0x0;
	s5 =	sld [smem:$0x3FAB]  }
0x2b: {  	s6 =	sld [smem:$0x3FAC]  }
0x2c: {  	s7 =	sld [smem:$0x3FAD]  }
0x2d: {  	s3 =	simm.s32 $0x108;
	s8 =	sld [smem:$0x3FAE]  }
0x2e: {  	s3 =	simm.s32 @!p0 $0x1082;
	s9 =	sld [smem:$0x3FAF]  }
0x2f: {  	lr =	sadd.s32 s0, s3;
	s0 =	sld [smem:$0x3FA6]  }
0x30: {  	s3 =	sld [smem:$0x3FA9]  }
0x31: {  	[smem:$0x3FB2] =	sst s10  }
0x32: {  	s10 =	sld [smem:$0x3FB0];
	_ =	sdelay $0x3  }
0x33: {  	p0 =	seq.s32 s10, $0x1;
	s10 =	sld [smem:$0x3FB2];
	_ =	sdelay $0x3  }
0x34: {  	[smem:$0x3FB2] =	sst s10  }
0x35: {  	s10 =	sld [smem:$0x3FB1];
	_ =	sdelay $0x3  }
0x36: {  	p1 =	seq.s32 s10, $0x1;
	s10 =	sld [smem:$0x3FB2];
	_ =	sdelay $0x3  }
0x37: {  	[smem:$0x3FB2] =	sst s10  }
0x38: {  	s10 =	sld [smem:$0x3FB3]  }
0x39: {  	_ = 	snop;
	(pc) =	sbr.ind lr, $3  }
0x3a: {  	_ = 	snop  }
0x3b: {  	_ = 	snop  }
0x3c: {  	p2 =	seq.s32 s10, $0x1;
	s10 =	sld [smem:$0x3FB2]  }
0x3d: {  	_ =	shalt  }
0x3e: {  	_ =	shalt  }
0x3f: {  	_ =	shalt  }
0x40: {  	_ =	shalt  }
0x41: {  	_ =	shalt  }
0x42: {  	_ =	shalt  }
0x43: {  	_ =	shalt  }
0x44: {  	_ =	shalt  }
0x45: {  	_ =	shalt  }
0x46: {  	_ =	shalt  }
0x47: {  	_ =	shalt  }
0x48: {  	_ =	shalt  }
0x49: {  	_ =	shalt  }
0x4a: {  	_ =	shalt  }
0x4b: {  	_ =	shalt  }
0x4c: {  	_ =	shalt  }
0x4d: {  	_ =	shalt  }
0x4e: {  	_ =	shalt  }
0x4f: {  	_ =	shalt  }
0x50: {  	_ =	shalt  }
0x51: {  	_ =	shalt  }
0x52: {  	_ =	shalt  }
0x53: {  	_ =	shalt  }
0x54: {  	_ =	shalt  }
0x55: {  	_ =	shalt  }
0x56: {  	_ =	shalt  }
0x57: {  	_ =	shalt  }
0x58: {  	_ =	shalt  }
0x59: {  	_ =	shalt  }
0x5a: {  	_ =	shalt  }
0x5b: {  	_ =	shalt  }
0x5c: {  	_ =	shalt  }
0x5d: {  	_ =	shalt  }
0x5e: {  	_ =	shalt  }
0x5f: {  	_ =	shalt  }
0x60: {  	_ =	shalt  }
0x61: {  	_ =	shalt  }
0x62: {  	_ =	shalt  }
0x63: {  	_ =	shalt  }
0x64: {  	_ =	shalt  }
0x65: {  	_ =	shalt  }
0x66: {  	_ =	shalt  }
0x67: {  	_ =	shalt  }
0x68: {  	_ =	shalt  }
0x69: {  	_ =	shalt  }
0x6a: {  	_ =	shalt  }
0x6b: {  	_ =	shalt  }
0x6c: {  	_ =	shalt  }
0x6d: {  	_ =	shalt  }
0x6e: {  	_ =	shalt  }
0x6f: {  	_ =	shalt  }
0x70: {  	_ =	shalt  }
0x71: {  	_ =	shalt  }
0x72: {  	_ =	shalt  }
0x73: {  	_ =	shalt  }
0x74: {  	_ =	shalt  }
0x75: {  	_ =	shalt  }
0x76: {  	_ =	shalt  }
0x77: {  	_ =	shalt  }
0x78: {  	_ =	shalt  }
0x79: {  	_ =	shalt  }
0x7a: {  	_ =	shalt  }
0x7b: {  	_ =	shalt  }
0x7c: {  	_ =	shalt  }
0x7d: {  	_ =	shalt  }
0x7e: {  	_ =	shalt  }
0x7f: {  	_ =	shalt  }
0x80: {  	_ =	shalt  }
0x81: {  	_ =	shalt  }
0x82: {  	_ =	shalt  }
0x83: {  	_ =	shalt  }
0x84: {  	_ =	shalt  }
0x85: {  	_ =	shalt  }
0x86: {  	_ =	shalt  }
0x87: {  	_ =	shalt  }
.Lfunc_end0:
.L_simem_size_0:
called_computation.7_lowered:
.L_overlay_start_0:
0x88: {  	s2 =	sld [smem:$0x3FD9]  }
0x89: {  	s3 =	sld [smem:$0x3FFE];
	_ =	sdelay $0x1  }
0x8a: {  	s1 =	srdreg.scid  }
0x8b: {  	s0 =	sand.u32 $0x1, s1  }
0x8c: {  	s16 =	sshll.u32 s0, $0xA;
	s2 =	sadd.s32 s3, s2  }
0x8d: {  	s2 =	sadd.s32 s2, s16  }
0x8e: {  	[smem:$0x3FBE] =	sst s2  }
0x8f: {  	_ = 	snop  }
0x90: {  	(tm) =	ssettm $0x1  }
0x91: {  	s17 =	sld [smem:$0x3FFB];
	_ =	sdelay $0x3  }
0x92: {  	_ =	strace s17  }
0x93: {  	s2 =	sld [smem:$0x3FFC];
	_ =	sdelay $0x3  }
0x94: {  	_ =	strace s2  }
0x95: {  	s2 =	sld [smem:$0x3FFD];
	_ =	sdelay $0x3  }
0x96: {  	_ =	strace s2  }
0x97: {  	_ =	strace $0x8FFFFFFF  }
0x98: {  	s18 =	sld [smem:$0x3FDB];
	_ =	sdelay $0x1  }
0x99: {  	s19 =	simm.s32 $_scs_section_size  }
0x9a: {  	s4 =	simm.s32 $_size__tile_overlayer_lowered;
	s5 =	simm.s32 $_tile_overlayer_lowered  }
0x9b: {  	s22 =	simm.s32 $0x1BFF;
	s21 =	sshll.u32 s5, $0x1;
	s2 =	sadd.s32 s19, s18  }
0x9c: {  	s6 =	simm.s32 $0x0;
	s20 =	sshll.u32 s4, $0x1;
	s4 =	sadd.s32 s21, s2  }
0x9d: {  	[timem:s6], [sflag:s22] =	dma.local [hbm:s4], s20  }
0x9e: {  	_ =	swait.ge [sflag:s22], s20  }
0x9f: {  	s3 =	ssub.s32 $0x0, s20;
	[sflag:s22] =	ssyncset.done $0x0  }
0xa0: {  	[sflag:s22] =	ssyncadd.s32 s3;
	_ =	sdelay $0x1  }
0xa1: {  	s23 =	simm.s32 $0x1B8B  }
0xa2: {  	_ =	swait.ge [sflag:s23], $0x1  }
0xa3: {  	[sflag:s23] =	ssyncset.done $0x0  }
0xa4: {  	s25 =	simm.s32 $0x1B8E;
	s24 =	sld [smem:$0x3FFE];
	[sflag:s23] =	ssyncadd.s32 $0xFFFFFFFF  }
0xa5: {  	s26 =	simm.s32 $execute0_lowered;
	[smem:$0x3FD2] =	sst s25  }
0xa6: {  	s4 =	sshll.u32 s26, $0x1;
	_ =	strace $0x8000005B;
	[dreg:$0x1] =	wrdreg $0xFFFFFFFF  }
0xa7: {  	s28 =	simm.s32 $_size_execute0_lowered;
	s2 =	sadd.s32 s2, s4;
	[dreg:$0x0] =	wrdreg $0x0  }
0xa8: {  	s4 =	sshll.u32 s28, $0x1;
	[dreg:$0x2] =	wrdreg s2  }
0xa9: {  	[dreg:$0x3] =	wrdreg s4  }
0xaa: {  	[dreg:$0x4] =	wrdreg $0xC0  }
0xab: {  	_ =	task [dreg:s6], $0x5FFFF  }
0xac: {  	[dreg:$0x1] =	wrdreg $0xFFFFFFFF  }
0xad: {  	[dreg:$0x0] =	wrdreg $0x60  }
0xae: {  	[dreg:$0x2] =	wrdreg s24  }
0xaf: {  	[dreg:$0x3] =	wrdreg $0x90000  }
0xb0: {  	[dreg:$0x4] =	wrdreg $0x9  }
0xb1: {  	_ =	task.clear_ibuf [dreg:s6], $0x5FFFF;
	_ =	strace $0x9000005B  }
0xb2: {  	s29 =	simm.s32 $0x9;
	_ =	strace $0x8000005D  }
0xb3: {  	_ =	swait.ge [sflag:s29], $0x1  }
0xb4: {  	[sflag:s29] =	ssyncadd.s32 $0xFFFFFFFF  }
0xb5: {  	_ =	strace $0x9000005D  }
0xb6: {  	_ =	sfence  }
0xb7: {  	s30 =	sld [smem:$0x0];
	_ =	sdelay $0x2  }
0xb8: {  	s31 =	sshll.u32 s1, $0xD;
	s1 =	sshrl.u32 s1, $0x2  }
0xb9: {  	s3 =	sand.u32 $0x4000, s31;
	s1 =	sadd.s32 s1, s30  }
0xba: {  	s0 =	sor.u32 s3, s0;
	s1 =	sshll.u32 s1, $0x11  }
0xbb: {  	s0 =	sor.u32 s1, s0  }
0xbc: {  	s0 =	sadd.s32 $0x8F2B, s0  }
0xbd: {  	[sflag:s0] =	ssyncadd.remote.s32 $0x1  }
0xbe: {  	_ =	sfence.sel $0xFFFF  }
0xbf: {  	[dreg:$0x0] =	wrdreg $0xFFFFFFFF;
	(pc) =	sbr.abs _section_cstart, $3  }
0xc0: {  	[dreg:$0x1] =	wrdreg $0xFFFFFFFF  }
0xc1: {  	_ =	task.clear_ibuf [dreg:s6], $0x2FFFF;
	_ =	strace $0x9FFFFFFF  }
0xc2: {  	(tm) =	ssettm $0x7FFFFFFF  }
0xc3: {  	_ =	shalt  }
tec
execute0_lowered:
.L_overlay_start_1:
0x0: {  	(tag) =	ssettag $0x1  }
0x1: {  	s6 =	rddreg [dreg:$0x0]  }
0x2: {  	s0 =	srdreg.scid;
	s2 =	rddreg [dreg:$0x1]  }
0x3: {  	s1 =	rddreg [dreg:$0x2];
	s5 =	sand.u32 $0x1, s0  }
0x4: {  	s0 =	stileid.u32;
	s4 =	smul.u32 $0x28000, s5  }
0x5: {  	s3 =	simm.s32 $0x0;
	s14 =	simm.s32 $0x80;
	s7 =	smul.u32 $0x2800, s0  }
0x6: {  	s15 =	simm.s32 $0x5000;
	s16 =	simm.s32 $0x1;
	s8 =	smul.u32 $0x140000, s5  }
0x7: {  	s17 =	simm.s32 $0x0;
	[smem:$0x7FF] =	sst s3;
	s9 =	smul.u32 $0x14000, s0  }
0x8: {  	_ =	strace $0x8000005C;
	s30 =	ssub.s32 $0x2, s5;
	s11 =	smul.u32 $0x50000, s0  }
0x9: {  	s5 =	sadd.s32 $0xB800, s6;
	s12 =	sshll.u32 s0, $0x6;
	s10 =	sshrl.u32 s30, $0x1  }
0xa: {  	s12 =	sor.u32 $0x1C02, s12;
	s7 =	sadd.s32 s7, s4;
	s4 =	sadd.s32 $0xEA000, s6  }
0xb: {  	s8 =	sadd.s32 s9, s8;
	s9 =	ssub.s32 s30, s10;
	s31 =	sshrl.u32 s11, $0x2  }
0xc: {  	s10 =	simm.s32 $0x2;
	s11 =	simm.s32 $0x2800;
	s7 =	sshrl.u32 s7, $0x3  }
0xd: {  	s8 =	sshrl.u32 s8, $0x3;
	s13 =	sadd.s32 s31, s2;
	s9 =	smax.u32 s9, $0x1  }
0xe: {  	s7 =	sadd.s32 s7, s6;
	s8 =	sadd.s32 s8, s6;
	s13 =	sshrl.u32 s13, $0x3  }
0xf: {  	s6 =	sadd.s32 $0x36000, s7;
	s7 =	sadd.s32 $0x40000, s7;
	s8 =	sadd.s32 $0x9A000, s8  }
.LBB2_1:
0x10: {  	[tilespmem:s3], [sflag:$0x2] =	stream.linear.gather [hbm4b:s6+s3], $0x2800, $0x38;
	[tilespmem:$0x1D000] =	vst v63  }
0x11: {  	_ =	swait.ge [sflag:s10], $0x2800  }
0x12: {  	[sflag:s10] =	ssyncset.done $0x0  }
0x13: {  	[sflag:s10] =	ssyncadd.s32 $0xFFFFD800  }
0x14: {  	[tilespmem:s11], [sflag:$0x2] =	stream.linear.gather [hbm4b:s7+s3], $0x2800, $0x38;
	[tilespmem:$0x1D000] =	vst v63  }
0x15: {  	_ =	swait.ge [sflag:s10], $0x2800  }
0x16: {  	[sflag:s10] =	ssyncset.done $0x0  }
0x17: {  	[sflag:s10] =	ssyncadd.s32 $0xFFFFD800  }
0x18: {  	[spmem:s13], [sflag:s12] =	dma.local [hbm:s5], $0x2800  }
0x19: {  	_ =	swait.ge [sflag:s10], $0x2800  }
0x1a: {  	[sflag:s10] =	ssyncset.done $0x0  }
0x1b: {  	[sflag:s10] =	ssyncadd.s32 $0xFFFFD800  }
0x1c: {  	s18 =	simm.s32 $0x0;
	[bflag:$0x0] =	sbarrier.arrive $0xFFFF  }
0x1d: {  	[tilespmem:s15], [sflag:$0x1] =	stream.indirect.gather [hbm4b:s4+s14], $0x80, s18, s14, $0xb8;
	[tilespmem:$0x1D000] =	vst v63  }
0x1e: {  	_ =	swait.ge [sflag:s16], $0x4000  }
0x1f: {  	[sflag:s16] =	ssyncset.done $0x0  }
0x20: {  	s31 =	simm.s32 $0x2800;
	[sflag:s16] =	ssyncadd.s32 $0xFFFFC000  }
0x21: {  	[spmem:s2] =	stream.indirect.scatter.add.f32 [tilespmem:s15], [sflag:$0x2], $0x80, s31, s14, $0xb8;
	[tilespmem:$0x1D000] =	vst v63  }
0x22: {  	_ =	swait.ge [sflag:s10], $0x4000  }
0x23: {  	s19 =	simm.s32 $0x400;
	s18 =	simm.s32 $0x200;
	[sflag:s10] =	ssyncset.done $0x0  }
.LBB2_2:
0x24: {  	s20 =	sshra.s32 s18, $0x2  }
0x25: {  	[sflag:s10] =	ssyncadd.s32 $0xFFFFC000;
	s18 =	smov.u32 s19;
	s21 =	sadd.s32 $0x200, s19  }
0x26: {  	[tilespmem:s15], [sflag:$0x1] =	stream.indirect.gather [hbm4b:s4+s14], $0x80, s20, s14, $0xb8;
	[tilespmem:$0x1D000] =	vst v63  }
0x27: {  	p0 =	sne.s32 s19, $0x9E00;
	_ =	swait.ge [sflag:s16], $0x4000  }
.Ltmp0:
0x28: {  	[sflag:s16] =	ssyncset.done $0x0;
	(pc) =	sbr.rel @p0 .LBB2_2-.Ltmp0, $4  }
0x29: {  	s19 =	sadd.s32 $0x2800, s20;
	[sflag:s16] =	ssyncadd.s32 $0xFFFFC000  }
0x2a: {  	[spmem:s2] =	stream.indirect.scatter.add.f32 [tilespmem:s15], [sflag:$0x2], $0x80, s19, s14, $0xb8;
	[tilespmem:$0x1D000] =	vst v63  }
0x2b: {  	_ =	swait.ge [sflag:s10], $0x4000  }
0x2c: {  	s19 =	smov.u32 s21;
	[sflag:s10] =	ssyncset.done $0x0  }
0x2d: {  	s18 =	sshra.s32 s18, $0x2;
	[sflag:s10] =	ssyncadd.s32 $0xFFFFC000  }
0x2e: {  	[tilespmem:s15], [sflag:$0x1] =	stream.indirect.gather [hbm4b:s4+s14], $0x80, s18, s14, $0xb8;
	[tilespmem:$0x1D000] =	vst v63  }
0x2f: {  	_ =	swait.ge [sflag:s16], $0x4000  }
0x30: {  	[sflag:s16] =	ssyncset.done $0x0  }
0x31: {  	s18 =	sadd.s32 $0x2800, s18;
	[sflag:s16] =	ssyncadd.s32 $0xFFFFC000  }
0x32: {  	[spmem:s2] =	stream.indirect.scatter.add.f32 [tilespmem:s15], [sflag:$0x2], $0x80, s18, s14, $0xb8;
	[tilespmem:$0x1D000] =	vst v63  }
0x33: {  	_ =	swait.ge [sflag:s10], $0x4000  }
0x34: {  	s17 =	sadd.s32 $0x1, s17;
	[sflag:s10] =	ssyncset.done $0x0  }
0x35: {  	p0 =	sne.s32 s17, s9;
	[sflag:s10] =	ssyncadd.s32 $0xFFFFC000  }
.Ltmp1:
0x36: {  	[bflag:$0x0] =	sbarrier.arrive $0xFFFF;
	(pc) =	sbr.rel @p0 .LBB2_1-.Ltmp1, $4  }
0x37: {  	[hbm:s8], [sflag:s12] =	dma.local [spmem:s13], $0x2800  }
0x38: {  	_ =	swait.ge [sflag:s10], $0x2800  }
0x39: {  	[sflag:s10] =	ssyncset.done $0x0  }
0x3a: {  	[sflag:s10] =	ssyncadd.s32 $0xFFFFD800  }
0x3b: {  	_ =	sfence.sel $0x180000  }
0x3c: {  	[bflag:$0x0] =	sbarrier.arrive $0xFFFF  }
0x3d: {  	p0 =	sne.s32 s0, $0x0;
	_ =	strace $0x9000005C  }
0x3e: {  	s0 =	sadd.s32 @!p0 $0x100000, s1;
	[bflag:$0x2] =	sbarrier.arrive $0xFFFF  }
0x3f: {  	[sflag:s0] =	ssyncadd.tile.s32 @!p0 $0x1;
	_ =	shalt  }
.Lfunc_end2:
_tile_overlayer_lowered:
.L_overlay_start_2:
0x40: {  	(tag) =	ssettag $0x2  }
0x41: {  	s0 =	rddreg [dreg:$0x0];
	s2 =	stileid.u32  }
0x42: {  	s1 =	rddreg [dreg:$0x1];
	p0 =	sne.s32 s2, $0x0  }
0x43: {  	s3 =	rddreg [dreg:$0x2];
	[bflag:$0x3] =	sbarrier.arrive $0xFFFF;
	s2 =	simm.s32 @!p0 $0x1C02  }
0x44: {  	[timem:s3], [sflag:s2] =	dma.local @!p0 [hbm:s0], s1  }
0x45: {  	s0 =	simm.s32 @!p0 $0x2  }
0x46: {  	_ =	swait.ge @!p0 [sflag:s0], s1  }
0x47: {  	s1 =	ssub.s32 @!p0 $0x0, s1;
	[sflag:s0] =	ssyncset.done @!p0 $0x0  }
0x48: {  	[sflag:s0] =	ssyncadd.s32 @!p0 s1  }
0x49: {  	[bflag:$0x3] =	sbarrier.arrive $0xFFFF  }
0x4a: {  	_ =	shalt  }

// kernel: kernel.46.cloned.1.call-start
scs
__scs_entry_jumppad:
0x0: {  	(pc) =	sbr.rel $0x88, $3  }
0x1: {  	(tag) =	ssettag $0x0;
	lr =	simm.s32 $0x1  }
0x2: {  	[smem:$0x3F97] =	sst lr;
	_ =	strace $0xD0000000  }
0x3: {  	_ = 	snop  }
0x4: {  	_ = 	snop  }
0x5: {  	_ = 	snop  }
0x6: {  	_ = 	snop  }
0x7: {  	_ = 	snop  }
__scs_overlays_trampoline_lowered:
0x8: {  	[smem:$0x3FA6] =	sst s0  }
0x9: {  	[smem:$0x3FA7] =	sst s1  }
0xa: {  	[smem:$0x3FA8] =	sst s2  }
0xb: {  	[smem:$0x3FA9] =	sst s3  }
0xc: {  	[smem:$0x3FAA] =	sst s4  }
0xd: {  	[smem:$0x3FAB] =	sst s5  }
0xe: {  	[smem:$0x3FAC] =	sst s6  }
0xf: {  	[smem:$0x3FAD] =	sst s7  }
0x10: {  	[smem:$0x3FAE] =	sst s8  }
0x11: {  	[smem:$0x3FAF] =	sst s9;
	s0 =	simm.s32 @!p0 $0x0  }
0x12: {  	s1 =	sld [smem:$0x3F95];
	s0 =	simm.s32 @p0 $0x1  }
0x13: {  	[smem:$0x3FB0] =	sst s0;
	s0 =	simm.s32 @!p1 $0x0  }
0x14: {  	s2 =	sld [smem:$0x3F94];
	s0 =	simm.s32 @p1 $0x1  }
0x15: {  	[smem:$0x3FB1] =	sst s0;
	s0 =	simm.s32 @!p2 $0x0  }
0x16: {  	s3 =	sld [smem:$0x3FDB];
	s0 =	simm.s32 @p2 $0x1  }
0x17: {  	s4 =	simm.s32 $0x1BF5;
	[smem:$0x3FB3] =	sst s0  }
0x18: {  	s0 =	sld [smem:$0x3F96];
	_ =	swait.ge [sflag:s4], $0x0  }
0x19: {  	s7 =	sld [smem:$0x3F97]  }
0x1a: {  	s8 =	sadd.s32 $0xFFFFE003, lr  }
0x1b: {  	s9 =	sadd.s32 $0xFFFFFEF7, lr;
	s5 =	simm.s32 $0xFFFFFFFF;
	p2 =	slt.u32 s8, $0xFFFFF086  }
0x1c: {  	p1 =	slt.u32 s9, $0xF7A;
	s5 =	simm.s32 @!p2 $0x0  }
0x1d: {  	s5 =	simm.s32 @p1 $0x1;
	p0 =	seq.s32 s7, s2  }
0x1e: {  	s7 =	smul.u32 @!p0 $0xF7A, s2;
	p2 =	seq.s32 @!p0 s5, $0x0  }
0x1f: {  	s9 =	smul.u32 $0xF7A, s1;
	s8 =	simm.s32 @!p0 $0x1BF5;
	p2 =	por !p2, p0  }
0x20: {  	[sflag:s8] =	ssyncset.s32 @!p0 $0xFFFFF086;
	s6 =	sadd.s32 @!p0 s3, s7;
	s7 =	simm.s32 @!p0 $0x108  }
0x21: {  	s3 =	sadd.s32 s3, s9;
	s6 =	sadd.s32 @!p0 $0x88, s6;
	s7 =	simm.s32 @p2 $0x1082  }
0x22: {  	[simem:s7], [sflag:s8] =	dma.local @!p0 [hbm:s6], $0xF7A  }
0x23: {  	s9 =	sor.u32 $0xD0000000, s2;
	s6 =	simm.s32 $0x108;
	_ =	swait.ge @!p0 [sflag:s8], $0x0  }
0x24: {  	s3 =	sadd.s32 $0x88, s3;
	s6 =	simm.s32 @!p1 $0x1082;
	[sflag:s4] =	ssyncset.s32 $0xFFFFF086  }
0x25: {  	[simem:s6], [sflag:s4] =	dma.local [hbm:s3], $0xF7A  }
0x26: {  	[smem:$0x3F97] =	sst s1;
	(tag) =	ssettag s2;
	_ =	strace s9  }
0x27: {  	s1 =	sld [smem:$0x3FA7]  }
0x28: {  	s2 =	sld [smem:$0x3FA8]  }
0x29: {  	s4 =	sld [smem:$0x3FAA]  }
0x2a: {  	p0 =	seq.s32 s5, $0x0;
	s5 =	sld [smem:$0x3FAB]  }
0x2b: {  	s6 =	sld [smem:$0x3FAC]  }
0x2c: {  	s7 =	sld [smem:$0x3FAD]  }
0x2d: {  	s3 =	simm.s32 $0x108;
	s8 =	sld [smem:$0x3FAE]  }
0x2e: {  	s3 =	simm.s32 @!p0 $0x1082;
	s9 =	sld [smem:$0x3FAF]  }
0x2f: {  	lr =	sadd.s32 s0, s3;
	s0 =	sld [smem:$0x3FA6]  }
0x30: {  	s3 =	sld [smem:$0x3FA9]  }
0x31: {  	[smem:$0x3FB2] =	sst s10  }
0x32: {  	s10 =	sld [smem:$0x3FB0];
	_ =	sdelay $0x3  }
0x33: {  	p0 =	seq.s32 s10, $0x1;
	s10 =	sld [smem:$0x3FB2];
	_ =	sdelay $0x3  }
0x34: {  	[smem:$0x3FB2] =	sst s10  }
0x35: {  	s10 =	sld [smem:$0x3FB1];
	_ =	sdelay $0x3  }
0x36: {  	p1 =	seq.s32 s10, $0x1;
	s10 =	sld [smem:$0x3FB2];
	_ =	sdelay $0x3  }
0x37: {  	[smem:$0x3FB2] =	sst s10  }
0x38: {  	s10 =	sld [smem:$0x3FB3]  }
0x39: {  	_ = 	snop;
	(pc) =	sbr.ind lr, $3  }
0x3a: {  	_ = 	snop  }
0x3b: {  	_ = 	snop  }
0x3c: {  	p2 =	seq.s32 s10, $0x1;
	s10 =	sld [smem:$0x3FB2]  }
0x3d: {  	_ =	shalt  }
0x3e: {  	_ =	shalt  }
0x3f: {  	_ =	shalt  }
0x40: {  	_ =	shalt  }
0x41: {  	_ =	shalt  }
0x42: {  	_ =	shalt  }
0x43: {  	_ =	shalt  }
0x44: {  	_ =	shalt  }
0x45: {  	_ =	shalt  }
0x46: {  	_ =	shalt  }
0x47: {  	_ =	shalt  }
0x48: {  	_ =	shalt  }
0x49: {  	_ =	shalt  }
0x4a: {  	_ =	shalt  }
0x4b: {  	_ =	shalt  }
0x4c: {  	_ =	shalt  }
0x4d: {  	_ =	shalt  }
0x4e: {  	_ =	shalt  }
0x4f: {  	_ =	shalt  }
0x50: {  	_ =	shalt  }
0x51: {  	_ =	shalt  }
0x52: {  	_ =	shalt  }
0x53: {  	_ =	shalt  }
0x54: {  	_ =	shalt  }
0x55: {  	_ =	shalt  }
0x56: {  	_ =	shalt  }
0x57: {  	_ =	shalt  }
0x58: {  	_ =	shalt  }
0x59: {  	_ =	shalt  }
0x5a: {  	_ =	shalt  }
0x5b: {  	_ =	shalt  }
0x5c: {  	_ =	shalt  }
0x5d: {  	_ =	shalt  }
0x5e: {  	_ =	shalt  }
0x5f: {  	_ =	shalt  }
0x60: {  	_ =	shalt  }
0x61: {  	_ =	shalt  }
0x62: {  	_ =	shalt  }
0x63: {  	_ =	shalt  }
0x64: {  	_ =	shalt  }
0x65: {  	_ =	shalt  }
0x66: {  	_ =	shalt  }
0x67: {  	_ =	shalt  }
0x68: {  	_ =	shalt  }
0x69: {  	_ =	shalt  }
0x6a: {  	_ =	shalt  }
0x6b: {  	_ =	shalt  }
0x6c: {  	_ =	shalt  }
0x6d: {  	_ =	shalt  }
0x6e: {  	_ =	shalt  }
0x6f: {  	_ =	shalt  }
0x70: {  	_ =	shalt  }
0x71: {  	_ =	shalt  }
0x72: {  	_ =	shalt  }
0x73: {  	_ =	shalt  }
0x74: {  	_ =	shalt  }
0x75: {  	_ =	shalt  }
0x76: {  	_ =	shalt  }
0x77: {  	_ =	shalt  }
0x78: {  	_ =	shalt  }
0x79: {  	_ =	shalt  }
0x7a: {  	_ =	shalt  }
0x7b: {  	_ =	shalt  }
0x7c: {  	_ =	shalt  }
0x7d: {  	_ =	shalt  }
0x7e: {  	_ =	shalt  }
0x7f: {  	_ =	shalt  }
0x80: {  	_ =	shalt  }
0x81: {  	_ =	shalt  }
0x82: {  	_ =	shalt  }
0x83: {  	_ =	shalt  }
0x84: {  	_ =	shalt  }
0x85: {  	_ =	shalt  }
0x86: {  	_ =	shalt  }
0x87: {  	_ =	shalt  }
.Lfunc_end0:
.L_simem_size_0:
called_computation.8_lowered:
.L_overlay_start_0:
0x88: {  	s2 =	sld [smem:$0x3FD9]  }
0x89: {  	s3 =	sld [smem:$0x3FFE];
	_ =	sdelay $0x1  }
0x8a: {  	s1 =	srdreg.scid  }
0x8b: {  	s0 =	sand.u32 $0x1, s1  }
0x8c: {  	s16 =	sshll.u32 s0, $0xA;
	s2 =	sadd.s32 s3, s2  }
0x8d: {  	s2 =	sadd.s32 s2, s16  }
0x8e: {  	[smem:$0x3FBE] =	sst s2  }
0x8f: {  	_ = 	snop  }
0x90: {  	(tm) =	ssettm $0x1  }
0x91: {  	s17 =	sld [smem:$0x3FFB];
	_ =	sdelay $0x3  }
0x92: {  	_ =	strace s17  }
0x93: {  	s2 =	sld [smem:$0x3FFC];
	_ =	sdelay $0x3  }
0x94: {  	_ =	strace s2  }
0x95: {  	s2 =	sld [smem:$0x3FFD];
	_ =	sdelay $0x3  }
0x96: {  	_ =	strace s2  }
0x97: {  	_ =	strace $0x8FFFFFFF  }
0x98: {  	s18 =	sld [smem:$0x3FDB];
	_ =	sdelay $0x1  }
0x99: {  	s19 =	simm.s32 $_scs_section_size  }
0x9a: {  	s4 =	simm.s32 $_size__tile_overlayer_lowered;
	s5 =	simm.s32 $_tile_overlayer_lowered  }
0x9b: {  	s22 =	simm.s32 $0x1BFF;
	s21 =	sshll.u32 s5, $0x1;
	s2 =	sadd.s32 s19, s18  }
0x9c: {  	s6 =	simm.s32 $0x0;
	s20 =	sshll.u32 s4, $0x1;
	s4 =	sadd.s32 s21, s2  }
0x9d: {  	[timem:s6], [sflag:s22] =	dma.local [hbm:s4], s20  }
0x9e: {  	_ =	swait.ge [sflag:s22], s20  }
0x9f: {  	s3 =	ssub.s32 $0x0, s20;
	[sflag:s22] =	ssyncset.done $0x0  }
0xa0: {  	[sflag:s22] =	ssyncadd.s32 s3;
	_ =	sdelay $0x1  }
0xa1: {  	s23 =	simm.s32 $0x1B8B  }
0xa2: {  	_ =	swait.ge [sflag:s23], $0x1  }
0xa3: {  	[sflag:s23] =	ssyncset.done $0x0  }
0xa4: {  	s25 =	simm.s32 $0x1B8E;
	s24 =	sld [smem:$0x3FFE];
	[sflag:s23] =	ssyncadd.s32 $0xFFFFFFFF  }
0xa5: {  	s26 =	simm.s32 $execute0_lowered;
	[smem:$0x3FD2] =	sst s25  }
0xa6: {  	s4 =	sshll.u32 s26, $0x1;
	_ =	strace $0x8000005E;
	[dreg:$0x1] =	wrdreg $0xFFFFFFFF  }
0xa7: {  	s28 =	simm.s32 $_size_execute0_lowered;
	s2 =	sadd.s32 s2, s4;
	[dreg:$0x0] =	wrdreg $0x0  }
0xa8: {  	s4 =	sshll.u32 s28, $0x1;
	[dreg:$0x2] =	wrdreg s2  }
0xa9: {  	[dreg:$0x3] =	wrdreg s4  }
0xaa: {  	[dreg:$0x4] =	wrdreg $0xC0  }
0xab: {  	_ =	task [dreg:s6], $0x5FFFF  }
0xac: {  	[dreg:$0x1] =	wrdreg $0xFFFFFFFF  }
0xad: {  	[dreg:$0x0] =	wrdreg $0x60  }
0xae: {  	[dreg:$0x2] =	wrdreg s24  }
0xaf: {  	[dreg:$0x3] =	wrdreg $0x90000  }
0xb0: {  	[dreg:$0x4] =	wrdreg $0x9  }
0xb1: {  	_ =	task.clear_ibuf [dreg:s6], $0x5FFFF;
	_ =	strace $0x9000005E  }
0xb2: {  	s29 =	simm.s32 $0x9;
	_ =	strace $0x80000060  }
0xb3: {  	_ =	swait.ge [sflag:s29], $0x1  }
0xb4: {  	[sflag:s29] =	ssyncadd.s32 $0xFFFFFFFF  }
0xb5: {  	_ =	strace $0x90000060  }
0xb6: {  	_ =	sfence  }
0xb7: {  	s30 =	sld [smem:$0x0];
	_ =	sdelay $0x2  }
0xb8: {  	s31 =	sshll.u32 s1, $0xD;
	s1 =	sshrl.u32 s1, $0x2  }
0xb9: {  	s3 =	sand.u32 $0x4000, s31;
	s1 =	sadd.s32 s1, s30  }
0xba: {  	s0 =	sor.u32 s3, s0;
	s1 =	sshll.u32 s1, $0x11  }
0xbb: {  	s0 =	sor.u32 s1, s0  }
0xbc: {  	s0 =	sadd.s32 $0x8F2B, s0  }
0xbd: {  	[sflag:s0] =	ssyncadd.remote.s32 $0x1  }
0xbe: {  	_ =	sfence.sel $0xFFFF  }
0xbf: {  	[dreg:$0x0] =	wrdreg $0xFFFFFFFF;
	(pc) =	sbr.abs _section_cstart, $3  }
0xc0: {  	[dreg:$0x1] =	wrdreg $0xFFFFFFFF  }
0xc1: {  	_ =	task.clear_ibuf [dreg:s6], $0x2FFFF;
	_ =	strace $0x9FFFFFFF  }
0xc2: {  	(tm) =	ssettm $0x7FFFFFFF  }
0xc3: {  	_ =	shalt  }
tec
execute0_lowered:
.L_overlay_start_1:
0x0: {  	(tag) =	ssettag $0x1  }
0x1: {  	s6 =	rddreg [dreg:$0x0]  }
0x2: {  	s0 =	srdreg.scid;
	s2 =	rddreg [dreg:$0x1]  }
0x3: {  	s1 =	rddreg [dreg:$0x2];
	s5 =	sand.u32 $0x1, s0  }
0x4: {  	s0 =	stileid.u32;
	s4 =	smul.u32 $0x28000, s5  }
0x5: {  	s3 =	simm.s32 $0x0;
	s14 =	simm.s32 $0x80;
	s7 =	smul.u32 $0x2800, s0  }
0x6: {  	s15 =	simm.s32 $0x5000;
	s16 =	simm.s32 $0x1;
	s8 =	smul.u32 $0x140000, s5  }
0x7: {  	s17 =	simm.s32 $0x0;
	[smem:$0x7FF] =	sst s3;
	s9 =	smul.u32 $0x14000, s0  }
0x8: {  	_ =	strace $0x8000005F;
	s30 =	ssub.s32 $0x2, s5;
	s11 =	smul.u32 $0x50000, s0  }
0x9: {  	s5 =	sadd.s32 $0xB800, s6;
	s12 =	sshll.u32 s0, $0x6;
	s10 =	sshrl.u32 s30, $0x1  }
0xa: {  	s12 =	sor.u32 $0x1C02, s12;
	s7 =	sadd.s32 s7, s4;
	s4 =	sadd.s32 $0xEA000, s6  }
0xb: {  	s8 =	sadd.s32 s9, s8;
	s9 =	ssub.s32 s30, s10;
	s31 =	sshrl.u32 s11, $0x2  }
0xc: {  	s10 =	simm.s32 $0x2;
	s11 =	simm.s32 $0x2800;
	s7 =	sshrl.u32 s7, $0x3  }
0xd: {  	s8 =	sshrl.u32 s8, $0x3;
	s13 =	sadd.s32 s31, s2;
	s9 =	smax.u32 s9, $0x1  }
0xe: {  	s7 =	sadd.s32 s7, s6;
	s8 =	sadd.s32 s8, s6;
	s13 =	sshrl.u32 s13, $0x3  }
0xf: {  	s6 =	sadd.s32 $0x36000, s7;
	s7 =	sadd.s32 $0x40000, s7;
	s8 =	sadd.s32 $0x13A000, s8  }
.LBB2_1:
0x10: {  	[tilespmem:s3], [sflag:$0x2] =	stream.linear.gather [hbm4b:s6+s3], $0x2800, $0x38;
	[tilespmem:$0x1D000] =	vst v63  }
0x11: {  	_ =	swait.ge [sflag:s10], $0x2800  }
0x12: {  	[sflag:s10] =	ssyncset.done $0x0  }
0x13: {  	[sflag:s10] =	ssyncadd.s32 $0xFFFFD800  }
0x14: {  	[tilespmem:s11], [sflag:$0x2] =	stream.linear.gather [hbm4b:s7+s3], $0x2800, $0x38;
	[tilespmem:$0x1D000] =	vst v63  }
0x15: {  	_ =	swait.ge [sflag:s10], $0x2800  }
0x16: {  	[sflag:s10] =	ssyncset.done $0x0  }
0x17: {  	[sflag:s10] =	ssyncadd.s32 $0xFFFFD800  }
0x18: {  	[spmem:s13], [sflag:s12] =	dma.local [hbm:s5], $0x2800  }
0x19: {  	_ =	swait.ge [sflag:s10], $0x2800  }
0x1a: {  	[sflag:s10] =	ssyncset.done $0x0  }
0x1b: {  	[sflag:s10] =	ssyncadd.s32 $0xFFFFD800  }
0x1c: {  	s18 =	simm.s32 $0x0;
	[bflag:$0x0] =	sbarrier.arrive $0xFFFF  }
0x1d: {  	[tilespmem:s15], [sflag:$0x1] =	stream.indirect.gather [hbm4b:s4+s14], $0x80, s18, s14, $0xb8;
	[tilespmem:$0x1D000] =	vst v63  }
0x1e: {  	_ =	swait.ge [sflag:s16], $0x4000  }
0x1f: {  	[sflag:s16] =	ssyncset.done $0x0  }
0x20: {  	s31 =	simm.s32 $0x2800;
	[sflag:s16] =	ssyncadd.s32 $0xFFFFC000  }
0x21: {  	[spmem:s2] =	stream.indirect.scatter.add.f32 [tilespmem:s15], [sflag:$0x2], $0x80, s31, s14, $0xb8;
	[tilespmem:$0x1D000] =	vst v63  }
0x22: {  	_ =	swait.ge [sflag:s10], $0x4000  }
0x23: {  	s19 =	simm.s32 $0x400;
	s18 =	simm.s32 $0x200;
	[sflag:s10] =	ssyncset.done $0x0  }
.LBB2_2:
0x24: {  	s20 =	sshra.s32 s18, $0x2  }
0x25: {  	[sflag:s10] =	ssyncadd.s32 $0xFFFFC000;
	s18 =	smov.u32 s19;
	s21 =	sadd.s32 $0x200, s19  }
0x26: {  	[tilespmem:s15], [sflag:$0x1] =	stream.indirect.gather [hbm4b:s4+s14], $0x80, s20, s14, $0xb8;
	[tilespmem:$0x1D000] =	vst v63  }
0x27: {  	p0 =	sne.s32 s19, $0x9E00;
	_ =	swait.ge [sflag:s16], $0x4000  }
.Ltmp0:
0x28: {  	[sflag:s16] =	ssyncset.done $0x0;
	(pc) =	sbr.rel @p0 .LBB2_2-.Ltmp0, $4  }
0x29: {  	s19 =	sadd.s32 $0x2800, s20;
	[sflag:s16] =	ssyncadd.s32 $0xFFFFC000  }
0x2a: {  	[spmem:s2] =	stream.indirect.scatter.add.f32 [tilespmem:s15], [sflag:$0x2], $0x80, s19, s14, $0xb8;
	[tilespmem:$0x1D000] =	vst v63  }
0x2b: {  	_ =	swait.ge [sflag:s10], $0x4000  }
0x2c: {  	s19 =	smov.u32 s21;
	[sflag:s10] =	ssyncset.done $0x0  }
0x2d: {  	s18 =	sshra.s32 s18, $0x2;
	[sflag:s10] =	ssyncadd.s32 $0xFFFFC000  }
0x2e: {  	[tilespmem:s15], [sflag:$0x1] =	stream.indirect.gather [hbm4b:s4+s14], $0x80, s18, s14, $0xb8;
	[tilespmem:$0x1D000] =	vst v63  }
0x2f: {  	_ =	swait.ge [sflag:s16], $0x4000  }
0x30: {  	[sflag:s16] =	ssyncset.done $0x0  }
0x31: {  	s18 =	sadd.s32 $0x2800, s18;
	[sflag:s16] =	ssyncadd.s32 $0xFFFFC000  }
0x32: {  	[spmem:s2] =	stream.indirect.scatter.add.f32 [tilespmem:s15], [sflag:$0x2], $0x80, s18, s14, $0xb8;
	[tilespmem:$0x1D000] =	vst v63  }
0x33: {  	_ =	swait.ge [sflag:s10], $0x4000  }
0x34: {  	s17 =	sadd.s32 $0x1, s17;
	[sflag:s10] =	ssyncset.done $0x0  }
0x35: {  	p0 =	sne.s32 s17, s9;
	[sflag:s10] =	ssyncadd.s32 $0xFFFFC000  }
.Ltmp1:
0x36: {  	[bflag:$0x0] =	sbarrier.arrive $0xFFFF;
	(pc) =	sbr.rel @p0 .LBB2_1-.Ltmp1, $4  }
0x37: {  	[hbm:s8], [sflag:s12] =	dma.local [spmem:s13], $0x2800  }
0x38: {  	_ =	swait.ge [sflag:s10], $0x2800  }
0x39: {  	[sflag:s10] =	ssyncset.done $0x0  }
0x3a: {  	[sflag:s10] =	ssyncadd.s32 $0xFFFFD800  }
0x3b: {  	_ =	sfence.sel $0x180000  }
0x3c: {  	[bflag:$0x0] =	sbarrier.arrive $0xFFFF  }
0x3d: {  	p0 =	sne.s32 s0, $0x0;
	_ =	strace $0x9000005F  }
0x3e: {  	s0 =	sadd.s32 @!p0 $0x100000, s1;
	[bflag:$0x2] =	sbarrier.arrive $0xFFFF  }
0x3f: {  	[sflag:s0] =	ssyncadd.tile.s32 @!p0 $0x1;
	_ =	shalt  }
.Lfunc_end2:
_tile_overlayer_lowered:
.L_overlay_start_2:
0x40: {  	(tag) =	ssettag $0x2  }
0x41: {  	s0 =	rddreg [dreg:$0x0];
	s2 =	stileid.u32  }
0x42: {  	s1 =	rddreg [dreg:$0x1];
	p0 =	sne.s32 s2, $0x0  }
0x43: {  	s3 =	rddreg [dreg:$0x2];
	[bflag:$0x3] =	sbarrier.arrive $0xFFFF;
	s2 =	simm.s32 @!p0 $0x1C02  }
0x44: {  	[timem:s3], [sflag:s2] =	dma.local @!p0 [hbm:s0], s1  }
0x45: {  	s0 =	simm.s32 @!p0 $0x2  }
0x46: {  	_ =	swait.ge @!p0 [sflag:s0], s1  }
0x47: {  	s1 =	ssub.s32 @!p0 $0x0, s1;
	[sflag:s0] =	ssyncset.done @!p0 $0x0  }
0x48: {  	[sflag:s0] =	ssyncadd.s32 @!p0 s1  }
0x49: {  	[bflag:$0x3] =	sbarrier.arrive $0xFFFF  }
0x4a: {  	_ =	shalt  }

// kernel: kernel.49.cloned.1.call-start
scs
__scs_entry_jumppad:
0x0: {  	(pc) =	sbr.rel $0x88, $3  }
0x1: {  	(tag) =	ssettag $0x0;
	lr =	simm.s32 $0x1  }
0x2: {  	[smem:$0x3F97] =	sst lr;
	_ =	strace $0xD0000000  }
0x3: {  	_ = 	snop  }
0x4: {  	_ = 	snop  }
0x5: {  	_ = 	snop  }
0x6: {  	_ = 	snop  }
0x7: {  	_ = 	snop  }
__scs_overlays_trampoline_lowered:
0x8: {  	[smem:$0x3FA6] =	sst s0  }
0x9: {  	[smem:$0x3FA7] =	sst s1  }
0xa: {  	[smem:$0x3FA8] =	sst s2  }
0xb: {  	[smem:$0x3FA9] =	sst s3  }
0xc: {  	[smem:$0x3FAA] =	sst s4  }
0xd: {  	[smem:$0x3FAB] =	sst s5  }
0xe: {  	[smem:$0x3FAC] =	sst s6  }
0xf: {  	[smem:$0x3FAD] =	sst s7  }
0x10: {  	[smem:$0x3FAE] =	sst s8  }
0x11: {  	[smem:$0x3FAF] =	sst s9;
	s0 =	simm.s32 @!p0 $0x0  }
0x12: {  	s1 =	sld [smem:$0x3F95];
	s0 =	simm.s32 @p0 $0x1  }
0x13: {  	[smem:$0x3FB0] =	sst s0;
	s0 =	simm.s32 @!p1 $0x0  }
0x14: {  	s2 =	sld [smem:$0x3F94];
	s0 =	simm.s32 @p1 $0x1  }
0x15: {  	[smem:$0x3FB1] =	sst s0;
	s0 =	simm.s32 @!p2 $0x0  }
0x16: {  	s3 =	sld [smem:$0x3FDB];
	s0 =	simm.s32 @p2 $0x1  }
0x17: {  	s4 =	simm.s32 $0x1BF5;
	[smem:$0x3FB3] =	sst s0  }
0x18: {  	s0 =	sld [smem:$0x3F96];
	_ =	swait.ge [sflag:s4], $0x0  }
0x19: {  	s7 =	sld [smem:$0x3F97]  }
0x1a: {  	s8 =	sadd.s32 $0xFFFFE003, lr  }
0x1b: {  	s9 =	sadd.s32 $0xFFFFFEF7, lr;
	s5 =	simm.s32 $0xFFFFFFFF;
	p2 =	slt.u32 s8, $0xFFFFF086  }
0x1c: {  	p1 =	slt.u32 s9, $0xF7A;
	s5 =	simm.s32 @!p2 $0x0  }
0x1d: {  	s5 =	simm.s32 @p1 $0x1;
	p0 =	seq.s32 s7, s2  }
0x1e: {  	s7 =	smul.u32 @!p0 $0xF7A, s2;
	p2 =	seq.s32 @!p0 s5, $0x0  }
0x1f: {  	s9 =	smul.u32 $0xF7A, s1;
	s8 =	simm.s32 @!p0 $0x1BF5;
	p2 =	por !p2, p0  }
0x20: {  	[sflag:s8] =	ssyncset.s32 @!p0 $0xFFFFF086;
	s6 =	sadd.s32 @!p0 s3, s7;
	s7 =	simm.s32 @!p0 $0x108  }
0x21: {  	s3 =	sadd.s32 s3, s9;
	s6 =	sadd.s32 @!p0 $0x88, s6;
	s7 =	simm.s32 @p2 $0x1082  }
0x22: {  	[simem:s7], [sflag:s8] =	dma.local @!p0 [hbm:s6], $0xF7A  }
0x23: {  	s9 =	sor.u32 $0xD0000000, s2;
	s6 =	simm.s32 $0x108;
	_ =	swait.ge @!p0 [sflag:s8], $0x0  }
0x24: {  	s3 =	sadd.s32 $0x88, s3;
	s6 =	simm.s32 @!p1 $0x1082;
	[sflag:s4] =	ssyncset.s32 $0xFFFFF086  }
0x25: {  	[simem:s6], [sflag:s4] =	dma.local [hbm:s3], $0xF7A  }
0x26: {  	[smem:$0x3F97] =	sst s1;
	(tag) =	ssettag s2;
	_ =	strace s9  }
0x27: {  	s1 =	sld [smem:$0x3FA7]  }
0x28: {  	s2 =	sld [smem:$0x3FA8]  }
0x29: {  	s4 =	sld [smem:$0x3FAA]  }
0x2a: {  	p0 =	seq.s32 s5, $0x0;
	s5 =	sld [smem:$0x3FAB]  }
0x2b: {  	s6 =	sld [smem:$0x3FAC]  }
0x2c: {  	s7 =	sld [smem:$0x3FAD]  }
0x2d: {  	s3 =	simm.s32 $0x108;
	s8 =	sld [smem:$0x3FAE]  }
0x2e: {  	s3 =	simm.s32 @!p0 $0x1082;
	s9 =	sld [smem:$0x3FAF]  }
0x2f: {  	lr =	sadd.s32 s0, s3;
	s0 =	sld [smem:$0x3FA6]  }
0x30: {  	s3 =	sld [smem:$0x3FA9]  }
0x31: {  	[smem:$0x3FB2] =	sst s10  }
0x32: {  	s10 =	sld [smem:$0x3FB0];
	_ =	sdelay $0x3  }
0x33: {  	p0 =	seq.s32 s10, $0x1;
	s10 =	sld [smem:$0x3FB2];
	_ =	sdelay $0x3  }
0x34: {  	[smem:$0x3FB2] =	sst s10  }
0x35: {  	s10 =	sld [smem:$0x3FB1];
	_ =	sdelay $0x3  }
0x36: {  	p1 =	seq.s32 s10, $0x1;
	s10 =	sld [smem:$0x3FB2];
	_ =	sdelay $0x3  }
0x37: {  	[smem:$0x3FB2] =	sst s10  }
0x38: {  	s10 =	sld [smem:$0x3FB3]  }
0x39: {  	_ = 	snop;
	(pc) =	sbr.ind lr, $3  }
0x3a: {  	_ = 	snop  }
0x3b: {  	_ = 	snop  }
0x3c: {  	p2 =	seq.s32 s10, $0x1;
	s10 =	sld [smem:$0x3FB2]  }
0x3d: {  	_ =	shalt  }
0x3e: {  	_ =	shalt  }
0x3f: {  	_ =	shalt  }
0x40: {  	_ =	shalt  }
0x41: {  	_ =	shalt  }
0x42: {  	_ =	shalt  }
0x43: {  	_ =	shalt  }
0x44: {  	_ =	shalt  }
0x45: {  	_ =	shalt  }
0x46: {  	_ =	shalt  }
0x47: {  	_ =	shalt  }
0x48: {  	_ =	shalt  }
0x49: {  	_ =	shalt  }
0x4a: {  	_ =	shalt  }
0x4b: {  	_ =	shalt  }
0x4c: {  	_ =	shalt  }
0x4d: {  	_ =	shalt  }
0x4e: {  	_ =	shalt  }
0x4f: {  	_ =	shalt  }
0x50: {  	_ =	shalt  }
0x51: {  	_ =	shalt  }
0x52: {  	_ =	shalt  }
0x53: {  	_ =	shalt  }
0x54: {  	_ =	shalt  }
0x55: {  	_ =	shalt  }
0x56: {  	_ =	shalt  }
0x57: {  	_ =	shalt  }
0x58: {  	_ =	shalt  }
0x59: {  	_ =	shalt  }
0x5a: {  	_ =	shalt  }
0x5b: {  	_ =	shalt  }
0x5c: {  	_ =	shalt  }
0x5d: {  	_ =	shalt  }
0x5e: {  	_ =	shalt  }
0x5f: {  	_ =	shalt  }
0x60: {  	_ =	shalt  }
0x61: {  	_ =	shalt  }
0x62: {  	_ =	shalt  }
0x63: {  	_ =	shalt  }
0x64: {  	_ =	shalt  }
0x65: {  	_ =	shalt  }
0x66: {  	_ =	shalt  }
0x67: {  	_ =	shalt  }
0x68: {  	_ =	shalt  }
0x69: {  	_ =	shalt  }
0x6a: {  	_ =	shalt  }
0x6b: {  	_ =	shalt  }
0x6c: {  	_ =	shalt  }
0x6d: {  	_ =	shalt  }
0x6e: {  	_ =	shalt  }
0x6f: {  	_ =	shalt  }
0x70: {  	_ =	shalt  }
0x71: {  	_ =	shalt  }
0x72: {  	_ =	shalt  }
0x73: {  	_ =	shalt  }
0x74: {  	_ =	shalt  }
0x75: {  	_ =	shalt  }
0x76: {  	_ =	shalt  }
0x77: {  	_ =	shalt  }
0x78: {  	_ =	shalt  }
0x79: {  	_ =	shalt  }
0x7a: {  	_ =	shalt  }
0x7b: {  	_ =	shalt  }
0x7c: {  	_ =	shalt  }
0x7d: {  	_ =	shalt  }
0x7e: {  	_ =	shalt  }
0x7f: {  	_ =	shalt  }
0x80: {  	_ =	shalt  }
0x81: {  	_ =	shalt  }
0x82: {  	_ =	shalt  }
0x83: {  	_ =	shalt  }
0x84: {  	_ =	shalt  }
0x85: {  	_ =	shalt  }
0x86: {  	_ =	shalt  }
0x87: {  	_ =	shalt  }
.Lfunc_end0:
.L_simem_size_0:
called_computation.9_lowered:
.L_overlay_start_0:
0x88: {  	s2 =	sld [smem:$0x3FD9]  }
0x89: {  	s3 =	sld [smem:$0x3FFE];
	_ =	sdelay $0x1  }
0x8a: {  	s1 =	srdreg.scid  }
0x8b: {  	s0 =	sand.u32 $0x1, s1  }
0x8c: {  	s16 =	sshll.u32 s0, $0xA;
	s2 =	sadd.s32 s3, s2  }
0x8d: {  	s2 =	sadd.s32 s2, s16  }
0x8e: {  	[smem:$0x3FBE] =	sst s2  }
0x8f: {  	_ = 	snop  }
0x90: {  	(tm) =	ssettm $0x1  }
0x91: {  	s17 =	sld [smem:$0x3FFB];
	_ =	sdelay $0x3  }
0x92: {  	_ =	strace s17  }
0x93: {  	s2 =	sld [smem:$0x3FFC];
	_ =	sdelay $0x3  }
0x94: {  	_ =	strace s2  }
0x95: {  	s2 =	sld [smem:$0x3FFD];
	_ =	sdelay $0x3  }
0x96: {  	_ =	strace s2  }
0x97: {  	_ =	strace $0x8FFFFFFF  }
0x98: {  	s18 =	sld [smem:$0x3FDB];
	_ =	sdelay $0x1  }
0x99: {  	s19 =	simm.s32 $_scs_section_size  }
0x9a: {  	s4 =	simm.s32 $_size__tile_overlayer_lowered;
	s5 =	simm.s32 $_tile_overlayer_lowered  }
0x9b: {  	s22 =	simm.s32 $0x1BFF;
	s21 =	sshll.u32 s5, $0x1;
	s2 =	sadd.s32 s19, s18  }
0x9c: {  	s6 =	simm.s32 $0x0;
	s20 =	sshll.u32 s4, $0x1;
	s4 =	sadd.s32 s21, s2  }
0x9d: {  	[timem:s6], [sflag:s22] =	dma.local [hbm:s4], s20  }
0x9e: {  	_ =	swait.ge [sflag:s22], s20  }
0x9f: {  	s3 =	ssub.s32 $0x0, s20;
	[sflag:s22] =	ssyncset.done $0x0  }
0xa0: {  	[sflag:s22] =	ssyncadd.s32 s3;
	_ =	sdelay $0x1  }
0xa1: {  	s23 =	simm.s32 $0x1B8B  }
0xa2: {  	_ =	swait.ge [sflag:s23], $0x1  }
0xa3: {  	[sflag:s23] =	ssyncset.done $0x0  }
0xa4: {  	s25 =	simm.s32 $0x1B8E;
	s24 =	sld [smem:$0x3FFE];
	[sflag:s23] =	ssyncadd.s32 $0xFFFFFFFF  }
0xa5: {  	s26 =	simm.s32 $execute0_lowered;
	[smem:$0x3FD2] =	sst s25  }
0xa6: {  	s4 =	sshll.u32 s26, $0x1;
	_ =	strace $0x80000061;
	[dreg:$0x1] =	wrdreg $0xFFFFFFFF  }
0xa7: {  	s28 =	simm.s32 $_size_execute0_lowered;
	s2 =	sadd.s32 s2, s4;
	[dreg:$0x0] =	wrdreg $0x0  }
0xa8: {  	s4 =	sshll.u32 s28, $0x1;
	[dreg:$0x2] =	wrdreg s2  }
0xa9: {  	[dreg:$0x3] =	wrdreg s4  }
0xaa: {  	[dreg:$0x4] =	wrdreg $0xC0  }
0xab: {  	_ =	task [dreg:s6], $0x5FFFF  }
0xac: {  	[dreg:$0x1] =	wrdreg $0xFFFFFFFF  }
0xad: {  	[dreg:$0x0] =	wrdreg $0x60  }
0xae: {  	[dreg:$0x2] =	wrdreg s24  }
0xaf: {  	[dreg:$0x3] =	wrdreg $0x90000  }
0xb0: {  	[dreg:$0x4] =	wrdreg $0x9  }
0xb1: {  	_ =	task.clear_ibuf [dreg:s6], $0x5FFFF;
	_ =	strace $0x90000061  }
0xb2: {  	s29 =	simm.s32 $0x9;
	_ =	strace $0x80000063  }
0xb3: {  	_ =	swait.ge [sflag:s29], $0x1  }
0xb4: {  	[sflag:s29] =	ssyncadd.s32 $0xFFFFFFFF  }
0xb5: {  	_ =	strace $0x90000063  }
0xb6: {  	_ =	sfence  }
0xb7: {  	s30 =	sld [smem:$0x0];
	_ =	sdelay $0x2  }
0xb8: {  	s31 =	sshll.u32 s1, $0xD;
	s1 =	sshrl.u32 s1, $0x2  }
0xb9: {  	s3 =	sand.u32 $0x4000, s31;
	s1 =	sadd.s32 s1, s30  }
0xba: {  	s0 =	sor.u32 s3, s0;
	s1 =	sshll.u32 s1, $0x11  }
0xbb: {  	s0 =	sor.u32 s1, s0  }
0xbc: {  	s0 =	sadd.s32 $0x8F2B, s0  }
0xbd: {  	[sflag:s0] =	ssyncadd.remote.s32 $0x1  }
0xbe: {  	_ =	sfence.sel $0xFFFF  }
0xbf: {  	[dreg:$0x0] =	wrdreg $0xFFFFFFFF;
	(pc) =	sbr.abs _section_cstart, $3  }
0xc0: {  	[dreg:$0x1] =	wrdreg $0xFFFFFFFF  }
0xc1: {  	_ =	task.clear_ibuf [dreg:s6], $0x2FFFF;
	_ =	strace $0x9FFFFFFF  }
0xc2: {  	(tm) =	ssettm $0x7FFFFFFF  }
0xc3: {  	_ =	shalt  }
tec
execute0_lowered:
.L_overlay_start_1:
0x0: {  	(tag) =	ssettag $0x1  }
0x1: {  	s6 =	rddreg [dreg:$0x0]  }
0x2: {  	s0 =	srdreg.scid;
	s2 =	rddreg [dreg:$0x1]  }
0x3: {  	s1 =	rddreg [dreg:$0x2];
	s5 =	sand.u32 $0x1, s0  }
0x4: {  	s0 =	stileid.u32;
	s4 =	smul.u32 $0x28000, s5  }
0x5: {  	s3 =	simm.s32 $0x0;
	s14 =	simm.s32 $0x80;
	s7 =	smul.u32 $0x2800, s0  }
0x6: {  	s15 =	simm.s32 $0x5000;
	s16 =	simm.s32 $0x1;
	s8 =	smul.u32 $0x140000, s5  }
0x7: {  	s17 =	simm.s32 $0x0;
	[smem:$0x7FF] =	sst s3;
	s9 =	smul.u32 $0x14000, s0  }
0x8: {  	_ =	strace $0x80000062;
	s30 =	ssub.s32 $0x2, s5;
	s11 =	smul.u32 $0x50000, s0  }
0x9: {  	s5 =	sadd.s32 $0xB800, s6;
	s12 =	sshll.u32 s0, $0x6;
	s10 =	sshrl.u32 s30, $0x1  }
0xa: {  	s12 =	sor.u32 $0x1C02, s12;
	s7 =	sadd.s32 s7, s4;
	s4 =	sadd.s32 $0xEA000, s6  }
0xb: {  	s8 =	sadd.s32 s9, s8;
	s9 =	ssub.s32 s30, s10;
	s31 =	sshrl.u32 s11, $0x2  }
0xc: {  	s10 =	simm.s32 $0x2;
	s11 =	simm.s32 $0x2800;
	s7 =	sshrl.u32 s7, $0x3  }
0xd: {  	s8 =	sshrl.u32 s8, $0x3;
	s13 =	sadd.s32 s31, s2;
	s9 =	smax.u32 s9, $0x1  }
0xe: {  	s7 =	sadd.s32 s7, s6;
	s8 =	sadd.s32 s8, s6;
	s13 =	sshrl.u32 s13, $0x3  }
0xf: {  	s6 =	sadd.s32 $0x36000, s7;
	s7 =	sadd.s32 $0x40000, s7;
	s8 =	sadd.s32 $0x18A000, s8  }
.LBB2_1:
0x10: {  	[tilespmem:s3], [sflag:$0x2] =	stream.linear.gather [hbm4b:s6+s3], $0x2800, $0x38;
	[tilespmem:$0x1D000] =	vst v63  }
0x11: {  	_ =	swait.ge [sflag:s10], $0x2800  }
0x12: {  	[sflag:s10] =	ssyncset.done $0x0  }
0x13: {  	[sflag:s10] =	ssyncadd.s32 $0xFFFFD800  }
0x14: {  	[tilespmem:s11], [sflag:$0x2] =	stream.linear.gather [hbm4b:s7+s3], $0x2800, $0x38;
	[tilespmem:$0x1D000] =	vst v63  }
0x15: {  	_ =	swait.ge [sflag:s10], $0x2800  }
0x16: {  	[sflag:s10] =	ssyncset.done $0x0  }
0x17: {  	[sflag:s10] =	ssyncadd.s32 $0xFFFFD800  }
0x18: {  	[spmem:s13], [sflag:s12] =	dma.local [hbm:s5], $0x2800  }
0x19: {  	_ =	swait.ge [sflag:s10], $0x2800  }
0x1a: {  	[sflag:s10] =	ssyncset.done $0x0  }
0x1b: {  	[sflag:s10] =	ssyncadd.s32 $0xFFFFD800  }
0x1c: {  	s18 =	simm.s32 $0x0;
	[bflag:$0x0] =	sbarrier.arrive $0xFFFF  }
0x1d: {  	[tilespmem:s15], [sflag:$0x1] =	stream.indirect.gather [hbm4b:s4+s14], $0x80, s18, s14, $0xb8;
	[tilespmem:$0x1D000] =	vst v63  }
0x1e: {  	_ =	swait.ge [sflag:s16], $0x4000  }
0x1f: {  	[sflag:s16] =	ssyncset.done $0x0  }
0x20: {  	s31 =	simm.s32 $0x2800;
	[sflag:s16] =	ssyncadd.s32 $0xFFFFC000  }
0x21: {  	[spmem:s2] =	stream.indirect.scatter.add.f32 [tilespmem:s15], [sflag:$0x2], $0x80, s31, s14, $0xb8;
	[tilespmem:$0x1D000] =	vst v63  }
0x22: {  	_ =	swait.ge [sflag:s10], $0x4000  }
0x23: {  	s19 =	simm.s32 $0x400;
	s18 =	simm.s32 $0x200;
	[sflag:s10] =	ssyncset.done $0x0  }
.LBB2_2:
0x24: {  	s20 =	sshra.s32 s18, $0x2  }
0x25: {  	[sflag:s10] =	ssyncadd.s32 $0xFFFFC000;
	s18 =	smov.u32 s19;
	s21 =	sadd.s32 $0x200, s19  }
0x26: {  	[tilespmem:s15], [sflag:$0x1] =	stream.indirect.gather [hbm4b:s4+s14], $0x80, s20, s14, $0xb8;
	[tilespmem:$0x1D000] =	vst v63  }
0x27: {  	p0 =	sne.s32 s19, $0x9E00;
	_ =	swait.ge [sflag:s16], $0x4000  }
.Ltmp0:
0x28: {  	[sflag:s16] =	ssyncset.done $0x0;
	(pc) =	sbr.rel @p0 .LBB2_2-.Ltmp0, $4  }
0x29: {  	s19 =	sadd.s32 $0x2800, s20;
	[sflag:s16] =	ssyncadd.s32 $0xFFFFC000  }
0x2a: {  	[spmem:s2] =	stream.indirect.scatter.add.f32 [tilespmem:s15], [sflag:$0x2], $0x80, s19, s14, $0xb8;
	[tilespmem:$0x1D000] =	vst v63  }
0x2b: {  	_ =	swait.ge [sflag:s10], $0x4000  }
0x2c: {  	s19 =	smov.u32 s21;
	[sflag:s10] =	ssyncset.done $0x0  }
0x2d: {  	s18 =	sshra.s32 s18, $0x2;
	[sflag:s10] =	ssyncadd.s32 $0xFFFFC000  }
0x2e: {  	[tilespmem:s15], [sflag:$0x1] =	stream.indirect.gather [hbm4b:s4+s14], $0x80, s18, s14, $0xb8;
	[tilespmem:$0x1D000] =	vst v63  }
0x2f: {  	_ =	swait.ge [sflag:s16], $0x4000  }
0x30: {  	[sflag:s16] =	ssyncset.done $0x0  }
0x31: {  	s18 =	sadd.s32 $0x2800, s18;
	[sflag:s16] =	ssyncadd.s32 $0xFFFFC000  }
0x32: {  	[spmem:s2] =	stream.indirect.scatter.add.f32 [tilespmem:s15], [sflag:$0x2], $0x80, s18, s14, $0xb8;
	[tilespmem:$0x1D000] =	vst v63  }
0x33: {  	_ =	swait.ge [sflag:s10], $0x4000  }
0x34: {  	s17 =	sadd.s32 $0x1, s17;
	[sflag:s10] =	ssyncset.done $0x0  }
0x35: {  	p0 =	sne.s32 s17, s9;
	[sflag:s10] =	ssyncadd.s32 $0xFFFFC000  }
.Ltmp1:
0x36: {  	[bflag:$0x0] =	sbarrier.arrive $0xFFFF;
	(pc) =	sbr.rel @p0 .LBB2_1-.Ltmp1, $4  }
0x37: {  	[hbm:s8], [sflag:s12] =	dma.local [spmem:s13], $0x2800  }
0x38: {  	_ =	swait.ge [sflag:s10], $0x2800  }
0x39: {  	[sflag:s10] =	ssyncset.done $0x0  }
0x3a: {  	[sflag:s10] =	ssyncadd.s32 $0xFFFFD800  }
0x3b: {  	_ =	sfence.sel $0x180000  }
0x3c: {  	[bflag:$0x0] =	sbarrier.arrive $0xFFFF  }
0x3d: {  	p0 =	sne.s32 s0, $0x0;
	_ =	strace $0x90000062  }
0x3e: {  	s0 =	sadd.s32 @!p0 $0x100000, s1;
	[bflag:$0x2] =	sbarrier.arrive $0xFFFF  }
0x3f: {  	[sflag:s0] =	ssyncadd.tile.s32 @!p0 $0x1;
	_ =	shalt  }
.Lfunc_end2:
_tile_overlayer_lowered:
.L_overlay_start_2:
0x40: {  	(tag) =	ssettag $0x2  }
0x41: {  	s0 =	rddreg [dreg:$0x0];
	s2 =	stileid.u32  }
0x42: {  	s1 =	rddreg [dreg:$0x1];
	p0 =	sne.s32 s2, $0x0  }
0x43: {  	s3 =	rddreg [dreg:$0x2];
	[bflag:$0x3] =	sbarrier.arrive $0xFFFF;
	s2 =	simm.s32 @!p0 $0x1C02  }
0x44: {  	[timem:s3], [sflag:s2] =	dma.local @!p0 [hbm:s0], s1  }
0x45: {  	s0 =	simm.s32 @!p0 $0x2  }
0x46: {  	_ =	swait.ge @!p0 [sflag:s0], s1  }
0x47: {  	s1 =	ssub.s32 @!p0 $0x0, s1;
	[sflag:s0] =	ssyncset.done @!p0 $0x0  }
0x48: {  	[sflag:s0] =	ssyncadd.s32 @!p0 s1  }
0x49: {  	[bflag:$0x3] =	sbarrier.arrive $0xFFFF  }
0x4a: {  	_ =	shalt  }

</sc_bundles>
